<compile_context>
chip_gen: v7x
topology: tpu7x:2x2x1
jax: 0.10.2.dev20260603
libtpu: 0.0.44.dev20260713+nightly
codegen_flags: <defaults>
</compile_context>

<pallas_src>
import functools

import jax
import jax.numpy as jnp
from jax import lax
from jax.experimental import pallas as pl
from jax.experimental.pallas import tpu as pltpu
from jax.experimental.pallas import tpu_sc as plsc

_D = 32
_B = 16384
_L = 16

_info = plsc.get_sparse_core_info()
_NC, _NS = _info.num_cores, _info.num_subcores
_NW = _NC * _NS
_BPW = _B // _NW
_G = _BPW // _L

_mesh = plsc.VectorSubcoreMesh(core_axis_name="c", subcore_axis_name="s")


@functools.partial(
    pl.kernel,
    mesh=_mesh,
    out_type=jax.ShapeDtypeStruct((_D, _B), jnp.float32),
    scratch_types=[
        pltpu.VMEM((_BPW,), jnp.int32),
        pltpu.VMEM((_L, _D, 128), jnp.float32),
        pltpu.VMEM((_D, _BPW), jnp.float32),
        [pltpu.SemaphoreType.DMA] * _L,
    ],
    compiler_params=pltpu.CompilerParams(needs_layout_passes=False),
)
def _gather_kernel(table_t, idx_hbm, out_t, idx_v, ring, slab, sems):
    wid = lax.axis_index("s") * _NC + lax.axis_index("c")
    base = wid * _BPW
    pltpu.sync_copy(idx_hbm.at[pl.ds(base, _BPW)], idx_v)

    rows = lax.iota(jnp.int32, _L)

    def fetch(j, l):
        jt = pl.multiple_of((j // 128) * 128, 128)
        pltpu.async_copy(table_t.at[:, pl.ds(jt, 128)], ring.at[l], sems[l])

    def extract(jr, i, l):
        pltpu.make_async_copy(
            table_t.at[:, pl.ds(0, 128)], ring.at[l], sems[l]
        ).wait()
        col = jnp.full((_L,), jr, jnp.int32)
        dst_col = jnp.full((_L,), i, jnp.int32)
        for h in range(0, _D, _L):
            vals = plsc.load_gather(ring.at[l], [rows + h, col])
            plsc.store_scatter(slab, [rows + h, dst_col], vals)

    vec0 = idx_v[pl.ds(0, _L)]
    for l in range(_L):
        fetch(vec0[l], l)

    def body(g, vec_prev):
        vec = idx_v[pl.ds(g * _L, _L)]
        jr_prev = vec_prev % 128
        for l in range(_L):
            extract(jr_prev[l], (g - 1) * _L + l, l)
            fetch(vec[l], l)
        return vec

    vec_last = lax.fori_loop(1, _G, body, vec0, unroll=False)
    jr_last = vec_last % 128
    for l in range(_L):
        extract(jr_last[l], (_G - 1) * _L + l, l)

    pltpu.sync_copy(slab, out_t.at[:, pl.ds(base, _BPW)])


def kernel(inputs, table):
    out_t = _gather_kernel(table.T, inputs.astype(jnp.int32))
    return out_t.T

# --- scband reference (transcript-rebuilt; emitter-appended) ---
"""Pipeline reference for scband-recipe-model-82308753260915 (READ-ONLY COPY).

The authoritative reference and input builder live on the scoring server;
editing this copy changes nothing except your own understanding.
"""

import jax, jax.numpy as jnp
import numpy as np

VOCAB = 1000000
EMBED_DIM = 32
BATCH = 16384

def setup_inputs(seed: int = 0) -> dict:
    key = jax.random.key(seed)
    k1, k2 = jax.random.split(key)
    # StringLookup maps recipe-id strings to int indices in [0, VOCAB]; we model its
    # output directly as integer indices (0 is the OOV index, table has VOCAB+1 rows).
    inputs = jax.random.randint(k1, (BATCH,), 0, VOCAB + 1, dtype=jnp.int64)
    table = jax.random.normal(k2, (VOCAB + 1, EMBED_DIM), dtype=jnp.float32) * 0.05
    return {"inputs": inputs, "table": table}

def reference(inputs, table):
    # tf.keras.layers.Embedding forward: a pure row gather from the embedding table.
    return jnp.take(table, inputs, axis=0)

if __name__ == "__main__":
    import jax
    _d = setup_inputs()
    print(jax.jit(kernel)(*tuple(_d.values())))

</pallas_src>

<mosaic_0001>
#map = affine_map<(d0, d1) -> (0, 0)>
#map1 = affine_map<(d0, d1) -> (0)>
module attributes {stable_mosaic.version = 14 : i64} {
  func.func @_gather_kernel(%arg0: i32, %arg1: i32, %arg2: memref<32x1000001xf32, #tpu.memory_space<hbm>>, %arg3: memref<16384xi32, #tpu.memory_space<hbm>>, %arg4: memref<32x16384xf32, #tpu.memory_space<hbm>>, %arg5: memref<512xi32, #tpu.memory_space<vmem>>, %arg6: memref<16x32x128xf32, #tpu.memory_space<vmem>>, %arg7: memref<32x512xf32, #tpu.memory_space<vmem>>, %arg8: memref<!tpu.dma_semaphore, #tpu.memory_space<semaphore_mem>>, %arg9: memref<!tpu.dma_semaphore, #tpu.memory_space<semaphore_mem>>, %arg10: memref<!tpu.dma_semaphore, #tpu.memory_space<semaphore_mem>>, %arg11: memref<!tpu.dma_semaphore, #tpu.memory_space<semaphore_mem>>, %arg12: memref<!tpu.dma_semaphore, #tpu.memory_space<semaphore_mem>>, %arg13: memref<!tpu.dma_semaphore, #tpu.memory_space<semaphore_mem>>, %arg14: memref<!tpu.dma_semaphore, #tpu.memory_space<semaphore_mem>>, %arg15: memref<!tpu.dma_semaphore, #tpu.memory_space<semaphore_mem>>, %arg16: memref<!tpu.dma_semaphore, #tpu.memory_space<semaphore_mem>>, %arg17: memref<!tpu.dma_semaphore, #tpu.memory_space<semaphore_mem>>, %arg18: memref<!tpu.dma_semaphore, #tpu.memory_space<semaphore_mem>>, %arg19: memref<!tpu.dma_semaphore, #tpu.memory_space<semaphore_mem>>, %arg20: memref<!tpu.dma_semaphore, #tpu.memory_space<semaphore_mem>>, %arg21: memref<!tpu.dma_semaphore, #tpu.memory_space<semaphore_mem>>, %arg22: memref<!tpu.dma_semaphore, #tpu.memory_space<semaphore_mem>>, %arg23: memref<!tpu.dma_semaphore, #tpu.memory_space<semaphore_mem>>) attributes {dimension_semantics = [#tpu.dimension_semantics<core_parallel>, #tpu.dimension_semantics<subcore_parallel>], iteration_bounds = array<i64: 2, 16>, scalar_prefetch = 0 : i64, scratch_operands = 19 : i64, tpu.core_type = #tpu.core_type<sc_vector_subcore>, window_params = [{transform_indices = #map}, {transform_indices = #map1}, {transform_indices = #map}]} {
    %mul3A = arith.constant 2 : i32
    %mul3A_0 = arith.muli %arg1, %mul3A : i32
    %add3A = arith.addi %mul3A_0, %arg0 : i32
    %mul3A_1 = arith.constant 512 : i32
    %mul3A_2 = arith.muli %add3A, %mul3A_1 : i32
    "tpu.region"() ({
      %run_scoped3A = tpu.sem_alloc : memref<!tpu.dma_semaphore, #tpu.memory_space<semaphore_mem>>
      %dma_start3A_1390 = tpu.memref_slice %arg3[%mul3A_2] : memref<16384xi32, #tpu.memory_space<hbm>> -> memref<512xi32, #tpu.memory_space<hbm>>
      %dma_start3A_1391 = tpu.memref_slice %arg3[%mul3A_2] : memref<16384xi32, #tpu.memory_space<hbm>> -> memref<512xi32, #tpu.memory_space<hbm>>
      tpu.enqueue_dma source(%dma_start3A_1391 : memref<512xi32, #tpu.memory_space<hbm>>) target(%arg5 : memref<512xi32, #tpu.memory_space<vmem>>) target_semaphore(%run_scoped3A : memref<!tpu.dma_semaphore, #tpu.memory_space<semaphore_mem>>)
      %dma_wait3A_1392 = tpu.memref_slice %arg3[%mul3A_2] : memref<16384xi32, #tpu.memory_space<hbm>> -> memref<512xi32, #tpu.memory_space<hbm>>
      %dma_wait3A_1393 = tpu.memref_slice %arg3[%mul3A_2] : memref<16384xi32, #tpu.memory_space<hbm>> -> memref<512xi32, #tpu.memory_space<hbm>>
      tpu.wait_dma2 semaphore(%run_scoped3A : memref<!tpu.dma_semaphore, #tpu.memory_space<semaphore_mem>>) src(%dma_wait3A_1393 : memref<512xi32, #tpu.memory_space<hbm>>) dst(%arg5 : memref<512xi32, #tpu.memory_space<vmem>>)
      tpu.yield
    }) : () -> ()
    %iota3A = tpu.iota {dimensions = array<i32: 0>} : vector<16xi32>
    %get3A = arith.constant 0 : index
    %get3A_3 = tpu.vector_load %arg5[%get3A] {strides = array<i32>} : memref<512xi32, #tpu.memory_space<vmem>>, vector<16xi32>,
    %slice3A = vector.extract_strided_slice %get3A_3 {offsets = [0], sizes = [1], strides = [1]} : vector<16xi32> to vector<1xi32>
    %squeeze3A = vector.extract %slice3A[0] : i32 from vector<1xi32>
    %jit3A = arith.constant 128 : i32
    %div3A = arith.divsi %squeeze3A, %jit3A : i32
    %sign3A = arith.constant 0 : i32
    %sign3A_4 = arith.cmpi sgt, %squeeze3A, %sign3A : i32
    %sign3A_5 = arith.extui %sign3A_4 : i1 to i32
    %sign3A_6 = arith.constant 0 : i32
    %sign3A_7 = arith.cmpi slt, %squeeze3A, %sign3A_6 : i32
    %sign3A_8 = arith.extui %sign3A_7 : i1 to i32
    %sign3A_9 = arith.subi %sign3A_5, %sign3A_8 : i32
    %sign3A_10 = arith.constant 0 : i32
    %sign3A_11 = arith.cmpi sgt, %jit3A, %sign3A_10 : i32
    %sign3A_12 = arith.extui %sign3A_11 : i1 to i32
    %sign3A_13 = arith.constant 0 : i32
    %sign3A_14 = arith.cmpi slt, %jit3A, %sign3A_13 : i32
    %sign3A_15 = arith.extui %sign3A_14 : i1 to i32
    %sign3A_16 = arith.subi %sign3A_12, %sign3A_15 : i32
    %ne3A = arith.cmpi ne, %sign3A_9, %sign3A_16 : i32
    %rem3A = arith.remsi %squeeze3A, %jit3A : i32
    %ne3A_17 = arith.constant 0 : i32
    %ne3A_18 = arith.cmpi ne, %rem3A, %ne3A_17 : i32
    %and3A = arith.andi %ne3A, %ne3A_18 : i1
    %sub3A = arith.constant 1 : i32
    %sub3A_19 = arith.subi %div3A, %sub3A : i32
    %select_n3A = arith.select %and3A, %sub3A_19, %div3A : i32
    %mul3A_20 = arith.constant 128 : i32
    %mul3A_21 = arith.muli %select_n3A, %mul3A_20 : i32
    %multiple_of3A = tpu.assume_multiple %mul3A_21, 128 : i32
    %dma_start3A = arith.constant 0 : i32
    %dma_start3A_22 = arith.constant 0 : i32
    %dma_start3A_23 = arith.constant 0 : i32
    %dma_start3A_24 = tpu.memref_slice %arg6[%dma_start3A, %dma_start3A_22, %dma_start3A_23] : memref<16x32x128xf32, #tpu.memory_space<vmem>> -> memref<1x32x128xf32, #tpu.memory_space<vmem>>
    %dma_start3A_25 = tpu.memref_squeeze %dma_start3A_24 : memref<1x32x128xf32, #tpu.memory_space<vmem>> -> memref<32x128xf32, #tpu.memory_space<vmem>>
    %dma_start3A_26 = arith.constant 0 : i32
    %dma_start3A_27 = tpu.memref_slice %arg2[%dma_start3A_26, %multiple_of3A] : memref<32x1000001xf32, #tpu.memory_space<hbm>> -> memref<32x128xf32, #tpu.memory_space<hbm>>
    %dma_start3A_28 = arith.constant 0 : i32
    %dma_start3A_29 = arith.constant 0 : i32
    %dma_start3A_30 = tpu.memref_slice %arg6[%dma_start3A, %dma_start3A_28, %dma_start3A_29] : memref<16x32x128xf32, #tpu.memory_space<vmem>> -> memref<1x32x128xf32, #tpu.memory_space<vmem>>
    %dma_start3A_31 = tpu.memref_squeeze %dma_start3A_30 : memref<1x32x128xf32, #tpu.memory_space<vmem>> -> memref<32x128xf32, #tpu.memory_space<vmem>>
    %dma_start3A_32 = arith.constant 0 : i32
    %dma_start3A_33 = tpu.memref_slice %arg2[%dma_start3A_32, %multiple_of3A] : memref<32x1000001xf32, #tpu.memory_space<hbm>> -> memref<32x128xf32, #tpu.memory_space<hbm>>
    tpu.enqueue_dma source(%dma_start3A_33 : memref<32x128xf32, #tpu.memory_space<hbm>>) target(%dma_start3A_31 : memref<32x128xf32, #tpu.memory_space<vmem>>) target_semaphore(%arg8 : memref<!tpu.dma_semaphore, #tpu.memory_space<semaphore_mem>>)
    %slice3A_34 = vector.extract_strided_slice %get3A_3 {offsets = [1], sizes = [1], strides = [1]} : vector<16xi32> to vector<1xi32>
    %squeeze3A_35 = vector.extract %slice3A_34[0] : i32 from vector<1xi32>
    %jit3A_36 = arith.constant 128 : i32
    %div3A_37 = arith.divsi %squeeze3A_35, %jit3A_36 : i32
    %sign3A_38 = arith.constant 0 : i32
    %sign3A_39 = arith.cmpi sgt, %squeeze3A_35, %sign3A_38 : i32
    %sign3A_40 = arith.extui %sign3A_39 : i1 to i32
    %sign3A_41 = arith.constant 0 : i32
    %sign3A_42 = arith.cmpi slt, %squeeze3A_35, %sign3A_41 : i32
    %sign3A_43 = arith.extui %sign3A_42 : i1 to i32
    %sign3A_44 = arith.subi %sign3A_40, %sign3A_43 : i32
    %sign3A_45 = arith.constant 0 : i32
    %sign3A_46 = arith.cmpi sgt, %jit3A_36, %sign3A_45 : i32
    %sign3A_47 = arith.extui %sign3A_46 : i1 to i32
    %sign3A_48 = arith.constant 0 : i32
    %sign3A_49 = arith.cmpi slt, %jit3A_36, %sign3A_48 : i32
    %sign3A_50 = arith.extui %sign3A_49 : i1 to i32
    %sign3A_51 = arith.subi %sign3A_47, %sign3A_50 : i32
    %ne3A_52 = arith.cmpi ne, %sign3A_44, %sign3A_51 : i32
    %rem3A_53 = arith.remsi %squeeze3A_35, %jit3A_36 : i32
    %ne3A_54 = arith.constant 0 : i32
    %ne3A_55 = arith.cmpi ne, %rem3A_53, %ne3A_54 : i32
    %and3A_56 = arith.andi %ne3A_52, %ne3A_55 : i1
    %sub3A_57 = arith.constant 1 : i32
    %sub3A_58 = arith.subi %div3A_37, %sub3A_57 : i32
    %select_n3A_59 = arith.select %and3A_56, %sub3A_58, %div3A_37 : i32
    %mul3A_60 = arith.constant 128 : i32
    %mul3A_61 = arith.muli %select_n3A_59, %mul3A_60 : i32
    %multiple_of3A_62 = tpu.assume_multiple %mul3A_61, 128 : i32
    %dma_start3A_63 = arith.constant 1 : i32
    %dma_start3A_64 = arith.constant 0 : i32
    %dma_start3A_65 = arith.constant 0 : i32
    %dma_start3A_66 = tpu.memref_slice %arg6[%dma_start3A_63, %dma_start3A_64, %dma_start3A_65] : memref<16x32x128xf32, #tpu.memory_space<vmem>> -> memref<1x32x128xf32, #tpu.memory_space<vmem>>
    %dma_start3A_67 = tpu.memref_squeeze %dma_start3A_66 : memref<1x32x128xf32, #tpu.memory_space<vmem>> -> memref<32x128xf32, #tpu.memory_space<vmem>>
    %dma_start3A_68 = arith.constant 0 : i32
    %dma_start3A_69 = tpu.memref_slice %arg2[%dma_start3A_68, %multiple_of3A_62] : memref<32x1000001xf32, #tpu.memory_space<hbm>> -> memref<32x128xf32, #tpu.memory_space<hbm>>
    %dma_start3A_70 = arith.constant 0 : i32
    %dma_start3A_71 = arith.constant 0 : i32
    %dma_start3A_72 = tpu.memref_slice %arg6[%dma_start3A_63, %dma_start3A_70, %dma_start3A_71] : memref<16x32x128xf32, #tpu.memory_space<vmem>> -> memref<1x32x128xf32, #tpu.memory_space<vmem>>
    %dma_start3A_73 = tpu.memref_squeeze %dma_start3A_72 : memref<1x32x128xf32, #tpu.memory_space<vmem>> -> memref<32x128xf32, #tpu.memory_space<vmem>>
    %dma_start3A_74 = arith.constant 0 : i32
    %dma_start3A_75 = tpu.memref_slice %arg2[%dma_start3A_74, %multiple_of3A_62] : memref<32x1000001xf32, #tpu.memory_space<hbm>> -> memref<32x128xf32, #tpu.memory_space<hbm>>
    tpu.enqueue_dma source(%dma_start3A_75 : memref<32x128xf32, #tpu.memory_space<hbm>>) target(%dma_start3A_73 : memref<32x128xf32, #tpu.memory_space<vmem>>) target_semaphore(%arg9 : memref<!tpu.dma_semaphore, #tpu.memory_space<semaphore_mem>>)
    %slice3A_76 = vector.extract_strided_slice %get3A_3 {offsets = [2], sizes = [1], strides = [1]} : vector<16xi32> to vector<1xi32>
    %squeeze3A_77 = vector.extract %slice3A_76[0] : i32 from vector<1xi32>
    %jit3A_78 = arith.constant 128 : i32
    %div3A_79 = arith.divsi %squeeze3A_77, %jit3A_78 : i32
    %sign3A_80 = arith.constant 0 : i32
    %sign3A_81 = arith.cmpi sgt, %squeeze3A_77, %sign3A_80 : i32
    %sign3A_82 = arith.extui %sign3A_81 : i1 to i32
    %sign3A_83 = arith.constant 0 : i32
    %sign3A_84 = arith.cmpi slt, %squeeze3A_77, %sign3A_83 : i32
    %sign3A_85 = arith.extui %sign3A_84 : i1 to i32
    %sign3A_86 = arith.subi %sign3A_82, %sign3A_85 : i32
    %sign3A_87 = arith.constant 0 : i32
    %sign3A_88 = arith.cmpi sgt, %jit3A_78, %sign3A_87 : i32
    %sign3A_89 = arith.extui %sign3A_88 : i1 to i32
    %sign3A_90 = arith.constant 0 : i32
    %sign3A_91 = arith.cmpi slt, %jit3A_78, %sign3A_90 : i32
    %sign3A_92 = arith.extui %sign3A_91 : i1 to i32
    %sign3A_93 = arith.subi %sign3A_89, %sign3A_92 : i32
    %ne3A_94 = arith.cmpi ne, %sign3A_86, %sign3A_93 : i32
    %rem3A_95 = arith.remsi %squeeze3A_77, %jit3A_78 : i32
    %ne3A_96 = arith.constant 0 : i32
    %ne3A_97 = arith.cmpi ne, %rem3A_95, %ne3A_96 : i32
    %and3A_98 = arith.andi %ne3A_94, %ne3A_97 : i1
    %sub3A_99 = arith.constant 1 : i32
    %sub3A_100 = arith.subi %div3A_79, %sub3A_99 : i32
    %select_n3A_101 = arith.select %and3A_98, %sub3A_100, %div3A_79 : i32
    %mul3A_102 = arith.constant 128 : i32
    %mul3A_103 = arith.muli %select_n3A_101, %mul3A_102 : i32
    %multiple_of3A_104 = tpu.assume_multiple %mul3A_103, 128 : i32
    %dma_start3A_105 = arith.constant 2 : i32
    %dma_start3A_106 = arith.constant 0 : i32
    %dma_start3A_107 = arith.constant 0 : i32
    %dma_start3A_108 = tpu.memref_slice %arg6[%dma_start3A_105, %dma_start3A_106, %dma_start3A_107] : memref<16x32x128xf32, #tpu.memory_space<vmem>> -> memref<1x32x128xf32, #tpu.memory_space<vmem>>
    %dma_start3A_109 = tpu.memref_squeeze %dma_start3A_108 : memref<1x32x128xf32, #tpu.memory_space<vmem>> -> memref<32x128xf32, #tpu.memory_space<vmem>>
    %dma_start3A_110 = arith.constant 0 : i32
    %dma_start3A_111 = tpu.memref_slice %arg2[%dma_start3A_110, %multiple_of3A_104] : memref<32x1000001xf32, #tpu.memory_space<hbm>> -> memref<32x128xf32, #tpu.memory_space<hbm>>
    %dma_start3A_112 = arith.constant 0 : i32
    %dma_start3A_113 = arith.constant 0 : i32
    %dma_start3A_114 = tpu.memref_slice %arg6[%dma_start3A_105, %dma_start3A_112, %dma_start3A_113] : memref<16x32x128xf32, #tpu.memory_space<vmem>> -> memref<1x32x128xf32, #tpu.memory_space<vmem>>
    %dma_start3A_115 = tpu.memref_squeeze %dma_start3A_114 : memref<1x32x128xf32, #tpu.memory_space<vmem>> -> memref<32x128xf32, #tpu.memory_space<vmem>>
    %dma_start3A_116 = arith.constant 0 : i32
    %dma_start3A_117 = tpu.memref_slice %arg2[%dma_start3A_116, %multiple_of3A_104] : memref<32x1000001xf32, #tpu.memory_space<hbm>> -> memref<32x128xf32, #tpu.memory_space<hbm>>
    tpu.enqueue_dma source(%dma_start3A_117 : memref<32x128xf32, #tpu.memory_space<hbm>>) target(%dma_start3A_115 : memref<32x128xf32, #tpu.memory_space<vmem>>) target_semaphore(%arg10 : memref<!tpu.dma_semaphore, #tpu.memory_space<semaphore_mem>>)
    %slice3A_118 = vector.extract_strided_slice %get3A_3 {offsets = [3], sizes = [1], strides = [1]} : vector<16xi32> to vector<1xi32>
    %squeeze3A_119 = vector.extract %slice3A_118[0] : i32 from vector<1xi32>
    %jit3A_120 = arith.constant 128 : i32
    %div3A_121 = arith.divsi %squeeze3A_119, %jit3A_120 : i32
    %sign3A_122 = arith.constant 0 : i32
    %sign3A_123 = arith.cmpi sgt, %squeeze3A_119, %sign3A_122 : i32
    %sign3A_124 = arith.extui %sign3A_123 : i1 to i32
    %sign3A_125 = arith.constant 0 : i32
    %sign3A_126 = arith.cmpi slt, %squeeze3A_119, %sign3A_125 : i32
    %sign3A_127 = arith.extui %sign3A_126 : i1 to i32
    %sign3A_128 = arith.subi %sign3A_124, %sign3A_127 : i32
    %sign3A_129 = arith.constant 0 : i32
    %sign3A_130 = arith.cmpi sgt, %jit3A_120, %sign3A_129 : i32
    %sign3A_131 = arith.extui %sign3A_130 : i1 to i32
    %sign3A_132 = arith.constant 0 : i32
    %sign3A_133 = arith.cmpi slt, %jit3A_120, %sign3A_132 : i32
    %sign3A_134 = arith.extui %sign3A_133 : i1 to i32
    %sign3A_135 = arith.subi %sign3A_131, %sign3A_134 : i32
    %ne3A_136 = arith.cmpi ne, %sign3A_128, %sign3A_135 : i32
    %rem3A_137 = arith.remsi %squeeze3A_119, %jit3A_120 : i32
    %ne3A_138 = arith.constant 0 : i32
    %ne3A_139 = arith.cmpi ne, %rem3A_137, %ne3A_138 : i32
    %and3A_140 = arith.andi %ne3A_136, %ne3A_139 : i1
    %sub3A_141 = arith.constant 1 : i32
    %sub3A_142 = arith.subi %div3A_121, %sub3A_141 : i32
    %select_n3A_143 = arith.select %and3A_140, %sub3A_142, %div3A_121 : i32
    %mul3A_144 = arith.constant 128 : i32
    %mul3A_145 = arith.muli %select_n3A_143, %mul3A_144 : i32
    %multiple_of3A_146 = tpu.assume_multiple %mul3A_145, 128 : i32
    %dma_start3A_147 = arith.constant 3 : i32
    %dma_start3A_148 = arith.constant 0 : i32
    %dma_start3A_149 = arith.constant 0 : i32
    %dma_start3A_150 = tpu.memref_slice %arg6[%dma_start3A_147, %dma_start3A_148, %dma_start3A_149] : memref<16x32x128xf32, #tpu.memory_space<vmem>> -> memref<1x32x128xf32, #tpu.memory_space<vmem>>
    %dma_start3A_151 = tpu.memref_squeeze %dma_start3A_150 : memref<1x32x128xf32, #tpu.memory_space<vmem>> -> memref<32x128xf32, #tpu.memory_space<vmem>>
    %dma_start3A_152 = arith.constant 0 : i32
    %dma_start3A_153 = tpu.memref_slice %arg2[%dma_start3A_152, %multiple_of3A_146] : memref<32x1000001xf32, #tpu.memory_space<hbm>> -> memref<32x128xf32, #tpu.memory_space<hbm>>
    %dma_start3A_154 = arith.constant 0 : i32
    %dma_start3A_155 = arith.constant 0 : i32
    %dma_start3A_156 = tpu.memref_slice %arg6[%dma_start3A_147, %dma_start3A_154, %dma_start3A_155] : memref<16x32x128xf32, #tpu.memory_space<vmem>> -> memref<1x32x128xf32, #tpu.memory_space<vmem>>
    %dma_start3A_157 = tpu.memref_squeeze %dma_start3A_156 : memref<1x32x128xf32, #tpu.memory_space<vmem>> -> memref<32x128xf32, #tpu.memory_space<vmem>>
    %dma_start3A_158 = arith.constant 0 : i32
    %dma_start3A_159 = tpu.memref_slice %arg2[%dma_start3A_158, %multiple_of3A_146] : memref<32x1000001xf32, #tpu.memory_space<hbm>> -> memref<32x128xf32, #tpu.memory_space<hbm>>
    tpu.enqueue_dma source(%dma_start3A_159 : memref<32x128xf32, #tpu.memory_space<hbm>>) target(%dma_start3A_157 : memref<32x128xf32, #tpu.memory_space<vmem>>) target_semaphore(%arg11 : memref<!tpu.dma_semaphore, #tpu.memory_space<semaphore_mem>>)
    %slice3A_160 = vector.extract_strided_slice %get3A_3 {offsets = [4], sizes = [1], strides = [1]} : vector<16xi32> to vector<1xi32>
    %squeeze3A_161 = vector.extract %slice3A_160[0] : i32 from vector<1xi32>
    %jit3A_162 = arith.constant 128 : i32
    %div3A_163 = arith.divsi %squeeze3A_161, %jit3A_162 : i32
    %sign3A_164 = arith.constant 0 : i32
    %sign3A_165 = arith.cmpi sgt, %squeeze3A_161, %sign3A_164 : i32
    %sign3A_166 = arith.extui %sign3A_165 : i1 to i32
    %sign3A_167 = arith.constant 0 : i32
    %sign3A_168 = arith.cmpi slt, %squeeze3A_161, %sign3A_167 : i32
    %sign3A_169 = arith.extui %sign3A_168 : i1 to i32
    %sign3A_170 = arith.subi %sign3A_166, %sign3A_169 : i32
    %sign3A_171 = arith.constant 0 : i32
    %sign3A_172 = arith.cmpi sgt, %jit3A_162, %sign3A_171 : i32
    %sign3A_173 = arith.extui %sign3A_172 : i1 to i32
    %sign3A_174 = arith.constant 0 : i32
    %sign3A_175 = arith.cmpi slt, %jit3A_162, %sign3A_174 : i32
    %sign3A_176 = arith.extui %sign3A_175 : i1 to i32
    %sign3A_177 = arith.subi %sign3A_173, %sign3A_176 : i32
    %ne3A_178 = arith.cmpi ne, %sign3A_170, %sign3A_177 : i32
    %rem3A_179 = arith.remsi %squeeze3A_161, %jit3A_162 : i32
    %ne3A_180 = arith.constant 0 : i32
    %ne3A_181 = arith.cmpi ne, %rem3A_179, %ne3A_180 : i32
    %and3A_182 = arith.andi %ne3A_178, %ne3A_181 : i1
    %sub3A_183 = arith.constant 1 : i32
    %sub3A_184 = arith.subi %div3A_163, %sub3A_183 : i32
    %select_n3A_185 = arith.select %and3A_182, %sub3A_184, %div3A_163 : i32
    %mul3A_186 = arith.constant 128 : i32
    %mul3A_187 = arith.muli %select_n3A_185, %mul3A_186 : i32
    %multiple_of3A_188 = tpu.assume_multiple %mul3A_187, 128 : i32
    %dma_start3A_189 = arith.constant 4 : i32
    %dma_start3A_190 = arith.constant 0 : i32
    %dma_start3A_191 = arith.constant 0 : i32
    %dma_start3A_192 = tpu.memref_slice %arg6[%dma_start3A_189, %dma_start3A_190, %dma_start3A_191] : memref<16x32x128xf32, #tpu.memory_space<vmem>> -> memref<1x32x128xf32, #tpu.memory_space<vmem>>
    %dma_start3A_193 = tpu.memref_squeeze %dma_start3A_192 : memref<1x32x128xf32, #tpu.memory_space<vmem>> -> memref<32x128xf32, #tpu.memory_space<vmem>>
    %dma_start3A_194 = arith.constant 0 : i32
    %dma_start3A_195 = tpu.memref_slice %arg2[%dma_start3A_194, %multiple_of3A_188] : memref<32x1000001xf32, #tpu.memory_space<hbm>> -> memref<32x128xf32, #tpu.memory_space<hbm>>
    %dma_start3A_196 = arith.constant 0 : i32
    %dma_start3A_197 = arith.constant 0 : i32
    %dma_start3A_198 = tpu.memref_slice %arg6[%dma_start3A_189, %dma_start3A_196, %dma_start3A_197] : memref<16x32x128xf32, #tpu.memory_space<vmem>> -> memref<1x32x128xf32, #tpu.memory_space<vmem>>
    %dma_start3A_199 = tpu.memref_squeeze %dma_start3A_198 : memref<1x32x128xf32, #tpu.memory_space<vmem>> -> memref<32x128xf32, #tpu.memory_space<vmem>>
    %dma_start3A_200 = arith.constant 0 : i32
    %dma_start3A_201 = tpu.memref_slice %arg2[%dma_start3A_200, %multiple_of3A_188] : memref<32x1000001xf32, #tpu.memory_space<hbm>> -> memref<32x128xf32, #tpu.memory_space<hbm>>
    tpu.enqueue_dma source(%dma_start3A_201 : memref<32x128xf32, #tpu.memory_space<hbm>>) target(%dma_start3A_199 : memref<32x128xf32, #tpu.memory_space<vmem>>) target_semaphore(%arg12 : memref<!tpu.dma_semaphore, #tpu.memory_space<semaphore_mem>>)
    %slice3A_202 = vector.extract_strided_slice %get3A_3 {offsets = [5], sizes = [1], strides = [1]} : vector<16xi32> to vector<1xi32>
    %squeeze3A_203 = vector.extract %slice3A_202[0] : i32 from vector<1xi32>
    %jit3A_204 = arith.constant 128 : i32
    %div3A_205 = arith.divsi %squeeze3A_203, %jit3A_204 : i32
    %sign3A_206 = arith.constant 0 : i32
    %sign3A_207 = arith.cmpi sgt, %squeeze3A_203, %sign3A_206 : i32
    %sign3A_208 = arith.extui %sign3A_207 : i1 to i32
    %sign3A_209 = arith.constant 0 : i32
    %sign3A_210 = arith.cmpi slt, %squeeze3A_203, %sign3A_209 : i32
    %sign3A_211 = arith.extui %sign3A_210 : i1 to i32
    %sign3A_212 = arith.subi %sign3A_208, %sign3A_211 : i32
    %sign3A_213 = arith.constant 0 : i32
    %sign3A_214 = arith.cmpi sgt, %jit3A_204, %sign3A_213 : i32
    %sign3A_215 = arith.extui %sign3A_214 : i1 to i32
    %sign3A_216 = arith.constant 0 : i32
    %sign3A_217 = arith.cmpi slt, %jit3A_204, %sign3A_216 : i32
    %sign3A_218 = arith.extui %sign3A_217 : i1 to i32
    %sign3A_219 = arith.subi %sign3A_215, %sign3A_218 : i32
    %ne3A_220 = arith.cmpi ne, %sign3A_212, %sign3A_219 : i32
    %rem3A_221 = arith.remsi %squeeze3A_203, %jit3A_204 : i32
    %ne3A_222 = arith.constant 0 : i32
    %ne3A_223 = arith.cmpi ne, %rem3A_221, %ne3A_222 : i32
    %and3A_224 = arith.andi %ne3A_220, %ne3A_223 : i1
    %sub3A_225 = arith.constant 1 : i32
    %sub3A_226 = arith.subi %div3A_205, %sub3A_225 : i32
    %select_n3A_227 = arith.select %and3A_224, %sub3A_226, %div3A_205 : i32
    %mul3A_228 = arith.constant 128 : i32
    %mul3A_229 = arith.muli %select_n3A_227, %mul3A_228 : i32
    %multiple_of3A_230 = tpu.assume_multiple %mul3A_229, 128 : i32
    %dma_start3A_231 = arith.constant 5 : i32
    %dma_start3A_232 = arith.constant 0 : i32
    %dma_start3A_233 = arith.constant 0 : i32
    %dma_start3A_234 = tpu.memref_slice %arg6[%dma_start3A_231, %dma_start3A_232, %dma_start3A_233] : memref<16x32x128xf32, #tpu.memory_space<vmem>> -> memref<1x32x128xf32, #tpu.memory_space<vmem>>
    %dma_start3A_235 = tpu.memref_squeeze %dma_start3A_234 : memref<1x32x128xf32, #tpu.memory_space<vmem>> -> memref<32x128xf32, #tpu.memory_space<vmem>>
    %dma_start3A_236 = arith.constant 0 : i32
    %dma_start3A_237 = tpu.memref_slice %arg2[%dma_start3A_236, %multiple_of3A_230] : memref<32x1000001xf32, #tpu.memory_space<hbm>> -> memref<32x128xf32, #tpu.memory_space<hbm>>
    %dma_start3A_238 = arith.constant 0 : i32
    %dma_start3A_239 = arith.constant 0 : i32
    %dma_start3A_240 = tpu.memref_slice %arg6[%dma_start3A_231, %dma_start3A_238, %dma_start3A_239] : memref<16x32x128xf32, #tpu.memory_space<vmem>> -> memref<1x32x128xf32, #tpu.memory_space<vmem>>
    %dma_start3A_241 = tpu.memref_squeeze %dma_start3A_240 : memref<1x32x128xf32, #tpu.memory_space<vmem>> -> memref<32x128xf32, #tpu.memory_space<vmem>>
    %dma_start3A_242 = arith.constant 0 : i32
    %dma_start3A_243 = tpu.memref_slice %arg2[%dma_start3A_242, %multiple_of3A_230] : memref<32x1000001xf32, #tpu.memory_space<hbm>> -> memref<32x128xf32, #tpu.memory_space<hbm>>
    tpu.enqueue_dma source(%dma_start3A_243 : memref<32x128xf32, #tpu.memory_space<hbm>>) target(%dma_start3A_241 : memref<32x128xf32, #tpu.memory_space<vmem>>) target_semaphore(%arg13 : memref<!tpu.dma_semaphore, #tpu.memory_space<semaphore_mem>>)
    %slice3A_244 = vector.extract_strided_slice %get3A_3 {offsets = [6], sizes = [1], strides = [1]} : vector<16xi32> to vector<1xi32>
    %squeeze3A_245 = vector.extract %slice3A_244[0] : i32 from vector<1xi32>
    %jit3A_246 = arith.constant 128 : i32
    %div3A_247 = arith.divsi %squeeze3A_245, %jit3A_246 : i32
    %sign3A_248 = arith.constant 0 : i32
    %sign3A_249 = arith.cmpi sgt, %squeeze3A_245, %sign3A_248 : i32
    %sign3A_250 = arith.extui %sign3A_249 : i1 to i32
    %sign3A_251 = arith.constant 0 : i32
    %sign3A_252 = arith.cmpi slt, %squeeze3A_245, %sign3A_251 : i32
    %sign3A_253 = arith.extui %sign3A_252 : i1 to i32
    %sign3A_254 = arith.subi %sign3A_250, %sign3A_253 : i32
    %sign3A_255 = arith.constant 0 : i32
    %sign3A_256 = arith.cmpi sgt, %jit3A_246, %sign3A_255 : i32
    %sign3A_257 = arith.extui %sign3A_256 : i1 to i32
    %sign3A_258 = arith.constant 0 : i32
    %sign3A_259 = arith.cmpi slt, %jit3A_246, %sign3A_258 : i32
    %sign3A_260 = arith.extui %sign3A_259 : i1 to i32
    %sign3A_261 = arith.subi %sign3A_257, %sign3A_260 : i32
    %ne3A_262 = arith.cmpi ne, %sign3A_254, %sign3A_261 : i32
    %rem3A_263 = arith.remsi %squeeze3A_245, %jit3A_246 : i32
    %ne3A_264 = arith.constant 0 : i32
    %ne3A_265 = arith.cmpi ne, %rem3A_263, %ne3A_264 : i32
    %and3A_266 = arith.andi %ne3A_262, %ne3A_265 : i1
    %sub3A_267 = arith.constant 1 : i32
    %sub3A_268 = arith.subi %div3A_247, %sub3A_267 : i32
    %select_n3A_269 = arith.select %and3A_266, %sub3A_268, %div3A_247 : i32
    %mul3A_270 = arith.constant 128 : i32
    %mul3A_271 = arith.muli %select_n3A_269, %mul3A_270 : i32
    %multiple_of3A_272 = tpu.assume_multiple %mul3A_271, 128 : i32
    %dma_start3A_273 = arith.constant 6 : i32
    %dma_start3A_274 = arith.constant 0 : i32
    %dma_start3A_275 = arith.constant 0 : i32
    %dma_start3A_276 = tpu.memref_slice %arg6[%dma_start3A_273, %dma_start3A_274, %dma_start3A_275] : memref<16x32x128xf32, #tpu.memory_space<vmem>> -> memref<1x32x128xf32, #tpu.memory_space<vmem>>
    %dma_start3A_277 = tpu.memref_squeeze %dma_start3A_276 : memref<1x32x128xf32, #tpu.memory_space<vmem>> -> memref<32x128xf32, #tpu.memory_space<vmem>>
    %dma_start3A_278 = arith.constant 0 : i32
    %dma_start3A_279 = tpu.memref_slice %arg2[%dma_start3A_278, %multiple_of3A_272] : memref<32x1000001xf32, #tpu.memory_space<hbm>> -> memref<32x128xf32, #tpu.memory_space<hbm>>
    %dma_start3A_280 = arith.constant 0 : i32
    %dma_start3A_281 = arith.constant 0 : i32
    %dma_start3A_282 = tpu.memref_slice %arg6[%dma_start3A_273, %dma_start3A_280, %dma_start3A_281] : memref<16x32x128xf32, #tpu.memory_space<vmem>> -> memref<1x32x128xf32, #tpu.memory_space<vmem>>
    %dma_start3A_283 = tpu.memref_squeeze %dma_start3A_282 : memref<1x32x128xf32, #tpu.memory_space<vmem>> -> memref<32x128xf32, #tpu.memory_space<vmem>>
    %dma_start3A_284 = arith.constant 0 : i32
    %dma_start3A_285 = tpu.memref_slice %arg2[%dma_start3A_284, %multiple_of3A_272] : memref<32x1000001xf32, #tpu.memory_space<hbm>> -> memref<32x128xf32, #tpu.memory_space<hbm>>
    tpu.enqueue_dma source(%dma_start3A_285 : memref<32x128xf32, #tpu.memory_space<hbm>>) target(%dma_start3A_283 : memref<32x128xf32, #tpu.memory_space<vmem>>) target_semaphore(%arg14 : memref<!tpu.dma_semaphore, #tpu.memory_space<semaphore_mem>>)
    %slice3A_286 = vector.extract_strided_slice %get3A_3 {offsets = [7], sizes = [1], strides = [1]} : vector<16xi32> to vector<1xi32>
    %squeeze3A_287 = vector.extract %slice3A_286[0] : i32 from vector<1xi32>
    %jit3A_288 = arith.constant 128 : i32
    %div3A_289 = arith.divsi %squeeze3A_287, %jit3A_288 : i32
    %sign3A_290 = arith.constant 0 : i32
    %sign3A_291 = arith.cmpi sgt, %squeeze3A_287, %sign3A_290 : i32
    %sign3A_292 = arith.extui %sign3A_291 : i1 to i32
    %sign3A_293 = arith.constant 0 : i32
    %sign3A_294 = arith.cmpi slt, %squeeze3A_287, %sign3A_293 : i32
    %sign3A_295 = arith.extui %sign3A_294 : i1 to i32
    %sign3A_296 = arith.subi %sign3A_292, %sign3A_295 : i32
    %sign3A_297 = arith.constant 0 : i32
    %sign3A_298 = arith.cmpi sgt, %jit3A_288, %sign3A_297 : i32
    %sign3A_299 = arith.extui %sign3A_298 : i1 to i32
    %sign3A_300 = arith.constant 0 : i32
    %sign3A_301 = arith.cmpi slt, %jit3A_288, %sign3A_300 : i32
    %sign3A_302 = arith.extui %sign3A_301 : i1 to i32
    %sign3A_303 = arith.subi %sign3A_299, %sign3A_302 : i32
    %ne3A_304 = arith.cmpi ne, %sign3A_296, %sign3A_303 : i32
    %rem3A_305 = arith.remsi %squeeze3A_287, %jit3A_288 : i32
    %ne3A_306 = arith.constant 0 : i32
    %ne3A_307 = arith.cmpi ne, %rem3A_305, %ne3A_306 : i32
    %and3A_308 = arith.andi %ne3A_304, %ne3A_307 : i1
    %sub3A_309 = arith.constant 1 : i32
    %sub3A_310 = arith.subi %div3A_289, %sub3A_309 : i32
    %select_n3A_311 = arith.select %and3A_308, %sub3A_310, %div3A_289 : i32
    %mul3A_312 = arith.constant 128 : i32
    %mul3A_313 = arith.muli %select_n3A_311, %mul3A_312 : i32
    %multiple_of3A_314 = tpu.assume_multiple %mul3A_313, 128 : i32
    %dma_start3A_315 = arith.constant 7 : i32
    %dma_start3A_316 = arith.constant 0 : i32
    %dma_start3A_317 = arith.constant 0 : i32
    %dma_start3A_318 = tpu.memref_slice %arg6[%dma_start3A_315, %dma_start3A_316, %dma_start3A_317] : memref<16x32x128xf32, #tpu.memory_space<vmem>> -> memref<1x32x128xf32, #tpu.memory_space<vmem>>
    %dma_start3A_319 = tpu.memref_squeeze %dma_start3A_318 : memref<1x32x128xf32, #tpu.memory_space<vmem>> -> memref<32x128xf32, #tpu.memory_space<vmem>>
    %dma_start3A_320 = arith.constant 0 : i32
    %dma_start3A_321 = tpu.memref_slice %arg2[%dma_start3A_320, %multiple_of3A_314] : memref<32x1000001xf32, #tpu.memory_space<hbm>> -> memref<32x128xf32, #tpu.memory_space<hbm>>
    %dma_start3A_322 = arith.constant 0 : i32
    %dma_start3A_323 = arith.constant 0 : i32
    %dma_start3A_324 = tpu.memref_slice %arg6[%dma_start3A_315, %dma_start3A_322, %dma_start3A_323] : memref<16x32x128xf32, #tpu.memory_space<vmem>> -> memref<1x32x128xf32, #tpu.memory_space<vmem>>
    %dma_start3A_325 = tpu.memref_squeeze %dma_start3A_324 : memref<1x32x128xf32, #tpu.memory_space<vmem>> -> memref<32x128xf32, #tpu.memory_space<vmem>>
    %dma_start3A_326 = arith.constant 0 : i32
    %dma_start3A_327 = tpu.memref_slice %arg2[%dma_start3A_326, %multiple_of3A_314] : memref<32x1000001xf32, #tpu.memory_space<hbm>> -> memref<32x128xf32, #tpu.memory_space<hbm>>
    tpu.enqueue_dma source(%dma_start3A_327 : memref<32x128xf32, #tpu.memory_space<hbm>>) target(%dma_start3A_325 : memref<32x128xf32, #tpu.memory_space<vmem>>) target_semaphore(%arg15 : memref<!tpu.dma_semaphore, #tpu.memory_space<semaphore_mem>>)
    %slice3A_328 = vector.extract_strided_slice %get3A_3 {offsets = [8], sizes = [1], strides = [1]} : vector<16xi32> to vector<1xi32>
    %squeeze3A_329 = vector.extract %slice3A_328[0] : i32 from vector<1xi32>
    %jit3A_330 = arith.constant 128 : i32
    %div3A_331 = arith.divsi %squeeze3A_329, %jit3A_330 : i32
    %sign3A_332 = arith.constant 0 : i32
    %sign3A_333 = arith.cmpi sgt, %squeeze3A_329, %sign3A_332 : i32
    %sign3A_334 = arith.extui %sign3A_333 : i1 to i32
    %sign3A_335 = arith.constant 0 : i32
    %sign3A_336 = arith.cmpi slt, %squeeze3A_329, %sign3A_335 : i32
    %sign3A_337 = arith.extui %sign3A_336 : i1 to i32
    %sign3A_338 = arith.subi %sign3A_334, %sign3A_337 : i32
    %sign3A_339 = arith.constant 0 : i32
    %sign3A_340 = arith.cmpi sgt, %jit3A_330, %sign3A_339 : i32
    %sign3A_341 = arith.extui %sign3A_340 : i1 to i32
    %sign3A_342 = arith.constant 0 : i32
    %sign3A_343 = arith.cmpi slt, %jit3A_330, %sign3A_342 : i32
    %sign3A_344 = arith.extui %sign3A_343 : i1 to i32
    %sign3A_345 = arith.subi %sign3A_341, %sign3A_344 : i32
    %ne3A_346 = arith.cmpi ne, %sign3A_338, %sign3A_345 : i32
    %rem3A_347 = arith.remsi %squeeze3A_329, %jit3A_330 : i32
    %ne3A_348 = arith.constant 0 : i32
    %ne3A_349 = arith.cmpi ne, %rem3A_347, %ne3A_348 : i32
    %and3A_350 = arith.andi %ne3A_346, %ne3A_349 : i1
    %sub3A_351 = arith.constant 1 : i32
    %sub3A_352 = arith.subi %div3A_331, %sub3A_351 : i32
    %select_n3A_353 = arith.select %and3A_350, %sub3A_352, %div3A_331 : i32
    %mul3A_354 = arith.constant 128 : i32
    %mul3A_355 = arith.muli %select_n3A_353, %mul3A_354 : i32
    %multiple_of3A_356 = tpu.assume_multiple %mul3A_355, 128 : i32
    %dma_start3A_357 = arith.constant 8 : i32
    %dma_start3A_358 = arith.constant 0 : i32
    %dma_start3A_359 = arith.constant 0 : i32
    %dma_start3A_360 = tpu.memref_slice %arg6[%dma_start3A_357, %dma_start3A_358, %dma_start3A_359] : memref<16x32x128xf32, #tpu.memory_space<vmem>> -> memref<1x32x128xf32, #tpu.memory_space<vmem>>
    %dma_start3A_361 = tpu.memref_squeeze %dma_start3A_360 : memref<1x32x128xf32, #tpu.memory_space<vmem>> -> memref<32x128xf32, #tpu.memory_space<vmem>>
    %dma_start3A_362 = arith.constant 0 : i32
    %dma_start3A_363 = tpu.memref_slice %arg2[%dma_start3A_362, %multiple_of3A_356] : memref<32x1000001xf32, #tpu.memory_space<hbm>> -> memref<32x128xf32, #tpu.memory_space<hbm>>
    %dma_start3A_364 = arith.constant 0 : i32
    %dma_start3A_365 = arith.constant 0 : i32
    %dma_start3A_366 = tpu.memref_slice %arg6[%dma_start3A_357, %dma_start3A_364, %dma_start3A_365] : memref<16x32x128xf32, #tpu.memory_space<vmem>> -> memref<1x32x128xf32, #tpu.memory_space<vmem>>
    %dma_start3A_367 = tpu.memref_squeeze %dma_start3A_366 : memref<1x32x128xf32, #tpu.memory_space<vmem>> -> memref<32x128xf32, #tpu.memory_space<vmem>>
    %dma_start3A_368 = arith.constant 0 : i32
    %dma_start3A_369 = tpu.memref_slice %arg2[%dma_start3A_368, %multiple_of3A_356] : memref<32x1000001xf32, #tpu.memory_space<hbm>> -> memref<32x128xf32, #tpu.memory_space<hbm>>
    tpu.enqueue_dma source(%dma_start3A_369 : memref<32x128xf32, #tpu.memory_space<hbm>>) target(%dma_start3A_367 : memref<32x128xf32, #tpu.memory_space<vmem>>) target_semaphore(%arg16 : memref<!tpu.dma_semaphore, #tpu.memory_space<semaphore_mem>>)
    %slice3A_370 = vector.extract_strided_slice %get3A_3 {offsets = [9], sizes = [1], strides = [1]} : vector<16xi32> to vector<1xi32>
    %squeeze3A_371 = vector.extract %slice3A_370[0] : i32 from vector<1xi32>
    %jit3A_372 = arith.constant 128 : i32
    %div3A_373 = arith.divsi %squeeze3A_371, %jit3A_372 : i32
    %sign3A_374 = arith.constant 0 : i32
    %sign3A_375 = arith.cmpi sgt, %squeeze3A_371, %sign3A_374 : i32
    %sign3A_376 = arith.extui %sign3A_375 : i1 to i32
    %sign3A_377 = arith.constant 0 : i32
    %sign3A_378 = arith.cmpi slt, %squeeze3A_371, %sign3A_377 : i32
    %sign3A_379 = arith.extui %sign3A_378 : i1 to i32
    %sign3A_380 = arith.subi %sign3A_376, %sign3A_379 : i32
    %sign3A_381 = arith.constant 0 : i32
    %sign3A_382 = arith.cmpi sgt, %jit3A_372, %sign3A_381 : i32
    %sign3A_383 = arith.extui %sign3A_382 : i1 to i32
    %sign3A_384 = arith.constant 0 : i32
    %sign3A_385 = arith.cmpi slt, %jit3A_372, %sign3A_384 : i32
    %sign3A_386 = arith.extui %sign3A_385 : i1 to i32
    %sign3A_387 = arith.subi %sign3A_383, %sign3A_386 : i32
    %ne3A_388 = arith.cmpi ne, %sign3A_380, %sign3A_387 : i32
    %rem3A_389 = arith.remsi %squeeze3A_371, %jit3A_372 : i32
    %ne3A_390 = arith.constant 0 : i32
    %ne3A_391 = arith.cmpi ne, %rem3A_389, %ne3A_390 : i32
    %and3A_392 = arith.andi %ne3A_388, %ne3A_391 : i1
    %sub3A_393 = arith.constant 1 : i32
    %sub3A_394 = arith.subi %div3A_373, %sub3A_393 : i32
    %select_n3A_395 = arith.select %and3A_392, %sub3A_394, %div3A_373 : i32
    %mul3A_396 = arith.constant 128 : i32
    %mul3A_397 = arith.muli %select_n3A_395, %mul3A_396 : i32
    %multiple_of3A_398 = tpu.assume_multiple %mul3A_397, 128 : i32
    %dma_start3A_399 = arith.constant 9 : i32
    %dma_start3A_400 = arith.constant 0 : i32
    %dma_start3A_401 = arith.constant 0 : i32
    %dma_start3A_402 = tpu.memref_slice %arg6[%dma_start3A_399, %dma_start3A_400, %dma_start3A_401] : memref<16x32x128xf32, #tpu.memory_space<vmem>> -> memref<1x32x128xf32, #tpu.memory_space<vmem>>
    %dma_start3A_403 = tpu.memref_squeeze %dma_start3A_402 : memref<1x32x128xf32, #tpu.memory_space<vmem>> -> memref<32x128xf32, #tpu.memory_space<vmem>>
    %dma_start3A_404 = arith.constant 0 : i32
    %dma_start3A_405 = tpu.memref_slice %arg2[%dma_start3A_404, %multiple_of3A_398] : memref<32x1000001xf32, #tpu.memory_space<hbm>> -> memref<32x128xf32, #tpu.memory_space<hbm>>
    %dma_start3A_406 = arith.constant 0 : i32
    %dma_start3A_407 = arith.constant 0 : i32
    %dma_start3A_408 = tpu.memref_slice %arg6[%dma_start3A_399, %dma_start3A_406, %dma_start3A_407] : memref<16x32x128xf32, #tpu.memory_space<vmem>> -> memref<1x32x128xf32, #tpu.memory_space<vmem>>
    %dma_start3A_409 = tpu.memref_squeeze %dma_start3A_408 : memref<1x32x128xf32, #tpu.memory_space<vmem>> -> memref<32x128xf32, #tpu.memory_space<vmem>>
    %dma_start3A_410 = arith.constant 0 : i32
    %dma_start3A_411 = tpu.memref_slice %arg2[%dma_start3A_410, %multiple_of3A_398] : memref<32x1000001xf32, #tpu.memory_space<hbm>> -> memref<32x128xf32, #tpu.memory_space<hbm>>
    tpu.enqueue_dma source(%dma_start3A_411 : memref<32x128xf32, #tpu.memory_space<hbm>>) target(%dma_start3A_409 : memref<32x128xf32, #tpu.memory_space<vmem>>) target_semaphore(%arg17 : memref<!tpu.dma_semaphore, #tpu.memory_space<semaphore_mem>>)
    %slice3A_412 = vector.extract_strided_slice %get3A_3 {offsets = [10], sizes = [1], strides = [1]} : vector<16xi32> to vector<1xi32>
    %squeeze3A_413 = vector.extract %slice3A_412[0] : i32 from vector<1xi32>
    %jit3A_414 = arith.constant 128 : i32
    %div3A_415 = arith.divsi %squeeze3A_413, %jit3A_414 : i32
    %sign3A_416 = arith.constant 0 : i32
    %sign3A_417 = arith.cmpi sgt, %squeeze3A_413, %sign3A_416 : i32
    %sign3A_418 = arith.extui %sign3A_417 : i1 to i32
    %sign3A_419 = arith.constant 0 : i32
    %sign3A_420 = arith.cmpi slt, %squeeze3A_413, %sign3A_419 : i32
    %sign3A_421 = arith.extui %sign3A_420 : i1 to i32
    %sign3A_422 = arith.subi %sign3A_418, %sign3A_421 : i32
    %sign3A_423 = arith.constant 0 : i32
    %sign3A_424 = arith.cmpi sgt, %jit3A_414, %sign3A_423 : i32
    %sign3A_425 = arith.extui %sign3A_424 : i1 to i32
    %sign3A_426 = arith.constant 0 : i32
    %sign3A_427 = arith.cmpi slt, %jit3A_414, %sign3A_426 : i32
    %sign3A_428 = arith.extui %sign3A_427 : i1 to i32
    %sign3A_429 = arith.subi %sign3A_425, %sign3A_428 : i32
    %ne3A_430 = arith.cmpi ne, %sign3A_422, %sign3A_429 : i32
    %rem3A_431 = arith.remsi %squeeze3A_413, %jit3A_414 : i32
    %ne3A_432 = arith.constant 0 : i32
    %ne3A_433 = arith.cmpi ne, %rem3A_431, %ne3A_432 : i32
    %and3A_434 = arith.andi %ne3A_430, %ne3A_433 : i1
    %sub3A_435 = arith.constant 1 : i32
    %sub3A_436 = arith.subi %div3A_415, %sub3A_435 : i32
    %select_n3A_437 = arith.select %and3A_434, %sub3A_436, %div3A_415 : i32
    %mul3A_438 = arith.constant 128 : i32
    %mul3A_439 = arith.muli %select_n3A_437, %mul3A_438 : i32
    %multiple_of3A_440 = tpu.assume_multiple %mul3A_439, 128 : i32
    %dma_start3A_441 = arith.constant 10 : i32
    %dma_start3A_442 = arith.constant 0 : i32
    %dma_start3A_443 = arith.constant 0 : i32
    %dma_start3A_444 = tpu.memref_slice %arg6[%dma_start3A_441, %dma_start3A_442, %dma_start3A_443] : memref<16x32x128xf32, #tpu.memory_space<vmem>> -> memref<1x32x128xf32, #tpu.memory_space<vmem>>
    %dma_start3A_445 = tpu.memref_squeeze %dma_start3A_444 : memref<1x32x128xf32, #tpu.memory_space<vmem>> -> memref<32x128xf32, #tpu.memory_space<vmem>>
    %dma_start3A_446 = arith.constant 0 : i32
    %dma_start3A_447 = tpu.memref_slice %arg2[%dma_start3A_446, %multiple_of3A_440] : memref<32x1000001xf32, #tpu.memory_space<hbm>> -> memref<32x128xf32, #tpu.memory_space<hbm>>
    %dma_start3A_448 = arith.constant 0 : i32
    %dma_start3A_449 = arith.constant 0 : i32
    %dma_start3A_450 = tpu.memref_slice %arg6[%dma_start3A_441, %dma_start3A_448, %dma_start3A_449] : memref<16x32x128xf32, #tpu.memory_space<vmem>> -> memref<1x32x128xf32, #tpu.memory_space<vmem>>
    %dma_start3A_451 = tpu.memref_squeeze %dma_start3A_450 : memref<1x32x128xf32, #tpu.memory_space<vmem>> -> memref<32x128xf32, #tpu.memory_space<vmem>>
    %dma_start3A_452 = arith.constant 0 : i32
    %dma_start3A_453 = tpu.memref_slice %arg2[%dma_start3A_452, %multiple_of3A_440] : memref<32x1000001xf32, #tpu.memory_space<hbm>> -> memref<32x128xf32, #tpu.memory_space<hbm>>
    tpu.enqueue_dma source(%dma_start3A_453 : memref<32x128xf32, #tpu.memory_space<hbm>>) target(%dma_start3A_451 : memref<32x128xf32, #tpu.memory_space<vmem>>) target_semaphore(%arg18 : memref<!tpu.dma_semaphore, #tpu.memory_space<semaphore_mem>>)
    %slice3A_454 = vector.extract_strided_slice %get3A_3 {offsets = [11], sizes = [1], strides = [1]} : vector<16xi32> to vector<1xi32>
    %squeeze3A_455 = vector.extract %slice3A_454[0] : i32 from vector<1xi32>
    %jit3A_456 = arith.constant 128 : i32
    %div3A_457 = arith.divsi %squeeze3A_455, %jit3A_456 : i32
    %sign3A_458 = arith.constant 0 : i32
    %sign3A_459 = arith.cmpi sgt, %squeeze3A_455, %sign3A_458 : i32
    %sign3A_460 = arith.extui %sign3A_459 : i1 to i32
    %sign3A_461 = arith.constant 0 : i32
    %sign3A_462 = arith.cmpi slt, %squeeze3A_455, %sign3A_461 : i32
    %sign3A_463 = arith.extui %sign3A_462 : i1 to i32
    %sign3A_464 = arith.subi %sign3A_460, %sign3A_463 : i32
    %sign3A_465 = arith.constant 0 : i32
    %sign3A_466 = arith.cmpi sgt, %jit3A_456, %sign3A_465 : i32
    %sign3A_467 = arith.extui %sign3A_466 : i1 to i32
    %sign3A_468 = arith.constant 0 : i32
    %sign3A_469 = arith.cmpi slt, %jit3A_456, %sign3A_468 : i32
    %sign3A_470 = arith.extui %sign3A_469 : i1 to i32
    %sign3A_471 = arith.subi %sign3A_467, %sign3A_470 : i32
    %ne3A_472 = arith.cmpi ne, %sign3A_464, %sign3A_471 : i32
    %rem3A_473 = arith.remsi %squeeze3A_455, %jit3A_456 : i32
    %ne3A_474 = arith.constant 0 : i32
    %ne3A_475 = arith.cmpi ne, %rem3A_473, %ne3A_474 : i32
    %and3A_476 = arith.andi %ne3A_472, %ne3A_475 : i1
    %sub3A_477 = arith.constant 1 : i32
    %sub3A_478 = arith.subi %div3A_457, %sub3A_477 : i32
    %select_n3A_479 = arith.select %and3A_476, %sub3A_478, %div3A_457 : i32
    %mul3A_480 = arith.constant 128 : i32
    %mul3A_481 = arith.muli %select_n3A_479, %mul3A_480 : i32
    %multiple_of3A_482 = tpu.assume_multiple %mul3A_481, 128 : i32
    %dma_start3A_483 = arith.constant 11 : i32
    %dma_start3A_484 = arith.constant 0 : i32
    %dma_start3A_485 = arith.constant 0 : i32
    %dma_start3A_486 = tpu.memref_slice %arg6[%dma_start3A_483, %dma_start3A_484, %dma_start3A_485] : memref<16x32x128xf32, #tpu.memory_space<vmem>> -> memref<1x32x128xf32, #tpu.memory_space<vmem>>
    %dma_start3A_487 = tpu.memref_squeeze %dma_start3A_486 : memref<1x32x128xf32, #tpu.memory_space<vmem>> -> memref<32x128xf32, #tpu.memory_space<vmem>>
    %dma_start3A_488 = arith.constant 0 : i32
    %dma_start3A_489 = tpu.memref_slice %arg2[%dma_start3A_488, %multiple_of3A_482] : memref<32x1000001xf32, #tpu.memory_space<hbm>> -> memref<32x128xf32, #tpu.memory_space<hbm>>
    %dma_start3A_490 = arith.constant 0 : i32
    %dma_start3A_491 = arith.constant 0 : i32
    %dma_start3A_492 = tpu.memref_slice %arg6[%dma_start3A_483, %dma_start3A_490, %dma_start3A_491] : memref<16x32x128xf32, #tpu.memory_space<vmem>> -> memref<1x32x128xf32, #tpu.memory_space<vmem>>
    %dma_start3A_493 = tpu.memref_squeeze %dma_start3A_492 : memref<1x32x128xf32, #tpu.memory_space<vmem>> -> memref<32x128xf32, #tpu.memory_space<vmem>>
    %dma_start3A_494 = arith.constant 0 : i32
    %dma_start3A_495 = tpu.memref_slice %arg2[%dma_start3A_494, %multiple_of3A_482] : memref<32x1000001xf32, #tpu.memory_space<hbm>> -> memref<32x128xf32, #tpu.memory_space<hbm>>
    tpu.enqueue_dma source(%dma_start3A_495 : memref<32x128xf32, #tpu.memory_space<hbm>>) target(%dma_start3A_493 : memref<32x128xf32, #tpu.memory_space<vmem>>) target_semaphore(%arg19 : memref<!tpu.dma_semaphore, #tpu.memory_space<semaphore_mem>>)
    %slice3A_496 = vector.extract_strided_slice %get3A_3 {offsets = [12], sizes = [1], strides = [1]} : vector<16xi32> to vector<1xi32>
    %squeeze3A_497 = vector.extract %slice3A_496[0] : i32 from vector<1xi32>
    %jit3A_498 = arith.constant 128 : i32
    %div3A_499 = arith.divsi %squeeze3A_497, %jit3A_498 : i32
    %sign3A_500 = arith.constant 0 : i32
    %sign3A_501 = arith.cmpi sgt, %squeeze3A_497, %sign3A_500 : i32
    %sign3A_502 = arith.extui %sign3A_501 : i1 to i32
    %sign3A_503 = arith.constant 0 : i32
    %sign3A_504 = arith.cmpi slt, %squeeze3A_497, %sign3A_503 : i32
    %sign3A_505 = arith.extui %sign3A_504 : i1 to i32
    %sign3A_506 = arith.subi %sign3A_502, %sign3A_505 : i32
    %sign3A_507 = arith.constant 0 : i32
    %sign3A_508 = arith.cmpi sgt, %jit3A_498, %sign3A_507 : i32
    %sign3A_509 = arith.extui %sign3A_508 : i1 to i32
    %sign3A_510 = arith.constant 0 : i32
    %sign3A_511 = arith.cmpi slt, %jit3A_498, %sign3A_510 : i32
    %sign3A_512 = arith.extui %sign3A_511 : i1 to i32
    %sign3A_513 = arith.subi %sign3A_509, %sign3A_512 : i32
    %ne3A_514 = arith.cmpi ne, %sign3A_506, %sign3A_513 : i32
    %rem3A_515 = arith.remsi %squeeze3A_497, %jit3A_498 : i32
    %ne3A_516 = arith.constant 0 : i32
    %ne3A_517 = arith.cmpi ne, %rem3A_515, %ne3A_516 : i32
    %and3A_518 = arith.andi %ne3A_514, %ne3A_517 : i1
    %sub3A_519 = arith.constant 1 : i32
    %sub3A_520 = arith.subi %div3A_499, %sub3A_519 : i32
    %select_n3A_521 = arith.select %and3A_518, %sub3A_520, %div3A_499 : i32
    %mul3A_522 = arith.constant 128 : i32
    %mul3A_523 = arith.muli %select_n3A_521, %mul3A_522 : i32
    %multiple_of3A_524 = tpu.assume_multiple %mul3A_523, 128 : i32
    %dma_start3A_525 = arith.constant 12 : i32
    %dma_start3A_526 = arith.constant 0 : i32
    %dma_start3A_527 = arith.constant 0 : i32
    %dma_start3A_528 = tpu.memref_slice %arg6[%dma_start3A_525, %dma_start3A_526, %dma_start3A_527] : memref<16x32x128xf32, #tpu.memory_space<vmem>> -> memref<1x32x128xf32, #tpu.memory_space<vmem>>
    %dma_start3A_529 = tpu.memref_squeeze %dma_start3A_528 : memref<1x32x128xf32, #tpu.memory_space<vmem>> -> memref<32x128xf32, #tpu.memory_space<vmem>>
    %dma_start3A_530 = arith.constant 0 : i32
    %dma_start3A_531 = tpu.memref_slice %arg2[%dma_start3A_530, %multiple_of3A_524] : memref<32x1000001xf32, #tpu.memory_space<hbm>> -> memref<32x128xf32, #tpu.memory_space<hbm>>
    %dma_start3A_532 = arith.constant 0 : i32
    %dma_start3A_533 = arith.constant 0 : i32
    %dma_start3A_534 = tpu.memref_slice %arg6[%dma_start3A_525, %dma_start3A_532, %dma_start3A_533] : memref<16x32x128xf32, #tpu.memory_space<vmem>> -> memref<1x32x128xf32, #tpu.memory_space<vmem>>
    %dma_start3A_535 = tpu.memref_squeeze %dma_start3A_534 : memref<1x32x128xf32, #tpu.memory_space<vmem>> -> memref<32x128xf32, #tpu.memory_space<vmem>>
    %dma_start3A_536 = arith.constant 0 : i32
    %dma_start3A_537 = tpu.memref_slice %arg2[%dma_start3A_536, %multiple_of3A_524] : memref<32x1000001xf32, #tpu.memory_space<hbm>> -> memref<32x128xf32, #tpu.memory_space<hbm>>
    tpu.enqueue_dma source(%dma_start3A_537 : memref<32x128xf32, #tpu.memory_space<hbm>>) target(%dma_start3A_535 : memref<32x128xf32, #tpu.memory_space<vmem>>) target_semaphore(%arg20 : memref<!tpu.dma_semaphore, #tpu.memory_space<semaphore_mem>>)
    %slice3A_538 = vector.extract_strided_slice %get3A_3 {offsets = [13], sizes = [1], strides = [1]} : vector<16xi32> to vector<1xi32>
    %squeeze3A_539 = vector.extract %slice3A_538[0] : i32 from vector<1xi32>
    %jit3A_540 = arith.constant 128 : i32
    %div3A_541 = arith.divsi %squeeze3A_539, %jit3A_540 : i32
    %sign3A_542 = arith.constant 0 : i32
    %sign3A_543 = arith.cmpi sgt, %squeeze3A_539, %sign3A_542 : i32
    %sign3A_544 = arith.extui %sign3A_543 : i1 to i32
    %sign3A_545 = arith.constant 0 : i32
    %sign3A_546 = arith.cmpi slt, %squeeze3A_539, %sign3A_545 : i32
    %sign3A_547 = arith.extui %sign3A_546 : i1 to i32
    %sign3A_548 = arith.subi %sign3A_544, %sign3A_547 : i32
    %sign3A_549 = arith.constant 0 : i32
    %sign3A_550 = arith.cmpi sgt, %jit3A_540, %sign3A_549 : i32
    %sign3A_551 = arith.extui %sign3A_550 : i1 to i32
    %sign3A_552 = arith.constant 0 : i32
    %sign3A_553 = arith.cmpi slt, %jit3A_540, %sign3A_552 : i32
    %sign3A_554 = arith.extui %sign3A_553 : i1 to i32
    %sign3A_555 = arith.subi %sign3A_551, %sign3A_554 : i32
    %ne3A_556 = arith.cmpi ne, %sign3A_548, %sign3A_555 : i32
    %rem3A_557 = arith.remsi %squeeze3A_539, %jit3A_540 : i32
    %ne3A_558 = arith.constant 0 : i32
    %ne3A_559 = arith.cmpi ne, %rem3A_557, %ne3A_558 : i32
    %and3A_560 = arith.andi %ne3A_556, %ne3A_559 : i1
    %sub3A_561 = arith.constant 1 : i32
    %sub3A_562 = arith.subi %div3A_541, %sub3A_561 : i32
    %select_n3A_563 = arith.select %and3A_560, %sub3A_562, %div3A_541 : i32
    %mul3A_564 = arith.constant 128 : i32
    %mul3A_565 = arith.muli %select_n3A_563, %mul3A_564 : i32
    %multiple_of3A_566 = tpu.assume_multiple %mul3A_565, 128 : i32
    %dma_start3A_567 = arith.constant 13 : i32
    %dma_start3A_568 = arith.constant 0 : i32
    %dma_start3A_569 = arith.constant 0 : i32
    %dma_start3A_570 = tpu.memref_slice %arg6[%dma_start3A_567, %dma_start3A_568, %dma_start3A_569] : memref<16x32x128xf32, #tpu.memory_space<vmem>> -> memref<1x32x128xf32, #tpu.memory_space<vmem>>
    %dma_start3A_571 = tpu.memref_squeeze %dma_start3A_570 : memref<1x32x128xf32, #tpu.memory_space<vmem>> -> memref<32x128xf32, #tpu.memory_space<vmem>>
    %dma_start3A_572 = arith.constant 0 : i32
    %dma_start3A_573 = tpu.memref_slice %arg2[%dma_start3A_572, %multiple_of3A_566] : memref<32x1000001xf32, #tpu.memory_space<hbm>> -> memref<32x128xf32, #tpu.memory_space<hbm>>
    %dma_start3A_574 = arith.constant 0 : i32
    %dma_start3A_575 = arith.constant 0 : i32
    %dma_start3A_576 = tpu.memref_slice %arg6[%dma_start3A_567, %dma_start3A_574, %dma_start3A_575] : memref<16x32x128xf32, #tpu.memory_space<vmem>> -> memref<1x32x128xf32, #tpu.memory_space<vmem>>
    %dma_start3A_577 = tpu.memref_squeeze %dma_start3A_576 : memref<1x32x128xf32, #tpu.memory_space<vmem>> -> memref<32x128xf32, #tpu.memory_space<vmem>>
    %dma_start3A_578 = arith.constant 0 : i32
    %dma_start3A_579 = tpu.memref_slice %arg2[%dma_start3A_578, %multiple_of3A_566] : memref<32x1000001xf32, #tpu.memory_space<hbm>> -> memref<32x128xf32, #tpu.memory_space<hbm>>
    tpu.enqueue_dma source(%dma_start3A_579 : memref<32x128xf32, #tpu.memory_space<hbm>>) target(%dma_start3A_577 : memref<32x128xf32, #tpu.memory_space<vmem>>) target_semaphore(%arg21 : memref<!tpu.dma_semaphore, #tpu.memory_space<semaphore_mem>>)
    %slice3A_580 = vector.extract_strided_slice %get3A_3 {offsets = [14], sizes = [1], strides = [1]} : vector<16xi32> to vector<1xi32>
    %squeeze3A_581 = vector.extract %slice3A_580[0] : i32 from vector<1xi32>
    %jit3A_582 = arith.constant 128 : i32
    %div3A_583 = arith.divsi %squeeze3A_581, %jit3A_582 : i32
    %sign3A_584 = arith.constant 0 : i32
    %sign3A_585 = arith.cmpi sgt, %squeeze3A_581, %sign3A_584 : i32
    %sign3A_586 = arith.extui %sign3A_585 : i1 to i32
    %sign3A_587 = arith.constant 0 : i32
    %sign3A_588 = arith.cmpi slt, %squeeze3A_581, %sign3A_587 : i32
    %sign3A_589 = arith.extui %sign3A_588 : i1 to i32
    %sign3A_590 = arith.subi %sign3A_586, %sign3A_589 : i32
    %sign3A_591 = arith.constant 0 : i32
    %sign3A_592 = arith.cmpi sgt, %jit3A_582, %sign3A_591 : i32
    %sign3A_593 = arith.extui %sign3A_592 : i1 to i32
    %sign3A_594 = arith.constant 0 : i32
    %sign3A_595 = arith.cmpi slt, %jit3A_582, %sign3A_594 : i32
    %sign3A_596 = arith.extui %sign3A_595 : i1 to i32
    %sign3A_597 = arith.subi %sign3A_593, %sign3A_596 : i32
    %ne3A_598 = arith.cmpi ne, %sign3A_590, %sign3A_597 : i32
    %rem3A_599 = arith.remsi %squeeze3A_581, %jit3A_582 : i32
    %ne3A_600 = arith.constant 0 : i32
    %ne3A_601 = arith.cmpi ne, %rem3A_599, %ne3A_600 : i32
    %and3A_602 = arith.andi %ne3A_598, %ne3A_601 : i1
    %sub3A_603 = arith.constant 1 : i32
    %sub3A_604 = arith.subi %div3A_583, %sub3A_603 : i32
    %select_n3A_605 = arith.select %and3A_602, %sub3A_604, %div3A_583 : i32
    %mul3A_606 = arith.constant 128 : i32
    %mul3A_607 = arith.muli %select_n3A_605, %mul3A_606 : i32
    %multiple_of3A_608 = tpu.assume_multiple %mul3A_607, 128 : i32
    %dma_start3A_609 = arith.constant 14 : i32
    %dma_start3A_610 = arith.constant 0 : i32
    %dma_start3A_611 = arith.constant 0 : i32
    %dma_start3A_612 = tpu.memref_slice %arg6[%dma_start3A_609, %dma_start3A_610, %dma_start3A_611] : memref<16x32x128xf32, #tpu.memory_space<vmem>> -> memref<1x32x128xf32, #tpu.memory_space<vmem>>
    %dma_start3A_613 = tpu.memref_squeeze %dma_start3A_612 : memref<1x32x128xf32, #tpu.memory_space<vmem>> -> memref<32x128xf32, #tpu.memory_space<vmem>>
    %dma_start3A_614 = arith.constant 0 : i32
    %dma_start3A_615 = tpu.memref_slice %arg2[%dma_start3A_614, %multiple_of3A_608] : memref<32x1000001xf32, #tpu.memory_space<hbm>> -> memref<32x128xf32, #tpu.memory_space<hbm>>
    %dma_start3A_616 = arith.constant 0 : i32
    %dma_start3A_617 = arith.constant 0 : i32
    %dma_start3A_618 = tpu.memref_slice %arg6[%dma_start3A_609, %dma_start3A_616, %dma_start3A_617] : memref<16x32x128xf32, #tpu.memory_space<vmem>> -> memref<1x32x128xf32, #tpu.memory_space<vmem>>
    %dma_start3A_619 = tpu.memref_squeeze %dma_start3A_618 : memref<1x32x128xf32, #tpu.memory_space<vmem>> -> memref<32x128xf32, #tpu.memory_space<vmem>>
    %dma_start3A_620 = arith.constant 0 : i32
    %dma_start3A_621 = tpu.memref_slice %arg2[%dma_start3A_620, %multiple_of3A_608] : memref<32x1000001xf32, #tpu.memory_space<hbm>> -> memref<32x128xf32, #tpu.memory_space<hbm>>
    tpu.enqueue_dma source(%dma_start3A_621 : memref<32x128xf32, #tpu.memory_space<hbm>>) target(%dma_start3A_619 : memref<32x128xf32, #tpu.memory_space<vmem>>) target_semaphore(%arg22 : memref<!tpu.dma_semaphore, #tpu.memory_space<semaphore_mem>>)
    %slice3A_622 = vector.extract_strided_slice %get3A_3 {offsets = [15], sizes = [1], strides = [1]} : vector<16xi32> to vector<1xi32>
    %squeeze3A_623 = vector.extract %slice3A_622[0] : i32 from vector<1xi32>
    %jit3A_624 = arith.constant 128 : i32
    %div3A_625 = arith.divsi %squeeze3A_623, %jit3A_624 : i32
    %sign3A_626 = arith.constant 0 : i32
    %sign3A_627 = arith.cmpi sgt, %squeeze3A_623, %sign3A_626 : i32
    %sign3A_628 = arith.extui %sign3A_627 : i1 to i32
    %sign3A_629 = arith.constant 0 : i32
    %sign3A_630 = arith.cmpi slt, %squeeze3A_623, %sign3A_629 : i32
    %sign3A_631 = arith.extui %sign3A_630 : i1 to i32
    %sign3A_632 = arith.subi %sign3A_628, %sign3A_631 : i32
    %sign3A_633 = arith.constant 0 : i32
    %sign3A_634 = arith.cmpi sgt, %jit3A_624, %sign3A_633 : i32
    %sign3A_635 = arith.extui %sign3A_634 : i1 to i32
    %sign3A_636 = arith.constant 0 : i32
    %sign3A_637 = arith.cmpi slt, %jit3A_624, %sign3A_636 : i32
    %sign3A_638 = arith.extui %sign3A_637 : i1 to i32
    %sign3A_639 = arith.subi %sign3A_635, %sign3A_638 : i32
    %ne3A_640 = arith.cmpi ne, %sign3A_632, %sign3A_639 : i32
    %rem3A_641 = arith.remsi %squeeze3A_623, %jit3A_624 : i32
    %ne3A_642 = arith.constant 0 : i32
    %ne3A_643 = arith.cmpi ne, %rem3A_641, %ne3A_642 : i32
    %and3A_644 = arith.andi %ne3A_640, %ne3A_643 : i1
    %sub3A_645 = arith.constant 1 : i32
    %sub3A_646 = arith.subi %div3A_625, %sub3A_645 : i32
    %select_n3A_647 = arith.select %and3A_644, %sub3A_646, %div3A_625 : i32
    %mul3A_648 = arith.constant 128 : i32
    %mul3A_649 = arith.muli %select_n3A_647, %mul3A_648 : i32
    %multiple_of3A_650 = tpu.assume_multiple %mul3A_649, 128 : i32
    %dma_start3A_651 = arith.constant 15 : i32
    %dma_start3A_652 = arith.constant 0 : i32
    %dma_start3A_653 = arith.constant 0 : i32
    %dma_start3A_654 = tpu.memref_slice %arg6[%dma_start3A_651, %dma_start3A_652, %dma_start3A_653] : memref<16x32x128xf32, #tpu.memory_space<vmem>> -> memref<1x32x128xf32, #tpu.memory_space<vmem>>
    %dma_start3A_655 = tpu.memref_squeeze %dma_start3A_654 : memref<1x32x128xf32, #tpu.memory_space<vmem>> -> memref<32x128xf32, #tpu.memory_space<vmem>>
    %dma_start3A_656 = arith.constant 0 : i32
    %dma_start3A_657 = tpu.memref_slice %arg2[%dma_start3A_656, %multiple_of3A_650] : memref<32x1000001xf32, #tpu.memory_space<hbm>> -> memref<32x128xf32, #tpu.memory_space<hbm>>
    %dma_start3A_658 = arith.constant 0 : i32
    %dma_start3A_659 = arith.constant 0 : i32
    %dma_start3A_660 = tpu.memref_slice %arg6[%dma_start3A_651, %dma_start3A_658, %dma_start3A_659] : memref<16x32x128xf32, #tpu.memory_space<vmem>> -> memref<1x32x128xf32, #tpu.memory_space<vmem>>
    %dma_start3A_661 = tpu.memref_squeeze %dma_start3A_660 : memref<1x32x128xf32, #tpu.memory_space<vmem>> -> memref<32x128xf32, #tpu.memory_space<vmem>>
    %dma_start3A_662 = arith.constant 0 : i32
    %dma_start3A_663 = tpu.memref_slice %arg2[%dma_start3A_662, %multiple_of3A_650] : memref<32x1000001xf32, #tpu.memory_space<hbm>> -> memref<32x128xf32, #tpu.memory_space<hbm>>
    tpu.enqueue_dma source(%dma_start3A_663 : memref<32x128xf32, #tpu.memory_space<hbm>>) target(%dma_start3A_661 : memref<32x128xf32, #tpu.memory_space<vmem>>) target_semaphore(%arg23 : memref<!tpu.dma_semaphore, #tpu.memory_space<semaphore_mem>>)
    %scan3A = arith.constant 1 : i32
    %scan3A_664 = arith.constant 31 : i32
    %scan3A_665 = arith.addi %scan3A, %scan3A_664 : i32
    %scan3A_666 = arith.constant 1 : i32
    %scan3A_667 = scf.for %scan3A_1390 = %scan3A to %scan3A_665 step %scan3A_666 iter_args(%scan3A_1391 = %get3A_3) -> (vector<16xi32>)  : i32 {
      %mul3A_1392 = arith.constant 16 : i32
      %mul3A_1393 = arith.muli %scan3A_1390, %mul3A_1392 : i32
      %get3A_1394 = arith.index_cast %mul3A_1393 : i32 to index
      %get3A_1395 = tpu.vector_load %arg5[%get3A_1394] {strides = array<i32>} : memref<512xi32, #tpu.memory_space<vmem>>, vector<16xi32>,
      %jit3A_1396 = arith.constant 128 : i32
      %eq3A_1397 = arith.constant 0 : i32
      %eq3A_1398 = arith.cmpi eq, %jit3A_1396, %eq3A_1397 : i32
      %jit3A_1399 = arith.constant 1 : i32
      %select_n3A_1400 = arith.select %eq3A_1398, %jit3A_1399, %jit3A_1396 : i32
      %rem3A_1401 = vector.broadcast %select_n3A_1400 : i32 to vector<16xi32>
      %rem3A_1402 = arith.remsi %scan3A_1391, %rem3A_1401 : vector<16xi32>
      %ne3A_1403 = arith.constant 0 : i32
      %ne3A_1404 = vector.broadcast %ne3A_1403 : i32 to vector<16xi32>
      %ne3A_1405 = arith.cmpi ne, %rem3A_1402, %ne3A_1404 : vector<16xi32>
      %lt3A_1406 = arith.constant 0 : i32
      %lt3A_1407 = vector.broadcast %lt3A_1406 : i32 to vector<16xi32>
      %lt3A_1408 = arith.cmpi slt, %rem3A_1402, %lt3A_1407 : vector<16xi32>
      %lt3A_1409 = arith.constant 0 : i32
      %lt3A_1410 = arith.cmpi slt, %select_n3A_1400, %lt3A_1409 : i32
      %ne3A_1411 = vector.broadcast %lt3A_1410 : i1 to vector<16xi1>
      %ne3A_1412 = vector.broadcast %ne3A_1411 : vector<16xi1> to vector<16xi1>
      %ne3A_1413 = arith.xori %lt3A_1408, %ne3A_1412 : vector<16xi1>
      %and3A_1414 = arith.andi %ne3A_1413, %ne3A_1405 : vector<16xi1>
      %add3A_1415 = vector.broadcast %select_n3A_1400 : i32 to vector<16xi32>
      %add3A_1416 = arith.addi %rem3A_1402, %add3A_1415 : vector<16xi32>
      %select_n3A_1417 = arith.select %and3A_1414, %add3A_1416, %rem3A_1402 : vector<16xi1>, vector<16xi32>
      %slice3A_1418 = vector.extract_strided_slice %select_n3A_1417 {offsets = [0], sizes = [1], strides = [1]} : vector<16xi32> to vector<1xi32>
      %squeeze3A_1419 = vector.extract %slice3A_1418[0] : i32 from vector<1xi32>
      %sub3A_1420 = arith.constant 1 : i32
      %sub3A_1421 = arith.subi %scan3A_1390, %sub3A_1420 : i32
      %mul3A_1422 = arith.constant 16 : i32
      %mul3A_1423 = arith.muli %sub3A_1421, %mul3A_1422 : i32
      %add3A_1424 = arith.constant 0 : i32
      %add3A_1425 = arith.addi %mul3A_1423, %add3A_1424 : i32
      %dma_wait3A_1426 = arith.constant 0 : i32
      %dma_wait3A_1427 = arith.constant 0 : i32
      %dma_wait3A_1428 = arith.constant 0 : i32
      %dma_wait3A_1429 = tpu.memref_slice %arg6[%dma_wait3A_1426, %dma_wait3A_1427, %dma_wait3A_1428] : memref<16x32x128xf32, #tpu.memory_space<vmem>> -> memref<1x32x128xf32, #tpu.memory_space<vmem>>
      %dma_wait3A_1430 = tpu.memref_squeeze %dma_wait3A_1429 : memref<1x32x128xf32, #tpu.memory_space<vmem>> -> memref<32x128xf32, #tpu.memory_space<vmem>>
      %dma_wait3A_1431 = arith.constant 0 : i32
      %dma_wait3A_1432 = arith.constant 0 : i32
      %dma_wait3A_1433 = tpu.memref_slice %arg2[%dma_wait3A_1431, %dma_wait3A_1432] : memref<32x1000001xf32, #tpu.memory_space<hbm>> -> memref<32x128xf32, #tpu.memory_space<hbm>>
      %dma_wait3A_1434 = arith.constant 0 : i32
      %dma_wait3A_1435 = arith.constant 0 : i32
      %dma_wait3A_1436 = tpu.memref_slice %arg6[%dma_wait3A_1426, %dma_wait3A_1434, %dma_wait3A_1435] : memref<16x32x128xf32, #tpu.memory_space<vmem>> -> memref<1x32x128xf32, #tpu.memory_space<vmem>>
      %dma_wait3A_1437 = tpu.memref_squeeze %dma_wait3A_1436 : memref<1x32x128xf32, #tpu.memory_space<vmem>> -> memref<32x128xf32, #tpu.memory_space<vmem>>
      %dma_wait3A_1438 = arith.constant 0 : i32
      %dma_wait3A_1439 = arith.constant 0 : i32
      %dma_wait3A_1440 = tpu.memref_slice %arg2[%dma_wait3A_1438, %dma_wait3A_1439] : memref<32x1000001xf32, #tpu.memory_space<hbm>> -> memref<32x128xf32, #tpu.memory_space<hbm>>
      tpu.wait_dma2 semaphore(%arg8 : memref<!tpu.dma_semaphore, #tpu.memory_space<semaphore_mem>>) src(%dma_wait3A_1440 : memref<32x128xf32, #tpu.memory_space<hbm>>) dst(%dma_wait3A_1437 : memref<32x128xf32, #tpu.memory_space<vmem>>)
      %broadcast_in_dim3A_1441 = vector.broadcast %squeeze3A_1419 : i32 to vector<16xi32>
      %broadcast_in_dim3A_1442 = vector.broadcast %add3A_1425 : i32 to vector<16xi32>
      %add3A_1443 = arith.constant 0 : i32
      %add3A_1444 = vector.broadcast %add3A_1443 : i32 to vector<16xi32>
      %add3A_1445 = arith.addi %iota3A, %add3A_1444 : vector<16xi32>
      %gather3A_1446 = arith.constant 0 : i32
      %gather3A_1447 = arith.constant 0 : i32
      %gather3A_1448 = arith.constant 0 : i32
      %gather3A_1449 = tpu.memref_slice %arg6[%gather3A_1446, %gather3A_1447, %gather3A_1448] : memref<16x32x128xf32, #tpu.memory_space<vmem>> -> memref<1x32x128xf32, #tpu.memory_space<vmem>>
      %gather3A_1450 = tpu.memref_squeeze %gather3A_1449 : memref<1x32x128xf32, #tpu.memory_space<vmem>> -> memref<32x128xf32, #tpu.memory_space<vmem>>
      %gather3A_1451 = tpu.vector_load_idx %gather3A_1450[%add3A_1445, %broadcast_in_dim3A_1441] : memref<32x128xf32, #tpu.memory_space<vmem>>[vector<16xi32>, vector<16xi32>], vector<16xf32>,
      %add3A_1452 = arith.constant 0 : i32
      %add3A_1453 = vector.broadcast %add3A_1452 : i32 to vector<16xi32>
      %add3A_1454 = arith.addi %iota3A, %add3A_1453 : vector<16xi32>
      tpu.vector_store_idx %arg7[%add3A_1454, %broadcast_in_dim3A_1442], %gather3A_1451 : memref<32x512xf32, #tpu.memory_space<vmem>>[vector<16xi32>, vector<16xi32>], vector<16xf32>,
      %add3A_1455 = arith.constant 16 : i32
      %add3A_1456 = vector.broadcast %add3A_1455 : i32 to vector<16xi32>
      %add3A_1457 = arith.addi %iota3A, %add3A_1456 : vector<16xi32>
      %gather3A_1458 = arith.constant 0 : i32
      %gather3A_1459 = arith.constant 0 : i32
      %gather3A_1460 = arith.constant 0 : i32
      %gather3A_1461 = tpu.memref_slice %arg6[%gather3A_1458, %gather3A_1459, %gather3A_1460] : memref<16x32x128xf32, #tpu.memory_space<vmem>> -> memref<1x32x128xf32, #tpu.memory_space<vmem>>
      %gather3A_1462 = tpu.memref_squeeze %gather3A_1461 : memref<1x32x128xf32, #tpu.memory_space<vmem>> -> memref<32x128xf32, #tpu.memory_space<vmem>>
      %gather3A_1463 = tpu.vector_load_idx %gather3A_1462[%add3A_1457, %broadcast_in_dim3A_1441] : memref<32x128xf32, #tpu.memory_space<vmem>>[vector<16xi32>, vector<16xi32>], vector<16xf32>,
      %add3A_1464 = arith.constant 16 : i32
      %add3A_1465 = vector.broadcast %add3A_1464 : i32 to vector<16xi32>
      %add3A_1466 = arith.addi %iota3A, %add3A_1465 : vector<16xi32>
      tpu.vector_store_idx %arg7[%add3A_1466, %broadcast_in_dim3A_1442], %gather3A_1463 : memref<32x512xf32, #tpu.memory_space<vmem>>[vector<16xi32>, vector<16xi32>], vector<16xf32>,
      %slice3A_1467 = vector.extract_strided_slice %get3A_1395 {offsets = [0], sizes = [1], strides = [1]} : vector<16xi32> to vector<1xi32>
      %squeeze3A_1468 = vector.extract %slice3A_1467[0] : i32 from vector<1xi32>
      %jit3A_1469 = arith.constant 128 : i32
      %div3A_1470 = arith.divsi %squeeze3A_1468, %jit3A_1469 : i32
      %sign3A_1471 = arith.constant 0 : i32
      %sign3A_1472 = arith.cmpi sgt, %squeeze3A_1468, %sign3A_1471 : i32
      %sign3A_1473 = arith.extui %sign3A_1472 : i1 to i32
      %sign3A_1474 = arith.constant 0 : i32
      %sign3A_1475 = arith.cmpi slt, %squeeze3A_1468, %sign3A_1474 : i32
      %sign3A_1476 = arith.extui %sign3A_1475 : i1 to i32
      %sign3A_1477 = arith.subi %sign3A_1473, %sign3A_1476 : i32
      %sign3A_1478 = arith.constant 0 : i32
      %sign3A_1479 = arith.cmpi sgt, %jit3A_1469, %sign3A_1478 : i32
      %sign3A_1480 = arith.extui %sign3A_1479 : i1 to i32
      %sign3A_1481 = arith.constant 0 : i32
      %sign3A_1482 = arith.cmpi slt, %jit3A_1469, %sign3A_1481 : i32
      %sign3A_1483 = arith.extui %sign3A_1482 : i1 to i32
      %sign3A_1484 = arith.subi %sign3A_1480, %sign3A_1483 : i32
      %ne3A_1485 = arith.cmpi ne, %sign3A_1477, %sign3A_1484 : i32
      %rem3A_1486 = arith.remsi %squeeze3A_1468, %jit3A_1469 : i32
      %ne3A_1487 = arith.constant 0 : i32
      %ne3A_1488 = arith.cmpi ne, %rem3A_1486, %ne3A_1487 : i32
      %and3A_1489 = arith.andi %ne3A_1485, %ne3A_1488 : i1
      %sub3A_1490 = arith.constant 1 : i32
      %sub3A_1491 = arith.subi %div3A_1470, %sub3A_1490 : i32
      %select_n3A_1492 = arith.select %and3A_1489, %sub3A_1491, %div3A_1470 : i32
      %mul3A_1493 = arith.constant 128 : i32
      %mul3A_1494 = arith.muli %select_n3A_1492, %mul3A_1493 : i32
      %multiple_of3A_1495 = tpu.assume_multiple %mul3A_1494, 128 : i32
      %dma_start3A_1496 = arith.constant 0 : i32
      %dma_start3A_1497 = arith.constant 0 : i32
      %dma_start3A_1498 = arith.constant 0 : i32
      %dma_start3A_1499 = tpu.memref_slice %arg6[%dma_start3A_1496, %dma_start3A_1497, %dma_start3A_1498] : memref<16x32x128xf32, #tpu.memory_space<vmem>> -> memref<1x32x128xf32, #tpu.memory_space<vmem>>
      %dma_start3A_1500 = tpu.memref_squeeze %dma_start3A_1499 : memref<1x32x128xf32, #tpu.memory_space<vmem>> -> memref<32x128xf32, #tpu.memory_space<vmem>>
      %dma_start3A_1501 = arith.constant 0 : i32
      %dma_start3A_1502 = tpu.memref_slice %arg2[%dma_start3A_1501, %multiple_of3A_1495] : memref<32x1000001xf32, #tpu.memory_space<hbm>> -> memref<32x128xf32, #tpu.memory_space<hbm>>
      %dma_start3A_1503 = arith.constant 0 : i32
      %dma_start3A_1504 = arith.constant 0 : i32
      %dma_start3A_1505 = tpu.memref_slice %arg6[%dma_start3A_1496, %dma_start3A_1503, %dma_start3A_1504] : memref<16x32x128xf32, #tpu.memory_space<vmem>> -> memref<1x32x128xf32, #tpu.memory_space<vmem>>
      %dma_start3A_1506 = tpu.memref_squeeze %dma_start3A_1505 : memref<1x32x128xf32, #tpu.memory_space<vmem>> -> memref<32x128xf32, #tpu.memory_space<vmem>>
      %dma_start3A_1507 = arith.constant 0 : i32
      %dma_start3A_1508 = tpu.memref_slice %arg2[%dma_start3A_1507, %multiple_of3A_1495] : memref<32x1000001xf32, #tpu.memory_space<hbm>> -> memref<32x128xf32, #tpu.memory_space<hbm>>
      tpu.enqueue_dma source(%dma_start3A_1508 : memref<32x128xf32, #tpu.memory_space<hbm>>) target(%dma_start3A_1506 : memref<32x128xf32, #tpu.memory_space<vmem>>) target_semaphore(%arg8 : memref<!tpu.dma_semaphore, #tpu.memory_space<semaphore_mem>>)
      %slice3A_1509 = vector.extract_strided_slice %select_n3A_1417 {offsets = [1], sizes = [1], strides = [1]} : vector<16xi32> to vector<1xi32>
      %squeeze3A_1510 = vector.extract %slice3A_1509[0] : i32 from vector<1xi32>
      %sub3A_1511 = arith.constant 1 : i32
      %sub3A_1512 = arith.subi %scan3A_1390, %sub3A_1511 : i32
      %mul3A_1513 = arith.constant 16 : i32
      %mul3A_1514 = arith.muli %sub3A_1512, %mul3A_1513 : i32
      %add3A_1515 = arith.constant 1 : i32
      %add3A_1516 = arith.addi %mul3A_1514, %add3A_1515 : i32
      %dma_wait3A_1517 = arith.constant 1 : i32
      %dma_wait3A_1518 = arith.constant 0 : i32
      %dma_wait3A_1519 = arith.constant 0 : i32
      %dma_wait3A_1520 = tpu.memref_slice %arg6[%dma_wait3A_1517, %dma_wait3A_1518, %dma_wait3A_1519] : memref<16x32x128xf32, #tpu.memory_space<vmem>> -> memref<1x32x128xf32, #tpu.memory_space<vmem>>
      %dma_wait3A_1521 = tpu.memref_squeeze %dma_wait3A_1520 : memref<1x32x128xf32, #tpu.memory_space<vmem>> -> memref<32x128xf32, #tpu.memory_space<vmem>>
      %dma_wait3A_1522 = arith.constant 0 : i32
      %dma_wait3A_1523 = arith.constant 0 : i32
      %dma_wait3A_1524 = tpu.memref_slice %arg2[%dma_wait3A_1522, %dma_wait3A_1523] : memref<32x1000001xf32, #tpu.memory_space<hbm>> -> memref<32x128xf32, #tpu.memory_space<hbm>>
      %dma_wait3A_1525 = arith.constant 0 : i32
      %dma_wait3A_1526 = arith.constant 0 : i32
      %dma_wait3A_1527 = tpu.memref_slice %arg6[%dma_wait3A_1517, %dma_wait3A_1525, %dma_wait3A_1526] : memref<16x32x128xf32, #tpu.memory_space<vmem>> -> memref<1x32x128xf32, #tpu.memory_space<vmem>>
      %dma_wait3A_1528 = tpu.memref_squeeze %dma_wait3A_1527 : memref<1x32x128xf32, #tpu.memory_space<vmem>> -> memref<32x128xf32, #tpu.memory_space<vmem>>
      %dma_wait3A_1529 = arith.constant 0 : i32
      %dma_wait3A_1530 = arith.constant 0 : i32
      %dma_wait3A_1531 = tpu.memref_slice %arg2[%dma_wait3A_1529, %dma_wait3A_1530] : memref<32x1000001xf32, #tpu.memory_space<hbm>> -> memref<32x128xf32, #tpu.memory_space<hbm>>
      tpu.wait_dma2 semaphore(%arg9 : memref<!tpu.dma_semaphore, #tpu.memory_space<semaphore_mem>>) src(%dma_wait3A_1531 : memref<32x128xf32, #tpu.memory_space<hbm>>) dst(%dma_wait3A_1528 : memref<32x128xf32, #tpu.memory_space<vmem>>)
      %broadcast_in_dim3A_1532 = vector.broadcast %squeeze3A_1510 : i32 to vector<16xi32>
      %broadcast_in_dim3A_1533 = vector.broadcast %add3A_1516 : i32 to vector<16xi32>
      %add3A_1534 = arith.constant 0 : i32
      %add3A_1535 = vector.broadcast %add3A_1534 : i32 to vector<16xi32>
      %add3A_1536 = arith.addi %iota3A, %add3A_1535 : vector<16xi32>
      %gather3A_1537 = arith.constant 1 : i32
      %gather3A_1538 = arith.constant 0 : i32
      %gather3A_1539 = arith.constant 0 : i32
      %gather3A_1540 = tpu.memref_slice %arg6[%gather3A_1537, %gather3A_1538, %gather3A_1539] : memref<16x32x128xf32, #tpu.memory_space<vmem>> -> memref<1x32x128xf32, #tpu.memory_space<vmem>>
      %gather3A_1541 = tpu.memref_squeeze %gather3A_1540 : memref<1x32x128xf32, #tpu.memory_space<vmem>> -> memref<32x128xf32, #tpu.memory_space<vmem>>
      %gather3A_1542 = tpu.vector_load_idx %gather3A_1541[%add3A_1536, %broadcast_in_dim3A_1532] : memref<32x128xf32, #tpu.memory_space<vmem>>[vector<16xi32>, vector<16xi32>], vector<16xf32>,
      %add3A_1543 = arith.constant 0 : i32
      %add3A_1544 = vector.broadcast %add3A_1543 : i32 to vector<16xi32>
      %add3A_1545 = arith.addi %iota3A, %add3A_1544 : vector<16xi32>
      tpu.vector_store_idx %arg7[%add3A_1545, %broadcast_in_dim3A_1533], %gather3A_1542 : memref<32x512xf32, #tpu.memory_space<vmem>>[vector<16xi32>, vector<16xi32>], vector<16xf32>,
      %add3A_1546 = arith.constant 16 : i32
      %add3A_1547 = vector.broadcast %add3A_1546 : i32 to vector<16xi32>
      %add3A_1548 = arith.addi %iota3A, %add3A_1547 : vector<16xi32>
      %gather3A_1549 = arith.constant 1 : i32
      %gather3A_1550 = arith.constant 0 : i32
      %gather3A_1551 = arith.constant 0 : i32
      %gather3A_1552 = tpu.memref_slice %arg6[%gather3A_1549, %gather3A_1550, %gather3A_1551] : memref<16x32x128xf32, #tpu.memory_space<vmem>> -> memref<1x32x128xf32, #tpu.memory_space<vmem>>
      %gather3A_1553 = tpu.memref_squeeze %gather3A_1552 : memref<1x32x128xf32, #tpu.memory_space<vmem>> -> memref<32x128xf32, #tpu.memory_space<vmem>>
      %gather3A_1554 = tpu.vector_load_idx %gather3A_1553[%add3A_1548, %broadcast_in_dim3A_1532] : memref<32x128xf32, #tpu.memory_space<vmem>>[vector<16xi32>, vector<16xi32>], vector<16xf32>,
      %add3A_1555 = arith.constant 16 : i32
      %add3A_1556 = vector.broadcast %add3A_1555 : i32 to vector<16xi32>
      %add3A_1557 = arith.addi %iota3A, %add3A_1556 : vector<16xi32>
      tpu.vector_store_idx %arg7[%add3A_1557, %broadcast_in_dim3A_1533], %gather3A_1554 : memref<32x512xf32, #tpu.memory_space<vmem>>[vector<16xi32>, vector<16xi32>], vector<16xf32>,
      %slice3A_1558 = vector.extract_strided_slice %get3A_1395 {offsets = [1], sizes = [1], strides = [1]} : vector<16xi32> to vector<1xi32>
      %squeeze3A_1559 = vector.extract %slice3A_1558[0] : i32 from vector<1xi32>
      %jit3A_1560 = arith.constant 128 : i32
      %div3A_1561 = arith.divsi %squeeze3A_1559, %jit3A_1560 : i32
      %sign3A_1562 = arith.constant 0 : i32
      %sign3A_1563 = arith.cmpi sgt, %squeeze3A_1559, %sign3A_1562 : i32
      %sign3A_1564 = arith.extui %sign3A_1563 : i1 to i32
      %sign3A_1565 = arith.constant 0 : i32
      %sign3A_1566 = arith.cmpi slt, %squeeze3A_1559, %sign3A_1565 : i32
      %sign3A_1567 = arith.extui %sign3A_1566 : i1 to i32
      %sign3A_1568 = arith.subi %sign3A_1564, %sign3A_1567 : i32
      %sign3A_1569 = arith.constant 0 : i32
      %sign3A_1570 = arith.cmpi sgt, %jit3A_1560, %sign3A_1569 : i32
      %sign3A_1571 = arith.extui %sign3A_1570 : i1 to i32
      %sign3A_1572 = arith.constant 0 : i32
      %sign3A_1573 = arith.cmpi slt, %jit3A_1560, %sign3A_1572 : i32
      %sign3A_1574 = arith.extui %sign3A_1573 : i1 to i32
      %sign3A_1575 = arith.subi %sign3A_1571, %sign3A_1574 : i32
      %ne3A_1576 = arith.cmpi ne, %sign3A_1568, %sign3A_1575 : i32
      %rem3A_1577 = arith.remsi %squeeze3A_1559, %jit3A_1560 : i32
      %ne3A_1578 = arith.constant 0 : i32
      %ne3A_1579 = arith.cmpi ne, %rem3A_1577, %ne3A_1578 : i32
      %and3A_1580 = arith.andi %ne3A_1576, %ne3A_1579 : i1
      %sub3A_1581 = arith.constant 1 : i32
      %sub3A_1582 = arith.subi %div3A_1561, %sub3A_1581 : i32
      %select_n3A_1583 = arith.select %and3A_1580, %sub3A_1582, %div3A_1561 : i32
      %mul3A_1584 = arith.constant 128 : i32
      %mul3A_1585 = arith.muli %select_n3A_1583, %mul3A_1584 : i32
      %multiple_of3A_1586 = tpu.assume_multiple %mul3A_1585, 128 : i32
      %dma_start3A_1587 = arith.constant 1 : i32
      %dma_start3A_1588 = arith.constant 0 : i32
      %dma_start3A_1589 = arith.constant 0 : i32
      %dma_start3A_1590 = tpu.memref_slice %arg6[%dma_start3A_1587, %dma_start3A_1588, %dma_start3A_1589] : memref<16x32x128xf32, #tpu.memory_space<vmem>> -> memref<1x32x128xf32, #tpu.memory_space<vmem>>
      %dma_start3A_1591 = tpu.memref_squeeze %dma_start3A_1590 : memref<1x32x128xf32, #tpu.memory_space<vmem>> -> memref<32x128xf32, #tpu.memory_space<vmem>>
      %dma_start3A_1592 = arith.constant 0 : i32
      %dma_start3A_1593 = tpu.memref_slice %arg2[%dma_start3A_1592, %multiple_of3A_1586] : memref<32x1000001xf32, #tpu.memory_space<hbm>> -> memref<32x128xf32, #tpu.memory_space<hbm>>
      %dma_start3A_1594 = arith.constant 0 : i32
      %dma_start3A_1595 = arith.constant 0 : i32
      %dma_start3A_1596 = tpu.memref_slice %arg6[%dma_start3A_1587, %dma_start3A_1594, %dma_start3A_1595] : memref<16x32x128xf32, #tpu.memory_space<vmem>> -> memref<1x32x128xf32, #tpu.memory_space<vmem>>
      %dma_start3A_1597 = tpu.memref_squeeze %dma_start3A_1596 : memref<1x32x128xf32, #tpu.memory_space<vmem>> -> memref<32x128xf32, #tpu.memory_space<vmem>>
      %dma_start3A_1598 = arith.constant 0 : i32
      %dma_start3A_1599 = tpu.memref_slice %arg2[%dma_start3A_1598, %multiple_of3A_1586] : memref<32x1000001xf32, #tpu.memory_space<hbm>> -> memref<32x128xf32, #tpu.memory_space<hbm>>
      tpu.enqueue_dma source(%dma_start3A_1599 : memref<32x128xf32, #tpu.memory_space<hbm>>) target(%dma_start3A_1597 : memref<32x128xf32, #tpu.memory_space<vmem>>) target_semaphore(%arg9 : memref<!tpu.dma_semaphore, #tpu.memory_space<semaphore_mem>>)
      %slice3A_1600 = vector.extract_strided_slice %select_n3A_1417 {offsets = [2], sizes = [1], strides = [1]} : vector<16xi32> to vector<1xi32>
      %squeeze3A_1601 = vector.extract %slice3A_1600[0] : i32 from vector<1xi32>
      %sub3A_1602 = arith.constant 1 : i32
      %sub3A_1603 = arith.subi %scan3A_1390, %sub3A_1602 : i32
      %mul3A_1604 = arith.constant 16 : i32
      %mul3A_1605 = arith.muli %sub3A_1603, %mul3A_1604 : i32
      %add3A_1606 = arith.constant 2 : i32
      %add3A_1607 = arith.addi %mul3A_1605, %add3A_1606 : i32
      %dma_wait3A_1608 = arith.constant 2 : i32
      %dma_wait3A_1609 = arith.constant 0 : i32
      %dma_wait3A_1610 = arith.constant 0 : i32
      %dma_wait3A_1611 = tpu.memref_slice %arg6[%dma_wait3A_1608, %dma_wait3A_1609, %dma_wait3A_1610] : memref<16x32x128xf32, #tpu.memory_space<vmem>> -> memref<1x32x128xf32, #tpu.memory_space<vmem>>
      %dma_wait3A_1612 = tpu.memref_squeeze %dma_wait3A_1611 : memref<1x32x128xf32, #tpu.memory_space<vmem>> -> memref<32x128xf32, #tpu.memory_space<vmem>>
      %dma_wait3A_1613 = arith.constant 0 : i32
      %dma_wait3A_1614 = arith.constant 0 : i32
      %dma_wait3A_1615 = tpu.memref_slice %arg2[%dma_wait3A_1613, %dma_wait3A_1614] : memref<32x1000001xf32, #tpu.memory_space<hbm>> -> memref<32x128xf32, #tpu.memory_space<hbm>>
      %dma_wait3A_1616 = arith.constant 0 : i32
      %dma_wait3A_1617 = arith.constant 0 : i32
      %dma_wait3A_1618 = tpu.memref_slice %arg6[%dma_wait3A_1608, %dma_wait3A_1616, %dma_wait3A_1617] : memref<16x32x128xf32, #tpu.memory_space<vmem>> -> memref<1x32x128xf32, #tpu.memory_space<vmem>>
      %dma_wait3A_1619 = tpu.memref_squeeze %dma_wait3A_1618 : memref<1x32x128xf32, #tpu.memory_space<vmem>> -> memref<32x128xf32, #tpu.memory_space<vmem>>
      %dma_wait3A_1620 = arith.constant 0 : i32
      %dma_wait3A_1621 = arith.constant 0 : i32
      %dma_wait3A_1622 = tpu.memref_slice %arg2[%dma_wait3A_1620, %dma_wait3A_1621] : memref<32x1000001xf32, #tpu.memory_space<hbm>> -> memref<32x128xf32, #tpu.memory_space<hbm>>
      tpu.wait_dma2 semaphore(%arg10 : memref<!tpu.dma_semaphore, #tpu.memory_space<semaphore_mem>>) src(%dma_wait3A_1622 : memref<32x128xf32, #tpu.memory_space<hbm>>) dst(%dma_wait3A_1619 : memref<32x128xf32, #tpu.memory_space<vmem>>)
      %broadcast_in_dim3A_1623 = vector.broadcast %squeeze3A_1601 : i32 to vector<16xi32>
      %broadcast_in_dim3A_1624 = vector.broadcast %add3A_1607 : i32 to vector<16xi32>
      %add3A_1625 = arith.constant 0 : i32
      %add3A_1626 = vector.broadcast %add3A_1625 : i32 to vector<16xi32>
      %add3A_1627 = arith.addi %iota3A, %add3A_1626 : vector<16xi32>
      %gather3A_1628 = arith.constant 2 : i32
      %gather3A_1629 = arith.constant 0 : i32
      %gather3A_1630 = arith.constant 0 : i32
      %gather3A_1631 = tpu.memref_slice %arg6[%gather3A_1628, %gather3A_1629, %gather3A_1630] : memref<16x32x128xf32, #tpu.memory_space<vmem>> -> memref<1x32x128xf32, #tpu.memory_space<vmem>>
      %gather3A_1632 = tpu.memref_squeeze %gather3A_1631 : memref<1x32x128xf32, #tpu.memory_space<vmem>> -> memref<32x128xf32, #tpu.memory_space<vmem>>
      %gather3A_1633 = tpu.vector_load_idx %gather3A_1632[%add3A_1627, %broadcast_in_dim3A_1623] : memref<32x128xf32, #tpu.memory_space<vmem>>[vector<16xi32>, vector<16xi32>], vector<16xf32>,
      %add3A_1634 = arith.constant 0 : i32
      %add3A_1635 = vector.broadcast %add3A_1634 : i32 to vector<16xi32>
      %add3A_1636 = arith.addi %iota3A, %add3A_1635 : vector<16xi32>
      tpu.vector_store_idx %arg7[%add3A_1636, %broadcast_in_dim3A_1624], %gather3A_1633 : memref<32x512xf32, #tpu.memory_space<vmem>>[vector<16xi32>, vector<16xi32>], vector<16xf32>,
      %add3A_1637 = arith.constant 16 : i32
      %add3A_1638 = vector.broadcast %add3A_1637 : i32 to vector<16xi32>
      %add3A_1639 = arith.addi %iota3A, %add3A_1638 : vector<16xi32>
      %gather3A_1640 = arith.constant 2 : i32
      %gather3A_1641 = arith.constant 0 : i32
      %gather3A_1642 = arith.constant 0 : i32
      %gather3A_1643 = tpu.memref_slice %arg6[%gather3A_1640, %gather3A_1641, %gather3A_1642] : memref<16x32x128xf32, #tpu.memory_space<vmem>> -> memref<1x32x128xf32, #tpu.memory_space<vmem>>
      %gather3A_1644 = tpu.memref_squeeze %gather3A_1643 : memref<1x32x128xf32, #tpu.memory_space<vmem>> -> memref<32x128xf32, #tpu.memory_space<vmem>>
      %gather3A_1645 = tpu.vector_load_idx %gather3A_1644[%add3A_1639, %broadcast_in_dim3A_1623] : memref<32x128xf32, #tpu.memory_space<vmem>>[vector<16xi32>, vector<16xi32>], vector<16xf32>,
      %add3A_1646 = arith.constant 16 : i32
      %add3A_1647 = vector.broadcast %add3A_1646 : i32 to vector<16xi32>
      %add3A_1648 = arith.addi %iota3A, %add3A_1647 : vector<16xi32>
      tpu.vector_store_idx %arg7[%add3A_1648, %broadcast_in_dim3A_1624], %gather3A_1645 : memref<32x512xf32, #tpu.memory_space<vmem>>[vector<16xi32>, vector<16xi32>], vector<16xf32>,
      %slice3A_1649 = vector.extract_strided_slice %get3A_1395 {offsets = [2], sizes = [1], strides = [1]} : vector<16xi32> to vector<1xi32>
      %squeeze3A_1650 = vector.extract %slice3A_1649[0] : i32 from vector<1xi32>
      %jit3A_1651 = arith.constant 128 : i32
      %div3A_1652 = arith.divsi %squeeze3A_1650, %jit3A_1651 : i32
      %sign3A_1653 = arith.constant 0 : i32
      %sign3A_1654 = arith.cmpi sgt, %squeeze3A_1650, %sign3A_1653 : i32
      %sign3A_1655 = arith.extui %sign3A_1654 : i1 to i32
      %sign3A_1656 = arith.constant 0 : i32
      %sign3A_1657 = arith.cmpi slt, %squeeze3A_1650, %sign3A_1656 : i32
      %sign3A_1658 = arith.extui %sign3A_1657 : i1 to i32
      %sign3A_1659 = arith.subi %sign3A_1655, %sign3A_1658 : i32
      %sign3A_1660 = arith.constant 0 : i32
      %sign3A_1661 = arith.cmpi sgt, %jit3A_1651, %sign3A_1660 : i32
      %sign3A_1662 = arith.extui %sign3A_1661 : i1 to i32
      %sign3A_1663 = arith.constant 0 : i32
      %sign3A_1664 = arith.cmpi slt, %jit3A_1651, %sign3A_1663 : i32
      %sign3A_1665 = arith.extui %sign3A_1664 : i1 to i32
      %sign3A_1666 = arith.subi %sign3A_1662, %sign3A_1665 : i32
      %ne3A_1667 = arith.cmpi ne, %sign3A_1659, %sign3A_1666 : i32
      %rem3A_1668 = arith.remsi %squeeze3A_1650, %jit3A_1651 : i32
      %ne3A_1669 = arith.constant 0 : i32
      %ne3A_1670 = arith.cmpi ne, %rem3A_1668, %ne3A_1669 : i32
      %and3A_1671 = arith.andi %ne3A_1667, %ne3A_1670 : i1
      %sub3A_1672 = arith.constant 1 : i32
      %sub3A_1673 = arith.subi %div3A_1652, %sub3A_1672 : i32
      %select_n3A_1674 = arith.select %and3A_1671, %sub3A_1673, %div3A_1652 : i32
      %mul3A_1675 = arith.constant 128 : i32
      %mul3A_1676 = arith.muli %select_n3A_1674, %mul3A_1675 : i32
      %multiple_of3A_1677 = tpu.assume_multiple %mul3A_1676, 128 : i32
      %dma_start3A_1678 = arith.constant 2 : i32
      %dma_start3A_1679 = arith.constant 0 : i32
      %dma_start3A_1680 = arith.constant 0 : i32
      %dma_start3A_1681 = tpu.memref_slice %arg6[%dma_start3A_1678, %dma_start3A_1679, %dma_start3A_1680] : memref<16x32x128xf32, #tpu.memory_space<vmem>> -> memref<1x32x128xf32, #tpu.memory_space<vmem>>
      %dma_start3A_1682 = tpu.memref_squeeze %dma_start3A_1681 : memref<1x32x128xf32, #tpu.memory_space<vmem>> -> memref<32x128xf32, #tpu.memory_space<vmem>>
      %dma_start3A_1683 = arith.constant 0 : i32
      %dma_start3A_1684 = tpu.memref_slice %arg2[%dma_start3A_1683, %multiple_of3A_1677] : memref<32x1000001xf32, #tpu.memory_space<hbm>> -> memref<32x128xf32, #tpu.memory_space<hbm>>
      %dma_start3A_1685 = arith.constant 0 : i32
      %dma_start3A_1686 = arith.constant 0 : i32
      %dma_start3A_1687 = tpu.memref_slice %arg6[%dma_start3A_1678, %dma_start3A_1685, %dma_start3A_1686] : memref<16x32x128xf32, #tpu.memory_space<vmem>> -> memref<1x32x128xf32, #tpu.memory_space<vmem>>
      %dma_start3A_1688 = tpu.memref_squeeze %dma_start3A_1687 : memref<1x32x128xf32, #tpu.memory_space<vmem>> -> memref<32x128xf32, #tpu.memory_space<vmem>>
      %dma_start3A_1689 = arith.constant 0 : i32
      %dma_start3A_1690 = tpu.memref_slice %arg2[%dma_start3A_1689, %multiple_of3A_1677] : memref<32x1000001xf32, #tpu.memory_space<hbm>> -> memref<32x128xf32, #tpu.memory_space<hbm>>
      tpu.enqueue_dma source(%dma_start3A_1690 : memref<32x128xf32, #tpu.memory_space<hbm>>) target(%dma_start3A_1688 : memref<32x128xf32, #tpu.memory_space<vmem>>) target_semaphore(%arg10 : memref<!tpu.dma_semaphore, #tpu.memory_space<semaphore_mem>>)
      %slice3A_1691 = vector.extract_strided_slice %select_n3A_1417 {offsets = [3], sizes = [1], strides = [1]} : vector<16xi32> to vector<1xi32>
      %squeeze3A_1692 = vector.extract %slice3A_1691[0] : i32 from vector<1xi32>
      %sub3A_1693 = arith.constant 1 : i32
      %sub3A_1694 = arith.subi %scan3A_1390, %sub3A_1693 : i32
      %mul3A_1695 = arith.constant 16 : i32
      %mul3A_1696 = arith.muli %sub3A_1694, %mul3A_1695 : i32
      %add3A_1697 = arith.constant 3 : i32
      %add3A_1698 = arith.addi %mul3A_1696, %add3A_1697 : i32
      %dma_wait3A_1699 = arith.constant 3 : i32
      %dma_wait3A_1700 = arith.constant 0 : i32
      %dma_wait3A_1701 = arith.constant 0 : i32
      %dma_wait3A_1702 = tpu.memref_slice %arg6[%dma_wait3A_1699, %dma_wait3A_1700, %dma_wait3A_1701] : memref<16x32x128xf32, #tpu.memory_space<vmem>> -> memref<1x32x128xf32, #tpu.memory_space<vmem>>
      %dma_wait3A_1703 = tpu.memref_squeeze %dma_wait3A_1702 : memref<1x32x128xf32, #tpu.memory_space<vmem>> -> memref<32x128xf32, #tpu.memory_space<vmem>>
      %dma_wait3A_1704 = arith.constant 0 : i32
      %dma_wait3A_1705 = arith.constant 0 : i32
      %dma_wait3A_1706 = tpu.memref_slice %arg2[%dma_wait3A_1704, %dma_wait3A_1705] : memref<32x1000001xf32, #tpu.memory_space<hbm>> -> memref<32x128xf32, #tpu.memory_space<hbm>>
      %dma_wait3A_1707 = arith.constant 0 : i32
      %dma_wait3A_1708 = arith.constant 0 : i32
      %dma_wait3A_1709 = tpu.memref_slice %arg6[%dma_wait3A_1699, %dma_wait3A_1707, %dma_wait3A_1708] : memref<16x32x128xf32, #tpu.memory_space<vmem>> -> memref<1x32x128xf32, #tpu.memory_space<vmem>>
      %dma_wait3A_1710 = tpu.memref_squeeze %dma_wait3A_1709 : memref<1x32x128xf32, #tpu.memory_space<vmem>> -> memref<32x128xf32, #tpu.memory_space<vmem>>
      %dma_wait3A_1711 = arith.constant 0 : i32
      %dma_wait3A_1712 = arith.constant 0 : i32
      %dma_wait3A_1713 = tpu.memref_slice %arg2[%dma_wait3A_1711, %dma_wait3A_1712] : memref<32x1000001xf32, #tpu.memory_space<hbm>> -> memref<32x128xf32, #tpu.memory_space<hbm>>
      tpu.wait_dma2 semaphore(%arg11 : memref<!tpu.dma_semaphore, #tpu.memory_space<semaphore_mem>>) src(%dma_wait3A_1713 : memref<32x128xf32, #tpu.memory_space<hbm>>) dst(%dma_wait3A_1710 : memref<32x128xf32, #tpu.memory_space<vmem>>)
      %broadcast_in_dim3A_1714 = vector.broadcast %squeeze3A_1692 : i32 to vector<16xi32>
      %broadcast_in_dim3A_1715 = vector.broadcast %add3A_1698 : i32 to vector<16xi32>
      %add3A_1716 = arith.constant 0 : i32
      %add3A_1717 = vector.broadcast %add3A_1716 : i32 to vector<16xi32>
      %add3A_1718 = arith.addi %iota3A, %add3A_1717 : vector<16xi32>
      %gather3A_1719 = arith.constant 3 : i32
      %gather3A_1720 = arith.constant 0 : i32
      %gather3A_1721 = arith.constant 0 : i32
      %gather3A_1722 = tpu.memref_slice %arg6[%gather3A_1719, %gather3A_1720, %gather3A_1721] : memref<16x32x128xf32, #tpu.memory_space<vmem>> -> memref<1x32x128xf32, #tpu.memory_space<vmem>>
      %gather3A_1723 = tpu.memref_squeeze %gather3A_1722 : memref<1x32x128xf32, #tpu.memory_space<vmem>> -> memref<32x128xf32, #tpu.memory_space<vmem>>
      %gather3A_1724 = tpu.vector_load_idx %gather3A_1723[%add3A_1718, %broadcast_in_dim3A_1714] : memref<32x128xf32, #tpu.memory_space<vmem>>[vector<16xi32>, vector<16xi32>], vector<16xf32>,
      %add3A_1725 = arith.constant 0 : i32
      %add3A_1726 = vector.broadcast %add3A_1725 : i32 to vector<16xi32>
      %add3A_1727 = arith.addi %iota3A, %add3A_1726 : vector<16xi32>
      tpu.vector_store_idx %arg7[%add3A_1727, %broadcast_in_dim3A_1715], %gather3A_1724 : memref<32x512xf32, #tpu.memory_space<vmem>>[vector<16xi32>, vector<16xi32>], vector<16xf32>,
      %add3A_1728 = arith.constant 16 : i32
      %add3A_1729 = vector.broadcast %add3A_1728 : i32 to vector<16xi32>
      %add3A_1730 = arith.addi %iota3A, %add3A_1729 : vector<16xi32>
      %gather3A_1731 = arith.constant 3 : i32
      %gather3A_1732 = arith.constant 0 : i32
      %gather3A_1733 = arith.constant 0 : i32
      %gather3A_1734 = tpu.memref_slice %arg6[%gather3A_1731, %gather3A_1732, %gather3A_1733] : memref<16x32x128xf32, #tpu.memory_space<vmem>> -> memref<1x32x128xf32, #tpu.memory_space<vmem>>
      %gather3A_1735 = tpu.memref_squeeze %gather3A_1734 : memref<1x32x128xf32, #tpu.memory_space<vmem>> -> memref<32x128xf32, #tpu.memory_space<vmem>>
      %gather3A_1736 = tpu.vector_load_idx %gather3A_1735[%add3A_1730, %broadcast_in_dim3A_1714] : memref<32x128xf32, #tpu.memory_space<vmem>>[vector<16xi32>, vector<16xi32>], vector<16xf32>,
      %add3A_1737 = arith.constant 16 : i32
      %add3A_1738 = vector.broadcast %add3A_1737 : i32 to vector<16xi32>
      %add3A_1739 = arith.addi %iota3A, %add3A_1738 : vector<16xi32>
      tpu.vector_store_idx %arg7[%add3A_1739, %broadcast_in_dim3A_1715], %gather3A_1736 : memref<32x512xf32, #tpu.memory_space<vmem>>[vector<16xi32>, vector<16xi32>], vector<16xf32>,
      %slice3A_1740 = vector.extract_strided_slice %get3A_1395 {offsets = [3], sizes = [1], strides = [1]} : vector<16xi32> to vector<1xi32>
      %squeeze3A_1741 = vector.extract %slice3A_1740[0] : i32 from vector<1xi32>
      %jit3A_1742 = arith.constant 128 : i32
      %div3A_1743 = arith.divsi %squeeze3A_1741, %jit3A_1742 : i32
      %sign3A_1744 = arith.constant 0 : i32
      %sign3A_1745 = arith.cmpi sgt, %squeeze3A_1741, %sign3A_1744 : i32
      %sign3A_1746 = arith.extui %sign3A_1745 : i1 to i32
      %sign3A_1747 = arith.constant 0 : i32
      %sign3A_1748 = arith.cmpi slt, %squeeze3A_1741, %sign3A_1747 : i32
      %sign3A_1749 = arith.extui %sign3A_1748 : i1 to i32
      %sign3A_1750 = arith.subi %sign3A_1746, %sign3A_1749 : i32
      %sign3A_1751 = arith.constant 0 : i32
      %sign3A_1752 = arith.cmpi sgt, %jit3A_1742, %sign3A_1751 : i32
      %sign3A_1753 = arith.extui %sign3A_1752 : i1 to i32
      %sign3A_1754 = arith.constant 0 : i32
      %sign3A_1755 = arith.cmpi slt, %jit3A_1742, %sign3A_1754 : i32
      %sign3A_1756 = arith.extui %sign3A_1755 : i1 to i32
      %sign3A_1757 = arith.subi %sign3A_1753, %sign3A_1756 : i32
      %ne3A_1758 = arith.cmpi ne, %sign3A_1750, %sign3A_1757 : i32
      %rem3A_1759 = arith.remsi %squeeze3A_1741, %jit3A_1742 : i32
      %ne3A_1760 = arith.constant 0 : i32
      %ne3A_1761 = arith.cmpi ne, %rem3A_1759, %ne3A_1760 : i32
      %and3A_1762 = arith.andi %ne3A_1758, %ne3A_1761 : i1
      %sub3A_1763 = arith.constant 1 : i32
      %sub3A_1764 = arith.subi %div3A_1743, %sub3A_1763 : i32
      %select_n3A_1765 = arith.select %and3A_1762, %sub3A_1764, %div3A_1743 : i32
      %mul3A_1766 = arith.constant 128 : i32
      %mul3A_1767 = arith.muli %select_n3A_1765, %mul3A_1766 : i32
      %multiple_of3A_1768 = tpu.assume_multiple %mul3A_1767, 128 : i32
      %dma_start3A_1769 = arith.constant 3 : i32
      %dma_start3A_1770 = arith.constant 0 : i32
      %dma_start3A_1771 = arith.constant 0 : i32
      %dma_start3A_1772 = tpu.memref_slice %arg6[%dma_start3A_1769, %dma_start3A_1770, %dma_start3A_1771] : memref<16x32x128xf32, #tpu.memory_space<vmem>> -> memref<1x32x128xf32, #tpu.memory_space<vmem>>
      %dma_start3A_1773 = tpu.memref_squeeze %dma_start3A_1772 : memref<1x32x128xf32, #tpu.memory_space<vmem>> -> memref<32x128xf32, #tpu.memory_space<vmem>>
      %dma_start3A_1774 = arith.constant 0 : i32
      %dma_start3A_1775 = tpu.memref_slice %arg2[%dma_start3A_1774, %multiple_of3A_1768] : memref<32x1000001xf32, #tpu.memory_space<hbm>> -> memref<32x128xf32, #tpu.memory_space<hbm>>
      %dma_start3A_1776 = arith.constant 0 : i32
      %dma_start3A_1777 = arith.constant 0 : i32
      %dma_start3A_1778 = tpu.memref_slice %arg6[%dma_start3A_1769, %dma_start3A_1776, %dma_start3A_1777] : memref<16x32x128xf32, #tpu.memory_space<vmem>> -> memref<1x32x128xf32, #tpu.memory_space<vmem>>
      %dma_start3A_1779 = tpu.memref_squeeze %dma_start3A_1778 : memref<1x32x128xf32, #tpu.memory_space<vmem>> -> memref<32x128xf32, #tpu.memory_space<vmem>>
      %dma_start3A_1780 = arith.constant 0 : i32
      %dma_start3A_1781 = tpu.memref_slice %arg2[%dma_start3A_1780, %multiple_of3A_1768] : memref<32x1000001xf32, #tpu.memory_space<hbm>> -> memref<32x128xf32, #tpu.memory_space<hbm>>
      tpu.enqueue_dma source(%dma_start3A_1781 : memref<32x128xf32, #tpu.memory_space<hbm>>) target(%dma_start3A_1779 : memref<32x128xf32, #tpu.memory_space<vmem>>) target_semaphore(%arg11 : memref<!tpu.dma_semaphore, #tpu.memory_space<semaphore_mem>>)
      %slice3A_1782 = vector.extract_strided_slice %select_n3A_1417 {offsets = [4], sizes = [1], strides = [1]} : vector<16xi32> to vector<1xi32>
      %squeeze3A_1783 = vector.extract %slice3A_1782[0] : i32 from vector<1xi32>
      %sub3A_1784 = arith.constant 1 : i32
      %sub3A_1785 = arith.subi %scan3A_1390, %sub3A_1784 : i32
      %mul3A_1786 = arith.constant 16 : i32
      %mul3A_1787 = arith.muli %sub3A_1785, %mul3A_1786 : i32
      %add3A_1788 = arith.constant 4 : i32
      %add3A_1789 = arith.addi %mul3A_1787, %add3A_1788 : i32
      %dma_wait3A_1790 = arith.constant 4 : i32
      %dma_wait3A_1791 = arith.constant 0 : i32
      %dma_wait3A_1792 = arith.constant 0 : i32
      %dma_wait3A_1793 = tpu.memref_slice %arg6[%dma_wait3A_1790, %dma_wait3A_1791, %dma_wait3A_1792] : memref<16x32x128xf32, #tpu.memory_space<vmem>> -> memref<1x32x128xf32, #tpu.memory_space<vmem>>
      %dma_wait3A_1794 = tpu.memref_squeeze %dma_wait3A_1793 : memref<1x32x128xf32, #tpu.memory_space<vmem>> -> memref<32x128xf32, #tpu.memory_space<vmem>>
      %dma_wait3A_1795 = arith.constant 0 : i32
      %dma_wait3A_1796 = arith.constant 0 : i32
      %dma_wait3A_1797 = tpu.memref_slice %arg2[%dma_wait3A_1795, %dma_wait3A_1796] : memref<32x1000001xf32, #tpu.memory_space<hbm>> -> memref<32x128xf32, #tpu.memory_space<hbm>>
      %dma_wait3A_1798 = arith.constant 0 : i32
      %dma_wait3A_1799 = arith.constant 0 : i32
      %dma_wait3A_1800 = tpu.memref_slice %arg6[%dma_wait3A_1790, %dma_wait3A_1798, %dma_wait3A_1799] : memref<16x32x128xf32, #tpu.memory_space<vmem>> -> memref<1x32x128xf32, #tpu.memory_space<vmem>>
      %dma_wait3A_1801 = tpu.memref_squeeze %dma_wait3A_1800 : memref<1x32x128xf32, #tpu.memory_space<vmem>> -> memref<32x128xf32, #tpu.memory_space<vmem>>
      %dma_wait3A_1802 = arith.constant 0 : i32
      %dma_wait3A_1803 = arith.constant 0 : i32
      %dma_wait3A_1804 = tpu.memref_slice %arg2[%dma_wait3A_1802, %dma_wait3A_1803] : memref<32x1000001xf32, #tpu.memory_space<hbm>> -> memref<32x128xf32, #tpu.memory_space<hbm>>
      tpu.wait_dma2 semaphore(%arg12 : memref<!tpu.dma_semaphore, #tpu.memory_space<semaphore_mem>>) src(%dma_wait3A_1804 : memref<32x128xf32, #tpu.memory_space<hbm>>) dst(%dma_wait3A_1801 : memref<32x128xf32, #tpu.memory_space<vmem>>)
      %broadcast_in_dim3A_1805 = vector.broadcast %squeeze3A_1783 : i32 to vector<16xi32>
      %broadcast_in_dim3A_1806 = vector.broadcast %add3A_1789 : i32 to vector<16xi32>
      %add3A_1807 = arith.constant 0 : i32
      %add3A_1808 = vector.broadcast %add3A_1807 : i32 to vector<16xi32>
      %add3A_1809 = arith.addi %iota3A, %add3A_1808 : vector<16xi32>
      %gather3A_1810 = arith.constant 4 : i32
      %gather3A_1811 = arith.constant 0 : i32
      %gather3A_1812 = arith.constant 0 : i32
      %gather3A_1813 = tpu.memref_slice %arg6[%gather3A_1810, %gather3A_1811, %gather3A_1812] : memref<16x32x128xf32, #tpu.memory_space<vmem>> -> memref<1x32x128xf32, #tpu.memory_space<vmem>>
      %gather3A_1814 = tpu.memref_squeeze %gather3A_1813 : memref<1x32x128xf32, #tpu.memory_space<vmem>> -> memref<32x128xf32, #tpu.memory_space<vmem>>
      %gather3A_1815 = tpu.vector_load_idx %gather3A_1814[%add3A_1809, %broadcast_in_dim3A_1805] : memref<32x128xf32, #tpu.memory_space<vmem>>[vector<16xi32>, vector<16xi32>], vector<16xf32>,
      %add3A_1816 = arith.constant 0 : i32
      %add3A_1817 = vector.broadcast %add3A_1816 : i32 to vector<16xi32>
      %add3A_1818 = arith.addi %iota3A, %add3A_1817 : vector<16xi32>
      tpu.vector_store_idx %arg7[%add3A_1818, %broadcast_in_dim3A_1806], %gather3A_1815 : memref<32x512xf32, #tpu.memory_space<vmem>>[vector<16xi32>, vector<16xi32>], vector<16xf32>,
      %add3A_1819 = arith.constant 16 : i32
      %add3A_1820 = vector.broadcast %add3A_1819 : i32 to vector<16xi32>
      %add3A_1821 = arith.addi %iota3A, %add3A_1820 : vector<16xi32>
      %gather3A_1822 = arith.constant 4 : i32
      %gather3A_1823 = arith.constant 0 : i32
      %gather3A_1824 = arith.constant 0 : i32
      %gather3A_1825 = tpu.memref_slice %arg6[%gather3A_1822, %gather3A_1823, %gather3A_1824] : memref<16x32x128xf32, #tpu.memory_space<vmem>> -> memref<1x32x128xf32, #tpu.memory_space<vmem>>
      %gather3A_1826 = tpu.memref_squeeze %gather3A_1825 : memref<1x32x128xf32, #tpu.memory_space<vmem>> -> memref<32x128xf32, #tpu.memory_space<vmem>>
      %gather3A_1827 = tpu.vector_load_idx %gather3A_1826[%add3A_1821, %broadcast_in_dim3A_1805] : memref<32x128xf32, #tpu.memory_space<vmem>>[vector<16xi32>, vector<16xi32>], vector<16xf32>,
      %add3A_1828 = arith.constant 16 : i32
      %add3A_1829 = vector.broadcast %add3A_1828 : i32 to vector<16xi32>
      %add3A_1830 = arith.addi %iota3A, %add3A_1829 : vector<16xi32>
      tpu.vector_store_idx %arg7[%add3A_1830, %broadcast_in_dim3A_1806], %gather3A_1827 : memref<32x512xf32, #tpu.memory_space<vmem>>[vector<16xi32>, vector<16xi32>], vector<16xf32>,
      %slice3A_1831 = vector.extract_strided_slice %get3A_1395 {offsets = [4], sizes = [1], strides = [1]} : vector<16xi32> to vector<1xi32>
      %squeeze3A_1832 = vector.extract %slice3A_1831[0] : i32 from vector<1xi32>
      %jit3A_1833 = arith.constant 128 : i32
      %div3A_1834 = arith.divsi %squeeze3A_1832, %jit3A_1833 : i32
      %sign3A_1835 = arith.constant 0 : i32
      %sign3A_1836 = arith.cmpi sgt, %squeeze3A_1832, %sign3A_1835 : i32
      %sign3A_1837 = arith.extui %sign3A_1836 : i1 to i32
      %sign3A_1838 = arith.constant 0 : i32
      %sign3A_1839 = arith.cmpi slt, %squeeze3A_1832, %sign3A_1838 : i32
      %sign3A_1840 = arith.extui %sign3A_1839 : i1 to i32
      %sign3A_1841 = arith.subi %sign3A_1837, %sign3A_1840 : i32
      %sign3A_1842 = arith.constant 0 : i32
      %sign3A_1843 = arith.cmpi sgt, %jit3A_1833, %sign3A_1842 : i32
      %sign3A_1844 = arith.extui %sign3A_1843 : i1 to i32
      %sign3A_1845 = arith.constant 0 : i32
      %sign3A_1846 = arith.cmpi slt, %jit3A_1833, %sign3A_1845 : i32
      %sign3A_1847 = arith.extui %sign3A_1846 : i1 to i32
      %sign3A_1848 = arith.subi %sign3A_1844, %sign3A_1847 : i32
      %ne3A_1849 = arith.cmpi ne, %sign3A_1841, %sign3A_1848 : i32
      %rem3A_1850 = arith.remsi %squeeze3A_1832, %jit3A_1833 : i32
      %ne3A_1851 = arith.constant 0 : i32
      %ne3A_1852 = arith.cmpi ne, %rem3A_1850, %ne3A_1851 : i32
      %and3A_1853 = arith.andi %ne3A_1849, %ne3A_1852 : i1
      %sub3A_1854 = arith.constant 1 : i32
      %sub3A_1855 = arith.subi %div3A_1834, %sub3A_1854 : i32
      %select_n3A_1856 = arith.select %and3A_1853, %sub3A_1855, %div3A_1834 : i32
      %mul3A_1857 = arith.constant 128 : i32
      %mul3A_1858 = arith.muli %select_n3A_1856, %mul3A_1857 : i32
      %multiple_of3A_1859 = tpu.assume_multiple %mul3A_1858, 128 : i32
      %dma_start3A_1860 = arith.constant 4 : i32
      %dma_start3A_1861 = arith.constant 0 : i32
      %dma_start3A_1862 = arith.constant 0 : i32
      %dma_start3A_1863 = tpu.memref_slice %arg6[%dma_start3A_1860, %dma_start3A_1861, %dma_start3A_1862] : memref<16x32x128xf32, #tpu.memory_space<vmem>> -> memref<1x32x128xf32, #tpu.memory_space<vmem>>
      %dma_start3A_1864 = tpu.memref_squeeze %dma_start3A_1863 : memref<1x32x128xf32, #tpu.memory_space<vmem>> -> memref<32x128xf32, #tpu.memory_space<vmem>>
      %dma_start3A_1865 = arith.constant 0 : i32
      %dma_start3A_1866 = tpu.memref_slice %arg2[%dma_start3A_1865, %multiple_of3A_1859] : memref<32x1000001xf32, #tpu.memory_space<hbm>> -> memref<32x128xf32, #tpu.memory_space<hbm>>
      %dma_start3A_1867 = arith.constant 0 : i32
      %dma_start3A_1868 = arith.constant 0 : i32
      %dma_start3A_1869 = tpu.memref_slice %arg6[%dma_start3A_1860, %dma_start3A_1867, %dma_start3A_1868] : memref<16x32x128xf32, #tpu.memory_space<vmem>> -> memref<1x32x128xf32, #tpu.memory_space<vmem>>
      %dma_start3A_1870 = tpu.memref_squeeze %dma_start3A_1869 : memref<1x32x128xf32, #tpu.memory_space<vmem>> -> memref<32x128xf32, #tpu.memory_space<vmem>>
      %dma_start3A_1871 = arith.constant 0 : i32
      %dma_start3A_1872 = tpu.memref_slice %arg2[%dma_start3A_1871, %multiple_of3A_1859] : memref<32x1000001xf32, #tpu.memory_space<hbm>> -> memref<32x128xf32, #tpu.memory_space<hbm>>
      tpu.enqueue_dma source(%dma_start3A_1872 : memref<32x128xf32, #tpu.memory_space<hbm>>) target(%dma_start3A_1870 : memref<32x128xf32, #tpu.memory_space<vmem>>) target_semaphore(%arg12 : memref<!tpu.dma_semaphore, #tpu.memory_space<semaphore_mem>>)
      %slice3A_1873 = vector.extract_strided_slice %select_n3A_1417 {offsets = [5], sizes = [1], strides = [1]} : vector<16xi32> to vector<1xi32>
      %squeeze3A_1874 = vector.extract %slice3A_1873[0] : i32 from vector<1xi32>
      %sub3A_1875 = arith.constant 1 : i32
      %sub3A_1876 = arith.subi %scan3A_1390, %sub3A_1875 : i32
      %mul3A_1877 = arith.constant 16 : i32
      %mul3A_1878 = arith.muli %sub3A_1876, %mul3A_1877 : i32
      %add3A_1879 = arith.constant 5 : i32
      %add3A_1880 = arith.addi %mul3A_1878, %add3A_1879 : i32
      %dma_wait3A_1881 = arith.constant 5 : i32
      %dma_wait3A_1882 = arith.constant 0 : i32
      %dma_wait3A_1883 = arith.constant 0 : i32
      %dma_wait3A_1884 = tpu.memref_slice %arg6[%dma_wait3A_1881, %dma_wait3A_1882, %dma_wait3A_1883] : memref<16x32x128xf32, #tpu.memory_space<vmem>> -> memref<1x32x128xf32, #tpu.memory_space<vmem>>
      %dma_wait3A_1885 = tpu.memref_squeeze %dma_wait3A_1884 : memref<1x32x128xf32, #tpu.memory_space<vmem>> -> memref<32x128xf32, #tpu.memory_space<vmem>>
      %dma_wait3A_1886 = arith.constant 0 : i32
      %dma_wait3A_1887 = arith.constant 0 : i32
      %dma_wait3A_1888 = tpu.memref_slice %arg2[%dma_wait3A_1886, %dma_wait3A_1887] : memref<32x1000001xf32, #tpu.memory_space<hbm>> -> memref<32x128xf32, #tpu.memory_space<hbm>>
      %dma_wait3A_1889 = arith.constant 0 : i32
      %dma_wait3A_1890 = arith.constant 0 : i32
      %dma_wait3A_1891 = tpu.memref_slice %arg6[%dma_wait3A_1881, %dma_wait3A_1889, %dma_wait3A_1890] : memref<16x32x128xf32, #tpu.memory_space<vmem>> -> memref<1x32x128xf32, #tpu.memory_space<vmem>>
      %dma_wait3A_1892 = tpu.memref_squeeze %dma_wait3A_1891 : memref<1x32x128xf32, #tpu.memory_space<vmem>> -> memref<32x128xf32, #tpu.memory_space<vmem>>
      %dma_wait3A_1893 = arith.constant 0 : i32
      %dma_wait3A_1894 = arith.constant 0 : i32
      %dma_wait3A_1895 = tpu.memref_slice %arg2[%dma_wait3A_1893, %dma_wait3A_1894] : memref<32x1000001xf32, #tpu.memory_space<hbm>> -> memref<32x128xf32, #tpu.memory_space<hbm>>
      tpu.wait_dma2 semaphore(%arg13 : memref<!tpu.dma_semaphore, #tpu.memory_space<semaphore_mem>>) src(%dma_wait3A_1895 : memref<32x128xf32, #tpu.memory_space<hbm>>) dst(%dma_wait3A_1892 : memref<32x128xf32, #tpu.memory_space<vmem>>)
      %broadcast_in_dim3A_1896 = vector.broadcast %squeeze3A_1874 : i32 to vector<16xi32>
      %broadcast_in_dim3A_1897 = vector.broadcast %add3A_1880 : i32 to vector<16xi32>
      %add3A_1898 = arith.constant 0 : i32
      %add3A_1899 = vector.broadcast %add3A_1898 : i32 to vector<16xi32>
      %add3A_1900 = arith.addi %iota3A, %add3A_1899 : vector<16xi32>
      %gather3A_1901 = arith.constant 5 : i32
      %gather3A_1902 = arith.constant 0 : i32
      %gather3A_1903 = arith.constant 0 : i32
      %gather3A_1904 = tpu.memref_slice %arg6[%gather3A_1901, %gather3A_1902, %gather3A_1903] : memref<16x32x128xf32, #tpu.memory_space<vmem>> -> memref<1x32x128xf32, #tpu.memory_space<vmem>>
      %gather3A_1905 = tpu.memref_squeeze %gather3A_1904 : memref<1x32x128xf32, #tpu.memory_space<vmem>> -> memref<32x128xf32, #tpu.memory_space<vmem>>
      %gather3A_1906 = tpu.vector_load_idx %gather3A_1905[%add3A_1900, %broadcast_in_dim3A_1896] : memref<32x128xf32, #tpu.memory_space<vmem>>[vector<16xi32>, vector<16xi32>], vector<16xf32>,
      %add3A_1907 = arith.constant 0 : i32
      %add3A_1908 = vector.broadcast %add3A_1907 : i32 to vector<16xi32>
      %add3A_1909 = arith.addi %iota3A, %add3A_1908 : vector<16xi32>
      tpu.vector_store_idx %arg7[%add3A_1909, %broadcast_in_dim3A_1897], %gather3A_1906 : memref<32x512xf32, #tpu.memory_space<vmem>>[vector<16xi32>, vector<16xi32>], vector<16xf32>,
      %add3A_1910 = arith.constant 16 : i32
      %add3A_1911 = vector.broadcast %add3A_1910 : i32 to vector<16xi32>
      %add3A_1912 = arith.addi %iota3A, %add3A_1911 : vector<16xi32>
      %gather3A_1913 = arith.constant 5 : i32
      %gather3A_1914 = arith.constant 0 : i32
      %gather3A_1915 = arith.constant 0 : i32
      %gather3A_1916 = tpu.memref_slice %arg6[%gather3A_1913, %gather3A_1914, %gather3A_1915] : memref<16x32x128xf32, #tpu.memory_space<vmem>> -> memref<1x32x128xf32, #tpu.memory_space<vmem>>
      %gather3A_1917 = tpu.memref_squeeze %gather3A_1916 : memref<1x32x128xf32, #tpu.memory_space<vmem>> -> memref<32x128xf32, #tpu.memory_space<vmem>>
      %gather3A_1918 = tpu.vector_load_idx %gather3A_1917[%add3A_1912, %broadcast_in_dim3A_1896] : memref<32x128xf32, #tpu.memory_space<vmem>>[vector<16xi32>, vector<16xi32>], vector<16xf32>,
      %add3A_1919 = arith.constant 16 : i32
      %add3A_1920 = vector.broadcast %add3A_1919 : i32 to vector<16xi32>
      %add3A_1921 = arith.addi %iota3A, %add3A_1920 : vector<16xi32>
      tpu.vector_store_idx %arg7[%add3A_1921, %broadcast_in_dim3A_1897], %gather3A_1918 : memref<32x512xf32, #tpu.memory_space<vmem>>[vector<16xi32>, vector<16xi32>], vector<16xf32>,
      %slice3A_1922 = vector.extract_strided_slice %get3A_1395 {offsets = [5], sizes = [1], strides = [1]} : vector<16xi32> to vector<1xi32>
      %squeeze3A_1923 = vector.extract %slice3A_1922[0] : i32 from vector<1xi32>
      %jit3A_1924 = arith.constant 128 : i32
      %div3A_1925 = arith.divsi %squeeze3A_1923, %jit3A_1924 : i32
      %sign3A_1926 = arith.constant 0 : i32
      %sign3A_1927 = arith.cmpi sgt, %squeeze3A_1923, %sign3A_1926 : i32
      %sign3A_1928 = arith.extui %sign3A_1927 : i1 to i32
      %sign3A_1929 = arith.constant 0 : i32
      %sign3A_1930 = arith.cmpi slt, %squeeze3A_1923, %sign3A_1929 : i32
      %sign3A_1931 = arith.extui %sign3A_1930 : i1 to i32
      %sign3A_1932 = arith.subi %sign3A_1928, %sign3A_1931 : i32
      %sign3A_1933 = arith.constant 0 : i32
      %sign3A_1934 = arith.cmpi sgt, %jit3A_1924, %sign3A_1933 : i32
      %sign3A_1935 = arith.extui %sign3A_1934 : i1 to i32
      %sign3A_1936 = arith.constant 0 : i32
      %sign3A_1937 = arith.cmpi slt, %jit3A_1924, %sign3A_1936 : i32
      %sign3A_1938 = arith.extui %sign3A_1937 : i1 to i32
      %sign3A_1939 = arith.subi %sign3A_1935, %sign3A_1938 : i32
      %ne3A_1940 = arith.cmpi ne, %sign3A_1932, %sign3A_1939 : i32
      %rem3A_1941 = arith.remsi %squeeze3A_1923, %jit3A_1924 : i32
      %ne3A_1942 = arith.constant 0 : i32
      %ne3A_1943 = arith.cmpi ne, %rem3A_1941, %ne3A_1942 : i32
      %and3A_1944 = arith.andi %ne3A_1940, %ne3A_1943 : i1
      %sub3A_1945 = arith.constant 1 : i32
      %sub3A_1946 = arith.subi %div3A_1925, %sub3A_1945 : i32
      %select_n3A_1947 = arith.select %and3A_1944, %sub3A_1946, %div3A_1925 : i32
      %mul3A_1948 = arith.constant 128 : i32
      %mul3A_1949 = arith.muli %select_n3A_1947, %mul3A_1948 : i32
      %multiple_of3A_1950 = tpu.assume_multiple %mul3A_1949, 128 : i32
      %dma_start3A_1951 = arith.constant 5 : i32
      %dma_start3A_1952 = arith.constant 0 : i32
      %dma_start3A_1953 = arith.constant 0 : i32
      %dma_start3A_1954 = tpu.memref_slice %arg6[%dma_start3A_1951, %dma_start3A_1952, %dma_start3A_1953] : memref<16x32x128xf32, #tpu.memory_space<vmem>> -> memref<1x32x128xf32, #tpu.memory_space<vmem>>
      %dma_start3A_1955 = tpu.memref_squeeze %dma_start3A_1954 : memref<1x32x128xf32, #tpu.memory_space<vmem>> -> memref<32x128xf32, #tpu.memory_space<vmem>>
      %dma_start3A_1956 = arith.constant 0 : i32
      %dma_start3A_1957 = tpu.memref_slice %arg2[%dma_start3A_1956, %multiple_of3A_1950] : memref<32x1000001xf32, #tpu.memory_space<hbm>> -> memref<32x128xf32, #tpu.memory_space<hbm>>
      %dma_start3A_1958 = arith.constant 0 : i32
      %dma_start3A_1959 = arith.constant 0 : i32
      %dma_start3A_1960 = tpu.memref_slice %arg6[%dma_start3A_1951, %dma_start3A_1958, %dma_start3A_1959] : memref<16x32x128xf32, #tpu.memory_space<vmem>> -> memref<1x32x128xf32, #tpu.memory_space<vmem>>
      %dma_start3A_1961 = tpu.memref_squeeze %dma_start3A_1960 : memref<1x32x128xf32, #tpu.memory_space<vmem>> -> memref<32x128xf32, #tpu.memory_space<vmem>>
      %dma_start3A_1962 = arith.constant 0 : i32
      %dma_start3A_1963 = tpu.memref_slice %arg2[%dma_start3A_1962, %multiple_of3A_1950] : memref<32x1000001xf32, #tpu.memory_space<hbm>> -> memref<32x128xf32, #tpu.memory_space<hbm>>
      tpu.enqueue_dma source(%dma_start3A_1963 : memref<32x128xf32, #tpu.memory_space<hbm>>) target(%dma_start3A_1961 : memref<32x128xf32, #tpu.memory_space<vmem>>) target_semaphore(%arg13 : memref<!tpu.dma_semaphore, #tpu.memory_space<semaphore_mem>>)
      %slice3A_1964 = vector.extract_strided_slice %select_n3A_1417 {offsets = [6], sizes = [1], strides = [1]} : vector<16xi32> to vector<1xi32>
      %squeeze3A_1965 = vector.extract %slice3A_1964[0] : i32 from vector<1xi32>
      %sub3A_1966 = arith.constant 1 : i32
      %sub3A_1967 = arith.subi %scan3A_1390, %sub3A_1966 : i32
      %mul3A_1968 = arith.constant 16 : i32
      %mul3A_1969 = arith.muli %sub3A_1967, %mul3A_1968 : i32
      %add3A_1970 = arith.constant 6 : i32
      %add3A_1971 = arith.addi %mul3A_1969, %add3A_1970 : i32
      %dma_wait3A_1972 = arith.constant 6 : i32
      %dma_wait3A_1973 = arith.constant 0 : i32
      %dma_wait3A_1974 = arith.constant 0 : i32
      %dma_wait3A_1975 = tpu.memref_slice %arg6[%dma_wait3A_1972, %dma_wait3A_1973, %dma_wait3A_1974] : memref<16x32x128xf32, #tpu.memory_space<vmem>> -> memref<1x32x128xf32, #tpu.memory_space<vmem>>
      %dma_wait3A_1976 = tpu.memref_squeeze %dma_wait3A_1975 : memref<1x32x128xf32, #tpu.memory_space<vmem>> -> memref<32x128xf32, #tpu.memory_space<vmem>>
      %dma_wait3A_1977 = arith.constant 0 : i32
      %dma_wait3A_1978 = arith.constant 0 : i32
      %dma_wait3A_1979 = tpu.memref_slice %arg2[%dma_wait3A_1977, %dma_wait3A_1978] : memref<32x1000001xf32, #tpu.memory_space<hbm>> -> memref<32x128xf32, #tpu.memory_space<hbm>>
      %dma_wait3A_1980 = arith.constant 0 : i32
      %dma_wait3A_1981 = arith.constant 0 : i32
      %dma_wait3A_1982 = tpu.memref_slice %arg6[%dma_wait3A_1972, %dma_wait3A_1980, %dma_wait3A_1981] : memref<16x32x128xf32, #tpu.memory_space<vmem>> -> memref<1x32x128xf32, #tpu.memory_space<vmem>>
      %dma_wait3A_1983 = tpu.memref_squeeze %dma_wait3A_1982 : memref<1x32x128xf32, #tpu.memory_space<vmem>> -> memref<32x128xf32, #tpu.memory_space<vmem>>
      %dma_wait3A_1984 = arith.constant 0 : i32
      %dma_wait3A_1985 = arith.constant 0 : i32
      %dma_wait3A_1986 = tpu.memref_slice %arg2[%dma_wait3A_1984, %dma_wait3A_1985] : memref<32x1000001xf32, #tpu.memory_space<hbm>> -> memref<32x128xf32, #tpu.memory_space<hbm>>
      tpu.wait_dma2 semaphore(%arg14 : memref<!tpu.dma_semaphore, #tpu.memory_space<semaphore_mem>>) src(%dma_wait3A_1986 : memref<32x128xf32, #tpu.memory_space<hbm>>) dst(%dma_wait3A_1983 : memref<32x128xf32, #tpu.memory_space<vmem>>)
      %broadcast_in_dim3A_1987 = vector.broadcast %squeeze3A_1965 : i32 to vector<16xi32>
      %broadcast_in_dim3A_1988 = vector.broadcast %add3A_1971 : i32 to vector<16xi32>
      %add3A_1989 = arith.constant 0 : i32
      %add3A_1990 = vector.broadcast %add3A_1989 : i32 to vector<16xi32>
      %add3A_1991 = arith.addi %iota3A, %add3A_1990 : vector<16xi32>
      %gather3A_1992 = arith.constant 6 : i32
      %gather3A_1993 = arith.constant 0 : i32
      %gather3A_1994 = arith.constant 0 : i32
      %gather3A_1995 = tpu.memref_slice %arg6[%gather3A_1992, %gather3A_1993, %gather3A_1994] : memref<16x32x128xf32, #tpu.memory_space<vmem>> -> memref<1x32x128xf32, #tpu.memory_space<vmem>>
      %gather3A_1996 = tpu.memref_squeeze %gather3A_1995 : memref<1x32x128xf32, #tpu.memory_space<vmem>> -> memref<32x128xf32, #tpu.memory_space<vmem>>
      %gather3A_1997 = tpu.vector_load_idx %gather3A_1996[%add3A_1991, %broadcast_in_dim3A_1987] : memref<32x128xf32, #tpu.memory_space<vmem>>[vector<16xi32>, vector<16xi32>], vector<16xf32>,
      %add3A_1998 = arith.constant 0 : i32
      %add3A_1999 = vector.broadcast %add3A_1998 : i32 to vector<16xi32>
      %add3A_2000 = arith.addi %iota3A, %add3A_1999 : vector<16xi32>
      tpu.vector_store_idx %arg7[%add3A_2000, %broadcast_in_dim3A_1988], %gather3A_1997 : memref<32x512xf32, #tpu.memory_space<vmem>>[vector<16xi32>, vector<16xi32>], vector<16xf32>,
      %add3A_2001 = arith.constant 16 : i32
      %add3A_2002 = vector.broadcast %add3A_2001 : i32 to vector<16xi32>
      %add3A_2003 = arith.addi %iota3A, %add3A_2002 : vector<16xi32>
      %gather3A_2004 = arith.constant 6 : i32
      %gather3A_2005 = arith.constant 0 : i32
      %gather3A_2006 = arith.constant 0 : i32
      %gather3A_2007 = tpu.memref_slice %arg6[%gather3A_2004, %gather3A_2005, %gather3A_2006] : memref<16x32x128xf32, #tpu.memory_space<vmem>> -> memref<1x32x128xf32, #tpu.memory_space<vmem>>
      %gather3A_2008 = tpu.memref_squeeze %gather3A_2007 : memref<1x32x128xf32, #tpu.memory_space<vmem>> -> memref<32x128xf32, #tpu.memory_space<vmem>>
      %gather3A_2009 = tpu.vector_load_idx %gather3A_2008[%add3A_2003, %broadcast_in_dim3A_1987] : memref<32x128xf32, #tpu.memory_space<vmem>>[vector<16xi32>, vector<16xi32>], vector<16xf32>,
      %add3A_2010 = arith.constant 16 : i32
      %add3A_2011 = vector.broadcast %add3A_2010 : i32 to vector<16xi32>
      %add3A_2012 = arith.addi %iota3A, %add3A_2011 : vector<16xi32>
      tpu.vector_store_idx %arg7[%add3A_2012, %broadcast_in_dim3A_1988], %gather3A_2009 : memref<32x512xf32, #tpu.memory_space<vmem>>[vector<16xi32>, vector<16xi32>], vector<16xf32>,
      %slice3A_2013 = vector.extract_strided_slice %get3A_1395 {offsets = [6], sizes = [1], strides = [1]} : vector<16xi32> to vector<1xi32>
      %squeeze3A_2014 = vector.extract %slice3A_2013[0] : i32 from vector<1xi32>
      %jit3A_2015 = arith.constant 128 : i32
      %div3A_2016 = arith.divsi %squeeze3A_2014, %jit3A_2015 : i32
      %sign3A_2017 = arith.constant 0 : i32
      %sign3A_2018 = arith.cmpi sgt, %squeeze3A_2014, %sign3A_2017 : i32
      %sign3A_2019 = arith.extui %sign3A_2018 : i1 to i32
      %sign3A_2020 = arith.constant 0 : i32
      %sign3A_2021 = arith.cmpi slt, %squeeze3A_2014, %sign3A_2020 : i32
      %sign3A_2022 = arith.extui %sign3A_2021 : i1 to i32
      %sign3A_2023 = arith.subi %sign3A_2019, %sign3A_2022 : i32
      %sign3A_2024 = arith.constant 0 : i32
      %sign3A_2025 = arith.cmpi sgt, %jit3A_2015, %sign3A_2024 : i32
      %sign3A_2026 = arith.extui %sign3A_2025 : i1 to i32
      %sign3A_2027 = arith.constant 0 : i32
      %sign3A_2028 = arith.cmpi slt, %jit3A_2015, %sign3A_2027 : i32
      %sign3A_2029 = arith.extui %sign3A_2028 : i1 to i32
      %sign3A_2030 = arith.subi %sign3A_2026, %sign3A_2029 : i32
      %ne3A_2031 = arith.cmpi ne, %sign3A_2023, %sign3A_2030 : i32
      %rem3A_2032 = arith.remsi %squeeze3A_2014, %jit3A_2015 : i32
      %ne3A_2033 = arith.constant 0 : i32
      %ne3A_2034 = arith.cmpi ne, %rem3A_2032, %ne3A_2033 : i32
      %and3A_2035 = arith.andi %ne3A_2031, %ne3A_2034 : i1
      %sub3A_2036 = arith.constant 1 : i32
      %sub3A_2037 = arith.subi %div3A_2016, %sub3A_2036 : i32
      %select_n3A_2038 = arith.select %and3A_2035, %sub3A_2037, %div3A_2016 : i32
      %mul3A_2039 = arith.constant 128 : i32
      %mul3A_2040 = arith.muli %select_n3A_2038, %mul3A_2039 : i32
      %multiple_of3A_2041 = tpu.assume_multiple %mul3A_2040, 128 : i32
      %dma_start3A_2042 = arith.constant 6 : i32
      %dma_start3A_2043 = arith.constant 0 : i32
      %dma_start3A_2044 = arith.constant 0 : i32
      %dma_start3A_2045 = tpu.memref_slice %arg6[%dma_start3A_2042, %dma_start3A_2043, %dma_start3A_2044] : memref<16x32x128xf32, #tpu.memory_space<vmem>> -> memref<1x32x128xf32, #tpu.memory_space<vmem>>
      %dma_start3A_2046 = tpu.memref_squeeze %dma_start3A_2045 : memref<1x32x128xf32, #tpu.memory_space<vmem>> -> memref<32x128xf32, #tpu.memory_space<vmem>>
      %dma_start3A_2047 = arith.constant 0 : i32
      %dma_start3A_2048 = tpu.memref_slice %arg2[%dma_start3A_2047, %multiple_of3A_2041] : memref<32x1000001xf32, #tpu.memory_space<hbm>> -> memref<32x128xf32, #tpu.memory_space<hbm>>
      %dma_start3A_2049 = arith.constant 0 : i32
      %dma_start3A_2050 = arith.constant 0 : i32
      %dma_start3A_2051 = tpu.memref_slice %arg6[%dma_start3A_2042, %dma_start3A_2049, %dma_start3A_2050] : memref<16x32x128xf32, #tpu.memory_space<vmem>> -> memref<1x32x128xf32, #tpu.memory_space<vmem>>
      %dma_start3A_2052 = tpu.memref_squeeze %dma_start3A_2051 : memref<1x32x128xf32, #tpu.memory_space<vmem>> -> memref<32x128xf32, #tpu.memory_space<vmem>>
      %dma_start3A_2053 = arith.constant 0 : i32
      %dma_start3A_2054 = tpu.memref_slice %arg2[%dma_start3A_2053, %multiple_of3A_2041] : memref<32x1000001xf32, #tpu.memory_space<hbm>> -> memref<32x128xf32, #tpu.memory_space<hbm>>
      tpu.enqueue_dma source(%dma_start3A_2054 : memref<32x128xf32, #tpu.memory_space<hbm>>) target(%dma_start3A_2052 : memref<32x128xf32, #tpu.memory_space<vmem>>) target_semaphore(%arg14 : memref<!tpu.dma_semaphore, #tpu.memory_space<semaphore_mem>>)
      %slice3A_2055 = vector.extract_strided_slice %select_n3A_1417 {offsets = [7], sizes = [1], strides = [1]} : vector<16xi32> to vector<1xi32>
      %squeeze3A_2056 = vector.extract %slice3A_2055[0] : i32 from vector<1xi32>
      %sub3A_2057 = arith.constant 1 : i32
      %sub3A_2058 = arith.subi %scan3A_1390, %sub3A_2057 : i32
      %mul3A_2059 = arith.constant 16 : i32
      %mul3A_2060 = arith.muli %sub3A_2058, %mul3A_2059 : i32
      %add3A_2061 = arith.constant 7 : i32
      %add3A_2062 = arith.addi %mul3A_2060, %add3A_2061 : i32
      %dma_wait3A_2063 = arith.constant 7 : i32
      %dma_wait3A_2064 = arith.constant 0 : i32
      %dma_wait3A_2065 = arith.constant 0 : i32
      %dma_wait3A_2066 = tpu.memref_slice %arg6[%dma_wait3A_2063, %dma_wait3A_2064, %dma_wait3A_2065] : memref<16x32x128xf32, #tpu.memory_space<vmem>> -> memref<1x32x128xf32, #tpu.memory_space<vmem>>
      %dma_wait3A_2067 = tpu.memref_squeeze %dma_wait3A_2066 : memref<1x32x128xf32, #tpu.memory_space<vmem>> -> memref<32x128xf32, #tpu.memory_space<vmem>>
      %dma_wait3A_2068 = arith.constant 0 : i32
      %dma_wait3A_2069 = arith.constant 0 : i32
      %dma_wait3A_2070 = tpu.memref_slice %arg2[%dma_wait3A_2068, %dma_wait3A_2069] : memref<32x1000001xf32, #tpu.memory_space<hbm>> -> memref<32x128xf32, #tpu.memory_space<hbm>>
      %dma_wait3A_2071 = arith.constant 0 : i32
      %dma_wait3A_2072 = arith.constant 0 : i32
      %dma_wait3A_2073 = tpu.memref_slice %arg6[%dma_wait3A_2063, %dma_wait3A_2071, %dma_wait3A_2072] : memref<16x32x128xf32, #tpu.memory_space<vmem>> -> memref<1x32x128xf32, #tpu.memory_space<vmem>>
      %dma_wait3A_2074 = tpu.memref_squeeze %dma_wait3A_2073 : memref<1x32x128xf32, #tpu.memory_space<vmem>> -> memref<32x128xf32, #tpu.memory_space<vmem>>
      %dma_wait3A_2075 = arith.constant 0 : i32
      %dma_wait3A_2076 = arith.constant 0 : i32
      %dma_wait3A_2077 = tpu.memref_slice %arg2[%dma_wait3A_2075, %dma_wait3A_2076] : memref<32x1000001xf32, #tpu.memory_space<hbm>> -> memref<32x128xf32, #tpu.memory_space<hbm>>
      tpu.wait_dma2 semaphore(%arg15 : memref<!tpu.dma_semaphore, #tpu.memory_space<semaphore_mem>>) src(%dma_wait3A_2077 : memref<32x128xf32, #tpu.memory_space<hbm>>) dst(%dma_wait3A_2074 : memref<32x128xf32, #tpu.memory_space<vmem>>)
      %broadcast_in_dim3A_2078 = vector.broadcast %squeeze3A_2056 : i32 to vector<16xi32>
      %broadcast_in_dim3A_2079 = vector.broadcast %add3A_2062 : i32 to vector<16xi32>
      %add3A_2080 = arith.constant 0 : i32
      %add3A_2081 = vector.broadcast %add3A_2080 : i32 to vector<16xi32>
      %add3A_2082 = arith.addi %iota3A, %add3A_2081 : vector<16xi32>
      %gather3A_2083 = arith.constant 7 : i32
      %gather3A_2084 = arith.constant 0 : i32
      %gather3A_2085 = arith.constant 0 : i32
      %gather3A_2086 = tpu.memref_slice %arg6[%gather3A_2083, %gather3A_2084, %gather3A_2085] : memref<16x32x128xf32, #tpu.memory_space<vmem>> -> memref<1x32x128xf32, #tpu.memory_space<vmem>>
      %gather3A_2087 = tpu.memref_squeeze %gather3A_2086 : memref<1x32x128xf32, #tpu.memory_space<vmem>> -> memref<32x128xf32, #tpu.memory_space<vmem>>
      %gather3A_2088 = tpu.vector_load_idx %gather3A_2087[%add3A_2082, %broadcast_in_dim3A_2078] : memref<32x128xf32, #tpu.memory_space<vmem>>[vector<16xi32>, vector<16xi32>], vector<16xf32>,
      %add3A_2089 = arith.constant 0 : i32
      %add3A_2090 = vector.broadcast %add3A_2089 : i32 to vector<16xi32>
      %add3A_2091 = arith.addi %iota3A, %add3A_2090 : vector<16xi32>
      tpu.vector_store_idx %arg7[%add3A_2091, %broadcast_in_dim3A_2079], %gather3A_2088 : memref<32x512xf32, #tpu.memory_space<vmem>>[vector<16xi32>, vector<16xi32>], vector<16xf32>,
      %add3A_2092 = arith.constant 16 : i32
      %add3A_2093 = vector.broadcast %add3A_2092 : i32 to vector<16xi32>
      %add3A_2094 = arith.addi %iota3A, %add3A_2093 : vector<16xi32>
      %gather3A_2095 = arith.constant 7 : i32
      %gather3A_2096 = arith.constant 0 : i32
      %gather3A_2097 = arith.constant 0 : i32
      %gather3A_2098 = tpu.memref_slice %arg6[%gather3A_2095, %gather3A_2096, %gather3A_2097] : memref<16x32x128xf32, #tpu.memory_space<vmem>> -> memref<1x32x128xf32, #tpu.memory_space<vmem>>
      %gather3A_2099 = tpu.memref_squeeze %gather3A_2098 : memref<1x32x128xf32, #tpu.memory_space<vmem>> -> memref<32x128xf32, #tpu.memory_space<vmem>>
      %gather3A_2100 = tpu.vector_load_idx %gather3A_2099[%add3A_2094, %broadcast_in_dim3A_2078] : memref<32x128xf32, #tpu.memory_space<vmem>>[vector<16xi32>, vector<16xi32>], vector<16xf32>,
      %add3A_2101 = arith.constant 16 : i32
      %add3A_2102 = vector.broadcast %add3A_2101 : i32 to vector<16xi32>
      %add3A_2103 = arith.addi %iota3A, %add3A_2102 : vector<16xi32>
      tpu.vector_store_idx %arg7[%add3A_2103, %broadcast_in_dim3A_2079], %gather3A_2100 : memref<32x512xf32, #tpu.memory_space<vmem>>[vector<16xi32>, vector<16xi32>], vector<16xf32>,
      %slice3A_2104 = vector.extract_strided_slice %get3A_1395 {offsets = [7], sizes = [1], strides = [1]} : vector<16xi32> to vector<1xi32>
      %squeeze3A_2105 = vector.extract %slice3A_2104[0] : i32 from vector<1xi32>
      %jit3A_2106 = arith.constant 128 : i32
      %div3A_2107 = arith.divsi %squeeze3A_2105, %jit3A_2106 : i32
      %sign3A_2108 = arith.constant 0 : i32
      %sign3A_2109 = arith.cmpi sgt, %squeeze3A_2105, %sign3A_2108 : i32
      %sign3A_2110 = arith.extui %sign3A_2109 : i1 to i32
      %sign3A_2111 = arith.constant 0 : i32
      %sign3A_2112 = arith.cmpi slt, %squeeze3A_2105, %sign3A_2111 : i32
      %sign3A_2113 = arith.extui %sign3A_2112 : i1 to i32
      %sign3A_2114 = arith.subi %sign3A_2110, %sign3A_2113 : i32
      %sign3A_2115 = arith.constant 0 : i32
      %sign3A_2116 = arith.cmpi sgt, %jit3A_2106, %sign3A_2115 : i32
      %sign3A_2117 = arith.extui %sign3A_2116 : i1 to i32
      %sign3A_2118 = arith.constant 0 : i32
      %sign3A_2119 = arith.cmpi slt, %jit3A_2106, %sign3A_2118 : i32
      %sign3A_2120 = arith.extui %sign3A_2119 : i1 to i32
      %sign3A_2121 = arith.subi %sign3A_2117, %sign3A_2120 : i32
      %ne3A_2122 = arith.cmpi ne, %sign3A_2114, %sign3A_2121 : i32
      %rem3A_2123 = arith.remsi %squeeze3A_2105, %jit3A_2106 : i32
      %ne3A_2124 = arith.constant 0 : i32
      %ne3A_2125 = arith.cmpi ne, %rem3A_2123, %ne3A_2124 : i32
      %and3A_2126 = arith.andi %ne3A_2122, %ne3A_2125 : i1
      %sub3A_2127 = arith.constant 1 : i32
      %sub3A_2128 = arith.subi %div3A_2107, %sub3A_2127 : i32
      %select_n3A_2129 = arith.select %and3A_2126, %sub3A_2128, %div3A_2107 : i32
      %mul3A_2130 = arith.constant 128 : i32
      %mul3A_2131 = arith.muli %select_n3A_2129, %mul3A_2130 : i32
      %multiple_of3A_2132 = tpu.assume_multiple %mul3A_2131, 128 : i32
      %dma_start3A_2133 = arith.constant 7 : i32
      %dma_start3A_2134 = arith.constant 0 : i32
      %dma_start3A_2135 = arith.constant 0 : i32
      %dma_start3A_2136 = tpu.memref_slice %arg6[%dma_start3A_2133, %dma_start3A_2134, %dma_start3A_2135] : memref<16x32x128xf32, #tpu.memory_space<vmem>> -> memref<1x32x128xf32, #tpu.memory_space<vmem>>
      %dma_start3A_2137 = tpu.memref_squeeze %dma_start3A_2136 : memref<1x32x128xf32, #tpu.memory_space<vmem>> -> memref<32x128xf32, #tpu.memory_space<vmem>>
      %dma_start3A_2138 = arith.constant 0 : i32
      %dma_start3A_2139 = tpu.memref_slice %arg2[%dma_start3A_2138, %multiple_of3A_2132] : memref<32x1000001xf32, #tpu.memory_space<hbm>> -> memref<32x128xf32, #tpu.memory_space<hbm>>
      %dma_start3A_2140 = arith.constant 0 : i32
      %dma_start3A_2141 = arith.constant 0 : i32
      %dma_start3A_2142 = tpu.memref_slice %arg6[%dma_start3A_2133, %dma_start3A_2140, %dma_start3A_2141] : memref<16x32x128xf32, #tpu.memory_space<vmem>> -> memref<1x32x128xf32, #tpu.memory_space<vmem>>
      %dma_start3A_2143 = tpu.memref_squeeze %dma_start3A_2142 : memref<1x32x128xf32, #tpu.memory_space<vmem>> -> memref<32x128xf32, #tpu.memory_space<vmem>>
      %dma_start3A_2144 = arith.constant 0 : i32
      %dma_start3A_2145 = tpu.memref_slice %arg2[%dma_start3A_2144, %multiple_of3A_2132] : memref<32x1000001xf32, #tpu.memory_space<hbm>> -> memref<32x128xf32, #tpu.memory_space<hbm>>
      tpu.enqueue_dma source(%dma_start3A_2145 : memref<32x128xf32, #tpu.memory_space<hbm>>) target(%dma_start3A_2143 : memref<32x128xf32, #tpu.memory_space<vmem>>) target_semaphore(%arg15 : memref<!tpu.dma_semaphore, #tpu.memory_space<semaphore_mem>>)
      %slice3A_2146 = vector.extract_strided_slice %select_n3A_1417 {offsets = [8], sizes = [1], strides = [1]} : vector<16xi32> to vector<1xi32>
      %squeeze3A_2147 = vector.extract %slice3A_2146[0] : i32 from vector<1xi32>
      %sub3A_2148 = arith.constant 1 : i32
      %sub3A_2149 = arith.subi %scan3A_1390, %sub3A_2148 : i32
      %mul3A_2150 = arith.constant 16 : i32
      %mul3A_2151 = arith.muli %sub3A_2149, %mul3A_2150 : i32
      %add3A_2152 = arith.constant 8 : i32
      %add3A_2153 = arith.addi %mul3A_2151, %add3A_2152 : i32
      %dma_wait3A_2154 = arith.constant 8 : i32
      %dma_wait3A_2155 = arith.constant 0 : i32
      %dma_wait3A_2156 = arith.constant 0 : i32
      %dma_wait3A_2157 = tpu.memref_slice %arg6[%dma_wait3A_2154, %dma_wait3A_2155, %dma_wait3A_2156] : memref<16x32x128xf32, #tpu.memory_space<vmem>> -> memref<1x32x128xf32, #tpu.memory_space<vmem>>
      %dma_wait3A_2158 = tpu.memref_squeeze %dma_wait3A_2157 : memref<1x32x128xf32, #tpu.memory_space<vmem>> -> memref<32x128xf32, #tpu.memory_space<vmem>>
      %dma_wait3A_2159 = arith.constant 0 : i32
      %dma_wait3A_2160 = arith.constant 0 : i32
      %dma_wait3A_2161 = tpu.memref_slice %arg2[%dma_wait3A_2159, %dma_wait3A_2160] : memref<32x1000001xf32, #tpu.memory_space<hbm>> -> memref<32x128xf32, #tpu.memory_space<hbm>>
      %dma_wait3A_2162 = arith.constant 0 : i32
      %dma_wait3A_2163 = arith.constant 0 : i32
      %dma_wait3A_2164 = tpu.memref_slice %arg6[%dma_wait3A_2154, %dma_wait3A_2162, %dma_wait3A_2163] : memref<16x32x128xf32, #tpu.memory_space<vmem>> -> memref<1x32x128xf32, #tpu.memory_space<vmem>>
      %dma_wait3A_2165 = tpu.memref_squeeze %dma_wait3A_2164 : memref<1x32x128xf32, #tpu.memory_space<vmem>> -> memref<32x128xf32, #tpu.memory_space<vmem>>
      %dma_wait3A_2166 = arith.constant 0 : i32
      %dma_wait3A_2167 = arith.constant 0 : i32
      %dma_wait3A_2168 = tpu.memref_slice %arg2[%dma_wait3A_2166, %dma_wait3A_2167] : memref<32x1000001xf32, #tpu.memory_space<hbm>> -> memref<32x128xf32, #tpu.memory_space<hbm>>
      tpu.wait_dma2 semaphore(%arg16 : memref<!tpu.dma_semaphore, #tpu.memory_space<semaphore_mem>>) src(%dma_wait3A_2168 : memref<32x128xf32, #tpu.memory_space<hbm>>) dst(%dma_wait3A_2165 : memref<32x128xf32, #tpu.memory_space<vmem>>)
      %broadcast_in_dim3A_2169 = vector.broadcast %squeeze3A_2147 : i32 to vector<16xi32>
      %broadcast_in_dim3A_2170 = vector.broadcast %add3A_2153 : i32 to vector<16xi32>
      %add3A_2171 = arith.constant 0 : i32
      %add3A_2172 = vector.broadcast %add3A_2171 : i32 to vector<16xi32>
      %add3A_2173 = arith.addi %iota3A, %add3A_2172 : vector<16xi32>
      %gather3A_2174 = arith.constant 8 : i32
      %gather3A_2175 = arith.constant 0 : i32
      %gather3A_2176 = arith.constant 0 : i32
      %gather3A_2177 = tpu.memref_slice %arg6[%gather3A_2174, %gather3A_2175, %gather3A_2176] : memref<16x32x128xf32, #tpu.memory_space<vmem>> -> memref<1x32x128xf32, #tpu.memory_space<vmem>>
      %gather3A_2178 = tpu.memref_squeeze %gather3A_2177 : memref<1x32x128xf32, #tpu.memory_space<vmem>> -> memref<32x128xf32, #tpu.memory_space<vmem>>
      %gather3A_2179 = tpu.vector_load_idx %gather3A_2178[%add3A_2173, %broadcast_in_dim3A_2169] : memref<32x128xf32, #tpu.memory_space<vmem>>[vector<16xi32>, vector<16xi32>], vector<16xf32>,
      %add3A_2180 = arith.constant 0 : i32
      %add3A_2181 = vector.broadcast %add3A_2180 : i32 to vector<16xi32>
      %add3A_2182 = arith.addi %iota3A, %add3A_2181 : vector<16xi32>
      tpu.vector_store_idx %arg7[%add3A_2182, %broadcast_in_dim3A_2170], %gather3A_2179 : memref<32x512xf32, #tpu.memory_space<vmem>>[vector<16xi32>, vector<16xi32>], vector<16xf32>,
      %add3A_2183 = arith.constant 16 : i32
      %add3A_2184 = vector.broadcast %add3A_2183 : i32 to vector<16xi32>
      %add3A_2185 = arith.addi %iota3A, %add3A_2184 : vector<16xi32>
      %gather3A_2186 = arith.constant 8 : i32
      %gather3A_2187 = arith.constant 0 : i32
      %gather3A_2188 = arith.constant 0 : i32
      %gather3A_2189 = tpu.memref_slice %arg6[%gather3A_2186, %gather3A_2187, %gather3A_2188] : memref<16x32x128xf32, #tpu.memory_space<vmem>> -> memref<1x32x128xf32, #tpu.memory_space<vmem>>
      %gather3A_2190 = tpu.memref_squeeze %gather3A_2189 : memref<1x32x128xf32, #tpu.memory_space<vmem>> -> memref<32x128xf32, #tpu.memory_space<vmem>>
      %gather3A_2191 = tpu.vector_load_idx %gather3A_2190[%add3A_2185, %broadcast_in_dim3A_2169] : memref<32x128xf32, #tpu.memory_space<vmem>>[vector<16xi32>, vector<16xi32>], vector<16xf32>,
      %add3A_2192 = arith.constant 16 : i32
      %add3A_2193 = vector.broadcast %add3A_2192 : i32 to vector<16xi32>
      %add3A_2194 = arith.addi %iota3A, %add3A_2193 : vector<16xi32>
      tpu.vector_store_idx %arg7[%add3A_2194, %broadcast_in_dim3A_2170], %gather3A_2191 : memref<32x512xf32, #tpu.memory_space<vmem>>[vector<16xi32>, vector<16xi32>], vector<16xf32>,
      %slice3A_2195 = vector.extract_strided_slice %get3A_1395 {offsets = [8], sizes = [1], strides = [1]} : vector<16xi32> to vector<1xi32>
      %squeeze3A_2196 = vector.extract %slice3A_2195[0] : i32 from vector<1xi32>
      %jit3A_2197 = arith.constant 128 : i32
      %div3A_2198 = arith.divsi %squeeze3A_2196, %jit3A_2197 : i32
      %sign3A_2199 = arith.constant 0 : i32
      %sign3A_2200 = arith.cmpi sgt, %squeeze3A_2196, %sign3A_2199 : i32
      %sign3A_2201 = arith.extui %sign3A_2200 : i1 to i32
      %sign3A_2202 = arith.constant 0 : i32
      %sign3A_2203 = arith.cmpi slt, %squeeze3A_2196, %sign3A_2202 : i32
      %sign3A_2204 = arith.extui %sign3A_2203 : i1 to i32
      %sign3A_2205 = arith.subi %sign3A_2201, %sign3A_2204 : i32
      %sign3A_2206 = arith.constant 0 : i32
      %sign3A_2207 = arith.cmpi sgt, %jit3A_2197, %sign3A_2206 : i32
      %sign3A_2208 = arith.extui %sign3A_2207 : i1 to i32
      %sign3A_2209 = arith.constant 0 : i32
      %sign3A_2210 = arith.cmpi slt, %jit3A_2197, %sign3A_2209 : i32
      %sign3A_2211 = arith.extui %sign3A_2210 : i1 to i32
      %sign3A_2212 = arith.subi %sign3A_2208, %sign3A_2211 : i32
      %ne3A_2213 = arith.cmpi ne, %sign3A_2205, %sign3A_2212 : i32
      %rem3A_2214 = arith.remsi %squeeze3A_2196, %jit3A_2197 : i32
      %ne3A_2215 = arith.constant 0 : i32
      %ne3A_2216 = arith.cmpi ne, %rem3A_2214, %ne3A_2215 : i32
      %and3A_2217 = arith.andi %ne3A_2213, %ne3A_2216 : i1
      %sub3A_2218 = arith.constant 1 : i32
      %sub3A_2219 = arith.subi %div3A_2198, %sub3A_2218 : i32
      %select_n3A_2220 = arith.select %and3A_2217, %sub3A_2219, %div3A_2198 : i32
      %mul3A_2221 = arith.constant 128 : i32
      %mul3A_2222 = arith.muli %select_n3A_2220, %mul3A_2221 : i32
      %multiple_of3A_2223 = tpu.assume_multiple %mul3A_2222, 128 : i32
      %dma_start3A_2224 = arith.constant 8 : i32
      %dma_start3A_2225 = arith.constant 0 : i32
      %dma_start3A_2226 = arith.constant 0 : i32
      %dma_start3A_2227 = tpu.memref_slice %arg6[%dma_start3A_2224, %dma_start3A_2225, %dma_start3A_2226] : memref<16x32x128xf32, #tpu.memory_space<vmem>> -> memref<1x32x128xf32, #tpu.memory_space<vmem>>
      %dma_start3A_2228 = tpu.memref_squeeze %dma_start3A_2227 : memref<1x32x128xf32, #tpu.memory_space<vmem>> -> memref<32x128xf32, #tpu.memory_space<vmem>>
      %dma_start3A_2229 = arith.constant 0 : i32
      %dma_start3A_2230 = tpu.memref_slice %arg2[%dma_start3A_2229, %multiple_of3A_2223] : memref<32x1000001xf32, #tpu.memory_space<hbm>> -> memref<32x128xf32, #tpu.memory_space<hbm>>
      %dma_start3A_2231 = arith.constant 0 : i32
      %dma_start3A_2232 = arith.constant 0 : i32
      %dma_start3A_2233 = tpu.memref_slice %arg6[%dma_start3A_2224, %dma_start3A_2231, %dma_start3A_2232] : memref<16x32x128xf32, #tpu.memory_space<vmem>> -> memref<1x32x128xf32, #tpu.memory_space<vmem>>
      %dma_start3A_2234 = tpu.memref_squeeze %dma_start3A_2233 : memref<1x32x128xf32, #tpu.memory_space<vmem>> -> memref<32x128xf32, #tpu.memory_space<vmem>>
      %dma_start3A_2235 = arith.constant 0 : i32
      %dma_start3A_2236 = tpu.memref_slice %arg2[%dma_start3A_2235, %multiple_of3A_2223] : memref<32x1000001xf32, #tpu.memory_space<hbm>> -> memref<32x128xf32, #tpu.memory_space<hbm>>
      tpu.enqueue_dma source(%dma_start3A_2236 : memref<32x128xf32, #tpu.memory_space<hbm>>) target(%dma_start3A_2234 : memref<32x128xf32, #tpu.memory_space<vmem>>) target_semaphore(%arg16 : memref<!tpu.dma_semaphore, #tpu.memory_space<semaphore_mem>>)
      %slice3A_2237 = vector.extract_strided_slice %select_n3A_1417 {offsets = [9], sizes = [1], strides = [1]} : vector<16xi32> to vector<1xi32>
      %squeeze3A_2238 = vector.extract %slice3A_2237[0] : i32 from vector<1xi32>
      %sub3A_2239 = arith.constant 1 : i32
      %sub3A_2240 = arith.subi %scan3A_1390, %sub3A_2239 : i32
      %mul3A_2241 = arith.constant 16 : i32
      %mul3A_2242 = arith.muli %sub3A_2240, %mul3A_2241 : i32
      %add3A_2243 = arith.constant 9 : i32
      %add3A_2244 = arith.addi %mul3A_2242, %add3A_2243 : i32
      %dma_wait3A_2245 = arith.constant 9 : i32
      %dma_wait3A_2246 = arith.constant 0 : i32
      %dma_wait3A_2247 = arith.constant 0 : i32
      %dma_wait3A_2248 = tpu.memref_slice %arg6[%dma_wait3A_2245, %dma_wait3A_2246, %dma_wait3A_2247] : memref<16x32x128xf32, #tpu.memory_space<vmem>> -> memref<1x32x128xf32, #tpu.memory_space<vmem>>
      %dma_wait3A_2249 = tpu.memref_squeeze %dma_wait3A_2248 : memref<1x32x128xf32, #tpu.memory_space<vmem>> -> memref<32x128xf32, #tpu.memory_space<vmem>>
      %dma_wait3A_2250 = arith.constant 0 : i32
      %dma_wait3A_2251 = arith.constant 0 : i32
      %dma_wait3A_2252 = tpu.memref_slice %arg2[%dma_wait3A_2250, %dma_wait3A_2251] : memref<32x1000001xf32, #tpu.memory_space<hbm>> -> memref<32x128xf32, #tpu.memory_space<hbm>>
      %dma_wait3A_2253 = arith.constant 0 : i32
      %dma_wait3A_2254 = arith.constant 0 : i32
      %dma_wait3A_2255 = tpu.memref_slice %arg6[%dma_wait3A_2245, %dma_wait3A_2253, %dma_wait3A_2254] : memref<16x32x128xf32, #tpu.memory_space<vmem>> -> memref<1x32x128xf32, #tpu.memory_space<vmem>>
      %dma_wait3A_2256 = tpu.memref_squeeze %dma_wait3A_2255 : memref<1x32x128xf32, #tpu.memory_space<vmem>> -> memref<32x128xf32, #tpu.memory_space<vmem>>
      %dma_wait3A_2257 = arith.constant 0 : i32
      %dma_wait3A_2258 = arith.constant 0 : i32
      %dma_wait3A_2259 = tpu.memref_slice %arg2[%dma_wait3A_2257, %dma_wait3A_2258] : memref<32x1000001xf32, #tpu.memory_space<hbm>> -> memref<32x128xf32, #tpu.memory_space<hbm>>
      tpu.wait_dma2 semaphore(%arg17 : memref<!tpu.dma_semaphore, #tpu.memory_space<semaphore_mem>>) src(%dma_wait3A_2259 : memref<32x128xf32, #tpu.memory_space<hbm>>) dst(%dma_wait3A_2256 : memref<32x128xf32, #tpu.memory_space<vmem>>)
      %broadcast_in_dim3A_2260 = vector.broadcast %squeeze3A_2238 : i32 to vector<16xi32>
      %broadcast_in_dim3A_2261 = vector.broadcast %add3A_2244 : i32 to vector<16xi32>
      %add3A_2262 = arith.constant 0 : i32
      %add3A_2263 = vector.broadcast %add3A_2262 : i32 to vector<16xi32>
      %add3A_2264 = arith.addi %iota3A, %add3A_2263 : vector<16xi32>
      %gather3A_2265 = arith.constant 9 : i32
      %gather3A_2266 = arith.constant 0 : i32
      %gather3A_2267 = arith.constant 0 : i32
      %gather3A_2268 = tpu.memref_slice %arg6[%gather3A_2265, %gather3A_2266, %gather3A_2267] : memref<16x32x128xf32, #tpu.memory_space<vmem>> -> memref<1x32x128xf32, #tpu.memory_space<vmem>>
      %gather3A_2269 = tpu.memref_squeeze %gather3A_2268 : memref<1x32x128xf32, #tpu.memory_space<vmem>> -> memref<32x128xf32, #tpu.memory_space<vmem>>
      %gather3A_2270 = tpu.vector_load_idx %gather3A_2269[%add3A_2264, %broadcast_in_dim3A_2260] : memref<32x128xf32, #tpu.memory_space<vmem>>[vector<16xi32>, vector<16xi32>], vector<16xf32>,
      %add3A_2271 = arith.constant 0 : i32
      %add3A_2272 = vector.broadcast %add3A_2271 : i32 to vector<16xi32>
      %add3A_2273 = arith.addi %iota3A, %add3A_2272 : vector<16xi32>
      tpu.vector_store_idx %arg7[%add3A_2273, %broadcast_in_dim3A_2261], %gather3A_2270 : memref<32x512xf32, #tpu.memory_space<vmem>>[vector<16xi32>, vector<16xi32>], vector<16xf32>,
      %add3A_2274 = arith.constant 16 : i32
      %add3A_2275 = vector.broadcast %add3A_2274 : i32 to vector<16xi32>
      %add3A_2276 = arith.addi %iota3A, %add3A_2275 : vector<16xi32>
      %gather3A_2277 = arith.constant 9 : i32
      %gather3A_2278 = arith.constant 0 : i32
      %gather3A_2279 = arith.constant 0 : i32
      %gather3A_2280 = tpu.memref_slice %arg6[%gather3A_2277, %gather3A_2278, %gather3A_2279] : memref<16x32x128xf32, #tpu.memory_space<vmem>> -> memref<1x32x128xf32, #tpu.memory_space<vmem>>
      %gather3A_2281 = tpu.memref_squeeze %gather3A_2280 : memref<1x32x128xf32, #tpu.memory_space<vmem>> -> memref<32x128xf32, #tpu.memory_space<vmem>>
      %gather3A_2282 = tpu.vector_load_idx %gather3A_2281[%add3A_2276, %broadcast_in_dim3A_2260] : memref<32x128xf32, #tpu.memory_space<vmem>>[vector<16xi32>, vector<16xi32>], vector<16xf32>,
      %add3A_2283 = arith.constant 16 : i32
      %add3A_2284 = vector.broadcast %add3A_2283 : i32 to vector<16xi32>
      %add3A_2285 = arith.addi %iota3A, %add3A_2284 : vector<16xi32>
      tpu.vector_store_idx %arg7[%add3A_2285, %broadcast_in_dim3A_2261], %gather3A_2282 : memref<32x512xf32, #tpu.memory_space<vmem>>[vector<16xi32>, vector<16xi32>], vector<16xf32>,
      %slice3A_2286 = vector.extract_strided_slice %get3A_1395 {offsets = [9], sizes = [1], strides = [1]} : vector<16xi32> to vector<1xi32>
      %squeeze3A_2287 = vector.extract %slice3A_2286[0] : i32 from vector<1xi32>
      %jit3A_2288 = arith.constant 128 : i32
      %div3A_2289 = arith.divsi %squeeze3A_2287, %jit3A_2288 : i32
      %sign3A_2290 = arith.constant 0 : i32
      %sign3A_2291 = arith.cmpi sgt, %squeeze3A_2287, %sign3A_2290 : i32
      %sign3A_2292 = arith.extui %sign3A_2291 : i1 to i32
      %sign3A_2293 = arith.constant 0 : i32
      %sign3A_2294 = arith.cmpi slt, %squeeze3A_2287, %sign3A_2293 : i32
      %sign3A_2295 = arith.extui %sign3A_2294 : i1 to i32
      %sign3A_2296 = arith.subi %sign3A_2292, %sign3A_2295 : i32
      %sign3A_2297 = arith.constant 0 : i32
      %sign3A_2298 = arith.cmpi sgt, %jit3A_2288, %sign3A_2297 : i32
      %sign3A_2299 = arith.extui %sign3A_2298 : i1 to i32
      %sign3A_2300 = arith.constant 0 : i32
      %sign3A_2301 = arith.cmpi slt, %jit3A_2288, %sign3A_2300 : i32
      %sign3A_2302 = arith.extui %sign3A_2301 : i1 to i32
      %sign3A_2303 = arith.subi %sign3A_2299, %sign3A_2302 : i32
      %ne3A_2304 = arith.cmpi ne, %sign3A_2296, %sign3A_2303 : i32
      %rem3A_2305 = arith.remsi %squeeze3A_2287, %jit3A_2288 : i32
      %ne3A_2306 = arith.constant 0 : i32
      %ne3A_2307 = arith.cmpi ne, %rem3A_2305, %ne3A_2306 : i32
      %and3A_2308 = arith.andi %ne3A_2304, %ne3A_2307 : i1
      %sub3A_2309 = arith.constant 1 : i32
      %sub3A_2310 = arith.subi %div3A_2289, %sub3A_2309 : i32
      %select_n3A_2311 = arith.select %and3A_2308, %sub3A_2310, %div3A_2289 : i32
      %mul3A_2312 = arith.constant 128 : i32
      %mul3A_2313 = arith.muli %select_n3A_2311, %mul3A_2312 : i32
      %multiple_of3A_2314 = tpu.assume_multiple %mul3A_2313, 128 : i32
      %dma_start3A_2315 = arith.constant 9 : i32
      %dma_start3A_2316 = arith.constant 0 : i32
      %dma_start3A_2317 = arith.constant 0 : i32
      %dma_start3A_2318 = tpu.memref_slice %arg6[%dma_start3A_2315, %dma_start3A_2316, %dma_start3A_2317] : memref<16x32x128xf32, #tpu.memory_space<vmem>> -> memref<1x32x128xf32, #tpu.memory_space<vmem>>
      %dma_start3A_2319 = tpu.memref_squeeze %dma_start3A_2318 : memref<1x32x128xf32, #tpu.memory_space<vmem>> -> memref<32x128xf32, #tpu.memory_space<vmem>>
      %dma_start3A_2320 = arith.constant 0 : i32
      %dma_start3A_2321 = tpu.memref_slice %arg2[%dma_start3A_2320, %multiple_of3A_2314] : memref<32x1000001xf32, #tpu.memory_space<hbm>> -> memref<32x128xf32, #tpu.memory_space<hbm>>
      %dma_start3A_2322 = arith.constant 0 : i32
      %dma_start3A_2323 = arith.constant 0 : i32
      %dma_start3A_2324 = tpu.memref_slice %arg6[%dma_start3A_2315, %dma_start3A_2322, %dma_start3A_2323] : memref<16x32x128xf32, #tpu.memory_space<vmem>> -> memref<1x32x128xf32, #tpu.memory_space<vmem>>
      %dma_start3A_2325 = tpu.memref_squeeze %dma_start3A_2324 : memref<1x32x128xf32, #tpu.memory_space<vmem>> -> memref<32x128xf32, #tpu.memory_space<vmem>>
      %dma_start3A_2326 = arith.constant 0 : i32
      %dma_start3A_2327 = tpu.memref_slice %arg2[%dma_start3A_2326, %multiple_of3A_2314] : memref<32x1000001xf32, #tpu.memory_space<hbm>> -> memref<32x128xf32, #tpu.memory_space<hbm>>
      tpu.enqueue_dma source(%dma_start3A_2327 : memref<32x128xf32, #tpu.memory_space<hbm>>) target(%dma_start3A_2325 : memref<32x128xf32, #tpu.memory_space<vmem>>) target_semaphore(%arg17 : memref<!tpu.dma_semaphore, #tpu.memory_space<semaphore_mem>>)
      %slice3A_2328 = vector.extract_strided_slice %select_n3A_1417 {offsets = [10], sizes = [1], strides = [1]} : vector<16xi32> to vector<1xi32>
      %squeeze3A_2329 = vector.extract %slice3A_2328[0] : i32 from vector<1xi32>
      %sub3A_2330 = arith.constant 1 : i32
      %sub3A_2331 = arith.subi %scan3A_1390, %sub3A_2330 : i32
      %mul3A_2332 = arith.constant 16 : i32
      %mul3A_2333 = arith.muli %sub3A_2331, %mul3A_2332 : i32
      %add3A_2334 = arith.constant 10 : i32
      %add3A_2335 = arith.addi %mul3A_2333, %add3A_2334 : i32
      %dma_wait3A_2336 = arith.constant 10 : i32
      %dma_wait3A_2337 = arith.constant 0 : i32
      %dma_wait3A_2338 = arith.constant 0 : i32
      %dma_wait3A_2339 = tpu.memref_slice %arg6[%dma_wait3A_2336, %dma_wait3A_2337, %dma_wait3A_2338] : memref<16x32x128xf32, #tpu.memory_space<vmem>> -> memref<1x32x128xf32, #tpu.memory_space<vmem>>
      %dma_wait3A_2340 = tpu.memref_squeeze %dma_wait3A_2339 : memref<1x32x128xf32, #tpu.memory_space<vmem>> -> memref<32x128xf32, #tpu.memory_space<vmem>>
      %dma_wait3A_2341 = arith.constant 0 : i32
      %dma_wait3A_2342 = arith.constant 0 : i32
      %dma_wait3A_2343 = tpu.memref_slice %arg2[%dma_wait3A_2341, %dma_wait3A_2342] : memref<32x1000001xf32, #tpu.memory_space<hbm>> -> memref<32x128xf32, #tpu.memory_space<hbm>>
      %dma_wait3A_2344 = arith.constant 0 : i32
      %dma_wait3A_2345 = arith.constant 0 : i32
      %dma_wait3A_2346 = tpu.memref_slice %arg6[%dma_wait3A_2336, %dma_wait3A_2344, %dma_wait3A_2345] : memref<16x32x128xf32, #tpu.memory_space<vmem>> -> memref<1x32x128xf32, #tpu.memory_space<vmem>>
      %dma_wait3A_2347 = tpu.memref_squeeze %dma_wait3A_2346 : memref<1x32x128xf32, #tpu.memory_space<vmem>> -> memref<32x128xf32, #tpu.memory_space<vmem>>
      %dma_wait3A_2348 = arith.constant 0 : i32
      %dma_wait3A_2349 = arith.constant 0 : i32
      %dma_wait3A_2350 = tpu.memref_slice %arg2[%dma_wait3A_2348, %dma_wait3A_2349] : memref<32x1000001xf32, #tpu.memory_space<hbm>> -> memref<32x128xf32, #tpu.memory_space<hbm>>
      tpu.wait_dma2 semaphore(%arg18 : memref<!tpu.dma_semaphore, #tpu.memory_space<semaphore_mem>>) src(%dma_wait3A_2350 : memref<32x128xf32, #tpu.memory_space<hbm>>) dst(%dma_wait3A_2347 : memref<32x128xf32, #tpu.memory_space<vmem>>)
      %broadcast_in_dim3A_2351 = vector.broadcast %squeeze3A_2329 : i32 to vector<16xi32>
      %broadcast_in_dim3A_2352 = vector.broadcast %add3A_2335 : i32 to vector<16xi32>
      %add3A_2353 = arith.constant 0 : i32
      %add3A_2354 = vector.broadcast %add3A_2353 : i32 to vector<16xi32>
      %add3A_2355 = arith.addi %iota3A, %add3A_2354 : vector<16xi32>
      %gather3A_2356 = arith.constant 10 : i32
      %gather3A_2357 = arith.constant 0 : i32
      %gather3A_2358 = arith.constant 0 : i32
      %gather3A_2359 = tpu.memref_slice %arg6[%gather3A_2356, %gather3A_2357, %gather3A_2358] : memref<16x32x128xf32, #tpu.memory_space<vmem>> -> memref<1x32x128xf32, #tpu.memory_space<vmem>>
      %gather3A_2360 = tpu.memref_squeeze %gather3A_2359 : memref<1x32x128xf32, #tpu.memory_space<vmem>> -> memref<32x128xf32, #tpu.memory_space<vmem>>
      %gather3A_2361 = tpu.vector_load_idx %gather3A_2360[%add3A_2355, %broadcast_in_dim3A_2351] : memref<32x128xf32, #tpu.memory_space<vmem>>[vector<16xi32>, vector<16xi32>], vector<16xf32>,
      %add3A_2362 = arith.constant 0 : i32
      %add3A_2363 = vector.broadcast %add3A_2362 : i32 to vector<16xi32>
      %add3A_2364 = arith.addi %iota3A, %add3A_2363 : vector<16xi32>
      tpu.vector_store_idx %arg7[%add3A_2364, %broadcast_in_dim3A_2352], %gather3A_2361 : memref<32x512xf32, #tpu.memory_space<vmem>>[vector<16xi32>, vector<16xi32>], vector<16xf32>,
      %add3A_2365 = arith.constant 16 : i32
      %add3A_2366 = vector.broadcast %add3A_2365 : i32 to vector<16xi32>
      %add3A_2367 = arith.addi %iota3A, %add3A_2366 : vector<16xi32>
      %gather3A_2368 = arith.constant 10 : i32
      %gather3A_2369 = arith.constant 0 : i32
      %gather3A_2370 = arith.constant 0 : i32
      %gather3A_2371 = tpu.memref_slice %arg6[%gather3A_2368, %gather3A_2369, %gather3A_2370] : memref<16x32x128xf32, #tpu.memory_space<vmem>> -> memref<1x32x128xf32, #tpu.memory_space<vmem>>
      %gather3A_2372 = tpu.memref_squeeze %gather3A_2371 : memref<1x32x128xf32, #tpu.memory_space<vmem>> -> memref<32x128xf32, #tpu.memory_space<vmem>>
      %gather3A_2373 = tpu.vector_load_idx %gather3A_2372[%add3A_2367, %broadcast_in_dim3A_2351] : memref<32x128xf32, #tpu.memory_space<vmem>>[vector<16xi32>, vector<16xi32>], vector<16xf32>,
      %add3A_2374 = arith.constant 16 : i32
      %add3A_2375 = vector.broadcast %add3A_2374 : i32 to vector<16xi32>
      %add3A_2376 = arith.addi %iota3A, %add3A_2375 : vector<16xi32>
      tpu.vector_store_idx %arg7[%add3A_2376, %broadcast_in_dim3A_2352], %gather3A_2373 : memref<32x512xf32, #tpu.memory_space<vmem>>[vector<16xi32>, vector<16xi32>], vector<16xf32>,
      %slice3A_2377 = vector.extract_strided_slice %get3A_1395 {offsets = [10], sizes = [1], strides = [1]} : vector<16xi32> to vector<1xi32>
      %squeeze3A_2378 = vector.extract %slice3A_2377[0] : i32 from vector<1xi32>
      %jit3A_2379 = arith.constant 128 : i32
      %div3A_2380 = arith.divsi %squeeze3A_2378, %jit3A_2379 : i32
      %sign3A_2381 = arith.constant 0 : i32
      %sign3A_2382 = arith.cmpi sgt, %squeeze3A_2378, %sign3A_2381 : i32
      %sign3A_2383 = arith.extui %sign3A_2382 : i1 to i32
      %sign3A_2384 = arith.constant 0 : i32
      %sign3A_2385 = arith.cmpi slt, %squeeze3A_2378, %sign3A_2384 : i32
      %sign3A_2386 = arith.extui %sign3A_2385 : i1 to i32
      %sign3A_2387 = arith.subi %sign3A_2383, %sign3A_2386 : i32
      %sign3A_2388 = arith.constant 0 : i32
      %sign3A_2389 = arith.cmpi sgt, %jit3A_2379, %sign3A_2388 : i32
      %sign3A_2390 = arith.extui %sign3A_2389 : i1 to i32
      %sign3A_2391 = arith.constant 0 : i32
      %sign3A_2392 = arith.cmpi slt, %jit3A_2379, %sign3A_2391 : i32
      %sign3A_2393 = arith.extui %sign3A_2392 : i1 to i32
      %sign3A_2394 = arith.subi %sign3A_2390, %sign3A_2393 : i32
      %ne3A_2395 = arith.cmpi ne, %sign3A_2387, %sign3A_2394 : i32
      %rem3A_2396 = arith.remsi %squeeze3A_2378, %jit3A_2379 : i32
      %ne3A_2397 = arith.constant 0 : i32
      %ne3A_2398 = arith.cmpi ne, %rem3A_2396, %ne3A_2397 : i32
      %and3A_2399 = arith.andi %ne3A_2395, %ne3A_2398 : i1
      %sub3A_2400 = arith.constant 1 : i32
      %sub3A_2401 = arith.subi %div3A_2380, %sub3A_2400 : i32
      %select_n3A_2402 = arith.select %and3A_2399, %sub3A_2401, %div3A_2380 : i32
      %mul3A_2403 = arith.constant 128 : i32
      %mul3A_2404 = arith.muli %select_n3A_2402, %mul3A_2403 : i32
      %multiple_of3A_2405 = tpu.assume_multiple %mul3A_2404, 128 : i32
      %dma_start3A_2406 = arith.constant 10 : i32
      %dma_start3A_2407 = arith.constant 0 : i32
      %dma_start3A_2408 = arith.constant 0 : i32
      %dma_start3A_2409 = tpu.memref_slice %arg6[%dma_start3A_2406, %dma_start3A_2407, %dma_start3A_2408] : memref<16x32x128xf32, #tpu.memory_space<vmem>> -> memref<1x32x128xf32, #tpu.memory_space<vmem>>
      %dma_start3A_2410 = tpu.memref_squeeze %dma_start3A_2409 : memref<1x32x128xf32, #tpu.memory_space<vmem>> -> memref<32x128xf32, #tpu.memory_space<vmem>>
      %dma_start3A_2411 = arith.constant 0 : i32
      %dma_start3A_2412 = tpu.memref_slice %arg2[%dma_start3A_2411, %multiple_of3A_2405] : memref<32x1000001xf32, #tpu.memory_space<hbm>> -> memref<32x128xf32, #tpu.memory_space<hbm>>
      %dma_start3A_2413 = arith.constant 0 : i32
      %dma_start3A_2414 = arith.constant 0 : i32
      %dma_start3A_2415 = tpu.memref_slice %arg6[%dma_start3A_2406, %dma_start3A_2413, %dma_start3A_2414] : memref<16x32x128xf32, #tpu.memory_space<vmem>> -> memref<1x32x128xf32, #tpu.memory_space<vmem>>
      %dma_start3A_2416 = tpu.memref_squeeze %dma_start3A_2415 : memref<1x32x128xf32, #tpu.memory_space<vmem>> -> memref<32x128xf32, #tpu.memory_space<vmem>>
      %dma_start3A_2417 = arith.constant 0 : i32
      %dma_start3A_2418 = tpu.memref_slice %arg2[%dma_start3A_2417, %multiple_of3A_2405] : memref<32x1000001xf32, #tpu.memory_space<hbm>> -> memref<32x128xf32, #tpu.memory_space<hbm>>
      tpu.enqueue_dma source(%dma_start3A_2418 : memref<32x128xf32, #tpu.memory_space<hbm>>) target(%dma_start3A_2416 : memref<32x128xf32, #tpu.memory_space<vmem>>) target_semaphore(%arg18 : memref<!tpu.dma_semaphore, #tpu.memory_space<semaphore_mem>>)
      %slice3A_2419 = vector.extract_strided_slice %select_n3A_1417 {offsets = [11], sizes = [1], strides = [1]} : vector<16xi32> to vector<1xi32>
      %squeeze3A_2420 = vector.extract %slice3A_2419[0] : i32 from vector<1xi32>
      %sub3A_2421 = arith.constant 1 : i32
      %sub3A_2422 = arith.subi %scan3A_1390, %sub3A_2421 : i32
      %mul3A_2423 = arith.constant 16 : i32
      %mul3A_2424 = arith.muli %sub3A_2422, %mul3A_2423 : i32
      %add3A_2425 = arith.constant 11 : i32
      %add3A_2426 = arith.addi %mul3A_2424, %add3A_2425 : i32
      %dma_wait3A_2427 = arith.constant 11 : i32
      %dma_wait3A_2428 = arith.constant 0 : i32
      %dma_wait3A_2429 = arith.constant 0 : i32
      %dma_wait3A_2430 = tpu.memref_slice %arg6[%dma_wait3A_2427, %dma_wait3A_2428, %dma_wait3A_2429] : memref<16x32x128xf32, #tpu.memory_space<vmem>> -> memref<1x32x128xf32, #tpu.memory_space<vmem>>
      %dma_wait3A_2431 = tpu.memref_squeeze %dma_wait3A_2430 : memref<1x32x128xf32, #tpu.memory_space<vmem>> -> memref<32x128xf32, #tpu.memory_space<vmem>>
      %dma_wait3A_2432 = arith.constant 0 : i32
      %dma_wait3A_2433 = arith.constant 0 : i32
      %dma_wait3A_2434 = tpu.memref_slice %arg2[%dma_wait3A_2432, %dma_wait3A_2433] : memref<32x1000001xf32, #tpu.memory_space<hbm>> -> memref<32x128xf32, #tpu.memory_space<hbm>>
      %dma_wait3A_2435 = arith.constant 0 : i32
      %dma_wait3A_2436 = arith.constant 0 : i32
      %dma_wait3A_2437 = tpu.memref_slice %arg6[%dma_wait3A_2427, %dma_wait3A_2435, %dma_wait3A_2436] : memref<16x32x128xf32, #tpu.memory_space<vmem>> -> memref<1x32x128xf32, #tpu.memory_space<vmem>>
      %dma_wait3A_2438 = tpu.memref_squeeze %dma_wait3A_2437 : memref<1x32x128xf32, #tpu.memory_space<vmem>> -> memref<32x128xf32, #tpu.memory_space<vmem>>
      %dma_wait3A_2439 = arith.constant 0 : i32
      %dma_wait3A_2440 = arith.constant 0 : i32
      %dma_wait3A_2441 = tpu.memref_slice %arg2[%dma_wait3A_2439, %dma_wait3A_2440] : memref<32x1000001xf32, #tpu.memory_space<hbm>> -> memref<32x128xf32, #tpu.memory_space<hbm>>
      tpu.wait_dma2 semaphore(%arg19 : memref<!tpu.dma_semaphore, #tpu.memory_space<semaphore_mem>>) src(%dma_wait3A_2441 : memref<32x128xf32, #tpu.memory_space<hbm>>) dst(%dma_wait3A_2438 : memref<32x128xf32, #tpu.memory_space<vmem>>)
      %broadcast_in_dim3A_2442 = vector.broadcast %squeeze3A_2420 : i32 to vector<16xi32>
      %broadcast_in_dim3A_2443 = vector.broadcast %add3A_2426 : i32 to vector<16xi32>
      %add3A_2444 = arith.constant 0 : i32
      %add3A_2445 = vector.broadcast %add3A_2444 : i32 to vector<16xi32>
      %add3A_2446 = arith.addi %iota3A, %add3A_2445 : vector<16xi32>
      %gather3A_2447 = arith.constant 11 : i32
      %gather3A_2448 = arith.constant 0 : i32
      %gather3A_2449 = arith.constant 0 : i32
      %gather3A_2450 = tpu.memref_slice %arg6[%gather3A_2447, %gather3A_2448, %gather3A_2449] : memref<16x32x128xf32, #tpu.memory_space<vmem>> -> memref<1x32x128xf32, #tpu.memory_space<vmem>>
      %gather3A_2451 = tpu.memref_squeeze %gather3A_2450 : memref<1x32x128xf32, #tpu.memory_space<vmem>> -> memref<32x128xf32, #tpu.memory_space<vmem>>
      %gather3A_2452 = tpu.vector_load_idx %gather3A_2451[%add3A_2446, %broadcast_in_dim3A_2442] : memref<32x128xf32, #tpu.memory_space<vmem>>[vector<16xi32>, vector<16xi32>], vector<16xf32>,
      %add3A_2453 = arith.constant 0 : i32
      %add3A_2454 = vector.broadcast %add3A_2453 : i32 to vector<16xi32>
      %add3A_2455 = arith.addi %iota3A, %add3A_2454 : vector<16xi32>
      tpu.vector_store_idx %arg7[%add3A_2455, %broadcast_in_dim3A_2443], %gather3A_2452 : memref<32x512xf32, #tpu.memory_space<vmem>>[vector<16xi32>, vector<16xi32>], vector<16xf32>,
      %add3A_2456 = arith.constant 16 : i32
      %add3A_2457 = vector.broadcast %add3A_2456 : i32 to vector<16xi32>
      %add3A_2458 = arith.addi %iota3A, %add3A_2457 : vector<16xi32>
      %gather3A_2459 = arith.constant 11 : i32
      %gather3A_2460 = arith.constant 0 : i32
      %gather3A_2461 = arith.constant 0 : i32
      %gather3A_2462 = tpu.memref_slice %arg6[%gather3A_2459, %gather3A_2460, %gather3A_2461] : memref<16x32x128xf32, #tpu.memory_space<vmem>> -> memref<1x32x128xf32, #tpu.memory_space<vmem>>
      %gather3A_2463 = tpu.memref_squeeze %gather3A_2462 : memref<1x32x128xf32, #tpu.memory_space<vmem>> -> memref<32x128xf32, #tpu.memory_space<vmem>>
      %gather3A_2464 = tpu.vector_load_idx %gather3A_2463[%add3A_2458, %broadcast_in_dim3A_2442] : memref<32x128xf32, #tpu.memory_space<vmem>>[vector<16xi32>, vector<16xi32>], vector<16xf32>,
      %add3A_2465 = arith.constant 16 : i32
      %add3A_2466 = vector.broadcast %add3A_2465 : i32 to vector<16xi32>
      %add3A_2467 = arith.addi %iota3A, %add3A_2466 : vector<16xi32>
      tpu.vector_store_idx %arg7[%add3A_2467, %broadcast_in_dim3A_2443], %gather3A_2464 : memref<32x512xf32, #tpu.memory_space<vmem>>[vector<16xi32>, vector<16xi32>], vector<16xf32>,
      %slice3A_2468 = vector.extract_strided_slice %get3A_1395 {offsets = [11], sizes = [1], strides = [1]} : vector<16xi32> to vector<1xi32>
      %squeeze3A_2469 = vector.extract %slice3A_2468[0] : i32 from vector<1xi32>
      %jit3A_2470 = arith.constant 128 : i32
      %div3A_2471 = arith.divsi %squeeze3A_2469, %jit3A_2470 : i32
      %sign3A_2472 = arith.constant 0 : i32
      %sign3A_2473 = arith.cmpi sgt, %squeeze3A_2469, %sign3A_2472 : i32
      %sign3A_2474 = arith.extui %sign3A_2473 : i1 to i32
      %sign3A_2475 = arith.constant 0 : i32
      %sign3A_2476 = arith.cmpi slt, %squeeze3A_2469, %sign3A_2475 : i32
      %sign3A_2477 = arith.extui %sign3A_2476 : i1 to i32
      %sign3A_2478 = arith.subi %sign3A_2474, %sign3A_2477 : i32
      %sign3A_2479 = arith.constant 0 : i32
      %sign3A_2480 = arith.cmpi sgt, %jit3A_2470, %sign3A_2479 : i32
      %sign3A_2481 = arith.extui %sign3A_2480 : i1 to i32
      %sign3A_2482 = arith.constant 0 : i32
      %sign3A_2483 = arith.cmpi slt, %jit3A_2470, %sign3A_2482 : i32
      %sign3A_2484 = arith.extui %sign3A_2483 : i1 to i32
      %sign3A_2485 = arith.subi %sign3A_2481, %sign3A_2484 : i32
      %ne3A_2486 = arith.cmpi ne, %sign3A_2478, %sign3A_2485 : i32
      %rem3A_2487 = arith.remsi %squeeze3A_2469, %jit3A_2470 : i32
      %ne3A_2488 = arith.constant 0 : i32
      %ne3A_2489 = arith.cmpi ne, %rem3A_2487, %ne3A_2488 : i32
      %and3A_2490 = arith.andi %ne3A_2486, %ne3A_2489 : i1
      %sub3A_2491 = arith.constant 1 : i32
      %sub3A_2492 = arith.subi %div3A_2471, %sub3A_2491 : i32
      %select_n3A_2493 = arith.select %and3A_2490, %sub3A_2492, %div3A_2471 : i32
      %mul3A_2494 = arith.constant 128 : i32
      %mul3A_2495 = arith.muli %select_n3A_2493, %mul3A_2494 : i32
      %multiple_of3A_2496 = tpu.assume_multiple %mul3A_2495, 128 : i32
      %dma_start3A_2497 = arith.constant 11 : i32
      %dma_start3A_2498 = arith.constant 0 : i32
      %dma_start3A_2499 = arith.constant 0 : i32
      %dma_start3A_2500 = tpu.memref_slice %arg6[%dma_start3A_2497, %dma_start3A_2498, %dma_start3A_2499] : memref<16x32x128xf32, #tpu.memory_space<vmem>> -> memref<1x32x128xf32, #tpu.memory_space<vmem>>
      %dma_start3A_2501 = tpu.memref_squeeze %dma_start3A_2500 : memref<1x32x128xf32, #tpu.memory_space<vmem>> -> memref<32x128xf32, #tpu.memory_space<vmem>>
      %dma_start3A_2502 = arith.constant 0 : i32
      %dma_start3A_2503 = tpu.memref_slice %arg2[%dma_start3A_2502, %multiple_of3A_2496] : memref<32x1000001xf32, #tpu.memory_space<hbm>> -> memref<32x128xf32, #tpu.memory_space<hbm>>
      %dma_start3A_2504 = arith.constant 0 : i32
      %dma_start3A_2505 = arith.constant 0 : i32
      %dma_start3A_2506 = tpu.memref_slice %arg6[%dma_start3A_2497, %dma_start3A_2504, %dma_start3A_2505] : memref<16x32x128xf32, #tpu.memory_space<vmem>> -> memref<1x32x128xf32, #tpu.memory_space<vmem>>
      %dma_start3A_2507 = tpu.memref_squeeze %dma_start3A_2506 : memref<1x32x128xf32, #tpu.memory_space<vmem>> -> memref<32x128xf32, #tpu.memory_space<vmem>>
      %dma_start3A_2508 = arith.constant 0 : i32
      %dma_start3A_2509 = tpu.memref_slice %arg2[%dma_start3A_2508, %multiple_of3A_2496] : memref<32x1000001xf32, #tpu.memory_space<hbm>> -> memref<32x128xf32, #tpu.memory_space<hbm>>
      tpu.enqueue_dma source(%dma_start3A_2509 : memref<32x128xf32, #tpu.memory_space<hbm>>) target(%dma_start3A_2507 : memref<32x128xf32, #tpu.memory_space<vmem>>) target_semaphore(%arg19 : memref<!tpu.dma_semaphore, #tpu.memory_space<semaphore_mem>>)
      %slice3A_2510 = vector.extract_strided_slice %select_n3A_1417 {offsets = [12], sizes = [1], strides = [1]} : vector<16xi32> to vector<1xi32>
      %squeeze3A_2511 = vector.extract %slice3A_2510[0] : i32 from vector<1xi32>
      %sub3A_2512 = arith.constant 1 : i32
      %sub3A_2513 = arith.subi %scan3A_1390, %sub3A_2512 : i32
      %mul3A_2514 = arith.constant 16 : i32
      %mul3A_2515 = arith.muli %sub3A_2513, %mul3A_2514 : i32
      %add3A_2516 = arith.constant 12 : i32
      %add3A_2517 = arith.addi %mul3A_2515, %add3A_2516 : i32
      %dma_wait3A_2518 = arith.constant 12 : i32
      %dma_wait3A_2519 = arith.constant 0 : i32
      %dma_wait3A_2520 = arith.constant 0 : i32
      %dma_wait3A_2521 = tpu.memref_slice %arg6[%dma_wait3A_2518, %dma_wait3A_2519, %dma_wait3A_2520] : memref<16x32x128xf32, #tpu.memory_space<vmem>> -> memref<1x32x128xf32, #tpu.memory_space<vmem>>
      %dma_wait3A_2522 = tpu.memref_squeeze %dma_wait3A_2521 : memref<1x32x128xf32, #tpu.memory_space<vmem>> -> memref<32x128xf32, #tpu.memory_space<vmem>>
      %dma_wait3A_2523 = arith.constant 0 : i32
      %dma_wait3A_2524 = arith.constant 0 : i32
      %dma_wait3A_2525 = tpu.memref_slice %arg2[%dma_wait3A_2523, %dma_wait3A_2524] : memref<32x1000001xf32, #tpu.memory_space<hbm>> -> memref<32x128xf32, #tpu.memory_space<hbm>>
      %dma_wait3A_2526 = arith.constant 0 : i32
      %dma_wait3A_2527 = arith.constant 0 : i32
      %dma_wait3A_2528 = tpu.memref_slice %arg6[%dma_wait3A_2518, %dma_wait3A_2526, %dma_wait3A_2527] : memref<16x32x128xf32, #tpu.memory_space<vmem>> -> memref<1x32x128xf32, #tpu.memory_space<vmem>>
      %dma_wait3A_2529 = tpu.memref_squeeze %dma_wait3A_2528 : memref<1x32x128xf32, #tpu.memory_space<vmem>> -> memref<32x128xf32, #tpu.memory_space<vmem>>
      %dma_wait3A_2530 = arith.constant 0 : i32
      %dma_wait3A_2531 = arith.constant 0 : i32
      %dma_wait3A_2532 = tpu.memref_slice %arg2[%dma_wait3A_2530, %dma_wait3A_2531] : memref<32x1000001xf32, #tpu.memory_space<hbm>> -> memref<32x128xf32, #tpu.memory_space<hbm>>
      tpu.wait_dma2 semaphore(%arg20 : memref<!tpu.dma_semaphore, #tpu.memory_space<semaphore_mem>>) src(%dma_wait3A_2532 : memref<32x128xf32, #tpu.memory_space<hbm>>) dst(%dma_wait3A_2529 : memref<32x128xf32, #tpu.memory_space<vmem>>)
      %broadcast_in_dim3A_2533 = vector.broadcast %squeeze3A_2511 : i32 to vector<16xi32>
      %broadcast_in_dim3A_2534 = vector.broadcast %add3A_2517 : i32 to vector<16xi32>
      %add3A_2535 = arith.constant 0 : i32
      %add3A_2536 = vector.broadcast %add3A_2535 : i32 to vector<16xi32>
      %add3A_2537 = arith.addi %iota3A, %add3A_2536 : vector<16xi32>
      %gather3A_2538 = arith.constant 12 : i32
      %gather3A_2539 = arith.constant 0 : i32
      %gather3A_2540 = arith.constant 0 : i32
      %gather3A_2541 = tpu.memref_slice %arg6[%gather3A_2538, %gather3A_2539, %gather3A_2540] : memref<16x32x128xf32, #tpu.memory_space<vmem>> -> memref<1x32x128xf32, #tpu.memory_space<vmem>>
      %gather3A_2542 = tpu.memref_squeeze %gather3A_2541 : memref<1x32x128xf32, #tpu.memory_space<vmem>> -> memref<32x128xf32, #tpu.memory_space<vmem>>
      %gather3A_2543 = tpu.vector_load_idx %gather3A_2542[%add3A_2537, %broadcast_in_dim3A_2533] : memref<32x128xf32, #tpu.memory_space<vmem>>[vector<16xi32>, vector<16xi32>], vector<16xf32>,
      %add3A_2544 = arith.constant 0 : i32
      %add3A_2545 = vector.broadcast %add3A_2544 : i32 to vector<16xi32>
      %add3A_2546 = arith.addi %iota3A, %add3A_2545 : vector<16xi32>
      tpu.vector_store_idx %arg7[%add3A_2546, %broadcast_in_dim3A_2534], %gather3A_2543 : memref<32x512xf32, #tpu.memory_space<vmem>>[vector<16xi32>, vector<16xi32>], vector<16xf32>,
      %add3A_2547 = arith.constant 16 : i32
      %add3A_2548 = vector.broadcast %add3A_2547 : i32 to vector<16xi32>
      %add3A_2549 = arith.addi %iota3A, %add3A_2548 : vector<16xi32>
      %gather3A_2550 = arith.constant 12 : i32
      %gather3A_2551 = arith.constant 0 : i32
      %gather3A_2552 = arith.constant 0 : i32
      %gather3A_2553 = tpu.memref_slice %arg6[%gather3A_2550, %gather3A_2551, %gather3A_2552] : memref<16x32x128xf32, #tpu.memory_space<vmem>> -> memref<1x32x128xf32, #tpu.memory_space<vmem>>
      %gather3A_2554 = tpu.memref_squeeze %gather3A_2553 : memref<1x32x128xf32, #tpu.memory_space<vmem>> -> memref<32x128xf32, #tpu.memory_space<vmem>>
      %gather3A_2555 = tpu.vector_load_idx %gather3A_2554[%add3A_2549, %broadcast_in_dim3A_2533] : memref<32x128xf32, #tpu.memory_space<vmem>>[vector<16xi32>, vector<16xi32>], vector<16xf32>,
      %add3A_2556 = arith.constant 16 : i32
      %add3A_2557 = vector.broadcast %add3A_2556 : i32 to vector<16xi32>
      %add3A_2558 = arith.addi %iota3A, %add3A_2557 : vector<16xi32>
      tpu.vector_store_idx %arg7[%add3A_2558, %broadcast_in_dim3A_2534], %gather3A_2555 : memref<32x512xf32, #tpu.memory_space<vmem>>[vector<16xi32>, vector<16xi32>], vector<16xf32>,
      %slice3A_2559 = vector.extract_strided_slice %get3A_1395 {offsets = [12], sizes = [1], strides = [1]} : vector<16xi32> to vector<1xi32>
      %squeeze3A_2560 = vector.extract %slice3A_2559[0] : i32 from vector<1xi32>
      %jit3A_2561 = arith.constant 128 : i32
      %div3A_2562 = arith.divsi %squeeze3A_2560, %jit3A_2561 : i32
      %sign3A_2563 = arith.constant 0 : i32
      %sign3A_2564 = arith.cmpi sgt, %squeeze3A_2560, %sign3A_2563 : i32
      %sign3A_2565 = arith.extui %sign3A_2564 : i1 to i32
      %sign3A_2566 = arith.constant 0 : i32
      %sign3A_2567 = arith.cmpi slt, %squeeze3A_2560, %sign3A_2566 : i32
      %sign3A_2568 = arith.extui %sign3A_2567 : i1 to i32
      %sign3A_2569 = arith.subi %sign3A_2565, %sign3A_2568 : i32
      %sign3A_2570 = arith.constant 0 : i32
      %sign3A_2571 = arith.cmpi sgt, %jit3A_2561, %sign3A_2570 : i32
      %sign3A_2572 = arith.extui %sign3A_2571 : i1 to i32
      %sign3A_2573 = arith.constant 0 : i32
      %sign3A_2574 = arith.cmpi slt, %jit3A_2561, %sign3A_2573 : i32
      %sign3A_2575 = arith.extui %sign3A_2574 : i1 to i32
      %sign3A_2576 = arith.subi %sign3A_2572, %sign3A_2575 : i32
      %ne3A_2577 = arith.cmpi ne, %sign3A_2569, %sign3A_2576 : i32
      %rem3A_2578 = arith.remsi %squeeze3A_2560, %jit3A_2561 : i32
      %ne3A_2579 = arith.constant 0 : i32
      %ne3A_2580 = arith.cmpi ne, %rem3A_2578, %ne3A_2579 : i32
      %and3A_2581 = arith.andi %ne3A_2577, %ne3A_2580 : i1
      %sub3A_2582 = arith.constant 1 : i32
      %sub3A_2583 = arith.subi %div3A_2562, %sub3A_2582 : i32
      %select_n3A_2584 = arith.select %and3A_2581, %sub3A_2583, %div3A_2562 : i32
      %mul3A_2585 = arith.constant 128 : i32
      %mul3A_2586 = arith.muli %select_n3A_2584, %mul3A_2585 : i32
      %multiple_of3A_2587 = tpu.assume_multiple %mul3A_2586, 128 : i32
      %dma_start3A_2588 = arith.constant 12 : i32
      %dma_start3A_2589 = arith.constant 0 : i32
      %dma_start3A_2590 = arith.constant 0 : i32
      %dma_start3A_2591 = tpu.memref_slice %arg6[%dma_start3A_2588, %dma_start3A_2589, %dma_start3A_2590] : memref<16x32x128xf32, #tpu.memory_space<vmem>> -> memref<1x32x128xf32, #tpu.memory_space<vmem>>
      %dma_start3A_2592 = tpu.memref_squeeze %dma_start3A_2591 : memref<1x32x128xf32, #tpu.memory_space<vmem>> -> memref<32x128xf32, #tpu.memory_space<vmem>>
      %dma_start3A_2593 = arith.constant 0 : i32
      %dma_start3A_2594 = tpu.memref_slice %arg2[%dma_start3A_2593, %multiple_of3A_2587] : memref<32x1000001xf32, #tpu.memory_space<hbm>> -> memref<32x128xf32, #tpu.memory_space<hbm>>
      %dma_start3A_2595 = arith.constant 0 : i32
      %dma_start3A_2596 = arith.constant 0 : i32
      %dma_start3A_2597 = tpu.memref_slice %arg6[%dma_start3A_2588, %dma_start3A_2595, %dma_start3A_2596] : memref<16x32x128xf32, #tpu.memory_space<vmem>> -> memref<1x32x128xf32, #tpu.memory_space<vmem>>
      %dma_start3A_2598 = tpu.memref_squeeze %dma_start3A_2597 : memref<1x32x128xf32, #tpu.memory_space<vmem>> -> memref<32x128xf32, #tpu.memory_space<vmem>>
      %dma_start3A_2599 = arith.constant 0 : i32
      %dma_start3A_2600 = tpu.memref_slice %arg2[%dma_start3A_2599, %multiple_of3A_2587] : memref<32x1000001xf32, #tpu.memory_space<hbm>> -> memref<32x128xf32, #tpu.memory_space<hbm>>
      tpu.enqueue_dma source(%dma_start3A_2600 : memref<32x128xf32, #tpu.memory_space<hbm>>) target(%dma_start3A_2598 : memref<32x128xf32, #tpu.memory_space<vmem>>) target_semaphore(%arg20 : memref<!tpu.dma_semaphore, #tpu.memory_space<semaphore_mem>>)
      %slice3A_2601 = vector.extract_strided_slice %select_n3A_1417 {offsets = [13], sizes = [1], strides = [1]} : vector<16xi32> to vector<1xi32>
      %squeeze3A_2602 = vector.extract %slice3A_2601[0] : i32 from vector<1xi32>
      %sub3A_2603 = arith.constant 1 : i32
      %sub3A_2604 = arith.subi %scan3A_1390, %sub3A_2603 : i32
      %mul3A_2605 = arith.constant 16 : i32
      %mul3A_2606 = arith.muli %sub3A_2604, %mul3A_2605 : i32
      %add3A_2607 = arith.constant 13 : i32
      %add3A_2608 = arith.addi %mul3A_2606, %add3A_2607 : i32
      %dma_wait3A_2609 = arith.constant 13 : i32
      %dma_wait3A_2610 = arith.constant 0 : i32
      %dma_wait3A_2611 = arith.constant 0 : i32
      %dma_wait3A_2612 = tpu.memref_slice %arg6[%dma_wait3A_2609, %dma_wait3A_2610, %dma_wait3A_2611] : memref<16x32x128xf32, #tpu.memory_space<vmem>> -> memref<1x32x128xf32, #tpu.memory_space<vmem>>
      %dma_wait3A_2613 = tpu.memref_squeeze %dma_wait3A_2612 : memref<1x32x128xf32, #tpu.memory_space<vmem>> -> memref<32x128xf32, #tpu.memory_space<vmem>>
      %dma_wait3A_2614 = arith.constant 0 : i32
      %dma_wait3A_2615 = arith.constant 0 : i32
      %dma_wait3A_2616 = tpu.memref_slice %arg2[%dma_wait3A_2614, %dma_wait3A_2615] : memref<32x1000001xf32, #tpu.memory_space<hbm>> -> memref<32x128xf32, #tpu.memory_space<hbm>>
      %dma_wait3A_2617 = arith.constant 0 : i32
      %dma_wait3A_2618 = arith.constant 0 : i32
      %dma_wait3A_2619 = tpu.memref_slice %arg6[%dma_wait3A_2609, %dma_wait3A_2617, %dma_wait3A_2618] : memref<16x32x128xf32, #tpu.memory_space<vmem>> -> memref<1x32x128xf32, #tpu.memory_space<vmem>>
      %dma_wait3A_2620 = tpu.memref_squeeze %dma_wait3A_2619 : memref<1x32x128xf32, #tpu.memory_space<vmem>> -> memref<32x128xf32, #tpu.memory_space<vmem>>
      %dma_wait3A_2621 = arith.constant 0 : i32
      %dma_wait3A_2622 = arith.constant 0 : i32
      %dma_wait3A_2623 = tpu.memref_slice %arg2[%dma_wait3A_2621, %dma_wait3A_2622] : memref<32x1000001xf32, #tpu.memory_space<hbm>> -> memref<32x128xf32, #tpu.memory_space<hbm>>
      tpu.wait_dma2 semaphore(%arg21 : memref<!tpu.dma_semaphore, #tpu.memory_space<semaphore_mem>>) src(%dma_wait3A_2623 : memref<32x128xf32, #tpu.memory_space<hbm>>) dst(%dma_wait3A_2620 : memref<32x128xf32, #tpu.memory_space<vmem>>)
      %broadcast_in_dim3A_2624 = vector.broadcast %squeeze3A_2602 : i32 to vector<16xi32>
      %broadcast_in_dim3A_2625 = vector.broadcast %add3A_2608 : i32 to vector<16xi32>
      %add3A_2626 = arith.constant 0 : i32
      %add3A_2627 = vector.broadcast %add3A_2626 : i32 to vector<16xi32>
      %add3A_2628 = arith.addi %iota3A, %add3A_2627 : vector<16xi32>
      %gather3A_2629 = arith.constant 13 : i32
      %gather3A_2630 = arith.constant 0 : i32
      %gather3A_2631 = arith.constant 0 : i32
      %gather3A_2632 = tpu.memref_slice %arg6[%gather3A_2629, %gather3A_2630, %gather3A_2631] : memref<16x32x128xf32, #tpu.memory_space<vmem>> -> memref<1x32x128xf32, #tpu.memory_space<vmem>>
      %gather3A_2633 = tpu.memref_squeeze %gather3A_2632 : memref<1x32x128xf32, #tpu.memory_space<vmem>> -> memref<32x128xf32, #tpu.memory_space<vmem>>
      %gather3A_2634 = tpu.vector_load_idx %gather3A_2633[%add3A_2628, %broadcast_in_dim3A_2624] : memref<32x128xf32, #tpu.memory_space<vmem>>[vector<16xi32>, vector<16xi32>], vector<16xf32>,
      %add3A_2635 = arith.constant 0 : i32
      %add3A_2636 = vector.broadcast %add3A_2635 : i32 to vector<16xi32>
      %add3A_2637 = arith.addi %iota3A, %add3A_2636 : vector<16xi32>
      tpu.vector_store_idx %arg7[%add3A_2637, %broadcast_in_dim3A_2625], %gather3A_2634 : memref<32x512xf32, #tpu.memory_space<vmem>>[vector<16xi32>, vector<16xi32>], vector<16xf32>,
      %add3A_2638 = arith.constant 16 : i32
      %add3A_2639 = vector.broadcast %add3A_2638 : i32 to vector<16xi32>
      %add3A_2640 = arith.addi %iota3A, %add3A_2639 : vector<16xi32>
      %gather3A_2641 = arith.constant 13 : i32
      %gather3A_2642 = arith.constant 0 : i32
      %gather3A_2643 = arith.constant 0 : i32
      %gather3A_2644 = tpu.memref_slice %arg6[%gather3A_2641, %gather3A_2642, %gather3A_2643] : memref<16x32x128xf32, #tpu.memory_space<vmem>> -> memref<1x32x128xf32, #tpu.memory_space<vmem>>
      %gather3A_2645 = tpu.memref_squeeze %gather3A_2644 : memref<1x32x128xf32, #tpu.memory_space<vmem>> -> memref<32x128xf32, #tpu.memory_space<vmem>>
      %gather3A_2646 = tpu.vector_load_idx %gather3A_2645[%add3A_2640, %broadcast_in_dim3A_2624] : memref<32x128xf32, #tpu.memory_space<vmem>>[vector<16xi32>, vector<16xi32>], vector<16xf32>,
      %add3A_2647 = arith.constant 16 : i32
      %add3A_2648 = vector.broadcast %add3A_2647 : i32 to vector<16xi32>
      %add3A_2649 = arith.addi %iota3A, %add3A_2648 : vector<16xi32>
      tpu.vector_store_idx %arg7[%add3A_2649, %broadcast_in_dim3A_2625], %gather3A_2646 : memref<32x512xf32, #tpu.memory_space<vmem>>[vector<16xi32>, vector<16xi32>], vector<16xf32>,
      %slice3A_2650 = vector.extract_strided_slice %get3A_1395 {offsets = [13], sizes = [1], strides = [1]} : vector<16xi32> to vector<1xi32>
      %squeeze3A_2651 = vector.extract %slice3A_2650[0] : i32 from vector<1xi32>
      %jit3A_2652 = arith.constant 128 : i32
      %div3A_2653 = arith.divsi %squeeze3A_2651, %jit3A_2652 : i32
      %sign3A_2654 = arith.constant 0 : i32
      %sign3A_2655 = arith.cmpi sgt, %squeeze3A_2651, %sign3A_2654 : i32
      %sign3A_2656 = arith.extui %sign3A_2655 : i1 to i32
      %sign3A_2657 = arith.constant 0 : i32
      %sign3A_2658 = arith.cmpi slt, %squeeze3A_2651, %sign3A_2657 : i32
      %sign3A_2659 = arith.extui %sign3A_2658 : i1 to i32
      %sign3A_2660 = arith.subi %sign3A_2656, %sign3A_2659 : i32
      %sign3A_2661 = arith.constant 0 : i32
      %sign3A_2662 = arith.cmpi sgt, %jit3A_2652, %sign3A_2661 : i32
      %sign3A_2663 = arith.extui %sign3A_2662 : i1 to i32
      %sign3A_2664 = arith.constant 0 : i32
      %sign3A_2665 = arith.cmpi slt, %jit3A_2652, %sign3A_2664 : i32
      %sign3A_2666 = arith.extui %sign3A_2665 : i1 to i32
      %sign3A_2667 = arith.subi %sign3A_2663, %sign3A_2666 : i32
      %ne3A_2668 = arith.cmpi ne, %sign3A_2660, %sign3A_2667 : i32
      %rem3A_2669 = arith.remsi %squeeze3A_2651, %jit3A_2652 : i32
      %ne3A_2670 = arith.constant 0 : i32
      %ne3A_2671 = arith.cmpi ne, %rem3A_2669, %ne3A_2670 : i32
      %and3A_2672 = arith.andi %ne3A_2668, %ne3A_2671 : i1
      %sub3A_2673 = arith.constant 1 : i32
      %sub3A_2674 = arith.subi %div3A_2653, %sub3A_2673 : i32
      %select_n3A_2675 = arith.select %and3A_2672, %sub3A_2674, %div3A_2653 : i32
      %mul3A_2676 = arith.constant 128 : i32
      %mul3A_2677 = arith.muli %select_n3A_2675, %mul3A_2676 : i32
      %multiple_of3A_2678 = tpu.assume_multiple %mul3A_2677, 128 : i32
      %dma_start3A_2679 = arith.constant 13 : i32
      %dma_start3A_2680 = arith.constant 0 : i32
      %dma_start3A_2681 = arith.constant 0 : i32
      %dma_start3A_2682 = tpu.memref_slice %arg6[%dma_start3A_2679, %dma_start3A_2680, %dma_start3A_2681] : memref<16x32x128xf32, #tpu.memory_space<vmem>> -> memref<1x32x128xf32, #tpu.memory_space<vmem>>
      %dma_start3A_2683 = tpu.memref_squeeze %dma_start3A_2682 : memref<1x32x128xf32, #tpu.memory_space<vmem>> -> memref<32x128xf32, #tpu.memory_space<vmem>>
      %dma_start3A_2684 = arith.constant 0 : i32
      %dma_start3A_2685 = tpu.memref_slice %arg2[%dma_start3A_2684, %multiple_of3A_2678] : memref<32x1000001xf32, #tpu.memory_space<hbm>> -> memref<32x128xf32, #tpu.memory_space<hbm>>
      %dma_start3A_2686 = arith.constant 0 : i32
      %dma_start3A_2687 = arith.constant 0 : i32
      %dma_start3A_2688 = tpu.memref_slice %arg6[%dma_start3A_2679, %dma_start3A_2686, %dma_start3A_2687] : memref<16x32x128xf32, #tpu.memory_space<vmem>> -> memref<1x32x128xf32, #tpu.memory_space<vmem>>
      %dma_start3A_2689 = tpu.memref_squeeze %dma_start3A_2688 : memref<1x32x128xf32, #tpu.memory_space<vmem>> -> memref<32x128xf32, #tpu.memory_space<vmem>>
      %dma_start3A_2690 = arith.constant 0 : i32
      %dma_start3A_2691 = tpu.memref_slice %arg2[%dma_start3A_2690, %multiple_of3A_2678] : memref<32x1000001xf32, #tpu.memory_space<hbm>> -> memref<32x128xf32, #tpu.memory_space<hbm>>
      tpu.enqueue_dma source(%dma_start3A_2691 : memref<32x128xf32, #tpu.memory_space<hbm>>) target(%dma_start3A_2689 : memref<32x128xf32, #tpu.memory_space<vmem>>) target_semaphore(%arg21 : memref<!tpu.dma_semaphore, #tpu.memory_space<semaphore_mem>>)
      %slice3A_2692 = vector.extract_strided_slice %select_n3A_1417 {offsets = [14], sizes = [1], strides = [1]} : vector<16xi32> to vector<1xi32>
      %squeeze3A_2693 = vector.extract %slice3A_2692[0] : i32 from vector<1xi32>
      %sub3A_2694 = arith.constant 1 : i32
      %sub3A_2695 = arith.subi %scan3A_1390, %sub3A_2694 : i32
      %mul3A_2696 = arith.constant 16 : i32
      %mul3A_2697 = arith.muli %sub3A_2695, %mul3A_2696 : i32
      %add3A_2698 = arith.constant 14 : i32
      %add3A_2699 = arith.addi %mul3A_2697, %add3A_2698 : i32
      %dma_wait3A_2700 = arith.constant 14 : i32
      %dma_wait3A_2701 = arith.constant 0 : i32
      %dma_wait3A_2702 = arith.constant 0 : i32
      %dma_wait3A_2703 = tpu.memref_slice %arg6[%dma_wait3A_2700, %dma_wait3A_2701, %dma_wait3A_2702] : memref<16x32x128xf32, #tpu.memory_space<vmem>> -> memref<1x32x128xf32, #tpu.memory_space<vmem>>
      %dma_wait3A_2704 = tpu.memref_squeeze %dma_wait3A_2703 : memref<1x32x128xf32, #tpu.memory_space<vmem>> -> memref<32x128xf32, #tpu.memory_space<vmem>>
      %dma_wait3A_2705 = arith.constant 0 : i32
      %dma_wait3A_2706 = arith.constant 0 : i32
      %dma_wait3A_2707 = tpu.memref_slice %arg2[%dma_wait3A_2705, %dma_wait3A_2706] : memref<32x1000001xf32, #tpu.memory_space<hbm>> -> memref<32x128xf32, #tpu.memory_space<hbm>>
      %dma_wait3A_2708 = arith.constant 0 : i32
      %dma_wait3A_2709 = arith.constant 0 : i32
      %dma_wait3A_2710 = tpu.memref_slice %arg6[%dma_wait3A_2700, %dma_wait3A_2708, %dma_wait3A_2709] : memref<16x32x128xf32, #tpu.memory_space<vmem>> -> memref<1x32x128xf32, #tpu.memory_space<vmem>>
      %dma_wait3A_2711 = tpu.memref_squeeze %dma_wait3A_2710 : memref<1x32x128xf32, #tpu.memory_space<vmem>> -> memref<32x128xf32, #tpu.memory_space<vmem>>
      %dma_wait3A_2712 = arith.constant 0 : i32
      %dma_wait3A_2713 = arith.constant 0 : i32
      %dma_wait3A_2714 = tpu.memref_slice %arg2[%dma_wait3A_2712, %dma_wait3A_2713] : memref<32x1000001xf32, #tpu.memory_space<hbm>> -> memref<32x128xf32, #tpu.memory_space<hbm>>
      tpu.wait_dma2 semaphore(%arg22 : memref<!tpu.dma_semaphore, #tpu.memory_space<semaphore_mem>>) src(%dma_wait3A_2714 : memref<32x128xf32, #tpu.memory_space<hbm>>) dst(%dma_wait3A_2711 : memref<32x128xf32, #tpu.memory_space<vmem>>)
      %broadcast_in_dim3A_2715 = vector.broadcast %squeeze3A_2693 : i32 to vector<16xi32>
      %broadcast_in_dim3A_2716 = vector.broadcast %add3A_2699 : i32 to vector<16xi32>
      %add3A_2717 = arith.constant 0 : i32
      %add3A_2718 = vector.broadcast %add3A_2717 : i32 to vector<16xi32>
      %add3A_2719 = arith.addi %iota3A, %add3A_2718 : vector<16xi32>
      %gather3A_2720 = arith.constant 14 : i32
      %gather3A_2721 = arith.constant 0 : i32
      %gather3A_2722 = arith.constant 0 : i32
      %gather3A_2723 = tpu.memref_slice %arg6[%gather3A_2720, %gather3A_2721, %gather3A_2722] : memref<16x32x128xf32, #tpu.memory_space<vmem>> -> memref<1x32x128xf32, #tpu.memory_space<vmem>>
      %gather3A_2724 = tpu.memref_squeeze %gather3A_2723 : memref<1x32x128xf32, #tpu.memory_space<vmem>> -> memref<32x128xf32, #tpu.memory_space<vmem>>
      %gather3A_2725 = tpu.vector_load_idx %gather3A_2724[%add3A_2719, %broadcast_in_dim3A_2715] : memref<32x128xf32, #tpu.memory_space<vmem>>[vector<16xi32>, vector<16xi32>], vector<16xf32>,
      %add3A_2726 = arith.constant 0 : i32
      %add3A_2727 = vector.broadcast %add3A_2726 : i32 to vector<16xi32>
      %add3A_2728 = arith.addi %iota3A, %add3A_2727 : vector<16xi32>
      tpu.vector_store_idx %arg7[%add3A_2728, %broadcast_in_dim3A_2716], %gather3A_2725 : memref<32x512xf32, #tpu.memory_space<vmem>>[vector<16xi32>, vector<16xi32>], vector<16xf32>,
      %add3A_2729 = arith.constant 16 : i32
      %add3A_2730 = vector.broadcast %add3A_2729 : i32 to vector<16xi32>
      %add3A_2731 = arith.addi %iota3A, %add3A_2730 : vector<16xi32>
      %gather3A_2732 = arith.constant 14 : i32
      %gather3A_2733 = arith.constant 0 : i32
      %gather3A_2734 = arith.constant 0 : i32
      %gather3A_2735 = tpu.memref_slice %arg6[%gather3A_2732, %gather3A_2733, %gather3A_2734] : memref<16x32x128xf32, #tpu.memory_space<vmem>> -> memref<1x32x128xf32, #tpu.memory_space<vmem>>
      %gather3A_2736 = tpu.memref_squeeze %gather3A_2735 : memref<1x32x128xf32, #tpu.memory_space<vmem>> -> memref<32x128xf32, #tpu.memory_space<vmem>>
      %gather3A_2737 = tpu.vector_load_idx %gather3A_2736[%add3A_2731, %broadcast_in_dim3A_2715] : memref<32x128xf32, #tpu.memory_space<vmem>>[vector<16xi32>, vector<16xi32>], vector<16xf32>,
      %add3A_2738 = arith.constant 16 : i32
      %add3A_2739 = vector.broadcast %add3A_2738 : i32 to vector<16xi32>
      %add3A_2740 = arith.addi %iota3A, %add3A_2739 : vector<16xi32>
      tpu.vector_store_idx %arg7[%add3A_2740, %broadcast_in_dim3A_2716], %gather3A_2737 : memref<32x512xf32, #tpu.memory_space<vmem>>[vector<16xi32>, vector<16xi32>], vector<16xf32>,
      %slice3A_2741 = vector.extract_strided_slice %get3A_1395 {offsets = [14], sizes = [1], strides = [1]} : vector<16xi32> to vector<1xi32>
      %squeeze3A_2742 = vector.extract %slice3A_2741[0] : i32 from vector<1xi32>
      %jit3A_2743 = arith.constant 128 : i32
      %div3A_2744 = arith.divsi %squeeze3A_2742, %jit3A_2743 : i32
      %sign3A_2745 = arith.constant 0 : i32
      %sign3A_2746 = arith.cmpi sgt, %squeeze3A_2742, %sign3A_2745 : i32
      %sign3A_2747 = arith.extui %sign3A_2746 : i1 to i32
      %sign3A_2748 = arith.constant 0 : i32
      %sign3A_2749 = arith.cmpi slt, %squeeze3A_2742, %sign3A_2748 : i32
      %sign3A_2750 = arith.extui %sign3A_2749 : i1 to i32
      %sign3A_2751 = arith.subi %sign3A_2747, %sign3A_2750 : i32
      %sign3A_2752 = arith.constant 0 : i32
      %sign3A_2753 = arith.cmpi sgt, %jit3A_2743, %sign3A_2752 : i32
      %sign3A_2754 = arith.extui %sign3A_2753 : i1 to i32
      %sign3A_2755 = arith.constant 0 : i32
      %sign3A_2756 = arith.cmpi slt, %jit3A_2743, %sign3A_2755 : i32
      %sign3A_2757 = arith.extui %sign3A_2756 : i1 to i32
      %sign3A_2758 = arith.subi %sign3A_2754, %sign3A_2757 : i32
      %ne3A_2759 = arith.cmpi ne, %sign3A_2751, %sign3A_2758 : i32
      %rem3A_2760 = arith.remsi %squeeze3A_2742, %jit3A_2743 : i32
      %ne3A_2761 = arith.constant 0 : i32
      %ne3A_2762 = arith.cmpi ne, %rem3A_2760, %ne3A_2761 : i32
      %and3A_2763 = arith.andi %ne3A_2759, %ne3A_2762 : i1
      %sub3A_2764 = arith.constant 1 : i32
      %sub3A_2765 = arith.subi %div3A_2744, %sub3A_2764 : i32
      %select_n3A_2766 = arith.select %and3A_2763, %sub3A_2765, %div3A_2744 : i32
      %mul3A_2767 = arith.constant 128 : i32
      %mul3A_2768 = arith.muli %select_n3A_2766, %mul3A_2767 : i32
      %multiple_of3A_2769 = tpu.assume_multiple %mul3A_2768, 128 : i32
      %dma_start3A_2770 = arith.constant 14 : i32
      %dma_start3A_2771 = arith.constant 0 : i32
      %dma_start3A_2772 = arith.constant 0 : i32
      %dma_start3A_2773 = tpu.memref_slice %arg6[%dma_start3A_2770, %dma_start3A_2771, %dma_start3A_2772] : memref<16x32x128xf32, #tpu.memory_space<vmem>> -> memref<1x32x128xf32, #tpu.memory_space<vmem>>
      %dma_start3A_2774 = tpu.memref_squeeze %dma_start3A_2773 : memref<1x32x128xf32, #tpu.memory_space<vmem>> -> memref<32x128xf32, #tpu.memory_space<vmem>>
      %dma_start3A_2775 = arith.constant 0 : i32
      %dma_start3A_2776 = tpu.memref_slice %arg2[%dma_start3A_2775, %multiple_of3A_2769] : memref<32x1000001xf32, #tpu.memory_space<hbm>> -> memref<32x128xf32, #tpu.memory_space<hbm>>
      %dma_start3A_2777 = arith.constant 0 : i32
      %dma_start3A_2778 = arith.constant 0 : i32
      %dma_start3A_2779 = tpu.memref_slice %arg6[%dma_start3A_2770, %dma_start3A_2777, %dma_start3A_2778] : memref<16x32x128xf32, #tpu.memory_space<vmem>> -> memref<1x32x128xf32, #tpu.memory_space<vmem>>
      %dma_start3A_2780 = tpu.memref_squeeze %dma_start3A_2779 : memref<1x32x128xf32, #tpu.memory_space<vmem>> -> memref<32x128xf32, #tpu.memory_space<vmem>>
      %dma_start3A_2781 = arith.constant 0 : i32
      %dma_start3A_2782 = tpu.memref_slice %arg2[%dma_start3A_2781, %multiple_of3A_2769] : memref<32x1000001xf32, #tpu.memory_space<hbm>> -> memref<32x128xf32, #tpu.memory_space<hbm>>
      tpu.enqueue_dma source(%dma_start3A_2782 : memref<32x128xf32, #tpu.memory_space<hbm>>) target(%dma_start3A_2780 : memref<32x128xf32, #tpu.memory_space<vmem>>) target_semaphore(%arg22 : memref<!tpu.dma_semaphore, #tpu.memory_space<semaphore_mem>>)
      %slice3A_2783 = vector.extract_strided_slice %select_n3A_1417 {offsets = [15], sizes = [1], strides = [1]} : vector<16xi32> to vector<1xi32>
      %squeeze3A_2784 = vector.extract %slice3A_2783[0] : i32 from vector<1xi32>
      %sub3A_2785 = arith.constant 1 : i32
      %sub3A_2786 = arith.subi %scan3A_1390, %sub3A_2785 : i32
      %mul3A_2787 = arith.constant 16 : i32
      %mul3A_2788 = arith.muli %sub3A_2786, %mul3A_2787 : i32
      %add3A_2789 = arith.constant 15 : i32
      %add3A_2790 = arith.addi %mul3A_2788, %add3A_2789 : i32
      %dma_wait3A_2791 = arith.constant 15 : i32
      %dma_wait3A_2792 = arith.constant 0 : i32
      %dma_wait3A_2793 = arith.constant 0 : i32
      %dma_wait3A_2794 = tpu.memref_slice %arg6[%dma_wait3A_2791, %dma_wait3A_2792, %dma_wait3A_2793] : memref<16x32x128xf32, #tpu.memory_space<vmem>> -> memref<1x32x128xf32, #tpu.memory_space<vmem>>
      %dma_wait3A_2795 = tpu.memref_squeeze %dma_wait3A_2794 : memref<1x32x128xf32, #tpu.memory_space<vmem>> -> memref<32x128xf32, #tpu.memory_space<vmem>>
      %dma_wait3A_2796 = arith.constant 0 : i32
      %dma_wait3A_2797 = arith.constant 0 : i32
      %dma_wait3A_2798 = tpu.memref_slice %arg2[%dma_wait3A_2796, %dma_wait3A_2797] : memref<32x1000001xf32, #tpu.memory_space<hbm>> -> memref<32x128xf32, #tpu.memory_space<hbm>>
      %dma_wait3A_2799 = arith.constant 0 : i32
      %dma_wait3A_2800 = arith.constant 0 : i32
      %dma_wait3A_2801 = tpu.memref_slice %arg6[%dma_wait3A_2791, %dma_wait3A_2799, %dma_wait3A_2800] : memref<16x32x128xf32, #tpu.memory_space<vmem>> -> memref<1x32x128xf32, #tpu.memory_space<vmem>>
      %dma_wait3A_2802 = tpu.memref_squeeze %dma_wait3A_2801 : memref<1x32x128xf32, #tpu.memory_space<vmem>> -> memref<32x128xf32, #tpu.memory_space<vmem>>
      %dma_wait3A_2803 = arith.constant 0 : i32
      %dma_wait3A_2804 = arith.constant 0 : i32
      %dma_wait3A_2805 = tpu.memref_slice %arg2[%dma_wait3A_2803, %dma_wait3A_2804] : memref<32x1000001xf32, #tpu.memory_space<hbm>> -> memref<32x128xf32, #tpu.memory_space<hbm>>
      tpu.wait_dma2 semaphore(%arg23 : memref<!tpu.dma_semaphore, #tpu.memory_space<semaphore_mem>>) src(%dma_wait3A_2805 : memref<32x128xf32, #tpu.memory_space<hbm>>) dst(%dma_wait3A_2802 : memref<32x128xf32, #tpu.memory_space<vmem>>)
      %broadcast_in_dim3A_2806 = vector.broadcast %squeeze3A_2784 : i32 to vector<16xi32>
      %broadcast_in_dim3A_2807 = vector.broadcast %add3A_2790 : i32 to vector<16xi32>
      %add3A_2808 = arith.constant 0 : i32
      %add3A_2809 = vector.broadcast %add3A_2808 : i32 to vector<16xi32>
      %add3A_2810 = arith.addi %iota3A, %add3A_2809 : vector<16xi32>
      %gather3A_2811 = arith.constant 15 : i32
      %gather3A_2812 = arith.constant 0 : i32
      %gather3A_2813 = arith.constant 0 : i32
      %gather3A_2814 = tpu.memref_slice %arg6[%gather3A_2811, %gather3A_2812, %gather3A_2813] : memref<16x32x128xf32, #tpu.memory_space<vmem>> -> memref<1x32x128xf32, #tpu.memory_space<vmem>>
      %gather3A_2815 = tpu.memref_squeeze %gather3A_2814 : memref<1x32x128xf32, #tpu.memory_space<vmem>> -> memref<32x128xf32, #tpu.memory_space<vmem>>
      %gather3A_2816 = tpu.vector_load_idx %gather3A_2815[%add3A_2810, %broadcast_in_dim3A_2806] : memref<32x128xf32, #tpu.memory_space<vmem>>[vector<16xi32>, vector<16xi32>], vector<16xf32>,
      %add3A_2817 = arith.constant 0 : i32
      %add3A_2818 = vector.broadcast %add3A_2817 : i32 to vector<16xi32>
      %add3A_2819 = arith.addi %iota3A, %add3A_2818 : vector<16xi32>
      tpu.vector_store_idx %arg7[%add3A_2819, %broadcast_in_dim3A_2807], %gather3A_2816 : memref<32x512xf32, #tpu.memory_space<vmem>>[vector<16xi32>, vector<16xi32>], vector<16xf32>,
      %add3A_2820 = arith.constant 16 : i32
      %add3A_2821 = vector.broadcast %add3A_2820 : i32 to vector<16xi32>
      %add3A_2822 = arith.addi %iota3A, %add3A_2821 : vector<16xi32>
      %gather3A_2823 = arith.constant 15 : i32
      %gather3A_2824 = arith.constant 0 : i32
      %gather3A_2825 = arith.constant 0 : i32
      %gather3A_2826 = tpu.memref_slice %arg6[%gather3A_2823, %gather3A_2824, %gather3A_2825] : memref<16x32x128xf32, #tpu.memory_space<vmem>> -> memref<1x32x128xf32, #tpu.memory_space<vmem>>
      %gather3A_2827 = tpu.memref_squeeze %gather3A_2826 : memref<1x32x128xf32, #tpu.memory_space<vmem>> -> memref<32x128xf32, #tpu.memory_space<vmem>>
      %gather3A_2828 = tpu.vector_load_idx %gather3A_2827[%add3A_2822, %broadcast_in_dim3A_2806] : memref<32x128xf32, #tpu.memory_space<vmem>>[vector<16xi32>, vector<16xi32>], vector<16xf32>,
      %add3A_2829 = arith.constant 16 : i32
      %add3A_2830 = vector.broadcast %add3A_2829 : i32 to vector<16xi32>
      %add3A_2831 = arith.addi %iota3A, %add3A_2830 : vector<16xi32>
      tpu.vector_store_idx %arg7[%add3A_2831, %broadcast_in_dim3A_2807], %gather3A_2828 : memref<32x512xf32, #tpu.memory_space<vmem>>[vector<16xi32>, vector<16xi32>], vector<16xf32>,
      %slice3A_2832 = vector.extract_strided_slice %get3A_1395 {offsets = [15], sizes = [1], strides = [1]} : vector<16xi32> to vector<1xi32>
      %squeeze3A_2833 = vector.extract %slice3A_2832[0] : i32 from vector<1xi32>
      %jit3A_2834 = arith.constant 128 : i32
      %div3A_2835 = arith.divsi %squeeze3A_2833, %jit3A_2834 : i32
      %sign3A_2836 = arith.constant 0 : i32
      %sign3A_2837 = arith.cmpi sgt, %squeeze3A_2833, %sign3A_2836 : i32
      %sign3A_2838 = arith.extui %sign3A_2837 : i1 to i32
      %sign3A_2839 = arith.constant 0 : i32
      %sign3A_2840 = arith.cmpi slt, %squeeze3A_2833, %sign3A_2839 : i32
      %sign3A_2841 = arith.extui %sign3A_2840 : i1 to i32
      %sign3A_2842 = arith.subi %sign3A_2838, %sign3A_2841 : i32
      %sign3A_2843 = arith.constant 0 : i32
      %sign3A_2844 = arith.cmpi sgt, %jit3A_2834, %sign3A_2843 : i32
      %sign3A_2845 = arith.extui %sign3A_2844 : i1 to i32
      %sign3A_2846 = arith.constant 0 : i32
      %sign3A_2847 = arith.cmpi slt, %jit3A_2834, %sign3A_2846 : i32
      %sign3A_2848 = arith.extui %sign3A_2847 : i1 to i32
      %sign3A_2849 = arith.subi %sign3A_2845, %sign3A_2848 : i32
      %ne3A_2850 = arith.cmpi ne, %sign3A_2842, %sign3A_2849 : i32
      %rem3A_2851 = arith.remsi %squeeze3A_2833, %jit3A_2834 : i32
      %ne3A_2852 = arith.constant 0 : i32
      %ne3A_2853 = arith.cmpi ne, %rem3A_2851, %ne3A_2852 : i32
      %and3A_2854 = arith.andi %ne3A_2850, %ne3A_2853 : i1
      %sub3A_2855 = arith.constant 1 : i32
      %sub3A_2856 = arith.subi %div3A_2835, %sub3A_2855 : i32
      %select_n3A_2857 = arith.select %and3A_2854, %sub3A_2856, %div3A_2835 : i32
      %mul3A_2858 = arith.constant 128 : i32
      %mul3A_2859 = arith.muli %select_n3A_2857, %mul3A_2858 : i32
      %multiple_of3A_2860 = tpu.assume_multiple %mul3A_2859, 128 : i32
      %dma_start3A_2861 = arith.constant 15 : i32
      %dma_start3A_2862 = arith.constant 0 : i32
      %dma_start3A_2863 = arith.constant 0 : i32
      %dma_start3A_2864 = tpu.memref_slice %arg6[%dma_start3A_2861, %dma_start3A_2862, %dma_start3A_2863] : memref<16x32x128xf32, #tpu.memory_space<vmem>> -> memref<1x32x128xf32, #tpu.memory_space<vmem>>
      %dma_start3A_2865 = tpu.memref_squeeze %dma_start3A_2864 : memref<1x32x128xf32, #tpu.memory_space<vmem>> -> memref<32x128xf32, #tpu.memory_space<vmem>>
      %dma_start3A_2866 = arith.constant 0 : i32
      %dma_start3A_2867 = tpu.memref_slice %arg2[%dma_start3A_2866, %multiple_of3A_2860] : memref<32x1000001xf32, #tpu.memory_space<hbm>> -> memref<32x128xf32, #tpu.memory_space<hbm>>
      %dma_start3A_2868 = arith.constant 0 : i32
      %dma_start3A_2869 = arith.constant 0 : i32
      %dma_start3A_2870 = tpu.memref_slice %arg6[%dma_start3A_2861, %dma_start3A_2868, %dma_start3A_2869] : memref<16x32x128xf32, #tpu.memory_space<vmem>> -> memref<1x32x128xf32, #tpu.memory_space<vmem>>
      %dma_start3A_2871 = tpu.memref_squeeze %dma_start3A_2870 : memref<1x32x128xf32, #tpu.memory_space<vmem>> -> memref<32x128xf32, #tpu.memory_space<vmem>>
      %dma_start3A_2872 = arith.constant 0 : i32
      %dma_start3A_2873 = tpu.memref_slice %arg2[%dma_start3A_2872, %multiple_of3A_2860] : memref<32x1000001xf32, #tpu.memory_space<hbm>> -> memref<32x128xf32, #tpu.memory_space<hbm>>
      tpu.enqueue_dma source(%dma_start3A_2873 : memref<32x128xf32, #tpu.memory_space<hbm>>) target(%dma_start3A_2871 : memref<32x128xf32, #tpu.memory_space<vmem>>) target_semaphore(%arg23 : memref<!tpu.dma_semaphore, #tpu.memory_space<semaphore_mem>>)
      scf.yield %get3A_1395 : vector<16xi32>
    }
    %scan3A_668 = arith.constant 31 : i32
    %jit3A_669 = arith.constant 128 : i32
    %eq3A = arith.constant 0 : i32
    %eq3A_670 = arith.cmpi eq, %jit3A_669, %eq3A : i32
    %jit3A_671 = arith.constant 1 : i32
    %select_n3A_672 = arith.select %eq3A_670, %jit3A_671, %jit3A_669 : i32
    %rem3A_673 = vector.broadcast %select_n3A_672 : i32 to vector<16xi32>
    %rem3A_674 = arith.remsi %scan3A_667, %rem3A_673 : vector<16xi32>
    %ne3A_675 = arith.constant 0 : i32
    %ne3A_676 = vector.broadcast %ne3A_675 : i32 to vector<16xi32>
    %ne3A_677 = arith.cmpi ne, %rem3A_674, %ne3A_676 : vector<16xi32>
    %lt3A = arith.constant 0 : i32
    %lt3A_678 = vector.broadcast %lt3A : i32 to vector<16xi32>
    %lt3A_679 = arith.cmpi slt, %rem3A_674, %lt3A_678 : vector<16xi32>
    %lt3A_680 = arith.constant 0 : i32
    %lt3A_681 = arith.cmpi slt, %select_n3A_672, %lt3A_680 : i32
    %ne3A_682 = vector.broadcast %lt3A_681 : i1 to vector<16xi1>
    %ne3A_683 = vector.broadcast %ne3A_682 : vector<16xi1> to vector<16xi1>
    %ne3A_684 = arith.xori %lt3A_679, %ne3A_683 : vector<16xi1>
    %and3A_685 = arith.andi %ne3A_684, %ne3A_677 : vector<16xi1>
    %add3A_686 = vector.broadcast %select_n3A_672 : i32 to vector<16xi32>
    %add3A_687 = arith.addi %rem3A_674, %add3A_686 : vector<16xi32>
    %select_n3A_688 = arith.select %and3A_685, %add3A_687, %rem3A_674 : vector<16xi1>, vector<16xi32>
    %slice3A_689 = vector.extract_strided_slice %select_n3A_688 {offsets = [0], sizes = [1], strides = [1]} : vector<16xi32> to vector<1xi32>
    %squeeze3A_690 = vector.extract %slice3A_689[0] : i32 from vector<1xi32>
    %dma_wait3A = arith.constant 0 : i32
    %dma_wait3A_691 = arith.constant 0 : i32
    %dma_wait3A_692 = arith.constant 0 : i32
    %dma_wait3A_693 = tpu.memref_slice %arg6[%dma_wait3A, %dma_wait3A_691, %dma_wait3A_692] : memref<16x32x128xf32, #tpu.memory_space<vmem>> -> memref<1x32x128xf32, #tpu.memory_space<vmem>>
    %dma_wait3A_694 = tpu.memref_squeeze %dma_wait3A_693 : memref<1x32x128xf32, #tpu.memory_space<vmem>> -> memref<32x128xf32, #tpu.memory_space<vmem>>
    %dma_wait3A_695 = arith.constant 0 : i32
    %dma_wait3A_696 = arith.constant 0 : i32
    %dma_wait3A_697 = tpu.memref_slice %arg2[%dma_wait3A_695, %dma_wait3A_696] : memref<32x1000001xf32, #tpu.memory_space<hbm>> -> memref<32x128xf32, #tpu.memory_space<hbm>>
    %dma_wait3A_698 = arith.constant 0 : i32
    %dma_wait3A_699 = arith.constant 0 : i32
    %dma_wait3A_700 = tpu.memref_slice %arg6[%dma_wait3A, %dma_wait3A_698, %dma_wait3A_699] : memref<16x32x128xf32, #tpu.memory_space<vmem>> -> memref<1x32x128xf32, #tpu.memory_space<vmem>>
    %dma_wait3A_701 = tpu.memref_squeeze %dma_wait3A_700 : memref<1x32x128xf32, #tpu.memory_space<vmem>> -> memref<32x128xf32, #tpu.memory_space<vmem>>
    %dma_wait3A_702 = arith.constant 0 : i32
    %dma_wait3A_703 = arith.constant 0 : i32
    %dma_wait3A_704 = tpu.memref_slice %arg2[%dma_wait3A_702, %dma_wait3A_703] : memref<32x1000001xf32, #tpu.memory_space<hbm>> -> memref<32x128xf32, #tpu.memory_space<hbm>>
    tpu.wait_dma2 semaphore(%arg8 : memref<!tpu.dma_semaphore, #tpu.memory_space<semaphore_mem>>) src(%dma_wait3A_704 : memref<32x128xf32, #tpu.memory_space<hbm>>) dst(%dma_wait3A_701 : memref<32x128xf32, #tpu.memory_space<vmem>>)
    %broadcast_in_dim3A = vector.broadcast %squeeze3A_690 : i32 to vector<16xi32>
    %broadcast_in_dim3A_705 = arith.constant 496 : i32
    %broadcast_in_dim3A_706 = vector.broadcast %broadcast_in_dim3A_705 : i32 to vector<16xi32>
    %add3A_707 = arith.constant 0 : i32
    %add3A_708 = vector.broadcast %add3A_707 : i32 to vector<16xi32>
    %add3A_709 = arith.addi %iota3A, %add3A_708 : vector<16xi32>
    %gather3A = arith.constant 0 : i32
    %gather3A_710 = arith.constant 0 : i32
    %gather3A_711 = arith.constant 0 : i32
    %gather3A_712 = tpu.memref_slice %arg6[%gather3A, %gather3A_710, %gather3A_711] : memref<16x32x128xf32, #tpu.memory_space<vmem>> -> memref<1x32x128xf32, #tpu.memory_space<vmem>>
    %gather3A_713 = tpu.memref_squeeze %gather3A_712 : memref<1x32x128xf32, #tpu.memory_space<vmem>> -> memref<32x128xf32, #tpu.memory_space<vmem>>
    %gather3A_714 = tpu.vector_load_idx %gather3A_713[%add3A_709, %broadcast_in_dim3A] : memref<32x128xf32, #tpu.memory_space<vmem>>[vector<16xi32>, vector<16xi32>], vector<16xf32>,
    %add3A_715 = arith.constant 0 : i32
    %add3A_716 = vector.broadcast %add3A_715 : i32 to vector<16xi32>
    %add3A_717 = arith.addi %iota3A, %add3A_716 : vector<16xi32>
    tpu.vector_store_idx %arg7[%add3A_717, %broadcast_in_dim3A_706], %gather3A_714 : memref<32x512xf32, #tpu.memory_space<vmem>>[vector<16xi32>, vector<16xi32>], vector<16xf32>,
    %add3A_718 = arith.constant 16 : i32
    %add3A_719 = vector.broadcast %add3A_718 : i32 to vector<16xi32>
    %add3A_720 = arith.addi %iota3A, %add3A_719 : vector<16xi32>
    %gather3A_721 = arith.constant 0 : i32
    %gather3A_722 = arith.constant 0 : i32
    %gather3A_723 = arith.constant 0 : i32
    %gather3A_724 = tpu.memref_slice %arg6[%gather3A_721, %gather3A_722, %gather3A_723] : memref<16x32x128xf32, #tpu.memory_space<vmem>> -> memref<1x32x128xf32, #tpu.memory_space<vmem>>
    %gather3A_725 = tpu.memref_squeeze %gather3A_724 : memref<1x32x128xf32, #tpu.memory_space<vmem>> -> memref<32x128xf32, #tpu.memory_space<vmem>>
    %gather3A_726 = tpu.vector_load_idx %gather3A_725[%add3A_720, %broadcast_in_dim3A] : memref<32x128xf32, #tpu.memory_space<vmem>>[vector<16xi32>, vector<16xi32>], vector<16xf32>,
    %add3A_727 = arith.constant 16 : i32
    %add3A_728 = vector.broadcast %add3A_727 : i32 to vector<16xi32>
    %add3A_729 = arith.addi %iota3A, %add3A_728 : vector<16xi32>
    tpu.vector_store_idx %arg7[%add3A_729, %broadcast_in_dim3A_706], %gather3A_726 : memref<32x512xf32, #tpu.memory_space<vmem>>[vector<16xi32>, vector<16xi32>], vector<16xf32>,
    %slice3A_730 = vector.extract_strided_slice %select_n3A_688 {offsets = [1], sizes = [1], strides = [1]} : vector<16xi32> to vector<1xi32>
    %squeeze3A_731 = vector.extract %slice3A_730[0] : i32 from vector<1xi32>
    %dma_wait3A_732 = arith.constant 1 : i32
    %dma_wait3A_733 = arith.constant 0 : i32
    %dma_wait3A_734 = arith.constant 0 : i32
    %dma_wait3A_735 = tpu.memref_slice %arg6[%dma_wait3A_732, %dma_wait3A_733, %dma_wait3A_734] : memref<16x32x128xf32, #tpu.memory_space<vmem>> -> memref<1x32x128xf32, #tpu.memory_space<vmem>>
    %dma_wait3A_736 = tpu.memref_squeeze %dma_wait3A_735 : memref<1x32x128xf32, #tpu.memory_space<vmem>> -> memref<32x128xf32, #tpu.memory_space<vmem>>
    %dma_wait3A_737 = arith.constant 0 : i32
    %dma_wait3A_738 = arith.constant 0 : i32
    %dma_wait3A_739 = tpu.memref_slice %arg2[%dma_wait3A_737, %dma_wait3A_738] : memref<32x1000001xf32, #tpu.memory_space<hbm>> -> memref<32x128xf32, #tpu.memory_space<hbm>>
    %dma_wait3A_740 = arith.constant 0 : i32
    %dma_wait3A_741 = arith.constant 0 : i32
    %dma_wait3A_742 = tpu.memref_slice %arg6[%dma_wait3A_732, %dma_wait3A_740, %dma_wait3A_741] : memref<16x32x128xf32, #tpu.memory_space<vmem>> -> memref<1x32x128xf32, #tpu.memory_space<vmem>>
    %dma_wait3A_743 = tpu.memref_squeeze %dma_wait3A_742 : memref<1x32x128xf32, #tpu.memory_space<vmem>> -> memref<32x128xf32, #tpu.memory_space<vmem>>
    %dma_wait3A_744 = arith.constant 0 : i32
    %dma_wait3A_745 = arith.constant 0 : i32
    %dma_wait3A_746 = tpu.memref_slice %arg2[%dma_wait3A_744, %dma_wait3A_745] : memref<32x1000001xf32, #tpu.memory_space<hbm>> -> memref<32x128xf32, #tpu.memory_space<hbm>>
    tpu.wait_dma2 semaphore(%arg9 : memref<!tpu.dma_semaphore, #tpu.memory_space<semaphore_mem>>) src(%dma_wait3A_746 : memref<32x128xf32, #tpu.memory_space<hbm>>) dst(%dma_wait3A_743 : memref<32x128xf32, #tpu.memory_space<vmem>>)
    %broadcast_in_dim3A_747 = vector.broadcast %squeeze3A_731 : i32 to vector<16xi32>
    %broadcast_in_dim3A_748 = arith.constant 497 : i32
    %broadcast_in_dim3A_749 = vector.broadcast %broadcast_in_dim3A_748 : i32 to vector<16xi32>
    %add3A_750 = arith.constant 0 : i32
    %add3A_751 = vector.broadcast %add3A_750 : i32 to vector<16xi32>
    %add3A_752 = arith.addi %iota3A, %add3A_751 : vector<16xi32>
    %gather3A_753 = arith.constant 1 : i32
    %gather3A_754 = arith.constant 0 : i32
    %gather3A_755 = arith.constant 0 : i32
    %gather3A_756 = tpu.memref_slice %arg6[%gather3A_753, %gather3A_754, %gather3A_755] : memref<16x32x128xf32, #tpu.memory_space<vmem>> -> memref<1x32x128xf32, #tpu.memory_space<vmem>>
    %gather3A_757 = tpu.memref_squeeze %gather3A_756 : memref<1x32x128xf32, #tpu.memory_space<vmem>> -> memref<32x128xf32, #tpu.memory_space<vmem>>
    %gather3A_758 = tpu.vector_load_idx %gather3A_757[%add3A_752, %broadcast_in_dim3A_747] : memref<32x128xf32, #tpu.memory_space<vmem>>[vector<16xi32>, vector<16xi32>], vector<16xf32>,
    %add3A_759 = arith.constant 0 : i32
    %add3A_760 = vector.broadcast %add3A_759 : i32 to vector<16xi32>
    %add3A_761 = arith.addi %iota3A, %add3A_760 : vector<16xi32>
    tpu.vector_store_idx %arg7[%add3A_761, %broadcast_in_dim3A_749], %gather3A_758 : memref<32x512xf32, #tpu.memory_space<vmem>>[vector<16xi32>, vector<16xi32>], vector<16xf32>,
    %add3A_762 = arith.constant 16 : i32
    %add3A_763 = vector.broadcast %add3A_762 : i32 to vector<16xi32>
    %add3A_764 = arith.addi %iota3A, %add3A_763 : vector<16xi32>
    %gather3A_765 = arith.constant 1 : i32
    %gather3A_766 = arith.constant 0 : i32
    %gather3A_767 = arith.constant 0 : i32
    %gather3A_768 = tpu.memref_slice %arg6[%gather3A_765, %gather3A_766, %gather3A_767] : memref<16x32x128xf32, #tpu.memory_space<vmem>> -> memref<1x32x128xf32, #tpu.memory_space<vmem>>
    %gather3A_769 = tpu.memref_squeeze %gather3A_768 : memref<1x32x128xf32, #tpu.memory_space<vmem>> -> memref<32x128xf32, #tpu.memory_space<vmem>>
    %gather3A_770 = tpu.vector_load_idx %gather3A_769[%add3A_764, %broadcast_in_dim3A_747] : memref<32x128xf32, #tpu.memory_space<vmem>>[vector<16xi32>, vector<16xi32>], vector<16xf32>,
    %add3A_771 = arith.constant 16 : i32
    %add3A_772 = vector.broadcast %add3A_771 : i32 to vector<16xi32>
    %add3A_773 = arith.addi %iota3A, %add3A_772 : vector<16xi32>
    tpu.vector_store_idx %arg7[%add3A_773, %broadcast_in_dim3A_749], %gather3A_770 : memref<32x512xf32, #tpu.memory_space<vmem>>[vector<16xi32>, vector<16xi32>], vector<16xf32>,
    %slice3A_774 = vector.extract_strided_slice %select_n3A_688 {offsets = [2], sizes = [1], strides = [1]} : vector<16xi32> to vector<1xi32>
    %squeeze3A_775 = vector.extract %slice3A_774[0] : i32 from vector<1xi32>
    %dma_wait3A_776 = arith.constant 2 : i32
    %dma_wait3A_777 = arith.constant 0 : i32
    %dma_wait3A_778 = arith.constant 0 : i32
    %dma_wait3A_779 = tpu.memref_slice %arg6[%dma_wait3A_776, %dma_wait3A_777, %dma_wait3A_778] : memref<16x32x128xf32, #tpu.memory_space<vmem>> -> memref<1x32x128xf32, #tpu.memory_space<vmem>>
    %dma_wait3A_780 = tpu.memref_squeeze %dma_wait3A_779 : memref<1x32x128xf32, #tpu.memory_space<vmem>> -> memref<32x128xf32, #tpu.memory_space<vmem>>
    %dma_wait3A_781 = arith.constant 0 : i32
    %dma_wait3A_782 = arith.constant 0 : i32
    %dma_wait3A_783 = tpu.memref_slice %arg2[%dma_wait3A_781, %dma_wait3A_782] : memref<32x1000001xf32, #tpu.memory_space<hbm>> -> memref<32x128xf32, #tpu.memory_space<hbm>>
    %dma_wait3A_784 = arith.constant 0 : i32
    %dma_wait3A_785 = arith.constant 0 : i32
    %dma_wait3A_786 = tpu.memref_slice %arg6[%dma_wait3A_776, %dma_wait3A_784, %dma_wait3A_785] : memref<16x32x128xf32, #tpu.memory_space<vmem>> -> memref<1x32x128xf32, #tpu.memory_space<vmem>>
    %dma_wait3A_787 = tpu.memref_squeeze %dma_wait3A_786 : memref<1x32x128xf32, #tpu.memory_space<vmem>> -> memref<32x128xf32, #tpu.memory_space<vmem>>
    %dma_wait3A_788 = arith.constant 0 : i32
    %dma_wait3A_789 = arith.constant 0 : i32
    %dma_wait3A_790 = tpu.memref_slice %arg2[%dma_wait3A_788, %dma_wait3A_789] : memref<32x1000001xf32, #tpu.memory_space<hbm>> -> memref<32x128xf32, #tpu.memory_space<hbm>>
    tpu.wait_dma2 semaphore(%arg10 : memref<!tpu.dma_semaphore, #tpu.memory_space<semaphore_mem>>) src(%dma_wait3A_790 : memref<32x128xf32, #tpu.memory_space<hbm>>) dst(%dma_wait3A_787 : memref<32x128xf32, #tpu.memory_space<vmem>>)
    %broadcast_in_dim3A_791 = vector.broadcast %squeeze3A_775 : i32 to vector<16xi32>
    %broadcast_in_dim3A_792 = arith.constant 498 : i32
    %broadcast_in_dim3A_793 = vector.broadcast %broadcast_in_dim3A_792 : i32 to vector<16xi32>
    %add3A_794 = arith.constant 0 : i32
    %add3A_795 = vector.broadcast %add3A_794 : i32 to vector<16xi32>
    %add3A_796 = arith.addi %iota3A, %add3A_795 : vector<16xi32>
    %gather3A_797 = arith.constant 2 : i32
    %gather3A_798 = arith.constant 0 : i32
    %gather3A_799 = arith.constant 0 : i32
    %gather3A_800 = tpu.memref_slice %arg6[%gather3A_797, %gather3A_798, %gather3A_799] : memref<16x32x128xf32, #tpu.memory_space<vmem>> -> memref<1x32x128xf32, #tpu.memory_space<vmem>>
    %gather3A_801 = tpu.memref_squeeze %gather3A_800 : memref<1x32x128xf32, #tpu.memory_space<vmem>> -> memref<32x128xf32, #tpu.memory_space<vmem>>
    %gather3A_802 = tpu.vector_load_idx %gather3A_801[%add3A_796, %broadcast_in_dim3A_791] : memref<32x128xf32, #tpu.memory_space<vmem>>[vector<16xi32>, vector<16xi32>], vector<16xf32>,
    %add3A_803 = arith.constant 0 : i32
    %add3A_804 = vector.broadcast %add3A_803 : i32 to vector<16xi32>
    %add3A_805 = arith.addi %iota3A, %add3A_804 : vector<16xi32>
    tpu.vector_store_idx %arg7[%add3A_805, %broadcast_in_dim3A_793], %gather3A_802 : memref<32x512xf32, #tpu.memory_space<vmem>>[vector<16xi32>, vector<16xi32>], vector<16xf32>,
    %add3A_806 = arith.constant 16 : i32
    %add3A_807 = vector.broadcast %add3A_806 : i32 to vector<16xi32>
    %add3A_808 = arith.addi %iota3A, %add3A_807 : vector<16xi32>
    %gather3A_809 = arith.constant 2 : i32
    %gather3A_810 = arith.constant 0 : i32
    %gather3A_811 = arith.constant 0 : i32
    %gather3A_812 = tpu.memref_slice %arg6[%gather3A_809, %gather3A_810, %gather3A_811] : memref<16x32x128xf32, #tpu.memory_space<vmem>> -> memref<1x32x128xf32, #tpu.memory_space<vmem>>
    %gather3A_813 = tpu.memref_squeeze %gather3A_812 : memref<1x32x128xf32, #tpu.memory_space<vmem>> -> memref<32x128xf32, #tpu.memory_space<vmem>>
    %gather3A_814 = tpu.vector_load_idx %gather3A_813[%add3A_808, %broadcast_in_dim3A_791] : memref<32x128xf32, #tpu.memory_space<vmem>>[vector<16xi32>, vector<16xi32>], vector<16xf32>,
    %add3A_815 = arith.constant 16 : i32
    %add3A_816 = vector.broadcast %add3A_815 : i32 to vector<16xi32>
    %add3A_817 = arith.addi %iota3A, %add3A_816 : vector<16xi32>
    tpu.vector_store_idx %arg7[%add3A_817, %broadcast_in_dim3A_793], %gather3A_814 : memref<32x512xf32, #tpu.memory_space<vmem>>[vector<16xi32>, vector<16xi32>], vector<16xf32>,
    %slice3A_818 = vector.extract_strided_slice %select_n3A_688 {offsets = [3], sizes = [1], strides = [1]} : vector<16xi32> to vector<1xi32>
    %squeeze3A_819 = vector.extract %slice3A_818[0] : i32 from vector<1xi32>
    %dma_wait3A_820 = arith.constant 3 : i32
    %dma_wait3A_821 = arith.constant 0 : i32
    %dma_wait3A_822 = arith.constant 0 : i32
    %dma_wait3A_823 = tpu.memref_slice %arg6[%dma_wait3A_820, %dma_wait3A_821, %dma_wait3A_822] : memref<16x32x128xf32, #tpu.memory_space<vmem>> -> memref<1x32x128xf32, #tpu.memory_space<vmem>>
    %dma_wait3A_824 = tpu.memref_squeeze %dma_wait3A_823 : memref<1x32x128xf32, #tpu.memory_space<vmem>> -> memref<32x128xf32, #tpu.memory_space<vmem>>
    %dma_wait3A_825 = arith.constant 0 : i32
    %dma_wait3A_826 = arith.constant 0 : i32
    %dma_wait3A_827 = tpu.memref_slice %arg2[%dma_wait3A_825, %dma_wait3A_826] : memref<32x1000001xf32, #tpu.memory_space<hbm>> -> memref<32x128xf32, #tpu.memory_space<hbm>>
    %dma_wait3A_828 = arith.constant 0 : i32
    %dma_wait3A_829 = arith.constant 0 : i32
    %dma_wait3A_830 = tpu.memref_slice %arg6[%dma_wait3A_820, %dma_wait3A_828, %dma_wait3A_829] : memref<16x32x128xf32, #tpu.memory_space<vmem>> -> memref<1x32x128xf32, #tpu.memory_space<vmem>>
    %dma_wait3A_831 = tpu.memref_squeeze %dma_wait3A_830 : memref<1x32x128xf32, #tpu.memory_space<vmem>> -> memref<32x128xf32, #tpu.memory_space<vmem>>
    %dma_wait3A_832 = arith.constant 0 : i32
    %dma_wait3A_833 = arith.constant 0 : i32
    %dma_wait3A_834 = tpu.memref_slice %arg2[%dma_wait3A_832, %dma_wait3A_833] : memref<32x1000001xf32, #tpu.memory_space<hbm>> -> memref<32x128xf32, #tpu.memory_space<hbm>>
    tpu.wait_dma2 semaphore(%arg11 : memref<!tpu.dma_semaphore, #tpu.memory_space<semaphore_mem>>) src(%dma_wait3A_834 : memref<32x128xf32, #tpu.memory_space<hbm>>) dst(%dma_wait3A_831 : memref<32x128xf32, #tpu.memory_space<vmem>>)
    %broadcast_in_dim3A_835 = vector.broadcast %squeeze3A_819 : i32 to vector<16xi32>
    %broadcast_in_dim3A_836 = arith.constant 499 : i32
    %broadcast_in_dim3A_837 = vector.broadcast %broadcast_in_dim3A_836 : i32 to vector<16xi32>
    %add3A_838 = arith.constant 0 : i32
    %add3A_839 = vector.broadcast %add3A_838 : i32 to vector<16xi32>
    %add3A_840 = arith.addi %iota3A, %add3A_839 : vector<16xi32>
    %gather3A_841 = arith.constant 3 : i32
    %gather3A_842 = arith.constant 0 : i32
    %gather3A_843 = arith.constant 0 : i32
    %gather3A_844 = tpu.memref_slice %arg6[%gather3A_841, %gather3A_842, %gather3A_843] : memref<16x32x128xf32, #tpu.memory_space<vmem>> -> memref<1x32x128xf32, #tpu.memory_space<vmem>>
    %gather3A_845 = tpu.memref_squeeze %gather3A_844 : memref<1x32x128xf32, #tpu.memory_space<vmem>> -> memref<32x128xf32, #tpu.memory_space<vmem>>
    %gather3A_846 = tpu.vector_load_idx %gather3A_845[%add3A_840, %broadcast_in_dim3A_835] : memref<32x128xf32, #tpu.memory_space<vmem>>[vector<16xi32>, vector<16xi32>], vector<16xf32>,
    %add3A_847 = arith.constant 0 : i32
    %add3A_848 = vector.broadcast %add3A_847 : i32 to vector<16xi32>
    %add3A_849 = arith.addi %iota3A, %add3A_848 : vector<16xi32>
    tpu.vector_store_idx %arg7[%add3A_849, %broadcast_in_dim3A_837], %gather3A_846 : memref<32x512xf32, #tpu.memory_space<vmem>>[vector<16xi32>, vector<16xi32>], vector<16xf32>,
    %add3A_850 = arith.constant 16 : i32
    %add3A_851 = vector.broadcast %add3A_850 : i32 to vector<16xi32>
    %add3A_852 = arith.addi %iota3A, %add3A_851 : vector<16xi32>
    %gather3A_853 = arith.constant 3 : i32
    %gather3A_854 = arith.constant 0 : i32
    %gather3A_855 = arith.constant 0 : i32
    %gather3A_856 = tpu.memref_slice %arg6[%gather3A_853, %gather3A_854, %gather3A_855] : memref<16x32x128xf32, #tpu.memory_space<vmem>> -> memref<1x32x128xf32, #tpu.memory_space<vmem>>
    %gather3A_857 = tpu.memref_squeeze %gather3A_856 : memref<1x32x128xf32, #tpu.memory_space<vmem>> -> memref<32x128xf32, #tpu.memory_space<vmem>>
    %gather3A_858 = tpu.vector_load_idx %gather3A_857[%add3A_852, %broadcast_in_dim3A_835] : memref<32x128xf32, #tpu.memory_space<vmem>>[vector<16xi32>, vector<16xi32>], vector<16xf32>,
    %add3A_859 = arith.constant 16 : i32
    %add3A_860 = vector.broadcast %add3A_859 : i32 to vector<16xi32>
    %add3A_861 = arith.addi %iota3A, %add3A_860 : vector<16xi32>
    tpu.vector_store_idx %arg7[%add3A_861, %broadcast_in_dim3A_837], %gather3A_858 : memref<32x512xf32, #tpu.memory_space<vmem>>[vector<16xi32>, vector<16xi32>], vector<16xf32>,
    %slice3A_862 = vector.extract_strided_slice %select_n3A_688 {offsets = [4], sizes = [1], strides = [1]} : vector<16xi32> to vector<1xi32>
    %squeeze3A_863 = vector.extract %slice3A_862[0] : i32 from vector<1xi32>
    %dma_wait3A_864 = arith.constant 4 : i32
    %dma_wait3A_865 = arith.constant 0 : i32
    %dma_wait3A_866 = arith.constant 0 : i32
    %dma_wait3A_867 = tpu.memref_slice %arg6[%dma_wait3A_864, %dma_wait3A_865, %dma_wait3A_866] : memref<16x32x128xf32, #tpu.memory_space<vmem>> -> memref<1x32x128xf32, #tpu.memory_space<vmem>>
    %dma_wait3A_868 = tpu.memref_squeeze %dma_wait3A_867 : memref<1x32x128xf32, #tpu.memory_space<vmem>> -> memref<32x128xf32, #tpu.memory_space<vmem>>
    %dma_wait3A_869 = arith.constant 0 : i32
    %dma_wait3A_870 = arith.constant 0 : i32
    %dma_wait3A_871 = tpu.memref_slice %arg2[%dma_wait3A_869, %dma_wait3A_870] : memref<32x1000001xf32, #tpu.memory_space<hbm>> -> memref<32x128xf32, #tpu.memory_space<hbm>>
    %dma_wait3A_872 = arith.constant 0 : i32
    %dma_wait3A_873 = arith.constant 0 : i32
    %dma_wait3A_874 = tpu.memref_slice %arg6[%dma_wait3A_864, %dma_wait3A_872, %dma_wait3A_873] : memref<16x32x128xf32, #tpu.memory_space<vmem>> -> memref<1x32x128xf32, #tpu.memory_space<vmem>>
    %dma_wait3A_875 = tpu.memref_squeeze %dma_wait3A_874 : memref<1x32x128xf32, #tpu.memory_space<vmem>> -> memref<32x128xf32, #tpu.memory_space<vmem>>
    %dma_wait3A_876 = arith.constant 0 : i32
    %dma_wait3A_877 = arith.constant 0 : i32
    %dma_wait3A_878 = tpu.memref_slice %arg2[%dma_wait3A_876, %dma_wait3A_877] : memref<32x1000001xf32, #tpu.memory_space<hbm>> -> memref<32x128xf32, #tpu.memory_space<hbm>>
    tpu.wait_dma2 semaphore(%arg12 : memref<!tpu.dma_semaphore, #tpu.memory_space<semaphore_mem>>) src(%dma_wait3A_878 : memref<32x128xf32, #tpu.memory_space<hbm>>) dst(%dma_wait3A_875 : memref<32x128xf32, #tpu.memory_space<vmem>>)
    %broadcast_in_dim3A_879 = vector.broadcast %squeeze3A_863 : i32 to vector<16xi32>
    %broadcast_in_dim3A_880 = arith.constant 500 : i32
    %broadcast_in_dim3A_881 = vector.broadcast %broadcast_in_dim3A_880 : i32 to vector<16xi32>
    %add3A_882 = arith.constant 0 : i32
    %add3A_883 = vector.broadcast %add3A_882 : i32 to vector<16xi32>
    %add3A_884 = arith.addi %iota3A, %add3A_883 : vector<16xi32>
    %gather3A_885 = arith.constant 4 : i32
    %gather3A_886 = arith.constant 0 : i32
    %gather3A_887 = arith.constant 0 : i32
    %gather3A_888 = tpu.memref_slice %arg6[%gather3A_885, %gather3A_886, %gather3A_887] : memref<16x32x128xf32, #tpu.memory_space<vmem>> -> memref<1x32x128xf32, #tpu.memory_space<vmem>>
    %gather3A_889 = tpu.memref_squeeze %gather3A_888 : memref<1x32x128xf32, #tpu.memory_space<vmem>> -> memref<32x128xf32, #tpu.memory_space<vmem>>
    %gather3A_890 = tpu.vector_load_idx %gather3A_889[%add3A_884, %broadcast_in_dim3A_879] : memref<32x128xf32, #tpu.memory_space<vmem>>[vector<16xi32>, vector<16xi32>], vector<16xf32>,
    %add3A_891 = arith.constant 0 : i32
    %add3A_892 = vector.broadcast %add3A_891 : i32 to vector<16xi32>
    %add3A_893 = arith.addi %iota3A, %add3A_892 : vector<16xi32>
    tpu.vector_store_idx %arg7[%add3A_893, %broadcast_in_dim3A_881], %gather3A_890 : memref<32x512xf32, #tpu.memory_space<vmem>>[vector<16xi32>, vector<16xi32>], vector<16xf32>,
    %add3A_894 = arith.constant 16 : i32
    %add3A_895 = vector.broadcast %add3A_894 : i32 to vector<16xi32>
    %add3A_896 = arith.addi %iota3A, %add3A_895 : vector<16xi32>
    %gather3A_897 = arith.constant 4 : i32
    %gather3A_898 = arith.constant 0 : i32
    %gather3A_899 = arith.constant 0 : i32
    %gather3A_900 = tpu.memref_slice %arg6[%gather3A_897, %gather3A_898, %gather3A_899] : memref<16x32x128xf32, #tpu.memory_space<vmem>> -> memref<1x32x128xf32, #tpu.memory_space<vmem>>
    %gather3A_901 = tpu.memref_squeeze %gather3A_900 : memref<1x32x128xf32, #tpu.memory_space<vmem>> -> memref<32x128xf32, #tpu.memory_space<vmem>>
    %gather3A_902 = tpu.vector_load_idx %gather3A_901[%add3A_896, %broadcast_in_dim3A_879] : memref<32x128xf32, #tpu.memory_space<vmem>>[vector<16xi32>, vector<16xi32>], vector<16xf32>,
    %add3A_903 = arith.constant 16 : i32
    %add3A_904 = vector.broadcast %add3A_903 : i32 to vector<16xi32>
    %add3A_905 = arith.addi %iota3A, %add3A_904 : vector<16xi32>
    tpu.vector_store_idx %arg7[%add3A_905, %broadcast_in_dim3A_881], %gather3A_902 : memref<32x512xf32, #tpu.memory_space<vmem>>[vector<16xi32>, vector<16xi32>], vector<16xf32>,
    %slice3A_906 = vector.extract_strided_slice %select_n3A_688 {offsets = [5], sizes = [1], strides = [1]} : vector<16xi32> to vector<1xi32>
    %squeeze3A_907 = vector.extract %slice3A_906[0] : i32 from vector<1xi32>
    %dma_wait3A_908 = arith.constant 5 : i32
    %dma_wait3A_909 = arith.constant 0 : i32
    %dma_wait3A_910 = arith.constant 0 : i32
    %dma_wait3A_911 = tpu.memref_slice %arg6[%dma_wait3A_908, %dma_wait3A_909, %dma_wait3A_910] : memref<16x32x128xf32, #tpu.memory_space<vmem>> -> memref<1x32x128xf32, #tpu.memory_space<vmem>>
    %dma_wait3A_912 = tpu.memref_squeeze %dma_wait3A_911 : memref<1x32x128xf32, #tpu.memory_space<vmem>> -> memref<32x128xf32, #tpu.memory_space<vmem>>
    %dma_wait3A_913 = arith.constant 0 : i32
    %dma_wait3A_914 = arith.constant 0 : i32
    %dma_wait3A_915 = tpu.memref_slice %arg2[%dma_wait3A_913, %dma_wait3A_914] : memref<32x1000001xf32, #tpu.memory_space<hbm>> -> memref<32x128xf32, #tpu.memory_space<hbm>>
    %dma_wait3A_916 = arith.constant 0 : i32
    %dma_wait3A_917 = arith.constant 0 : i32
    %dma_wait3A_918 = tpu.memref_slice %arg6[%dma_wait3A_908, %dma_wait3A_916, %dma_wait3A_917] : memref<16x32x128xf32, #tpu.memory_space<vmem>> -> memref<1x32x128xf32, #tpu.memory_space<vmem>>
    %dma_wait3A_919 = tpu.memref_squeeze %dma_wait3A_918 : memref<1x32x128xf32, #tpu.memory_space<vmem>> -> memref<32x128xf32, #tpu.memory_space<vmem>>
    %dma_wait3A_920 = arith.constant 0 : i32
    %dma_wait3A_921 = arith.constant 0 : i32
    %dma_wait3A_922 = tpu.memref_slice %arg2[%dma_wait3A_920, %dma_wait3A_921] : memref<32x1000001xf32, #tpu.memory_space<hbm>> -> memref<32x128xf32, #tpu.memory_space<hbm>>
    tpu.wait_dma2 semaphore(%arg13 : memref<!tpu.dma_semaphore, #tpu.memory_space<semaphore_mem>>) src(%dma_wait3A_922 : memref<32x128xf32, #tpu.memory_space<hbm>>) dst(%dma_wait3A_919 : memref<32x128xf32, #tpu.memory_space<vmem>>)
    %broadcast_in_dim3A_923 = vector.broadcast %squeeze3A_907 : i32 to vector<16xi32>
    %broadcast_in_dim3A_924 = arith.constant 501 : i32
    %broadcast_in_dim3A_925 = vector.broadcast %broadcast_in_dim3A_924 : i32 to vector<16xi32>
    %add3A_926 = arith.constant 0 : i32
    %add3A_927 = vector.broadcast %add3A_926 : i32 to vector<16xi32>
    %add3A_928 = arith.addi %iota3A, %add3A_927 : vector<16xi32>
    %gather3A_929 = arith.constant 5 : i32
    %gather3A_930 = arith.constant 0 : i32
    %gather3A_931 = arith.constant 0 : i32
    %gather3A_932 = tpu.memref_slice %arg6[%gather3A_929, %gather3A_930, %gather3A_931] : memref<16x32x128xf32, #tpu.memory_space<vmem>> -> memref<1x32x128xf32, #tpu.memory_space<vmem>>
    %gather3A_933 = tpu.memref_squeeze %gather3A_932 : memref<1x32x128xf32, #tpu.memory_space<vmem>> -> memref<32x128xf32, #tpu.memory_space<vmem>>
    %gather3A_934 = tpu.vector_load_idx %gather3A_933[%add3A_928, %broadcast_in_dim3A_923] : memref<32x128xf32, #tpu.memory_space<vmem>>[vector<16xi32>, vector<16xi32>], vector<16xf32>,
    %add3A_935 = arith.constant 0 : i32
    %add3A_936 = vector.broadcast %add3A_935 : i32 to vector<16xi32>
    %add3A_937 = arith.addi %iota3A, %add3A_936 : vector<16xi32>
    tpu.vector_store_idx %arg7[%add3A_937, %broadcast_in_dim3A_925], %gather3A_934 : memref<32x512xf32, #tpu.memory_space<vmem>>[vector<16xi32>, vector<16xi32>], vector<16xf32>,
    %add3A_938 = arith.constant 16 : i32
    %add3A_939 = vector.broadcast %add3A_938 : i32 to vector<16xi32>
    %add3A_940 = arith.addi %iota3A, %add3A_939 : vector<16xi32>
    %gather3A_941 = arith.constant 5 : i32
    %gather3A_942 = arith.constant 0 : i32
    %gather3A_943 = arith.constant 0 : i32
    %gather3A_944 = tpu.memref_slice %arg6[%gather3A_941, %gather3A_942, %gather3A_943] : memref<16x32x128xf32, #tpu.memory_space<vmem>> -> memref<1x32x128xf32, #tpu.memory_space<vmem>>
    %gather3A_945 = tpu.memref_squeeze %gather3A_944 : memref<1x32x128xf32, #tpu.memory_space<vmem>> -> memref<32x128xf32, #tpu.memory_space<vmem>>
    %gather3A_946 = tpu.vector_load_idx %gather3A_945[%add3A_940, %broadcast_in_dim3A_923] : memref<32x128xf32, #tpu.memory_space<vmem>>[vector<16xi32>, vector<16xi32>], vector<16xf32>,
    %add3A_947 = arith.constant 16 : i32
    %add3A_948 = vector.broadcast %add3A_947 : i32 to vector<16xi32>
    %add3A_949 = arith.addi %iota3A, %add3A_948 : vector<16xi32>
    tpu.vector_store_idx %arg7[%add3A_949, %broadcast_in_dim3A_925], %gather3A_946 : memref<32x512xf32, #tpu.memory_space<vmem>>[vector<16xi32>, vector<16xi32>], vector<16xf32>,
    %slice3A_950 = vector.extract_strided_slice %select_n3A_688 {offsets = [6], sizes = [1], strides = [1]} : vector<16xi32> to vector<1xi32>
    %squeeze3A_951 = vector.extract %slice3A_950[0] : i32 from vector<1xi32>
    %dma_wait3A_952 = arith.constant 6 : i32
    %dma_wait3A_953 = arith.constant 0 : i32
    %dma_wait3A_954 = arith.constant 0 : i32
    %dma_wait3A_955 = tpu.memref_slice %arg6[%dma_wait3A_952, %dma_wait3A_953, %dma_wait3A_954] : memref<16x32x128xf32, #tpu.memory_space<vmem>> -> memref<1x32x128xf32, #tpu.memory_space<vmem>>
    %dma_wait3A_956 = tpu.memref_squeeze %dma_wait3A_955 : memref<1x32x128xf32, #tpu.memory_space<vmem>> -> memref<32x128xf32, #tpu.memory_space<vmem>>
    %dma_wait3A_957 = arith.constant 0 : i32
    %dma_wait3A_958 = arith.constant 0 : i32
    %dma_wait3A_959 = tpu.memref_slice %arg2[%dma_wait3A_957, %dma_wait3A_958] : memref<32x1000001xf32, #tpu.memory_space<hbm>> -> memref<32x128xf32, #tpu.memory_space<hbm>>
    %dma_wait3A_960 = arith.constant 0 : i32
    %dma_wait3A_961 = arith.constant 0 : i32
    %dma_wait3A_962 = tpu.memref_slice %arg6[%dma_wait3A_952, %dma_wait3A_960, %dma_wait3A_961] : memref<16x32x128xf32, #tpu.memory_space<vmem>> -> memref<1x32x128xf32, #tpu.memory_space<vmem>>
    %dma_wait3A_963 = tpu.memref_squeeze %dma_wait3A_962 : memref<1x32x128xf32, #tpu.memory_space<vmem>> -> memref<32x128xf32, #tpu.memory_space<vmem>>
    %dma_wait3A_964 = arith.constant 0 : i32
    %dma_wait3A_965 = arith.constant 0 : i32
    %dma_wait3A_966 = tpu.memref_slice %arg2[%dma_wait3A_964, %dma_wait3A_965] : memref<32x1000001xf32, #tpu.memory_space<hbm>> -> memref<32x128xf32, #tpu.memory_space<hbm>>
    tpu.wait_dma2 semaphore(%arg14 : memref<!tpu.dma_semaphore, #tpu.memory_space<semaphore_mem>>) src(%dma_wait3A_966 : memref<32x128xf32, #tpu.memory_space<hbm>>) dst(%dma_wait3A_963 : memref<32x128xf32, #tpu.memory_space<vmem>>)
    %broadcast_in_dim3A_967 = vector.broadcast %squeeze3A_951 : i32 to vector<16xi32>
    %broadcast_in_dim3A_968 = arith.constant 502 : i32
    %broadcast_in_dim3A_969 = vector.broadcast %broadcast_in_dim3A_968 : i32 to vector<16xi32>
    %add3A_970 = arith.constant 0 : i32
    %add3A_971 = vector.broadcast %add3A_970 : i32 to vector<16xi32>
    %add3A_972 = arith.addi %iota3A, %add3A_971 : vector<16xi32>
    %gather3A_973 = arith.constant 6 : i32
    %gather3A_974 = arith.constant 0 : i32
    %gather3A_975 = arith.constant 0 : i32
    %gather3A_976 = tpu.memref_slice %arg6[%gather3A_973, %gather3A_974, %gather3A_975] : memref<16x32x128xf32, #tpu.memory_space<vmem>> -> memref<1x32x128xf32, #tpu.memory_space<vmem>>
    %gather3A_977 = tpu.memref_squeeze %gather3A_976 : memref<1x32x128xf32, #tpu.memory_space<vmem>> -> memref<32x128xf32, #tpu.memory_space<vmem>>
    %gather3A_978 = tpu.vector_load_idx %gather3A_977[%add3A_972, %broadcast_in_dim3A_967] : memref<32x128xf32, #tpu.memory_space<vmem>>[vector<16xi32>, vector<16xi32>], vector<16xf32>,
    %add3A_979 = arith.constant 0 : i32
    %add3A_980 = vector.broadcast %add3A_979 : i32 to vector<16xi32>
    %add3A_981 = arith.addi %iota3A, %add3A_980 : vector<16xi32>
    tpu.vector_store_idx %arg7[%add3A_981, %broadcast_in_dim3A_969], %gather3A_978 : memref<32x512xf32, #tpu.memory_space<vmem>>[vector<16xi32>, vector<16xi32>], vector<16xf32>,
    %add3A_982 = arith.constant 16 : i32
    %add3A_983 = vector.broadcast %add3A_982 : i32 to vector<16xi32>
    %add3A_984 = arith.addi %iota3A, %add3A_983 : vector<16xi32>
    %gather3A_985 = arith.constant 6 : i32
    %gather3A_986 = arith.constant 0 : i32
    %gather3A_987 = arith.constant 0 : i32
    %gather3A_988 = tpu.memref_slice %arg6[%gather3A_985, %gather3A_986, %gather3A_987] : memref<16x32x128xf32, #tpu.memory_space<vmem>> -> memref<1x32x128xf32, #tpu.memory_space<vmem>>
    %gather3A_989 = tpu.memref_squeeze %gather3A_988 : memref<1x32x128xf32, #tpu.memory_space<vmem>> -> memref<32x128xf32, #tpu.memory_space<vmem>>
    %gather3A_990 = tpu.vector_load_idx %gather3A_989[%add3A_984, %broadcast_in_dim3A_967] : memref<32x128xf32, #tpu.memory_space<vmem>>[vector<16xi32>, vector<16xi32>], vector<16xf32>,
    %add3A_991 = arith.constant 16 : i32
    %add3A_992 = vector.broadcast %add3A_991 : i32 to vector<16xi32>
    %add3A_993 = arith.addi %iota3A, %add3A_992 : vector<16xi32>
    tpu.vector_store_idx %arg7[%add3A_993, %broadcast_in_dim3A_969], %gather3A_990 : memref<32x512xf32, #tpu.memory_space<vmem>>[vector<16xi32>, vector<16xi32>], vector<16xf32>,
    %slice3A_994 = vector.extract_strided_slice %select_n3A_688 {offsets = [7], sizes = [1], strides = [1]} : vector<16xi32> to vector<1xi32>
    %squeeze3A_995 = vector.extract %slice3A_994[0] : i32 from vector<1xi32>
    %dma_wait3A_996 = arith.constant 7 : i32
    %dma_wait3A_997 = arith.constant 0 : i32
    %dma_wait3A_998 = arith.constant 0 : i32
    %dma_wait3A_999 = tpu.memref_slice %arg6[%dma_wait3A_996, %dma_wait3A_997, %dma_wait3A_998] : memref<16x32x128xf32, #tpu.memory_space<vmem>> -> memref<1x32x128xf32, #tpu.memory_space<vmem>>
    %dma_wait3A_1000 = tpu.memref_squeeze %dma_wait3A_999 : memref<1x32x128xf32, #tpu.memory_space<vmem>> -> memref<32x128xf32, #tpu.memory_space<vmem>>
    %dma_wait3A_1001 = arith.constant 0 : i32
    %dma_wait3A_1002 = arith.constant 0 : i32
    %dma_wait3A_1003 = tpu.memref_slice %arg2[%dma_wait3A_1001, %dma_wait3A_1002] : memref<32x1000001xf32, #tpu.memory_space<hbm>> -> memref<32x128xf32, #tpu.memory_space<hbm>>
    %dma_wait3A_1004 = arith.constant 0 : i32
    %dma_wait3A_1005 = arith.constant 0 : i32
    %dma_wait3A_1006 = tpu.memref_slice %arg6[%dma_wait3A_996, %dma_wait3A_1004, %dma_wait3A_1005] : memref<16x32x128xf32, #tpu.memory_space<vmem>> -> memref<1x32x128xf32, #tpu.memory_space<vmem>>
    %dma_wait3A_1007 = tpu.memref_squeeze %dma_wait3A_1006 : memref<1x32x128xf32, #tpu.memory_space<vmem>> -> memref<32x128xf32, #tpu.memory_space<vmem>>
    %dma_wait3A_1008 = arith.constant 0 : i32
    %dma_wait3A_1009 = arith.constant 0 : i32
    %dma_wait3A_1010 = tpu.memref_slice %arg2[%dma_wait3A_1008, %dma_wait3A_1009] : memref<32x1000001xf32, #tpu.memory_space<hbm>> -> memref<32x128xf32, #tpu.memory_space<hbm>>
    tpu.wait_dma2 semaphore(%arg15 : memref<!tpu.dma_semaphore, #tpu.memory_space<semaphore_mem>>) src(%dma_wait3A_1010 : memref<32x128xf32, #tpu.memory_space<hbm>>) dst(%dma_wait3A_1007 : memref<32x128xf32, #tpu.memory_space<vmem>>)
    %broadcast_in_dim3A_1011 = vector.broadcast %squeeze3A_995 : i32 to vector<16xi32>
    %broadcast_in_dim3A_1012 = arith.constant 503 : i32
    %broadcast_in_dim3A_1013 = vector.broadcast %broadcast_in_dim3A_1012 : i32 to vector<16xi32>
    %add3A_1014 = arith.constant 0 : i32
    %add3A_1015 = vector.broadcast %add3A_1014 : i32 to vector<16xi32>
    %add3A_1016 = arith.addi %iota3A, %add3A_1015 : vector<16xi32>
    %gather3A_1017 = arith.constant 7 : i32
    %gather3A_1018 = arith.constant 0 : i32
    %gather3A_1019 = arith.constant 0 : i32
    %gather3A_1020 = tpu.memref_slice %arg6[%gather3A_1017, %gather3A_1018, %gather3A_1019] : memref<16x32x128xf32, #tpu.memory_space<vmem>> -> memref<1x32x128xf32, #tpu.memory_space<vmem>>
    %gather3A_1021 = tpu.memref_squeeze %gather3A_1020 : memref<1x32x128xf32, #tpu.memory_space<vmem>> -> memref<32x128xf32, #tpu.memory_space<vmem>>
    %gather3A_1022 = tpu.vector_load_idx %gather3A_1021[%add3A_1016, %broadcast_in_dim3A_1011] : memref<32x128xf32, #tpu.memory_space<vmem>>[vector<16xi32>, vector<16xi32>], vector<16xf32>,
    %add3A_1023 = arith.constant 0 : i32
    %add3A_1024 = vector.broadcast %add3A_1023 : i32 to vector<16xi32>
    %add3A_1025 = arith.addi %iota3A, %add3A_1024 : vector<16xi32>
    tpu.vector_store_idx %arg7[%add3A_1025, %broadcast_in_dim3A_1013], %gather3A_1022 : memref<32x512xf32, #tpu.memory_space<vmem>>[vector<16xi32>, vector<16xi32>], vector<16xf32>,
    %add3A_1026 = arith.constant 16 : i32
    %add3A_1027 = vector.broadcast %add3A_1026 : i32 to vector<16xi32>
    %add3A_1028 = arith.addi %iota3A, %add3A_1027 : vector<16xi32>
    %gather3A_1029 = arith.constant 7 : i32
    %gather3A_1030 = arith.constant 0 : i32
    %gather3A_1031 = arith.constant 0 : i32
    %gather3A_1032 = tpu.memref_slice %arg6[%gather3A_1029, %gather3A_1030, %gather3A_1031] : memref<16x32x128xf32, #tpu.memory_space<vmem>> -> memref<1x32x128xf32, #tpu.memory_space<vmem>>
    %gather3A_1033 = tpu.memref_squeeze %gather3A_1032 : memref<1x32x128xf32, #tpu.memory_space<vmem>> -> memref<32x128xf32, #tpu.memory_space<vmem>>
    %gather3A_1034 = tpu.vector_load_idx %gather3A_1033[%add3A_1028, %broadcast_in_dim3A_1011] : memref<32x128xf32, #tpu.memory_space<vmem>>[vector<16xi32>, vector<16xi32>], vector<16xf32>,
    %add3A_1035 = arith.constant 16 : i32
    %add3A_1036 = vector.broadcast %add3A_1035 : i32 to vector<16xi32>
    %add3A_1037 = arith.addi %iota3A, %add3A_1036 : vector<16xi32>
    tpu.vector_store_idx %arg7[%add3A_1037, %broadcast_in_dim3A_1013], %gather3A_1034 : memref<32x512xf32, #tpu.memory_space<vmem>>[vector<16xi32>, vector<16xi32>], vector<16xf32>,
    %slice3A_1038 = vector.extract_strided_slice %select_n3A_688 {offsets = [8], sizes = [1], strides = [1]} : vector<16xi32> to vector<1xi32>
    %squeeze3A_1039 = vector.extract %slice3A_1038[0] : i32 from vector<1xi32>
    %dma_wait3A_1040 = arith.constant 8 : i32
    %dma_wait3A_1041 = arith.constant 0 : i32
    %dma_wait3A_1042 = arith.constant 0 : i32
    %dma_wait3A_1043 = tpu.memref_slice %arg6[%dma_wait3A_1040, %dma_wait3A_1041, %dma_wait3A_1042] : memref<16x32x128xf32, #tpu.memory_space<vmem>> -> memref<1x32x128xf32, #tpu.memory_space<vmem>>
    %dma_wait3A_1044 = tpu.memref_squeeze %dma_wait3A_1043 : memref<1x32x128xf32, #tpu.memory_space<vmem>> -> memref<32x128xf32, #tpu.memory_space<vmem>>
    %dma_wait3A_1045 = arith.constant 0 : i32
    %dma_wait3A_1046 = arith.constant 0 : i32
    %dma_wait3A_1047 = tpu.memref_slice %arg2[%dma_wait3A_1045, %dma_wait3A_1046] : memref<32x1000001xf32, #tpu.memory_space<hbm>> -> memref<32x128xf32, #tpu.memory_space<hbm>>
    %dma_wait3A_1048 = arith.constant 0 : i32
    %dma_wait3A_1049 = arith.constant 0 : i32
    %dma_wait3A_1050 = tpu.memref_slice %arg6[%dma_wait3A_1040, %dma_wait3A_1048, %dma_wait3A_1049] : memref<16x32x128xf32, #tpu.memory_space<vmem>> -> memref<1x32x128xf32, #tpu.memory_space<vmem>>
    %dma_wait3A_1051 = tpu.memref_squeeze %dma_wait3A_1050 : memref<1x32x128xf32, #tpu.memory_space<vmem>> -> memref<32x128xf32, #tpu.memory_space<vmem>>
    %dma_wait3A_1052 = arith.constant 0 : i32
    %dma_wait3A_1053 = arith.constant 0 : i32
    %dma_wait3A_1054 = tpu.memref_slice %arg2[%dma_wait3A_1052, %dma_wait3A_1053] : memref<32x1000001xf32, #tpu.memory_space<hbm>> -> memref<32x128xf32, #tpu.memory_space<hbm>>
    tpu.wait_dma2 semaphore(%arg16 : memref<!tpu.dma_semaphore, #tpu.memory_space<semaphore_mem>>) src(%dma_wait3A_1054 : memref<32x128xf32, #tpu.memory_space<hbm>>) dst(%dma_wait3A_1051 : memref<32x128xf32, #tpu.memory_space<vmem>>)
    %broadcast_in_dim3A_1055 = vector.broadcast %squeeze3A_1039 : i32 to vector<16xi32>
    %broadcast_in_dim3A_1056 = arith.constant 504 : i32
    %broadcast_in_dim3A_1057 = vector.broadcast %broadcast_in_dim3A_1056 : i32 to vector<16xi32>
    %add3A_1058 = arith.constant 0 : i32
    %add3A_1059 = vector.broadcast %add3A_1058 : i32 to vector<16xi32>
    %add3A_1060 = arith.addi %iota3A, %add3A_1059 : vector<16xi32>
    %gather3A_1061 = arith.constant 8 : i32
    %gather3A_1062 = arith.constant 0 : i32
    %gather3A_1063 = arith.constant 0 : i32
    %gather3A_1064 = tpu.memref_slice %arg6[%gather3A_1061, %gather3A_1062, %gather3A_1063] : memref<16x32x128xf32, #tpu.memory_space<vmem>> -> memref<1x32x128xf32, #tpu.memory_space<vmem>>
    %gather3A_1065 = tpu.memref_squeeze %gather3A_1064 : memref<1x32x128xf32, #tpu.memory_space<vmem>> -> memref<32x128xf32, #tpu.memory_space<vmem>>
    %gather3A_1066 = tpu.vector_load_idx %gather3A_1065[%add3A_1060, %broadcast_in_dim3A_1055] : memref<32x128xf32, #tpu.memory_space<vmem>>[vector<16xi32>, vector<16xi32>], vector<16xf32>,
    %add3A_1067 = arith.constant 0 : i32
    %add3A_1068 = vector.broadcast %add3A_1067 : i32 to vector<16xi32>
    %add3A_1069 = arith.addi %iota3A, %add3A_1068 : vector<16xi32>
    tpu.vector_store_idx %arg7[%add3A_1069, %broadcast_in_dim3A_1057], %gather3A_1066 : memref<32x512xf32, #tpu.memory_space<vmem>>[vector<16xi32>, vector<16xi32>], vector<16xf32>,
    %add3A_1070 = arith.constant 16 : i32
    %add3A_1071 = vector.broadcast %add3A_1070 : i32 to vector<16xi32>
    %add3A_1072 = arith.addi %iota3A, %add3A_1071 : vector<16xi32>
    %gather3A_1073 = arith.constant 8 : i32
    %gather3A_1074 = arith.constant 0 : i32
    %gather3A_1075 = arith.constant 0 : i32
    %gather3A_1076 = tpu.memref_slice %arg6[%gather3A_1073, %gather3A_1074, %gather3A_1075] : memref<16x32x128xf32, #tpu.memory_space<vmem>> -> memref<1x32x128xf32, #tpu.memory_space<vmem>>
    %gather3A_1077 = tpu.memref_squeeze %gather3A_1076 : memref<1x32x128xf32, #tpu.memory_space<vmem>> -> memref<32x128xf32, #tpu.memory_space<vmem>>
    %gather3A_1078 = tpu.vector_load_idx %gather3A_1077[%add3A_1072, %broadcast_in_dim3A_1055] : memref<32x128xf32, #tpu.memory_space<vmem>>[vector<16xi32>, vector<16xi32>], vector<16xf32>,
    %add3A_1079 = arith.constant 16 : i32
    %add3A_1080 = vector.broadcast %add3A_1079 : i32 to vector<16xi32>
    %add3A_1081 = arith.addi %iota3A, %add3A_1080 : vector<16xi32>
    tpu.vector_store_idx %arg7[%add3A_1081, %broadcast_in_dim3A_1057], %gather3A_1078 : memref<32x512xf32, #tpu.memory_space<vmem>>[vector<16xi32>, vector<16xi32>], vector<16xf32>,
    %slice3A_1082 = vector.extract_strided_slice %select_n3A_688 {offsets = [9], sizes = [1], strides = [1]} : vector<16xi32> to vector<1xi32>
    %squeeze3A_1083 = vector.extract %slice3A_1082[0] : i32 from vector<1xi32>
    %dma_wait3A_1084 = arith.constant 9 : i32
    %dma_wait3A_1085 = arith.constant 0 : i32
    %dma_wait3A_1086 = arith.constant 0 : i32
    %dma_wait3A_1087 = tpu.memref_slice %arg6[%dma_wait3A_1084, %dma_wait3A_1085, %dma_wait3A_1086] : memref<16x32x128xf32, #tpu.memory_space<vmem>> -> memref<1x32x128xf32, #tpu.memory_space<vmem>>
    %dma_wait3A_1088 = tpu.memref_squeeze %dma_wait3A_1087 : memref<1x32x128xf32, #tpu.memory_space<vmem>> -> memref<32x128xf32, #tpu.memory_space<vmem>>
    %dma_wait3A_1089 = arith.constant 0 : i32
    %dma_wait3A_1090 = arith.constant 0 : i32
    %dma_wait3A_1091 = tpu.memref_slice %arg2[%dma_wait3A_1089, %dma_wait3A_1090] : memref<32x1000001xf32, #tpu.memory_space<hbm>> -> memref<32x128xf32, #tpu.memory_space<hbm>>
    %dma_wait3A_1092 = arith.constant 0 : i32
    %dma_wait3A_1093 = arith.constant 0 : i32
    %dma_wait3A_1094 = tpu.memref_slice %arg6[%dma_wait3A_1084, %dma_wait3A_1092, %dma_wait3A_1093] : memref<16x32x128xf32, #tpu.memory_space<vmem>> -> memref<1x32x128xf32, #tpu.memory_space<vmem>>
    %dma_wait3A_1095 = tpu.memref_squeeze %dma_wait3A_1094 : memref<1x32x128xf32, #tpu.memory_space<vmem>> -> memref<32x128xf32, #tpu.memory_space<vmem>>
    %dma_wait3A_1096 = arith.constant 0 : i32
    %dma_wait3A_1097 = arith.constant 0 : i32
    %dma_wait3A_1098 = tpu.memref_slice %arg2[%dma_wait3A_1096, %dma_wait3A_1097] : memref<32x1000001xf32, #tpu.memory_space<hbm>> -> memref<32x128xf32, #tpu.memory_space<hbm>>
    tpu.wait_dma2 semaphore(%arg17 : memref<!tpu.dma_semaphore, #tpu.memory_space<semaphore_mem>>) src(%dma_wait3A_1098 : memref<32x128xf32, #tpu.memory_space<hbm>>) dst(%dma_wait3A_1095 : memref<32x128xf32, #tpu.memory_space<vmem>>)
    %broadcast_in_dim3A_1099 = vector.broadcast %squeeze3A_1083 : i32 to vector<16xi32>
    %broadcast_in_dim3A_1100 = arith.constant 505 : i32
    %broadcast_in_dim3A_1101 = vector.broadcast %broadcast_in_dim3A_1100 : i32 to vector<16xi32>
    %add3A_1102 = arith.constant 0 : i32
    %add3A_1103 = vector.broadcast %add3A_1102 : i32 to vector<16xi32>
    %add3A_1104 = arith.addi %iota3A, %add3A_1103 : vector<16xi32>
    %gather3A_1105 = arith.constant 9 : i32
    %gather3A_1106 = arith.constant 0 : i32
    %gather3A_1107 = arith.constant 0 : i32
    %gather3A_1108 = tpu.memref_slice %arg6[%gather3A_1105, %gather3A_1106, %gather3A_1107] : memref<16x32x128xf32, #tpu.memory_space<vmem>> -> memref<1x32x128xf32, #tpu.memory_space<vmem>>
    %gather3A_1109 = tpu.memref_squeeze %gather3A_1108 : memref<1x32x128xf32, #tpu.memory_space<vmem>> -> memref<32x128xf32, #tpu.memory_space<vmem>>
    %gather3A_1110 = tpu.vector_load_idx %gather3A_1109[%add3A_1104, %broadcast_in_dim3A_1099] : memref<32x128xf32, #tpu.memory_space<vmem>>[vector<16xi32>, vector<16xi32>], vector<16xf32>,
    %add3A_1111 = arith.constant 0 : i32
    %add3A_1112 = vector.broadcast %add3A_1111 : i32 to vector<16xi32>
    %add3A_1113 = arith.addi %iota3A, %add3A_1112 : vector<16xi32>
    tpu.vector_store_idx %arg7[%add3A_1113, %broadcast_in_dim3A_1101], %gather3A_1110 : memref<32x512xf32, #tpu.memory_space<vmem>>[vector<16xi32>, vector<16xi32>], vector<16xf32>,
    %add3A_1114 = arith.constant 16 : i32
    %add3A_1115 = vector.broadcast %add3A_1114 : i32 to vector<16xi32>
    %add3A_1116 = arith.addi %iota3A, %add3A_1115 : vector<16xi32>
    %gather3A_1117 = arith.constant 9 : i32
    %gather3A_1118 = arith.constant 0 : i32
    %gather3A_1119 = arith.constant 0 : i32
    %gather3A_1120 = tpu.memref_slice %arg6[%gather3A_1117, %gather3A_1118, %gather3A_1119] : memref<16x32x128xf32, #tpu.memory_space<vmem>> -> memref<1x32x128xf32, #tpu.memory_space<vmem>>
    %gather3A_1121 = tpu.memref_squeeze %gather3A_1120 : memref<1x32x128xf32, #tpu.memory_space<vmem>> -> memref<32x128xf32, #tpu.memory_space<vmem>>
    %gather3A_1122 = tpu.vector_load_idx %gather3A_1121[%add3A_1116, %broadcast_in_dim3A_1099] : memref<32x128xf32, #tpu.memory_space<vmem>>[vector<16xi32>, vector<16xi32>], vector<16xf32>,
    %add3A_1123 = arith.constant 16 : i32
    %add3A_1124 = vector.broadcast %add3A_1123 : i32 to vector<16xi32>
    %add3A_1125 = arith.addi %iota3A, %add3A_1124 : vector<16xi32>
    tpu.vector_store_idx %arg7[%add3A_1125, %broadcast_in_dim3A_1101], %gather3A_1122 : memref<32x512xf32, #tpu.memory_space<vmem>>[vector<16xi32>, vector<16xi32>], vector<16xf32>,
    %slice3A_1126 = vector.extract_strided_slice %select_n3A_688 {offsets = [10], sizes = [1], strides = [1]} : vector<16xi32> to vector<1xi32>
    %squeeze3A_1127 = vector.extract %slice3A_1126[0] : i32 from vector<1xi32>
    %dma_wait3A_1128 = arith.constant 10 : i32
    %dma_wait3A_1129 = arith.constant 0 : i32
    %dma_wait3A_1130 = arith.constant 0 : i32
    %dma_wait3A_1131 = tpu.memref_slice %arg6[%dma_wait3A_1128, %dma_wait3A_1129, %dma_wait3A_1130] : memref<16x32x128xf32, #tpu.memory_space<vmem>> -> memref<1x32x128xf32, #tpu.memory_space<vmem>>
    %dma_wait3A_1132 = tpu.memref_squeeze %dma_wait3A_1131 : memref<1x32x128xf32, #tpu.memory_space<vmem>> -> memref<32x128xf32, #tpu.memory_space<vmem>>
    %dma_wait3A_1133 = arith.constant 0 : i32
    %dma_wait3A_1134 = arith.constant 0 : i32
    %dma_wait3A_1135 = tpu.memref_slice %arg2[%dma_wait3A_1133, %dma_wait3A_1134] : memref<32x1000001xf32, #tpu.memory_space<hbm>> -> memref<32x128xf32, #tpu.memory_space<hbm>>
    %dma_wait3A_1136 = arith.constant 0 : i32
    %dma_wait3A_1137 = arith.constant 0 : i32
    %dma_wait3A_1138 = tpu.memref_slice %arg6[%dma_wait3A_1128, %dma_wait3A_1136, %dma_wait3A_1137] : memref<16x32x128xf32, #tpu.memory_space<vmem>> -> memref<1x32x128xf32, #tpu.memory_space<vmem>>
    %dma_wait3A_1139 = tpu.memref_squeeze %dma_wait3A_1138 : memref<1x32x128xf32, #tpu.memory_space<vmem>> -> memref<32x128xf32, #tpu.memory_space<vmem>>
    %dma_wait3A_1140 = arith.constant 0 : i32
    %dma_wait3A_1141 = arith.constant 0 : i32
    %dma_wait3A_1142 = tpu.memref_slice %arg2[%dma_wait3A_1140, %dma_wait3A_1141] : memref<32x1000001xf32, #tpu.memory_space<hbm>> -> memref<32x128xf32, #tpu.memory_space<hbm>>
    tpu.wait_dma2 semaphore(%arg18 : memref<!tpu.dma_semaphore, #tpu.memory_space<semaphore_mem>>) src(%dma_wait3A_1142 : memref<32x128xf32, #tpu.memory_space<hbm>>) dst(%dma_wait3A_1139 : memref<32x128xf32, #tpu.memory_space<vmem>>)
    %broadcast_in_dim3A_1143 = vector.broadcast %squeeze3A_1127 : i32 to vector<16xi32>
    %broadcast_in_dim3A_1144 = arith.constant 506 : i32
    %broadcast_in_dim3A_1145 = vector.broadcast %broadcast_in_dim3A_1144 : i32 to vector<16xi32>
    %add3A_1146 = arith.constant 0 : i32
    %add3A_1147 = vector.broadcast %add3A_1146 : i32 to vector<16xi32>
    %add3A_1148 = arith.addi %iota3A, %add3A_1147 : vector<16xi32>
    %gather3A_1149 = arith.constant 10 : i32
    %gather3A_1150 = arith.constant 0 : i32
    %gather3A_1151 = arith.constant 0 : i32
    %gather3A_1152 = tpu.memref_slice %arg6[%gather3A_1149, %gather3A_1150, %gather3A_1151] : memref<16x32x128xf32, #tpu.memory_space<vmem>> -> memref<1x32x128xf32, #tpu.memory_space<vmem>>
    %gather3A_1153 = tpu.memref_squeeze %gather3A_1152 : memref<1x32x128xf32, #tpu.memory_space<vmem>> -> memref<32x128xf32, #tpu.memory_space<vmem>>
    %gather3A_1154 = tpu.vector_load_idx %gather3A_1153[%add3A_1148, %broadcast_in_dim3A_1143] : memref<32x128xf32, #tpu.memory_space<vmem>>[vector<16xi32>, vector<16xi32>], vector<16xf32>,
    %add3A_1155 = arith.constant 0 : i32
    %add3A_1156 = vector.broadcast %add3A_1155 : i32 to vector<16xi32>
    %add3A_1157 = arith.addi %iota3A, %add3A_1156 : vector<16xi32>
    tpu.vector_store_idx %arg7[%add3A_1157, %broadcast_in_dim3A_1145], %gather3A_1154 : memref<32x512xf32, #tpu.memory_space<vmem>>[vector<16xi32>, vector<16xi32>], vector<16xf32>,
    %add3A_1158 = arith.constant 16 : i32
    %add3A_1159 = vector.broadcast %add3A_1158 : i32 to vector<16xi32>
    %add3A_1160 = arith.addi %iota3A, %add3A_1159 : vector<16xi32>
    %gather3A_1161 = arith.constant 10 : i32
    %gather3A_1162 = arith.constant 0 : i32
    %gather3A_1163 = arith.constant 0 : i32
    %gather3A_1164 = tpu.memref_slice %arg6[%gather3A_1161, %gather3A_1162, %gather3A_1163] : memref<16x32x128xf32, #tpu.memory_space<vmem>> -> memref<1x32x128xf32, #tpu.memory_space<vmem>>
    %gather3A_1165 = tpu.memref_squeeze %gather3A_1164 : memref<1x32x128xf32, #tpu.memory_space<vmem>> -> memref<32x128xf32, #tpu.memory_space<vmem>>
    %gather3A_1166 = tpu.vector_load_idx %gather3A_1165[%add3A_1160, %broadcast_in_dim3A_1143] : memref<32x128xf32, #tpu.memory_space<vmem>>[vector<16xi32>, vector<16xi32>], vector<16xf32>,
    %add3A_1167 = arith.constant 16 : i32
    %add3A_1168 = vector.broadcast %add3A_1167 : i32 to vector<16xi32>
    %add3A_1169 = arith.addi %iota3A, %add3A_1168 : vector<16xi32>
    tpu.vector_store_idx %arg7[%add3A_1169, %broadcast_in_dim3A_1145], %gather3A_1166 : memref<32x512xf32, #tpu.memory_space<vmem>>[vector<16xi32>, vector<16xi32>], vector<16xf32>,
    %slice3A_1170 = vector.extract_strided_slice %select_n3A_688 {offsets = [11], sizes = [1], strides = [1]} : vector<16xi32> to vector<1xi32>
    %squeeze3A_1171 = vector.extract %slice3A_1170[0] : i32 from vector<1xi32>
    %dma_wait3A_1172 = arith.constant 11 : i32
    %dma_wait3A_1173 = arith.constant 0 : i32
    %dma_wait3A_1174 = arith.constant 0 : i32
    %dma_wait3A_1175 = tpu.memref_slice %arg6[%dma_wait3A_1172, %dma_wait3A_1173, %dma_wait3A_1174] : memref<16x32x128xf32, #tpu.memory_space<vmem>> -> memref<1x32x128xf32, #tpu.memory_space<vmem>>
    %dma_wait3A_1176 = tpu.memref_squeeze %dma_wait3A_1175 : memref<1x32x128xf32, #tpu.memory_space<vmem>> -> memref<32x128xf32, #tpu.memory_space<vmem>>
    %dma_wait3A_1177 = arith.constant 0 : i32
    %dma_wait3A_1178 = arith.constant 0 : i32
    %dma_wait3A_1179 = tpu.memref_slice %arg2[%dma_wait3A_1177, %dma_wait3A_1178] : memref<32x1000001xf32, #tpu.memory_space<hbm>> -> memref<32x128xf32, #tpu.memory_space<hbm>>
    %dma_wait3A_1180 = arith.constant 0 : i32
    %dma_wait3A_1181 = arith.constant 0 : i32
    %dma_wait3A_1182 = tpu.memref_slice %arg6[%dma_wait3A_1172, %dma_wait3A_1180, %dma_wait3A_1181] : memref<16x32x128xf32, #tpu.memory_space<vmem>> -> memref<1x32x128xf32, #tpu.memory_space<vmem>>
    %dma_wait3A_1183 = tpu.memref_squeeze %dma_wait3A_1182 : memref<1x32x128xf32, #tpu.memory_space<vmem>> -> memref<32x128xf32, #tpu.memory_space<vmem>>
    %dma_wait3A_1184 = arith.constant 0 : i32
    %dma_wait3A_1185 = arith.constant 0 : i32
    %dma_wait3A_1186 = tpu.memref_slice %arg2[%dma_wait3A_1184, %dma_wait3A_1185] : memref<32x1000001xf32, #tpu.memory_space<hbm>> -> memref<32x128xf32, #tpu.memory_space<hbm>>
    tpu.wait_dma2 semaphore(%arg19 : memref<!tpu.dma_semaphore, #tpu.memory_space<semaphore_mem>>) src(%dma_wait3A_1186 : memref<32x128xf32, #tpu.memory_space<hbm>>) dst(%dma_wait3A_1183 : memref<32x128xf32, #tpu.memory_space<vmem>>)
    %broadcast_in_dim3A_1187 = vector.broadcast %squeeze3A_1171 : i32 to vector<16xi32>
    %broadcast_in_dim3A_1188 = arith.constant 507 : i32
    %broadcast_in_dim3A_1189 = vector.broadcast %broadcast_in_dim3A_1188 : i32 to vector<16xi32>
    %add3A_1190 = arith.constant 0 : i32
    %add3A_1191 = vector.broadcast %add3A_1190 : i32 to vector<16xi32>
    %add3A_1192 = arith.addi %iota3A, %add3A_1191 : vector<16xi32>
    %gather3A_1193 = arith.constant 11 : i32
    %gather3A_1194 = arith.constant 0 : i32
    %gather3A_1195 = arith.constant 0 : i32
    %gather3A_1196 = tpu.memref_slice %arg6[%gather3A_1193, %gather3A_1194, %gather3A_1195] : memref<16x32x128xf32, #tpu.memory_space<vmem>> -> memref<1x32x128xf32, #tpu.memory_space<vmem>>
    %gather3A_1197 = tpu.memref_squeeze %gather3A_1196 : memref<1x32x128xf32, #tpu.memory_space<vmem>> -> memref<32x128xf32, #tpu.memory_space<vmem>>
    %gather3A_1198 = tpu.vector_load_idx %gather3A_1197[%add3A_1192, %broadcast_in_dim3A_1187] : memref<32x128xf32, #tpu.memory_space<vmem>>[vector<16xi32>, vector<16xi32>], vector<16xf32>,
    %add3A_1199 = arith.constant 0 : i32
    %add3A_1200 = vector.broadcast %add3A_1199 : i32 to vector<16xi32>
    %add3A_1201 = arith.addi %iota3A, %add3A_1200 : vector<16xi32>
    tpu.vector_store_idx %arg7[%add3A_1201, %broadcast_in_dim3A_1189], %gather3A_1198 : memref<32x512xf32, #tpu.memory_space<vmem>>[vector<16xi32>, vector<16xi32>], vector<16xf32>,
    %add3A_1202 = arith.constant 16 : i32
    %add3A_1203 = vector.broadcast %add3A_1202 : i32 to vector<16xi32>
    %add3A_1204 = arith.addi %iota3A, %add3A_1203 : vector<16xi32>
    %gather3A_1205 = arith.constant 11 : i32
    %gather3A_1206 = arith.constant 0 : i32
    %gather3A_1207 = arith.constant 0 : i32
    %gather3A_1208 = tpu.memref_slice %arg6[%gather3A_1205, %gather3A_1206, %gather3A_1207] : memref<16x32x128xf32, #tpu.memory_space<vmem>> -> memref<1x32x128xf32, #tpu.memory_space<vmem>>
    %gather3A_1209 = tpu.memref_squeeze %gather3A_1208 : memref<1x32x128xf32, #tpu.memory_space<vmem>> -> memref<32x128xf32, #tpu.memory_space<vmem>>
    %gather3A_1210 = tpu.vector_load_idx %gather3A_1209[%add3A_1204, %broadcast_in_dim3A_1187] : memref<32x128xf32, #tpu.memory_space<vmem>>[vector<16xi32>, vector<16xi32>], vector<16xf32>,
    %add3A_1211 = arith.constant 16 : i32
    %add3A_1212 = vector.broadcast %add3A_1211 : i32 to vector<16xi32>
    %add3A_1213 = arith.addi %iota3A, %add3A_1212 : vector<16xi32>
    tpu.vector_store_idx %arg7[%add3A_1213, %broadcast_in_dim3A_1189], %gather3A_1210 : memref<32x512xf32, #tpu.memory_space<vmem>>[vector<16xi32>, vector<16xi32>], vector<16xf32>,
    %slice3A_1214 = vector.extract_strided_slice %select_n3A_688 {offsets = [12], sizes = [1], strides = [1]} : vector<16xi32> to vector<1xi32>
    %squeeze3A_1215 = vector.extract %slice3A_1214[0] : i32 from vector<1xi32>
    %dma_wait3A_1216 = arith.constant 12 : i32
    %dma_wait3A_1217 = arith.constant 0 : i32
    %dma_wait3A_1218 = arith.constant 0 : i32
    %dma_wait3A_1219 = tpu.memref_slice %arg6[%dma_wait3A_1216, %dma_wait3A_1217, %dma_wait3A_1218] : memref<16x32x128xf32, #tpu.memory_space<vmem>> -> memref<1x32x128xf32, #tpu.memory_space<vmem>>
    %dma_wait3A_1220 = tpu.memref_squeeze %dma_wait3A_1219 : memref<1x32x128xf32, #tpu.memory_space<vmem>> -> memref<32x128xf32, #tpu.memory_space<vmem>>
    %dma_wait3A_1221 = arith.constant 0 : i32
    %dma_wait3A_1222 = arith.constant 0 : i32
    %dma_wait3A_1223 = tpu.memref_slice %arg2[%dma_wait3A_1221, %dma_wait3A_1222] : memref<32x1000001xf32, #tpu.memory_space<hbm>> -> memref<32x128xf32, #tpu.memory_space<hbm>>
    %dma_wait3A_1224 = arith.constant 0 : i32
    %dma_wait3A_1225 = arith.constant 0 : i32
    %dma_wait3A_1226 = tpu.memref_slice %arg6[%dma_wait3A_1216, %dma_wait3A_1224, %dma_wait3A_1225] : memref<16x32x128xf32, #tpu.memory_space<vmem>> -> memref<1x32x128xf32, #tpu.memory_space<vmem>>
    %dma_wait3A_1227 = tpu.memref_squeeze %dma_wait3A_1226 : memref<1x32x128xf32, #tpu.memory_space<vmem>> -> memref<32x128xf32, #tpu.memory_space<vmem>>
    %dma_wait3A_1228 = arith.constant 0 : i32
    %dma_wait3A_1229 = arith.constant 0 : i32
    %dma_wait3A_1230 = tpu.memref_slice %arg2[%dma_wait3A_1228, %dma_wait3A_1229] : memref<32x1000001xf32, #tpu.memory_space<hbm>> -> memref<32x128xf32, #tpu.memory_space<hbm>>
    tpu.wait_dma2 semaphore(%arg20 : memref<!tpu.dma_semaphore, #tpu.memory_space<semaphore_mem>>) src(%dma_wait3A_1230 : memref<32x128xf32, #tpu.memory_space<hbm>>) dst(%dma_wait3A_1227 : memref<32x128xf32, #tpu.memory_space<vmem>>)
    %broadcast_in_dim3A_1231 = vector.broadcast %squeeze3A_1215 : i32 to vector<16xi32>
    %broadcast_in_dim3A_1232 = arith.constant 508 : i32
    %broadcast_in_dim3A_1233 = vector.broadcast %broadcast_in_dim3A_1232 : i32 to vector<16xi32>
    %add3A_1234 = arith.constant 0 : i32
    %add3A_1235 = vector.broadcast %add3A_1234 : i32 to vector<16xi32>
    %add3A_1236 = arith.addi %iota3A, %add3A_1235 : vector<16xi32>
    %gather3A_1237 = arith.constant 12 : i32
    %gather3A_1238 = arith.constant 0 : i32
    %gather3A_1239 = arith.constant 0 : i32
    %gather3A_1240 = tpu.memref_slice %arg6[%gather3A_1237, %gather3A_1238, %gather3A_1239] : memref<16x32x128xf32, #tpu.memory_space<vmem>> -> memref<1x32x128xf32, #tpu.memory_space<vmem>>
    %gather3A_1241 = tpu.memref_squeeze %gather3A_1240 : memref<1x32x128xf32, #tpu.memory_space<vmem>> -> memref<32x128xf32, #tpu.memory_space<vmem>>
    %gather3A_1242 = tpu.vector_load_idx %gather3A_1241[%add3A_1236, %broadcast_in_dim3A_1231] : memref<32x128xf32, #tpu.memory_space<vmem>>[vector<16xi32>, vector<16xi32>], vector<16xf32>,
    %add3A_1243 = arith.constant 0 : i32
    %add3A_1244 = vector.broadcast %add3A_1243 : i32 to vector<16xi32>
    %add3A_1245 = arith.addi %iota3A, %add3A_1244 : vector<16xi32>
    tpu.vector_store_idx %arg7[%add3A_1245, %broadcast_in_dim3A_1233], %gather3A_1242 : memref<32x512xf32, #tpu.memory_space<vmem>>[vector<16xi32>, vector<16xi32>], vector<16xf32>,
    %add3A_1246 = arith.constant 16 : i32
    %add3A_1247 = vector.broadcast %add3A_1246 : i32 to vector<16xi32>
    %add3A_1248 = arith.addi %iota3A, %add3A_1247 : vector<16xi32>
    %gather3A_1249 = arith.constant 12 : i32
    %gather3A_1250 = arith.constant 0 : i32
    %gather3A_1251 = arith.constant 0 : i32
    %gather3A_1252 = tpu.memref_slice %arg6[%gather3A_1249, %gather3A_1250, %gather3A_1251] : memref<16x32x128xf32, #tpu.memory_space<vmem>> -> memref<1x32x128xf32, #tpu.memory_space<vmem>>
    %gather3A_1253 = tpu.memref_squeeze %gather3A_1252 : memref<1x32x128xf32, #tpu.memory_space<vmem>> -> memref<32x128xf32, #tpu.memory_space<vmem>>
    %gather3A_1254 = tpu.vector_load_idx %gather3A_1253[%add3A_1248, %broadcast_in_dim3A_1231] : memref<32x128xf32, #tpu.memory_space<vmem>>[vector<16xi32>, vector<16xi32>], vector<16xf32>,
    %add3A_1255 = arith.constant 16 : i32
    %add3A_1256 = vector.broadcast %add3A_1255 : i32 to vector<16xi32>
    %add3A_1257 = arith.addi %iota3A, %add3A_1256 : vector<16xi32>
    tpu.vector_store_idx %arg7[%add3A_1257, %broadcast_in_dim3A_1233], %gather3A_1254 : memref<32x512xf32, #tpu.memory_space<vmem>>[vector<16xi32>, vector<16xi32>], vector<16xf32>,
    %slice3A_1258 = vector.extract_strided_slice %select_n3A_688 {offsets = [13], sizes = [1], strides = [1]} : vector<16xi32> to vector<1xi32>
    %squeeze3A_1259 = vector.extract %slice3A_1258[0] : i32 from vector<1xi32>
    %dma_wait3A_1260 = arith.constant 13 : i32
    %dma_wait3A_1261 = arith.constant 0 : i32
    %dma_wait3A_1262 = arith.constant 0 : i32
    %dma_wait3A_1263 = tpu.memref_slice %arg6[%dma_wait3A_1260, %dma_wait3A_1261, %dma_wait3A_1262] : memref<16x32x128xf32, #tpu.memory_space<vmem>> -> memref<1x32x128xf32, #tpu.memory_space<vmem>>
    %dma_wait3A_1264 = tpu.memref_squeeze %dma_wait3A_1263 : memref<1x32x128xf32, #tpu.memory_space<vmem>> -> memref<32x128xf32, #tpu.memory_space<vmem>>
    %dma_wait3A_1265 = arith.constant 0 : i32
    %dma_wait3A_1266 = arith.constant 0 : i32
    %dma_wait3A_1267 = tpu.memref_slice %arg2[%dma_wait3A_1265, %dma_wait3A_1266] : memref<32x1000001xf32, #tpu.memory_space<hbm>> -> memref<32x128xf32, #tpu.memory_space<hbm>>
    %dma_wait3A_1268 = arith.constant 0 : i32
    %dma_wait3A_1269 = arith.constant 0 : i32
    %dma_wait3A_1270 = tpu.memref_slice %arg6[%dma_wait3A_1260, %dma_wait3A_1268, %dma_wait3A_1269] : memref<16x32x128xf32, #tpu.memory_space<vmem>> -> memref<1x32x128xf32, #tpu.memory_space<vmem>>
    %dma_wait3A_1271 = tpu.memref_squeeze %dma_wait3A_1270 : memref<1x32x128xf32, #tpu.memory_space<vmem>> -> memref<32x128xf32, #tpu.memory_space<vmem>>
    %dma_wait3A_1272 = arith.constant 0 : i32
    %dma_wait3A_1273 = arith.constant 0 : i32
    %dma_wait3A_1274 = tpu.memref_slice %arg2[%dma_wait3A_1272, %dma_wait3A_1273] : memref<32x1000001xf32, #tpu.memory_space<hbm>> -> memref<32x128xf32, #tpu.memory_space<hbm>>
    tpu.wait_dma2 semaphore(%arg21 : memref<!tpu.dma_semaphore, #tpu.memory_space<semaphore_mem>>) src(%dma_wait3A_1274 : memref<32x128xf32, #tpu.memory_space<hbm>>) dst(%dma_wait3A_1271 : memref<32x128xf32, #tpu.memory_space<vmem>>)
    %broadcast_in_dim3A_1275 = vector.broadcast %squeeze3A_1259 : i32 to vector<16xi32>
    %broadcast_in_dim3A_1276 = arith.constant 509 : i32
    %broadcast_in_dim3A_1277 = vector.broadcast %broadcast_in_dim3A_1276 : i32 to vector<16xi32>
    %add3A_1278 = arith.constant 0 : i32
    %add3A_1279 = vector.broadcast %add3A_1278 : i32 to vector<16xi32>
    %add3A_1280 = arith.addi %iota3A, %add3A_1279 : vector<16xi32>
    %gather3A_1281 = arith.constant 13 : i32
    %gather3A_1282 = arith.constant 0 : i32
    %gather3A_1283 = arith.constant 0 : i32
    %gather3A_1284 = tpu.memref_slice %arg6[%gather3A_1281, %gather3A_1282, %gather3A_1283] : memref<16x32x128xf32, #tpu.memory_space<vmem>> -> memref<1x32x128xf32, #tpu.memory_space<vmem>>
    %gather3A_1285 = tpu.memref_squeeze %gather3A_1284 : memref<1x32x128xf32, #tpu.memory_space<vmem>> -> memref<32x128xf32, #tpu.memory_space<vmem>>
    %gather3A_1286 = tpu.vector_load_idx %gather3A_1285[%add3A_1280, %broadcast_in_dim3A_1275] : memref<32x128xf32, #tpu.memory_space<vmem>>[vector<16xi32>, vector<16xi32>], vector<16xf32>,
    %add3A_1287 = arith.constant 0 : i32
    %add3A_1288 = vector.broadcast %add3A_1287 : i32 to vector<16xi32>
    %add3A_1289 = arith.addi %iota3A, %add3A_1288 : vector<16xi32>
    tpu.vector_store_idx %arg7[%add3A_1289, %broadcast_in_dim3A_1277], %gather3A_1286 : memref<32x512xf32, #tpu.memory_space<vmem>>[vector<16xi32>, vector<16xi32>], vector<16xf32>,
    %add3A_1290 = arith.constant 16 : i32
    %add3A_1291 = vector.broadcast %add3A_1290 : i32 to vector<16xi32>
    %add3A_1292 = arith.addi %iota3A, %add3A_1291 : vector<16xi32>
    %gather3A_1293 = arith.constant 13 : i32
    %gather3A_1294 = arith.constant 0 : i32
    %gather3A_1295 = arith.constant 0 : i32
    %gather3A_1296 = tpu.memref_slice %arg6[%gather3A_1293, %gather3A_1294, %gather3A_1295] : memref<16x32x128xf32, #tpu.memory_space<vmem>> -> memref<1x32x128xf32, #tpu.memory_space<vmem>>
    %gather3A_1297 = tpu.memref_squeeze %gather3A_1296 : memref<1x32x128xf32, #tpu.memory_space<vmem>> -> memref<32x128xf32, #tpu.memory_space<vmem>>
    %gather3A_1298 = tpu.vector_load_idx %gather3A_1297[%add3A_1292, %broadcast_in_dim3A_1275] : memref<32x128xf32, #tpu.memory_space<vmem>>[vector<16xi32>, vector<16xi32>], vector<16xf32>,
    %add3A_1299 = arith.constant 16 : i32
    %add3A_1300 = vector.broadcast %add3A_1299 : i32 to vector<16xi32>
    %add3A_1301 = arith.addi %iota3A, %add3A_1300 : vector<16xi32>
    tpu.vector_store_idx %arg7[%add3A_1301, %broadcast_in_dim3A_1277], %gather3A_1298 : memref<32x512xf32, #tpu.memory_space<vmem>>[vector<16xi32>, vector<16xi32>], vector<16xf32>,
    %slice3A_1302 = vector.extract_strided_slice %select_n3A_688 {offsets = [14], sizes = [1], strides = [1]} : vector<16xi32> to vector<1xi32>
    %squeeze3A_1303 = vector.extract %slice3A_1302[0] : i32 from vector<1xi32>
    %dma_wait3A_1304 = arith.constant 14 : i32
    %dma_wait3A_1305 = arith.constant 0 : i32
    %dma_wait3A_1306 = arith.constant 0 : i32
    %dma_wait3A_1307 = tpu.memref_slice %arg6[%dma_wait3A_1304, %dma_wait3A_1305, %dma_wait3A_1306] : memref<16x32x128xf32, #tpu.memory_space<vmem>> -> memref<1x32x128xf32, #tpu.memory_space<vmem>>
    %dma_wait3A_1308 = tpu.memref_squeeze %dma_wait3A_1307 : memref<1x32x128xf32, #tpu.memory_space<vmem>> -> memref<32x128xf32, #tpu.memory_space<vmem>>
    %dma_wait3A_1309 = arith.constant 0 : i32
    %dma_wait3A_1310 = arith.constant 0 : i32
    %dma_wait3A_1311 = tpu.memref_slice %arg2[%dma_wait3A_1309, %dma_wait3A_1310] : memref<32x1000001xf32, #tpu.memory_space<hbm>> -> memref<32x128xf32, #tpu.memory_space<hbm>>
    %dma_wait3A_1312 = arith.constant 0 : i32
    %dma_wait3A_1313 = arith.constant 0 : i32
    %dma_wait3A_1314 = tpu.memref_slice %arg6[%dma_wait3A_1304, %dma_wait3A_1312, %dma_wait3A_1313] : memref<16x32x128xf32, #tpu.memory_space<vmem>> -> memref<1x32x128xf32, #tpu.memory_space<vmem>>
    %dma_wait3A_1315 = tpu.memref_squeeze %dma_wait3A_1314 : memref<1x32x128xf32, #tpu.memory_space<vmem>> -> memref<32x128xf32, #tpu.memory_space<vmem>>
    %dma_wait3A_1316 = arith.constant 0 : i32
    %dma_wait3A_1317 = arith.constant 0 : i32
    %dma_wait3A_1318 = tpu.memref_slice %arg2[%dma_wait3A_1316, %dma_wait3A_1317] : memref<32x1000001xf32, #tpu.memory_space<hbm>> -> memref<32x128xf32, #tpu.memory_space<hbm>>
    tpu.wait_dma2 semaphore(%arg22 : memref<!tpu.dma_semaphore, #tpu.memory_space<semaphore_mem>>) src(%dma_wait3A_1318 : memref<32x128xf32, #tpu.memory_space<hbm>>) dst(%dma_wait3A_1315 : memref<32x128xf32, #tpu.memory_space<vmem>>)
    %broadcast_in_dim3A_1319 = vector.broadcast %squeeze3A_1303 : i32 to vector<16xi32>
    %broadcast_in_dim3A_1320 = arith.constant 510 : i32
    %broadcast_in_dim3A_1321 = vector.broadcast %broadcast_in_dim3A_1320 : i32 to vector<16xi32>
    %add3A_1322 = arith.constant 0 : i32
    %add3A_1323 = vector.broadcast %add3A_1322 : i32 to vector<16xi32>
    %add3A_1324 = arith.addi %iota3A, %add3A_1323 : vector<16xi32>
    %gather3A_1325 = arith.constant 14 : i32
    %gather3A_1326 = arith.constant 0 : i32
    %gather3A_1327 = arith.constant 0 : i32
    %gather3A_1328 = tpu.memref_slice %arg6[%gather3A_1325, %gather3A_1326, %gather3A_1327] : memref<16x32x128xf32, #tpu.memory_space<vmem>> -> memref<1x32x128xf32, #tpu.memory_space<vmem>>
    %gather3A_1329 = tpu.memref_squeeze %gather3A_1328 : memref<1x32x128xf32, #tpu.memory_space<vmem>> -> memref<32x128xf32, #tpu.memory_space<vmem>>
    %gather3A_1330 = tpu.vector_load_idx %gather3A_1329[%add3A_1324, %broadcast_in_dim3A_1319] : memref<32x128xf32, #tpu.memory_space<vmem>>[vector<16xi32>, vector<16xi32>], vector<16xf32>,
    %add3A_1331 = arith.constant 0 : i32
    %add3A_1332 = vector.broadcast %add3A_1331 : i32 to vector<16xi32>
    %add3A_1333 = arith.addi %iota3A, %add3A_1332 : vector<16xi32>
    tpu.vector_store_idx %arg7[%add3A_1333, %broadcast_in_dim3A_1321], %gather3A_1330 : memref<32x512xf32, #tpu.memory_space<vmem>>[vector<16xi32>, vector<16xi32>], vector<16xf32>,
    %add3A_1334 = arith.constant 16 : i32
    %add3A_1335 = vector.broadcast %add3A_1334 : i32 to vector<16xi32>
    %add3A_1336 = arith.addi %iota3A, %add3A_1335 : vector<16xi32>
    %gather3A_1337 = arith.constant 14 : i32
    %gather3A_1338 = arith.constant 0 : i32
    %gather3A_1339 = arith.constant 0 : i32
    %gather3A_1340 = tpu.memref_slice %arg6[%gather3A_1337, %gather3A_1338, %gather3A_1339] : memref<16x32x128xf32, #tpu.memory_space<vmem>> -> memref<1x32x128xf32, #tpu.memory_space<vmem>>
    %gather3A_1341 = tpu.memref_squeeze %gather3A_1340 : memref<1x32x128xf32, #tpu.memory_space<vmem>> -> memref<32x128xf32, #tpu.memory_space<vmem>>
    %gather3A_1342 = tpu.vector_load_idx %gather3A_1341[%add3A_1336, %broadcast_in_dim3A_1319] : memref<32x128xf32, #tpu.memory_space<vmem>>[vector<16xi32>, vector<16xi32>], vector<16xf32>,
    %add3A_1343 = arith.constant 16 : i32
    %add3A_1344 = vector.broadcast %add3A_1343 : i32 to vector<16xi32>
    %add3A_1345 = arith.addi %iota3A, %add3A_1344 : vector<16xi32>
    tpu.vector_store_idx %arg7[%add3A_1345, %broadcast_in_dim3A_1321], %gather3A_1342 : memref<32x512xf32, #tpu.memory_space<vmem>>[vector<16xi32>, vector<16xi32>], vector<16xf32>,
    %slice3A_1346 = vector.extract_strided_slice %select_n3A_688 {offsets = [15], sizes = [1], strides = [1]} : vector<16xi32> to vector<1xi32>
    %squeeze3A_1347 = vector.extract %slice3A_1346[0] : i32 from vector<1xi32>
    %dma_wait3A_1348 = arith.constant 15 : i32
    %dma_wait3A_1349 = arith.constant 0 : i32
    %dma_wait3A_1350 = arith.constant 0 : i32
    %dma_wait3A_1351 = tpu.memref_slice %arg6[%dma_wait3A_1348, %dma_wait3A_1349, %dma_wait3A_1350] : memref<16x32x128xf32, #tpu.memory_space<vmem>> -> memref<1x32x128xf32, #tpu.memory_space<vmem>>
    %dma_wait3A_1352 = tpu.memref_squeeze %dma_wait3A_1351 : memref<1x32x128xf32, #tpu.memory_space<vmem>> -> memref<32x128xf32, #tpu.memory_space<vmem>>
    %dma_wait3A_1353 = arith.constant 0 : i32
    %dma_wait3A_1354 = arith.constant 0 : i32
    %dma_wait3A_1355 = tpu.memref_slice %arg2[%dma_wait3A_1353, %dma_wait3A_1354] : memref<32x1000001xf32, #tpu.memory_space<hbm>> -> memref<32x128xf32, #tpu.memory_space<hbm>>
    %dma_wait3A_1356 = arith.constant 0 : i32
    %dma_wait3A_1357 = arith.constant 0 : i32
    %dma_wait3A_1358 = tpu.memref_slice %arg6[%dma_wait3A_1348, %dma_wait3A_1356, %dma_wait3A_1357] : memref<16x32x128xf32, #tpu.memory_space<vmem>> -> memref<1x32x128xf32, #tpu.memory_space<vmem>>
    %dma_wait3A_1359 = tpu.memref_squeeze %dma_wait3A_1358 : memref<1x32x128xf32, #tpu.memory_space<vmem>> -> memref<32x128xf32, #tpu.memory_space<vmem>>
    %dma_wait3A_1360 = arith.constant 0 : i32
    %dma_wait3A_1361 = arith.constant 0 : i32
    %dma_wait3A_1362 = tpu.memref_slice %arg2[%dma_wait3A_1360, %dma_wait3A_1361] : memref<32x1000001xf32, #tpu.memory_space<hbm>> -> memref<32x128xf32, #tpu.memory_space<hbm>>
    tpu.wait_dma2 semaphore(%arg23 : memref<!tpu.dma_semaphore, #tpu.memory_space<semaphore_mem>>) src(%dma_wait3A_1362 : memref<32x128xf32, #tpu.memory_space<hbm>>) dst(%dma_wait3A_1359 : memref<32x128xf32, #tpu.memory_space<vmem>>)
    %broadcast_in_dim3A_1363 = vector.broadcast %squeeze3A_1347 : i32 to vector<16xi32>
    %broadcast_in_dim3A_1364 = arith.constant 511 : i32
    %broadcast_in_dim3A_1365 = vector.broadcast %broadcast_in_dim3A_1364 : i32 to vector<16xi32>
    %add3A_1366 = arith.constant 0 : i32
    %add3A_1367 = vector.broadcast %add3A_1366 : i32 to vector<16xi32>
    %add3A_1368 = arith.addi %iota3A, %add3A_1367 : vector<16xi32>
    %gather3A_1369 = arith.constant 15 : i32
    %gather3A_1370 = arith.constant 0 : i32
    %gather3A_1371 = arith.constant 0 : i32
    %gather3A_1372 = tpu.memref_slice %arg6[%gather3A_1369, %gather3A_1370, %gather3A_1371] : memref<16x32x128xf32, #tpu.memory_space<vmem>> -> memref<1x32x128xf32, #tpu.memory_space<vmem>>
    %gather3A_1373 = tpu.memref_squeeze %gather3A_1372 : memref<1x32x128xf32, #tpu.memory_space<vmem>> -> memref<32x128xf32, #tpu.memory_space<vmem>>
    %gather3A_1374 = tpu.vector_load_idx %gather3A_1373[%add3A_1368, %broadcast_in_dim3A_1363] : memref<32x128xf32, #tpu.memory_space<vmem>>[vector<16xi32>, vector<16xi32>], vector<16xf32>,
    %add3A_1375 = arith.constant 0 : i32
    %add3A_1376 = vector.broadcast %add3A_1375 : i32 to vector<16xi32>
    %add3A_1377 = arith.addi %iota3A, %add3A_1376 : vector<16xi32>
    tpu.vector_store_idx %arg7[%add3A_1377, %broadcast_in_dim3A_1365], %gather3A_1374 : memref<32x512xf32, #tpu.memory_space<vmem>>[vector<16xi32>, vector<16xi32>], vector<16xf32>,
    %add3A_1378 = arith.constant 16 : i32
    %add3A_1379 = vector.broadcast %add3A_1378 : i32 to vector<16xi32>
    %add3A_1380 = arith.addi %iota3A, %add3A_1379 : vector<16xi32>
    %gather3A_1381 = arith.constant 15 : i32
    %gather3A_1382 = arith.constant 0 : i32
    %gather3A_1383 = arith.constant 0 : i32
    %gather3A_1384 = tpu.memref_slice %arg6[%gather3A_1381, %gather3A_1382, %gather3A_1383] : memref<16x32x128xf32, #tpu.memory_space<vmem>> -> memref<1x32x128xf32, #tpu.memory_space<vmem>>
    %gather3A_1385 = tpu.memref_squeeze %gather3A_1384 : memref<1x32x128xf32, #tpu.memory_space<vmem>> -> memref<32x128xf32, #tpu.memory_space<vmem>>
    %gather3A_1386 = tpu.vector_load_idx %gather3A_1385[%add3A_1380, %broadcast_in_dim3A_1363] : memref<32x128xf32, #tpu.memory_space<vmem>>[vector<16xi32>, vector<16xi32>], vector<16xf32>,
    %add3A_1387 = arith.constant 16 : i32
    %add3A_1388 = vector.broadcast %add3A_1387 : i32 to vector<16xi32>
    %add3A_1389 = arith.addi %iota3A, %add3A_1388 : vector<16xi32>
    tpu.vector_store_idx %arg7[%add3A_1389, %broadcast_in_dim3A_1365], %gather3A_1386 : memref<32x512xf32, #tpu.memory_space<vmem>>[vector<16xi32>, vector<16xi32>], vector<16xf32>,
    "tpu.region"() ({
      %run_scoped3A = tpu.sem_alloc : memref<!tpu.dma_semaphore, #tpu.memory_space<semaphore_mem>>
      %dma_start3A_1390 = arith.constant 0 : i32
      %dma_start3A_1391 = tpu.memref_slice %arg4[%dma_start3A_1390, %mul3A_2] : memref<32x16384xf32, #tpu.memory_space<hbm>> -> memref<32x512xf32, #tpu.memory_space<hbm>>
      %dma_start3A_1392 = arith.constant 0 : i32
      %dma_start3A_1393 = tpu.memref_slice %arg4[%dma_start3A_1392, %mul3A_2] : memref<32x16384xf32, #tpu.memory_space<hbm>> -> memref<32x512xf32, #tpu.memory_space<hbm>>
      tpu.enqueue_dma source(%arg7 : memref<32x512xf32, #tpu.memory_space<vmem>>) target(%dma_start3A_1393 : memref<32x512xf32, #tpu.memory_space<hbm>>) target_semaphore(%run_scoped3A : memref<!tpu.dma_semaphore, #tpu.memory_space<semaphore_mem>>)
      %dma_wait3A_1394 = arith.constant 0 : i32
      %dma_wait3A_1395 = tpu.memref_slice %arg4[%dma_wait3A_1394, %mul3A_2] : memref<32x16384xf32, #tpu.memory_space<hbm>> -> memref<32x512xf32, #tpu.memory_space<hbm>>
      %dma_wait3A_1396 = arith.constant 0 : i32
      %dma_wait3A_1397 = tpu.memref_slice %arg4[%dma_wait3A_1396, %mul3A_2] : memref<32x16384xf32, #tpu.memory_space<hbm>> -> memref<32x512xf32, #tpu.memory_space<hbm>>
      tpu.wait_dma2 semaphore(%run_scoped3A : memref<!tpu.dma_semaphore, #tpu.memory_space<semaphore_mem>>) src(%arg7 : memref<32x512xf32, #tpu.memory_space<vmem>>) dst(%dma_wait3A_1397 : memref<32x512xf32, #tpu.memory_space<hbm>>)
      tpu.yield
    }) : () -> ()
    return
  }
}

</mosaic_0001>

<sc_bundles>
// kernel: kernel.3.cloned.1.call-start
scs
__scs_entry_jumppad:
0x0: {  	(pc) =	sbr.rel $0x88, $3  }
0x1: {  	(tag) =	ssettag $0x0;
	lr =	simm.s32 $0x1  }
0x2: {  	[smem:$0x3F9F] =	sst lr;
	_ =	strace $0xD0000000  }
0x3: {  	_ = 	snop  }
0x4: {  	_ = 	snop  }
0x5: {  	_ = 	snop  }
0x6: {  	_ = 	snop  }
0x7: {  	_ = 	snop  }
__scs_overlays_trampoline_lowered:
0x8: {  	[smem:$0x3FAE] =	sst s0  }
0x9: {  	[smem:$0x3FAF] =	sst s1  }
0xa: {  	[smem:$0x3FB0] =	sst s2  }
0xb: {  	[smem:$0x3FB1] =	sst s3  }
0xc: {  	[smem:$0x3FB2] =	sst s4  }
0xd: {  	[smem:$0x3FB3] =	sst s5  }
0xe: {  	[smem:$0x3FB4] =	sst s6  }
0xf: {  	[smem:$0x3FB5] =	sst s7  }
0x10: {  	[smem:$0x3FB6] =	sst s8  }
0x11: {  	[smem:$0x3FB7] =	sst s9;
	s0 =	simm.s32 @!p0 $0x0  }
0x12: {  	s1 =	sld [smem:$0x3F9D];
	s0 =	simm.s32 @p0 $0x1  }
0x13: {  	[smem:$0x3FB8] =	sst s0;
	s0 =	simm.s32 @!p1 $0x0  }
0x14: {  	s2 =	sld [smem:$0x3F9C];
	s0 =	simm.s32 @p1 $0x1  }
0x15: {  	[smem:$0x3FB9] =	sst s0;
	s0 =	simm.s32 @!p2 $0x0  }
0x16: {  	s3 =	sld [smem:$0x3FDB];
	s0 =	simm.s32 @p2 $0x1  }
0x17: {  	s4 =	simm.s32 $0x1BF5;
	[smem:$0x3FBB] =	sst s0  }
0x18: {  	s0 =	sld [smem:$0x3F9E];
	_ =	swait.ge [sflag:s4], $0x0  }
0x19: {  	s7 =	sld [smem:$0x3F9F]  }
0x1a: {  	s8 =	sadd.s32 $0xFFFFE003, lr  }
0x1b: {  	s9 =	sadd.s32 $0xFFFFFEF7, lr;
	s5 =	simm.s32 $0xFFFFFFFF;
	p2 =	slt.u32 s8, $0xFFFFF086  }
0x1c: {  	p1 =	slt.u32 s9, $0xF7A;
	s5 =	simm.s32 @!p2 $0x0  }
0x1d: {  	s5 =	simm.s32 @p1 $0x1;
	p0 =	seq.s32 s7, s2  }
0x1e: {  	s7 =	smul.u32 @!p0 $0xF7A, s2;
	p2 =	seq.s32 @!p0 s5, $0x0  }
0x1f: {  	s9 =	smul.u32 $0xF7A, s1;
	s8 =	simm.s32 @!p0 $0x1BF5;
	p2 =	por !p2, p0  }
0x20: {  	[sflag:s8] =	ssyncset.s32 @!p0 $0xFFFFF086;
	s6 =	sadd.s32 @!p0 s3, s7;
	s7 =	simm.s32 @!p0 $0x108  }
0x21: {  	s3 =	sadd.s32 s3, s9;
	s6 =	sadd.s32 @!p0 $0x88, s6;
	s7 =	simm.s32 @p2 $0x1082  }
0x22: {  	[simem:s7], [sflag:s8] =	dma.local @!p0 [hbm:s6], $0xF7A  }
0x23: {  	s9 =	sor.u32 $0xD0000000, s2;
	s6 =	simm.s32 $0x108;
	_ =	swait.ge @!p0 [sflag:s8], $0x0  }
0x24: {  	s3 =	sadd.s32 $0x88, s3;
	s6 =	simm.s32 @!p1 $0x1082;
	[sflag:s4] =	ssyncset.s32 $0xFFFFF086  }
0x25: {  	[simem:s6], [sflag:s4] =	dma.local [hbm:s3], $0xF7A  }
0x26: {  	[smem:$0x3F9F] =	sst s1;
	(tag) =	ssettag s2;
	_ =	strace s9  }
0x27: {  	s1 =	sld [smem:$0x3FAF]  }
0x28: {  	s2 =	sld [smem:$0x3FB0]  }
0x29: {  	s4 =	sld [smem:$0x3FB2]  }
0x2a: {  	p0 =	seq.s32 s5, $0x0;
	s5 =	sld [smem:$0x3FB3]  }
0x2b: {  	s6 =	sld [smem:$0x3FB4]  }
0x2c: {  	s7 =	sld [smem:$0x3FB5]  }
0x2d: {  	s3 =	simm.s32 $0x108;
	s8 =	sld [smem:$0x3FB6]  }
0x2e: {  	s3 =	simm.s32 @!p0 $0x1082;
	s9 =	sld [smem:$0x3FB7]  }
0x2f: {  	lr =	sadd.s32 s0, s3;
	s0 =	sld [smem:$0x3FAE]  }
0x30: {  	s3 =	sld [smem:$0x3FB1]  }
0x31: {  	[smem:$0x3FBA] =	sst s10  }
0x32: {  	s10 =	sld [smem:$0x3FB8];
	_ =	sdelay $0x3  }
0x33: {  	p0 =	seq.s32 s10, $0x1;
	s10 =	sld [smem:$0x3FBA];
	_ =	sdelay $0x3  }
0x34: {  	[smem:$0x3FBA] =	sst s10  }
0x35: {  	s10 =	sld [smem:$0x3FB9];
	_ =	sdelay $0x3  }
0x36: {  	p1 =	seq.s32 s10, $0x1;
	s10 =	sld [smem:$0x3FBA];
	_ =	sdelay $0x3  }
0x37: {  	[smem:$0x3FBA] =	sst s10  }
0x38: {  	s10 =	sld [smem:$0x3FBB]  }
0x39: {  	_ = 	snop;
	(pc) =	sbr.ind lr, $3  }
0x3a: {  	_ = 	snop  }
0x3b: {  	_ = 	snop  }
0x3c: {  	p2 =	seq.s32 s10, $0x1;
	s10 =	sld [smem:$0x3FBA]  }
0x3d: {  	_ =	shalt  }
0x3e: {  	_ =	shalt  }
0x3f: {  	_ =	shalt  }
0x40: {  	_ =	shalt  }
0x41: {  	_ =	shalt  }
0x42: {  	_ =	shalt  }
0x43: {  	_ =	shalt  }
0x44: {  	_ =	shalt  }
0x45: {  	_ =	shalt  }
0x46: {  	_ =	shalt  }
0x47: {  	_ =	shalt  }
0x48: {  	_ =	shalt  }
0x49: {  	_ =	shalt  }
0x4a: {  	_ =	shalt  }
0x4b: {  	_ =	shalt  }
0x4c: {  	_ =	shalt  }
0x4d: {  	_ =	shalt  }
0x4e: {  	_ =	shalt  }
0x4f: {  	_ =	shalt  }
0x50: {  	_ =	shalt  }
0x51: {  	_ =	shalt  }
0x52: {  	_ =	shalt  }
0x53: {  	_ =	shalt  }
0x54: {  	_ =	shalt  }
0x55: {  	_ =	shalt  }
0x56: {  	_ =	shalt  }
0x57: {  	_ =	shalt  }
0x58: {  	_ =	shalt  }
0x59: {  	_ =	shalt  }
0x5a: {  	_ =	shalt  }
0x5b: {  	_ =	shalt  }
0x5c: {  	_ =	shalt  }
0x5d: {  	_ =	shalt  }
0x5e: {  	_ =	shalt  }
0x5f: {  	_ =	shalt  }
0x60: {  	_ =	shalt  }
0x61: {  	_ =	shalt  }
0x62: {  	_ =	shalt  }
0x63: {  	_ =	shalt  }
0x64: {  	_ =	shalt  }
0x65: {  	_ =	shalt  }
0x66: {  	_ =	shalt  }
0x67: {  	_ =	shalt  }
0x68: {  	_ =	shalt  }
0x69: {  	_ =	shalt  }
0x6a: {  	_ =	shalt  }
0x6b: {  	_ =	shalt  }
0x6c: {  	_ =	shalt  }
0x6d: {  	_ =	shalt  }
0x6e: {  	_ =	shalt  }
0x6f: {  	_ =	shalt  }
0x70: {  	_ =	shalt  }
0x71: {  	_ =	shalt  }
0x72: {  	_ =	shalt  }
0x73: {  	_ =	shalt  }
0x74: {  	_ =	shalt  }
0x75: {  	_ =	shalt  }
0x76: {  	_ =	shalt  }
0x77: {  	_ =	shalt  }
0x78: {  	_ =	shalt  }
0x79: {  	_ =	shalt  }
0x7a: {  	_ =	shalt  }
0x7b: {  	_ =	shalt  }
0x7c: {  	_ =	shalt  }
0x7d: {  	_ =	shalt  }
0x7e: {  	_ =	shalt  }
0x7f: {  	_ =	shalt  }
0x80: {  	_ =	shalt  }
0x81: {  	_ =	shalt  }
0x82: {  	_ =	shalt  }
0x83: {  	_ =	shalt  }
0x84: {  	_ =	shalt  }
0x85: {  	_ =	shalt  }
0x86: {  	_ =	shalt  }
0x87: {  	_ =	shalt  }
.Lfunc_end0:
.L_simem_size_0:
called_computation_lowered:
.L_overlay_start_0:
0x88: {  	s2 =	sld [smem:$0x3FD9]  }
0x89: {  	s3 =	sld [smem:$0x3FFE];
	_ =	sdelay $0x1  }
0x8a: {  	s1 =	srdreg.scid  }
0x8b: {  	s0 =	sand.u32 $0x1, s1  }
0x8c: {  	s18 =	sshll.u32 s0, $0xA;
	s2 =	sadd.s32 s3, s2  }
0x8d: {  	s2 =	sadd.s32 s2, s18  }
0x8e: {  	[smem:$0x3FC6] =	sst s2  }
0x8f: {  	_ = 	snop  }
0x90: {  	s2 =	sld [smem:$0x3FC9]  }
0x91: {  	s19 =	sld [smem:$0x3FC8]  }
0x92: {  	s4 =	sld [smem:$0x3FD0];
	(tm) =	ssettm $0x1  }
0x93: {  	s5 =	sld [smem:$0x3FFB];
	_ =	sdelay $0x3  }
0x94: {  	_ =	strace s5  }
0x95: {  	s5 =	sld [smem:$0x3FFC];
	_ =	sdelay $0x3  }
0x96: {  	_ =	strace s5  }
0x97: {  	s5 =	sld [smem:$0x3FFD];
	_ =	sdelay $0x3  }
0x98: {  	_ =	strace s5  }
0x99: {  	_ =	strace $0x8FFFFFFF  }
0x9a: {  	s20 =	sld [smem:$0x3FDB];
	_ =	sdelay $0x1  }
0x9b: {  	s6 =	simm.s32 $_scs_section_size  }
0x9c: {  	s7 =	simm.s32 $_size__tile_overlayer_lowered;
	s8 =	simm.s32 $_tile_overlayer_lowered  }
0x9d: {  	s23 =	simm.s32 $0x1BFF;
	s22 =	sshll.u32 s8, $0x1;
	s5 =	sadd.s32 s6, s20  }
0x9e: {  	s9 =	simm.s32 $0x0;
	s21 =	sshll.u32 s7, $0x1;
	s7 =	sadd.s32 s22, s5  }
0x9f: {  	[timem:s9], [sflag:s23] =	dma.local [hbm:s7], s21  }
0xa0: {  	_ =	swait.ge [sflag:s23], s21  }
0xa1: {  	s6 =	ssub.s32 $0x0, s21;
	[sflag:s23] =	ssyncset.done $0x0  }
0xa2: {  	[sflag:s23] =	ssyncadd.s32 s6;
	_ =	sdelay $0x1  }
0xa3: {  	s24 =	simm.s32 $0x1B8B  }
0xa4: {  	_ =	swait.ge [sflag:s24], $0x1  }
0xa5: {  	[sflag:s24] =	ssyncset.done $0x0  }
0xa6: {  	s25 =	simm.s32 $0x1B8E;
	[sflag:s24] =	ssyncadd.s32 $0xFFFFFFFF  }
0xa7: {  	s26 =	simm.s32 $execute0_lowered;
	[smem:$0x3FD2] =	sst s25  }
0xa8: {  	s6 =	sshll.u32 s26, $0x1;
	_ =	strace $0x80000046;
	[dreg:$0x1] =	wrdreg $0xFFFFFFFF  }
0xa9: {  	s28 =	simm.s32 $_size_execute0_lowered;
	s5 =	sadd.s32 s5, s6;
	[dreg:$0x0] =	wrdreg $0x0  }
0xaa: {  	s6 =	sshll.u32 s28, $0x1;
	[dreg:$0x2] =	wrdreg s5  }
0xab: {  	[dreg:$0x3] =	wrdreg s6  }
0xac: {  	[dreg:$0x4] =	wrdreg $0xC0  }
0xad: {  	_ =	task [dreg:s9], $0x5FFFF  }
0xae: {  	[dreg:$0x1] =	wrdreg $0xFFFFFFFF  }
0xaf: {  	[dreg:$0x0] =	wrdreg $0x60  }
0xb0: {  	[dreg:$0x2] =	wrdreg s19  }
0xb1: {  	[dreg:$0x3] =	wrdreg s2  }
0xb2: {  	[dreg:$0x4] =	wrdreg s4  }
0xb3: {  	[dreg:$0x5] =	wrdreg $0x9  }
0xb4: {  	_ =	task.clear_ibuf [dreg:s9], $0x6FFFF;
	_ =	strace $0x90000046  }
0xb5: {  	s29 =	simm.s32 $0x9;
	_ =	strace $0x80000048  }
0xb6: {  	_ =	swait.ge [sflag:s29], $0x1  }
0xb7: {  	[sflag:s29] =	ssyncadd.s32 $0xFFFFFFFF  }
0xb8: {  	_ =	strace $0x90000048  }
0xb9: {  	_ =	sfence  }
0xba: {  	s30 =	sld [smem:$0x0];
	_ =	sdelay $0x2  }
0xbb: {  	s31 =	sshll.u32 s1, $0xD;
	s1 =	sshrl.u32 s1, $0x2  }
0xbc: {  	s3 =	sand.u32 $0x4000, s31;
	s1 =	sadd.s32 s1, s30  }
0xbd: {  	s0 =	sor.u32 s3, s0;
	s1 =	sshll.u32 s1, $0x11  }
0xbe: {  	s0 =	sor.u32 s1, s0  }
0xbf: {  	s0 =	sadd.s32 $0x8F2B, s0  }
0xc0: {  	[sflag:s0] =	ssyncadd.remote.s32 $0x1  }
0xc1: {  	_ =	sfence.sel $0xFFFF  }
0xc2: {  	[dreg:$0x0] =	wrdreg $0xFFFFFFFF;
	(pc) =	sbr.abs _section_cstart, $3  }
0xc3: {  	[dreg:$0x1] =	wrdreg $0xFFFFFFFF  }
0xc4: {  	_ =	task.clear_ibuf [dreg:s9], $0x2FFFF;
	_ =	strace $0x9FFFFFFF  }
0xc5: {  	(tm) =	ssettm $0x7FFFFFFF  }
tec
execute0_lowered:
.L_overlay_start_1:
0x0: {  	(tag) =	ssettag $0x1  }
0x1: {  	v0 =	vimm.s32 $0x1380  }
0x2: {  	vm14 =	vcmask $0x300;
	vm13 =	vcmask $0x704;
	vm12 =	vcmask $0xB08  }
0x3: {  	vm11 =	vcmask $0xF0C;
	vm10 =	vcmask $0x1310;
	vm9 =	vcmask $0x1714  }
0x4: {  	vm8 =	vcmask $0x1B18;
	vm7 =	vcmask $0x1F1C;
	vm6 =	vcmask $0x2320  }
0x5: {  	vm5 =	vcmask $0x2724;
	vm4 =	vcmask $0x2B28;
	vm3 =	vcmask $0x2F2C  }
0x6: {  	v1 =	vlaneseq.u32;
	vm2 =	vcmask $0x3330;
	vm1 =	vcmask $0x3734  }
0x7: {  	vm0 =	vcmask $0x3B38;
	v3 =	vimm.s32 $0x3380;
	v4 =	vimm.s32 $0x1FF0  }
0x8: {  	v5 =	vimm.s32 $0x3FF0;
	v6 =	vimm.s32 $0x1FF1;
	v7 =	vimm.s32 $0x3FF1  }
0x9: {  	v8 =	vimm.s32 $0x1FF2;
	v9 =	vimm.s32 $0x3FF2;
	v10 =	vimm.s32 $0x1FF3  }
0xa: {  	v11 =	vimm.s32 $0x3FF3;
	v12 =	vimm.s32 $0x1FF4;
	v13 =	vimm.s32 $0x3FF4  }
0xb: {  	v14 =	vimm.s32 $0x1FF5;
	v15 =	vimm.s32 $0x3FF5;
	v16 =	vimm.s32 $0x1FF6  }
0xc: {  	v17 =	vimm.s32 $0x3FF6;
	v18 =	vimm.s32 $0x1FF7;
	v19 =	vimm.s32 $0x3FF7  }
0xd: {  	v20 =	vimm.s32 $0x1FF8;
	v21 =	vimm.s32 $0x3FF8;
	v22 =	vimm.s32 $0x1FF9  }
0xe: {  	v23 =	vimm.s32 $0x3FF9;
	v24 =	vimm.s32 $0x1FFA;
	v25 =	vimm.s32 $0x3FFA  }
0xf: {  	v26 =	vimm.s32 $0x1FFB;
	v27 =	vimm.s32 $0x3FFB;
	v28 =	vimm.s32 $0x1FFC  }
0x10: {  	v29 =	vimm.s32 $0x3FFC;
	v30 =	vimm.s32 $0x1FFD;
	v31 =	vimm.s32 $0x3FFD  }
0x11: {  	v32 =	vimm.s32 $0x1FFE;
	v33 =	vimm.s32 $0x3FFE;
	v34 =	vimm.s32 $0x1FFF  }
0x12: {  	v35 =	vimm.s32 $0x3FFF;
	v0 =	vsel vm14, $0x0, v0;
	v3 =	vsel vm14, $0x2000, v3  }
0x13: {  	v4 =	vsel vm14, $0xC70, v4;
	v5 =	vsel vm14, $0x2C70, v5;
	v6 =	vsel vm14, $0xC71, v6  }
0x14: {  	v7 =	vsel vm14, $0x2C71, v7;
	v8 =	vsel vm14, $0xC72, v8;
	v9 =	vsel vm14, $0x2C72, v9  }
0x15: {  	v10 =	vsel vm14, $0xC73, v10;
	v11 =	vsel vm14, $0x2C73, v11;
	v12 =	vsel vm14, $0xC74, v12  }
0x16: {  	v13 =	vsel vm14, $0x2C74, v13;
	v14 =	vsel vm14, $0xC75, v14;
	v15 =	vsel vm14, $0x2C75, v15  }
0x17: {  	v16 =	vsel vm14, $0xC76, v16;
	v17 =	vsel vm14, $0x2C76, v17;
	v18 =	vsel vm14, $0xC77, v18  }
0x18: {  	v19 =	vsel vm14, $0x2C77, v19;
	v20 =	vsel vm14, $0xC78, v20;
	v21 =	vsel vm14, $0x2C78, v21  }
0x19: {  	v22 =	vsel vm14, $0xC79, v22;
	v23 =	vsel vm14, $0x2C79, v23;
	v24 =	vsel vm14, $0xC7A, v24  }
0x1a: {  	v25 =	vsel vm14, $0x2C7A, v25;
	v26 =	vsel vm14, $0xC7B, v26;
	v27 =	vsel vm14, $0x2C7B, v27  }
0x1b: {  	v28 =	vsel vm14, $0xC7C, v28;
	v29 =	vsel vm14, $0x2C7C, v29;
	v30 =	vsel vm14, $0xC7D, v30  }
0x1c: {  	v31 =	vsel vm14, $0x2C7D, v31;
	v32 =	vsel vm14, $0xC7E, v32;
	v33 =	vsel vm14, $0x2C7E, v33  }
0x1d: {  	v34 =	vsel vm14, $0xC7F, v34;
	v35 =	vsel vm14, $0x2C7F, v35;
	v0 =	vsel vm13, $0x80, v0  }
0x1e: {  	v3 =	vsel vm13, $0x2080, v3;
	v4 =	vsel vm13, $0xCF0, v4;
	v5 =	vsel vm13, $0x2CF0, v5  }
0x1f: {  	v6 =	vsel vm13, $0xCF1, v6;
	v7 =	vsel vm13, $0x2CF1, v7;
	v8 =	vsel vm13, $0xCF2, v8  }
0x20: {  	v9 =	vsel vm13, $0x2CF2, v9;
	v10 =	vsel vm13, $0xCF3, v10;
	v11 =	vsel vm13, $0x2CF3, v11  }
0x21: {  	v12 =	vsel vm13, $0xCF4, v12;
	v13 =	vsel vm13, $0x2CF4, v13;
	v14 =	vsel vm13, $0xCF5, v14  }
0x22: {  	v15 =	vsel vm13, $0x2CF5, v15;
	v16 =	vsel vm13, $0xCF6, v16;
	v17 =	vsel vm13, $0x2CF6, v17  }
0x23: {  	v18 =	vsel vm13, $0xCF7, v18;
	v19 =	vsel vm13, $0x2CF7, v19;
	v20 =	vsel vm13, $0xCF8, v20  }
0x24: {  	v21 =	vsel vm13, $0x2CF8, v21;
	v22 =	vsel vm13, $0xCF9, v22;
	v23 =	vsel vm13, $0x2CF9, v23  }
0x25: {  	v24 =	vsel vm13, $0xCFA, v24;
	v25 =	vsel vm13, $0x2CFA, v25;
	v26 =	vsel vm13, $0xCFB, v26  }
0x26: {  	v27 =	vsel vm13, $0x2CFB, v27;
	v28 =	vsel vm13, $0xCFC, v28;
	v29 =	vsel vm13, $0x2CFC, v29  }
0x27: {  	v30 =	vsel vm13, $0xCFD, v30;
	v31 =	vsel vm13, $0x2CFD, v31;
	v32 =	vsel vm13, $0xCFE, v32  }
0x28: {  	v33 =	vsel vm13, $0x2CFE, v33;
	v34 =	vsel vm13, $0xCFF, v34;
	v35 =	vsel vm13, $0x2CFF, v35  }
0x29: {  	v0 =	vsel vm12, $0x100, v0;
	v3 =	vsel vm12, $0x2100, v3;
	v4 =	vsel vm12, $0xD70, v4  }
0x2a: {  	v5 =	vsel vm12, $0x2D70, v5;
	v6 =	vsel vm12, $0xD71, v6;
	v7 =	vsel vm12, $0x2D71, v7  }
0x2b: {  	v8 =	vsel vm12, $0xD72, v8;
	v9 =	vsel vm12, $0x2D72, v9;
	v10 =	vsel vm12, $0xD73, v10  }
0x2c: {  	v11 =	vsel vm12, $0x2D73, v11;
	v12 =	vsel vm12, $0xD74, v12;
	v13 =	vsel vm12, $0x2D74, v13  }
0x2d: {  	v14 =	vsel vm12, $0xD75, v14;
	v15 =	vsel vm12, $0x2D75, v15;
	v16 =	vsel vm12, $0xD76, v16  }
0x2e: {  	v17 =	vsel vm12, $0x2D76, v17;
	v18 =	vsel vm12, $0xD77, v18;
	v19 =	vsel vm12, $0x2D77, v19  }
0x2f: {  	v20 =	vsel vm12, $0xD78, v20;
	v21 =	vsel vm12, $0x2D78, v21;
	v22 =	vsel vm12, $0xD79, v22  }
0x30: {  	v23 =	vsel vm12, $0x2D79, v23;
	v24 =	vsel vm12, $0xD7A, v24;
	v25 =	vsel vm12, $0x2D7A, v25  }
0x31: {  	v26 =	vsel vm12, $0xD7B, v26;
	v27 =	vsel vm12, $0x2D7B, v27;
	v28 =	vsel vm12, $0xD7C, v28  }
0x32: {  	v29 =	vsel vm12, $0x2D7C, v29;
	v30 =	vsel vm12, $0xD7D, v30;
	v31 =	vsel vm12, $0x2D7D, v31  }
0x33: {  	v32 =	vsel vm12, $0xD7E, v32;
	v33 =	vsel vm12, $0x2D7E, v33;
	v34 =	vsel vm12, $0xD7F, v34  }
0x34: {  	v35 =	vsel vm12, $0x2D7F, v35;
	v0 =	vsel vm11, $0x180, v0;
	v3 =	vsel vm11, $0x2180, v3  }
0x35: {  	v4 =	vsel vm11, $0xDF0, v4;
	v5 =	vsel vm11, $0x2DF0, v5;
	v6 =	vsel vm11, $0xDF1, v6  }
0x36: {  	v7 =	vsel vm11, $0x2DF1, v7;
	v8 =	vsel vm11, $0xDF2, v8;
	v9 =	vsel vm11, $0x2DF2, v9  }
0x37: {  	v10 =	vsel vm11, $0xDF3, v10;
	v11 =	vsel vm11, $0x2DF3, v11;
	v12 =	vsel vm11, $0xDF4, v12  }
0x38: {  	v13 =	vsel vm11, $0x2DF4, v13;
	v14 =	vsel vm11, $0xDF5, v14;
	v15 =	vsel vm11, $0x2DF5, v15  }
0x39: {  	v16 =	vsel vm11, $0xDF6, v16;
	v17 =	vsel vm11, $0x2DF6, v17;
	v18 =	vsel vm11, $0xDF7, v18  }
0x3a: {  	v19 =	vsel vm11, $0x2DF7, v19;
	v20 =	vsel vm11, $0xDF8, v20;
	v21 =	vsel vm11, $0x2DF8, v21  }
0x3b: {  	v22 =	vsel vm11, $0xDF9, v22;
	v23 =	vsel vm11, $0x2DF9, v23;
	v24 =	vsel vm11, $0xDFA, v24  }
0x3c: {  	v25 =	vsel vm11, $0x2DFA, v25;
	v26 =	vsel vm11, $0xDFB, v26;
	v27 =	vsel vm11, $0x2DFB, v27  }
0x3d: {  	v28 =	vsel vm11, $0xDFC, v28;
	v29 =	vsel vm11, $0x2DFC, v29;
	v30 =	vsel vm11, $0xDFD, v30  }
0x3e: {  	v31 =	vsel vm11, $0x2DFD, v31;
	v32 =	vsel vm11, $0xDFE, v32;
	v33 =	vsel vm11, $0x2DFE, v33  }
0x3f: {  	v34 =	vsel vm11, $0xDFF, v34;
	v35 =	vsel vm11, $0x2DFF, v35;
	v0 =	vsel vm10, $0x200, v0  }
0x40: {  	v3 =	vsel vm10, $0x2200, v3;
	v4 =	vsel vm10, $0xE70, v4;
	v5 =	vsel vm10, $0x2E70, v5  }
0x41: {  	v6 =	vsel vm10, $0xE71, v6;
	v7 =	vsel vm10, $0x2E71, v7;
	v8 =	vsel vm10, $0xE72, v8  }
0x42: {  	v9 =	vsel vm10, $0x2E72, v9;
	v10 =	vsel vm10, $0xE73, v10;
	v11 =	vsel vm10, $0x2E73, v11  }
0x43: {  	v12 =	vsel vm10, $0xE74, v12;
	v13 =	vsel vm10, $0x2E74, v13;
	v14 =	vsel vm10, $0xE75, v14  }
0x44: {  	v15 =	vsel vm10, $0x2E75, v15;
	v16 =	vsel vm10, $0xE76, v16;
	v17 =	vsel vm10, $0x2E76, v17  }
0x45: {  	v18 =	vsel vm10, $0xE77, v18;
	v19 =	vsel vm10, $0x2E77, v19;
	v20 =	vsel vm10, $0xE78, v20  }
0x46: {  	v21 =	vsel vm10, $0x2E78, v21;
	v22 =	vsel vm10, $0xE79, v22;
	v23 =	vsel vm10, $0x2E79, v23  }
0x47: {  	v24 =	vsel vm10, $0xE7A, v24;
	v25 =	vsel vm10, $0x2E7A, v25;
	v26 =	vsel vm10, $0xE7B, v26  }
0x48: {  	v27 =	vsel vm10, $0x2E7B, v27;
	v28 =	vsel vm10, $0xE7C, v28;
	v29 =	vsel vm10, $0x2E7C, v29  }
0x49: {  	v30 =	vsel vm10, $0xE7D, v30;
	v31 =	vsel vm10, $0x2E7D, v31;
	v32 =	vsel vm10, $0xE7E, v32  }
0x4a: {  	v33 =	vsel vm10, $0x2E7E, v33;
	v34 =	vsel vm10, $0xE7F, v34;
	v35 =	vsel vm10, $0x2E7F, v35  }
0x4b: {  	v0 =	vsel vm9, $0x280, v0;
	v3 =	vsel vm9, $0x2280, v3;
	v4 =	vsel vm9, $0xEF0, v4  }
0x4c: {  	v5 =	vsel vm9, $0x2EF0, v5;
	v6 =	vsel vm9, $0xEF1, v6;
	v7 =	vsel vm9, $0x2EF1, v7  }
0x4d: {  	v8 =	vsel vm9, $0xEF2, v8;
	v9 =	vsel vm9, $0x2EF2, v9;
	v10 =	vsel vm9, $0xEF3, v10  }
0x4e: {  	v11 =	vsel vm9, $0x2EF3, v11;
	v12 =	vsel vm9, $0xEF4, v12;
	v13 =	vsel vm9, $0x2EF4, v13  }
0x4f: {  	v14 =	vsel vm9, $0xEF5, v14;
	v15 =	vsel vm9, $0x2EF5, v15;
	v16 =	vsel vm9, $0xEF6, v16  }
0x50: {  	v17 =	vsel vm9, $0x2EF6, v17;
	v18 =	vsel vm9, $0xEF7, v18;
	v19 =	vsel vm9, $0x2EF7, v19  }
0x51: {  	v20 =	vsel vm9, $0xEF8, v20;
	v21 =	vsel vm9, $0x2EF8, v21;
	v22 =	vsel vm9, $0xEF9, v22  }
0x52: {  	v23 =	vsel vm9, $0x2EF9, v23;
	v24 =	vsel vm9, $0xEFA, v24;
	v25 =	vsel vm9, $0x2EFA, v25  }
0x53: {  	v26 =	vsel vm9, $0xEFB, v26;
	v27 =	vsel vm9, $0x2EFB, v27;
	v28 =	vsel vm9, $0xEFC, v28  }
0x54: {  	v29 =	vsel vm9, $0x2EFC, v29;
	v30 =	vsel vm9, $0xEFD, v30;
	v31 =	vsel vm9, $0x2EFD, v31  }
0x55: {  	v32 =	vsel vm9, $0xEFE, v32;
	v33 =	vsel vm9, $0x2EFE, v33;
	v34 =	vsel vm9, $0xEFF, v34  }
0x56: {  	v35 =	vsel vm9, $0x2EFF, v35;
	v0 =	vsel vm8, $0x300, v0;
	v3 =	vsel vm8, $0x2300, v3  }
0x57: {  	v4 =	vsel vm8, $0xF70, v4;
	v5 =	vsel vm8, $0x2F70, v5;
	v6 =	vsel vm8, $0xF71, v6  }
0x58: {  	v7 =	vsel vm8, $0x2F71, v7;
	v8 =	vsel vm8, $0xF72, v8;
	v9 =	vsel vm8, $0x2F72, v9  }
0x59: {  	v10 =	vsel vm8, $0xF73, v10;
	v11 =	vsel vm8, $0x2F73, v11;
	v12 =	vsel vm8, $0xF74, v12  }
0x5a: {  	v13 =	vsel vm8, $0x2F74, v13;
	v14 =	vsel vm8, $0xF75, v14;
	v15 =	vsel vm8, $0x2F75, v15  }
0x5b: {  	v16 =	vsel vm8, $0xF76, v16;
	v17 =	vsel vm8, $0x2F76, v17;
	v18 =	vsel vm8, $0xF77, v18  }
0x5c: {  	v19 =	vsel vm8, $0x2F77, v19;
	v20 =	vsel vm8, $0xF78, v20;
	v21 =	vsel vm8, $0x2F78, v21  }
0x5d: {  	v22 =	vsel vm8, $0xF79, v22;
	v23 =	vsel vm8, $0x2F79, v23;
	v24 =	vsel vm8, $0xF7A, v24  }
0x5e: {  	v25 =	vsel vm8, $0x2F7A, v25;
	v26 =	vsel vm8, $0xF7B, v26;
	v27 =	vsel vm8, $0x2F7B, v27  }
0x5f: {  	v28 =	vsel vm8, $0xF7C, v28;
	v29 =	vsel vm8, $0x2F7C, v29;
	v30 =	vsel vm8, $0xF7D, v30  }
0x60: {  	v31 =	vsel vm8, $0x2F7D, v31;
	v32 =	vsel vm8, $0xF7E, v32;
	v33 =	vsel vm8, $0x2F7E, v33  }
0x61: {  	v34 =	vsel vm8, $0xF7F, v34;
	v35 =	vsel vm8, $0x2F7F, v35;
	v0 =	vsel vm7, $0x380, v0  }
0x62: {  	v3 =	vsel vm7, $0x2380, v3;
	v4 =	vsel vm7, $0xFF0, v4;
	v5 =	vsel vm7, $0x2FF0, v5  }
0x63: {  	v6 =	vsel vm7, $0xFF1, v6;
	v7 =	vsel vm7, $0x2FF1, v7;
	v8 =	vsel vm7, $0xFF2, v8  }
0x64: {  	v9 =	vsel vm7, $0x2FF2, v9;
	v10 =	vsel vm7, $0xFF3, v10;
	v11 =	vsel vm7, $0x2FF3, v11  }
0x65: {  	v12 =	vsel vm7, $0xFF4, v12;
	v13 =	vsel vm7, $0x2FF4, v13;
	v14 =	vsel vm7, $0xFF5, v14  }
0x66: {  	v15 =	vsel vm7, $0x2FF5, v15;
	v16 =	vsel vm7, $0xFF6, v16;
	v17 =	vsel vm7, $0x2FF6, v17  }
0x67: {  	v18 =	vsel vm7, $0xFF7, v18;
	v19 =	vsel vm7, $0x2FF7, v19;
	v20 =	vsel vm7, $0xFF8, v20  }
0x68: {  	v21 =	vsel vm7, $0x2FF8, v21;
	v22 =	vsel vm7, $0xFF9, v22;
	v23 =	vsel vm7, $0x2FF9, v23  }
0x69: {  	v24 =	vsel vm7, $0xFFA, v24;
	v25 =	vsel vm7, $0x2FFA, v25;
	v26 =	vsel vm7, $0xFFB, v26  }
0x6a: {  	v27 =	vsel vm7, $0x2FFB, v27;
	v28 =	vsel vm7, $0xFFC, v28;
	v29 =	vsel vm7, $0x2FFC, v29  }
0x6b: {  	v30 =	vsel vm7, $0xFFD, v30;
	v31 =	vsel vm7, $0x2FFD, v31;
	v32 =	vsel vm7, $0xFFE, v32  }
0x6c: {  	v33 =	vsel vm7, $0x2FFE, v33;
	v34 =	vsel vm7, $0xFFF, v34;
	v35 =	vsel vm7, $0x2FFF, v35  }
0x6d: {  	v0 =	vsel vm6, $0x1000, v0;
	v3 =	vsel vm6, $0x3000, v3;
	v4 =	vsel vm6, $0x1C70, v4  }
0x6e: {  	v5 =	vsel vm6, $0x3C70, v5;
	v6 =	vsel vm6, $0x1C71, v6;
	v7 =	vsel vm6, $0x3C71, v7  }
0x6f: {  	v8 =	vsel vm6, $0x1C72, v8;
	v9 =	vsel vm6, $0x3C72, v9;
	v10 =	vsel vm6, $0x1C73, v10  }
0x70: {  	v11 =	vsel vm6, $0x3C73, v11;
	v12 =	vsel vm6, $0x1C74, v12;
	v13 =	vsel vm6, $0x3C74, v13  }
0x71: {  	v14 =	vsel vm6, $0x1C75, v14;
	v15 =	vsel vm6, $0x3C75, v15;
	v16 =	vsel vm6, $0x1C76, v16  }
0x72: {  	v17 =	vsel vm6, $0x3C76, v17;
	v18 =	vsel vm6, $0x1C77, v18;
	v19 =	vsel vm6, $0x3C77, v19  }
0x73: {  	v20 =	vsel vm6, $0x1C78, v20;
	v21 =	vsel vm6, $0x3C78, v21;
	v22 =	vsel vm6, $0x1C79, v22  }
0x74: {  	v23 =	vsel vm6, $0x3C79, v23;
	v24 =	vsel vm6, $0x1C7A, v24;
	v25 =	vsel vm6, $0x3C7A, v25  }
0x75: {  	v26 =	vsel vm6, $0x1C7B, v26;
	v27 =	vsel vm6, $0x3C7B, v27;
	v28 =	vsel vm6, $0x1C7C, v28  }
0x76: {  	v29 =	vsel vm6, $0x3C7C, v29;
	v30 =	vsel vm6, $0x1C7D, v30;
	v31 =	vsel vm6, $0x3C7D, v31  }
0x77: {  	v32 =	vsel vm6, $0x1C7E, v32;
	v33 =	vsel vm6, $0x3C7E, v33;
	v34 =	vsel vm6, $0x1C7F, v34  }
0x78: {  	v35 =	vsel vm6, $0x3C7F, v35;
	v0 =	vsel vm5, $0x1080, v0;
	v3 =	vsel vm5, $0x3080, v3  }
0x79: {  	v4 =	vsel vm5, $0x1CF0, v4;
	v5 =	vsel vm5, $0x3CF0, v5;
	v6 =	vsel vm5, $0x1CF1, v6  }
0x7a: {  	v7 =	vsel vm5, $0x3CF1, v7;
	v8 =	vsel vm5, $0x1CF2, v8;
	v9 =	vsel vm5, $0x3CF2, v9  }
0x7b: {  	v10 =	vsel vm5, $0x1CF3, v10;
	v11 =	vsel vm5, $0x3CF3, v11;
	v12 =	vsel vm5, $0x1CF4, v12  }
0x7c: {  	v13 =	vsel vm5, $0x3CF4, v13;
	v14 =	vsel vm5, $0x1CF5, v14;
	v15 =	vsel vm5, $0x3CF5, v15  }
0x7d: {  	v16 =	vsel vm5, $0x1CF6, v16;
	v17 =	vsel vm5, $0x3CF6, v17;
	v18 =	vsel vm5, $0x1CF7, v18  }
0x7e: {  	v19 =	vsel vm5, $0x3CF7, v19;
	v20 =	vsel vm5, $0x1CF8, v20;
	v21 =	vsel vm5, $0x3CF8, v21  }
0x7f: {  	v22 =	vsel vm5, $0x1CF9, v22;
	v23 =	vsel vm5, $0x3CF9, v23;
	v24 =	vsel vm5, $0x1CFA, v24  }
0x80: {  	v25 =	vsel vm5, $0x3CFA, v25;
	v26 =	vsel vm5, $0x1CFB, v26;
	v27 =	vsel vm5, $0x3CFB, v27  }
0x81: {  	v28 =	vsel vm5, $0x1CFC, v28;
	v29 =	vsel vm5, $0x3CFC, v29;
	v30 =	vsel vm5, $0x1CFD, v30  }
0x82: {  	v31 =	vsel vm5, $0x3CFD, v31;
	v32 =	vsel vm5, $0x1CFE, v32;
	v33 =	vsel vm5, $0x3CFE, v33  }
0x83: {  	v34 =	vsel vm5, $0x1CFF, v34;
	v35 =	vsel vm5, $0x3CFF, v35;
	v0 =	vsel vm4, $0x1100, v0  }
0x84: {  	v3 =	vsel vm4, $0x3100, v3;
	v4 =	vsel vm4, $0x1D70, v4;
	v5 =	vsel vm4, $0x3D70, v5  }
0x85: {  	v6 =	vsel vm4, $0x1D71, v6;
	v7 =	vsel vm4, $0x3D71, v7;
	v8 =	vsel vm4, $0x1D72, v8  }
0x86: {  	v9 =	vsel vm4, $0x3D72, v9;
	v10 =	vsel vm4, $0x1D73, v10;
	v11 =	vsel vm4, $0x3D73, v11  }
0x87: {  	v12 =	vsel vm4, $0x1D74, v12;
	v13 =	vsel vm4, $0x3D74, v13;
	v14 =	vsel vm4, $0x1D75, v14  }
0x88: {  	v15 =	vsel vm4, $0x3D75, v15;
	v16 =	vsel vm4, $0x1D76, v16;
	v17 =	vsel vm4, $0x3D76, v17  }
0x89: {  	v18 =	vsel vm4, $0x1D77, v18;
	v19 =	vsel vm4, $0x3D77, v19;
	v20 =	vsel vm4, $0x1D78, v20  }
0x8a: {  	v21 =	vsel vm4, $0x3D78, v21;
	v22 =	vsel vm4, $0x1D79, v22;
	v23 =	vsel vm4, $0x3D79, v23  }
0x8b: {  	v24 =	vsel vm4, $0x1D7A, v24;
	v25 =	vsel vm4, $0x3D7A, v25;
	v26 =	vsel vm4, $0x1D7B, v26  }
0x8c: {  	v27 =	vsel vm4, $0x3D7B, v27;
	v28 =	vsel vm4, $0x1D7C, v28;
	v29 =	vsel vm4, $0x3D7C, v29  }
0x8d: {  	v30 =	vsel vm4, $0x1D7D, v30;
	v31 =	vsel vm4, $0x3D7D, v31;
	v32 =	vsel vm4, $0x1D7E, v32  }
0x8e: {  	v33 =	vsel vm4, $0x3D7E, v33;
	v34 =	vsel vm4, $0x1D7F, v34;
	v35 =	vsel vm4, $0x3D7F, v35  }
0x8f: {  	v2 =	vsel vm3, $0x1180, v0;
	v0 =	vmul.u32 $0x80, v1;
	v3 =	vsel vm3, $0x3180, v3  }
0x90: {  	v4 =	vsel vm3, $0x1DF0, v4;
	v5 =	vsel vm3, $0x3DF0, v5;
	v6 =	vsel vm3, $0x1DF1, v6  }
0x91: {  	v7 =	vsel vm3, $0x3DF1, v7;
	v8 =	vsel vm3, $0x1DF2, v8;
	v9 =	vsel vm3, $0x3DF2, v9  }
0x92: {  	v10 =	vsel vm3, $0x1DF3, v10;
	v11 =	vsel vm3, $0x3DF3, v11;
	v12 =	vsel vm3, $0x1DF4, v12  }
0x93: {  	v13 =	vsel vm3, $0x3DF4, v13;
	v14 =	vsel vm3, $0x1DF5, v14;
	v15 =	vsel vm3, $0x3DF5, v15  }
0x94: {  	v16 =	vsel vm3, $0x1DF6, v16;
	v17 =	vsel vm3, $0x3DF6, v17;
	v18 =	vsel vm3, $0x1DF7, v18  }
0x95: {  	v19 =	vsel vm3, $0x3DF7, v19;
	v20 =	vsel vm3, $0x1DF8, v20;
	v21 =	vsel vm3, $0x3DF8, v21  }
0x96: {  	v22 =	vsel vm3, $0x1DF9, v22;
	v23 =	vsel vm3, $0x3DF9, v23;
	v24 =	vsel vm3, $0x1DFA, v24  }
0x97: {  	v25 =	vsel vm3, $0x3DFA, v25;
	v26 =	vsel vm3, $0x1DFB, v26;
	v27 =	vsel vm3, $0x3DFB, v27  }
0x98: {  	v28 =	vsel vm3, $0x1DFC, v28;
	v29 =	vsel vm3, $0x3DFC, v29;
	v30 =	vsel vm3, $0x1DFD, v30  }
0x99: {  	v31 =	vsel vm3, $0x3DFD, v31;
	v32 =	vsel vm3, $0x1DFE, v32;
	v33 =	vsel vm3, $0x3DFE, v33  }
0x9a: {  	v34 =	vsel vm3, $0x1DFF, v34;
	v35 =	vsel vm3, $0x3DFF, v35;
	v1 =	vsel vm2, $0x1200, v2  }
0x9b: {  	v3 =	vsel vm2, $0x3200, v3;
	v4 =	vsel vm2, $0x1E70, v4;
	v5 =	vsel vm2, $0x3E70, v5  }
0x9c: {  	v6 =	vsel vm2, $0x1E71, v6;
	v7 =	vsel vm2, $0x3E71, v7;
	v8 =	vsel vm2, $0x1E72, v8  }
0x9d: {  	v9 =	vsel vm2, $0x3E72, v9;
	v10 =	vsel vm2, $0x1E73, v10;
	v11 =	vsel vm2, $0x3E73, v11  }
0x9e: {  	v12 =	vsel vm2, $0x1E74, v12;
	v13 =	vsel vm2, $0x3E74, v13;
	v14 =	vsel vm2, $0x1E75, v14  }
0x9f: {  	v15 =	vsel vm2, $0x3E75, v15;
	v16 =	vsel vm2, $0x1E76, v16;
	v17 =	vsel vm2, $0x3E76, v17  }
0xa0: {  	v18 =	vsel vm2, $0x1E77, v18;
	v19 =	vsel vm2, $0x3E77, v19;
	v20 =	vsel vm2, $0x1E78, v20  }
0xa1: {  	v21 =	vsel vm2, $0x3E78, v21;
	v22 =	vsel vm2, $0x1E79, v22;
	v23 =	vsel vm2, $0x3E79, v23  }
0xa2: {  	v24 =	vsel vm2, $0x1E7A, v24;
	v25 =	vsel vm2, $0x3E7A, v25;
	v26 =	vsel vm2, $0x1E7B, v26  }
0xa3: {  	v27 =	vsel vm2, $0x3E7B, v27;
	v28 =	vsel vm2, $0x1E7C, v28;
	v29 =	vsel vm2, $0x3E7C, v29  }
0xa4: {  	v30 =	vsel vm2, $0x1E7D, v30;
	v31 =	vsel vm2, $0x3E7D, v31;
	v32 =	vsel vm2, $0x1E7E, v32  }
0xa5: {  	v33 =	vsel vm2, $0x3E7E, v33;
	v34 =	vsel vm2, $0x1E7F, v34;
	v35 =	vsel vm2, $0x3E7F, v35  }
0xa6: {  	v1 =	vsel vm1, $0x1280, v1;
	v2 =	vor.u32 $0x800, v0;
	v3 =	vsel vm1, $0x3280, v3  }
0xa7: {  	v4 =	vsel vm1, $0x1EF0, v4;
	v5 =	vsel vm1, $0x3EF0, v5;
	v6 =	vsel vm1, $0x1EF1, v6  }
0xa8: {  	v7 =	vsel vm1, $0x3EF1, v7;
	v8 =	vsel vm1, $0x1EF2, v8;
	v9 =	vsel vm1, $0x3EF2, v9  }
0xa9: {  	v10 =	vsel vm1, $0x1EF3, v10;
	v11 =	vsel vm1, $0x3EF3, v11;
	v12 =	vsel vm1, $0x1EF4, v12  }
0xaa: {  	v13 =	vsel vm1, $0x3EF4, v13;
	v14 =	vsel vm1, $0x1EF5, v14;
	v15 =	vsel vm1, $0x3EF5, v15  }
0xab: {  	v16 =	vsel vm1, $0x1EF6, v16;
	v17 =	vsel vm1, $0x3EF6, v17;
	v18 =	vsel vm1, $0x1EF7, v18  }
0xac: {  	v19 =	vsel vm1, $0x3EF7, v19;
	v20 =	vsel vm1, $0x1EF8, v20;
	v21 =	vsel vm1, $0x3EF8, v21  }
0xad: {  	v22 =	vsel vm1, $0x1EF9, v22;
	v23 =	vsel vm1, $0x3EF9, v23;
	v24 =	vsel vm1, $0x1EFA, v24  }
0xae: {  	v25 =	vsel vm1, $0x3EFA, v25;
	v26 =	vsel vm1, $0x1EFB, v26;
	v27 =	vsel vm1, $0x3EFB, v27  }
0xaf: {  	v28 =	vsel vm1, $0x1EFC, v28;
	v29 =	vsel vm1, $0x3EFC, v29;
	v30 =	vsel vm1, $0x1EFD, v30  }
0xb0: {  	s0 =	rddreg [dreg:$0x0];
	v31 =	vsel vm1, $0x3EFD, v31;
	v32 =	vsel vm1, $0x1EFE, v32;
	v33 =	vsel vm1, $0x3EFE, v33  }
0xb1: {  	s1 =	rddreg [dreg:$0x1];
	v34 =	vsel vm1, $0x1EFF, v34;
	v35 =	vsel vm1, $0x3EFF, v35;
	v1 =	vsel vm0, $0x1300, v1  }
0xb2: {  	s2 =	rddreg [dreg:$0x2];
	s3 =	srdreg.scid;
	v3 =	vsel vm0, $0x3300, v3;
	v4 =	vsel vm0, $0x1F70, v4;
	v5 =	vsel vm0, $0x3F70, v5  }
0xb3: {  	s6 =	simm.s32 $0x0;
	s5 =	stileid.u32;
	s9 =	simm.s32 $0x7A1400;
	v6 =	vsel vm0, $0x1F71, v6;
	v7 =	vsel vm0, $0x3F71, v7;
	v8 =	vsel vm0, $0x1F72, v8  }
0xb4: {  	s10 =	simm.s32 $0x400;
	s28 =	simm.s32 $0x10200;
	s7 =	simm.s32 $0xB;
	v9 =	vsel vm0, $0x3F72, v9;
	v10 =	vsel vm0, $0x1F73, v10;
	v11 =	vsel vm0, $0x3F73, v11  }
0xb5: {  	s8 =	simm.s32 $0xC;
	s11 =	simm.s32 $0xD;
	s12 =	simm.s32 $0xE;
	v12 =	vsel vm0, $0x1F74, v12;
	v13 =	vsel vm0, $0x3F74, v13;
	v14 =	vsel vm0, $0x1F75, v14  }
0xb6: {  	s13 =	simm.s32 $0xF;
	s3 =	sand.u32 $0x1, s3;
	s5 =	sshll.u32 s5, $0xA;
	v15 =	vsel vm0, $0x3F75, v15;
	v16 =	vsel vm0, $0x1F76, v16;
	v17 =	vsel vm0, $0x3F76, v17  }
0xb7: {  	[smem:$0x7FF] =	sst s6;
	s4 =	ssub.s32 $0x2, s3;
	s3 =	sshll.u32 s3, $0x9;
	v18 =	vsel vm0, $0x1F77, v18;
	v19 =	vsel vm0, $0x3F77, v19;
	v20 =	vsel vm0, $0x1F78, v20  }
0xb8: {  	s14 =	simm.s32 $0x10;
	_ =	strace $0x80000047;
	s3 =	sor.u32 s3, s5;
	v21 =	vsel vm0, $0x3F78, v21;
	v22 =	vsel vm0, $0x1F79, v22;
	v23 =	vsel vm0, $0x3F79, v23  }
0xb9: {  	s29 =	sshrl.u32 s4, $0x1;
	s5 =	sshrl.u32 s3, $0x3;
	s30 =	sadd.s32 s2, s3;
	v24 =	vsel vm0, $0x1F7A, v24;
	v25 =	vsel vm0, $0x3F7A, v25;
	v26 =	vsel vm0, $0x1F7B, v26  }
0xba: {  	s4 =	ssub.s32 s4, s29;
	s1 =	sadd.s32 s1, s5;
	[dreg:$0x5] =	wrdreg s30;
	v27 =	vsel vm0, $0x3F7B, v27;
	v28 =	vsel vm0, $0x1F7C, v28;
	v29 =	vsel vm0, $0x3F7C, v29  }
0xbb: {  	s6 =	simm.s32 $0xA;
	s31 =	smax.u32 s4, $0x1;
	[dreg:$0x4] =	wrdreg s1;
	v30 =	vsel vm0, $0x1F7D, v30;
	v31 =	vsel vm0, $0x3F7D, v31;
	v32 =	vsel vm0, $0x1F7E, v32  }
0xbc: {  	s3 =	simm.s32 $0x11;
	s2 =	simm.s32 $0x0;
	[dreg:$0x6] =	wrdreg s31;
	v33 =	vsel vm0, $0x3F7E, v33;
	v34 =	vsel vm0, $0x1F7F, v34;
	v35 =	vsel vm0, $0x3F7F, v35  }
.LBB2_1:
0xbd: {  	[dreg:$0x7] =	wrdreg s2  }
0xbe: {  	s1 =	simm.s32 $0x0;
	s20 =	rddreg [dreg:$0x4]  }
0xbf: {  	[tilespmem:s1], [sflag:$0x11] =	stream.linear.gather [hbm4b:s20+s1], $0x200, $0x38;
	[tilespmem:$0x14200] =	vst v63  }
0xc0: {  	_ =	swait.ge [sflag:s3], $0x200  }
0xc1: {  	[sflag:s3] =	ssyncset.done $0x0  }
0xc2: {  	[sflag:s3] =	ssyncadd.s32 $0xFFFFFE00  }
0xc3: {  	v37 =	vld [tilespmem:$0x0];
	_ =	sdelay $0x4  }
0xc4: {  	(v2sf) =	vpush v37, $0x0;
	_ =	sdelay $0x4  }
0xc5: {  	(v2sf) =	vpush v37, $0x1;
	_ =	sdelay $0x2  }
0xc6: {  	(v2sf) =	vpush v37, $0x2;
	_ =	sdelay $0x5  }
0xc7: {  	(v2sf) =	vpush v37, $0x3  }
0xc8: {  	s15 =	spop (v2sf)  }
0xc9: {  	s16 =	sand.u32 $0x7F, s15  }
0xca: {  	s17 =	sshra.s32 s15, $0x1F;
	p0 =	slt.s32 s15, $0x1;
	p1 =	sne.s32 s16, $0x0  }
0xcb: {  	s21 =	sshrl.u32 s17, $0x19;
	p0 =	por !p0, !p1  }
0xcc: {  	s16 =	simm.s32 $0x1;
	s15 =	sadd.s32 s21, s15;
	p0 =	por !p0, !p0  }
0xcd: {  	s22 =	spop (v2sf);
	s15 =	sshrl.u32 s15, $0x7;
	s16 =	simm.s32 @!p0 $0x0  }
0xce: {  	s2 =	simm.s32 $0x200;
	s23 =	sand.u32 $0x7F, s22;
	s15 =	ssub.s32 s15, s16  }
0xcf: {  	s24 =	sshra.s32 s22, $0x1F;
	p5 =	slt.s32 s22, $0x1;
	s15 =	sshll.u32 s15, $0x7  }
0xd0: {  	s26 =	spop (v2sf);
	p6 =	sne.s32 s23, $0x0;
	s15 =	sand.u32 $0x1FFFFF80, s15  }
0xd1: {  	s25 =	sshrl.u32 s24, $0x19;
	p0 =	por !p5, !p6;
	s15 =	sadd.s32 s0, s15  }
0xd2: {  	(v2sf) =	vpush v37, $0x4;
	[tilespmem:s2], [sflag:$0x1] =	stream.strided.gather [hbm4b:s15+s10], $0x1000, s9, s10, $0x38;
	[tilespmem:$0x14200] =	vst v63  }
0xd3: {  	p0 =	por !p0, !p0;
	s16 =	simm.s32 $0x1;
	s15 =	sadd.s32 s25, s22  }
0xd4: {  	s16 =	simm.s32 @!p0 $0x0;
	s15 =	sshrl.u32 s15, $0x7  }
0xd5: {  	s3 =	simm.s32 $0x1200;
	s29 =	sand.u32 $0x7F, s26;
	s15 =	ssub.s32 s15, s16  }
0xd6: {  	s30 =	sshra.s32 s26, $0x1F;
	s1 =	spop (v2sf);
	(v2sf) =	vpush v37, $0x5;
	s15 =	sshll.u32 s15, $0x7  }
0xd7: {  	p1 =	slt.s32 s26, $0x1;
	p2 =	sne.s32 s29, $0x0;
	s15 =	sand.u32 $0x1FFFFF80, s15  }
0xd8: {  	s31 =	sshrl.u32 s30, $0x19;
	p0 =	por !p1, !p2;
	s15 =	sadd.s32 s0, s15  }
0xd9: {  	[tilespmem:s3], [sflag:$0x2] =	stream.strided.gather [hbm4b:s15+s10], $0x1000, s9, s10, $0x38;
	[tilespmem:$0x14200] =	vst v63  }
0xda: {  	p0 =	por !p0, !p0;
	s16 =	simm.s32 $0x1;
	s15 =	sadd.s32 s31, s26  }
0xdb: {  	s16 =	simm.s32 @!p0 $0x0;
	s15 =	sshrl.u32 s15, $0x7  }
0xdc: {  	s20 =	simm.s32 $0x2200;
	s4 =	sand.u32 $0x7F, s1;
	s15 =	ssub.s32 s15, s16  }
0xdd: {  	p3 =	slt.s32 s1, $0x1;
	p4 =	sne.s32 s4, $0x0;
	s15 =	sshll.u32 s15, $0x7  }
0xde: {  	s5 =	sshra.s32 s1, $0x1F;
	p0 =	por !p3, !p4;
	s15 =	sand.u32 $0x1FFFFF80, s15  }
0xdf: {  	s17 =	sshrl.u32 s5, $0x19;
	p0 =	por !p0, !p0;
	s15 =	sadd.s32 s0, s15  }
0xe0: {  	[tilespmem:s20], [sflag:$0x3] =	stream.strided.gather [hbm4b:s15+s10], $0x1000, s9, s10, $0x38;
	[tilespmem:$0x14200] =	vst v63  }
0xe1: {  	s18 =	spop (v2sf);
	(v2sf) =	vpush v37, $0x6;
	s16 =	simm.s32 $0x1;
	s15 =	sadd.s32 s17, s1  }
0xe2: {  	s16 =	simm.s32 @!p0 $0x0;
	s15 =	sshrl.u32 s15, $0x7  }
0xe3: {  	s26 =	simm.s32 $0x3200;
	s19 =	sand.u32 $0x7F, s18;
	s15 =	ssub.s32 s15, s16  }
0xe4: {  	s21 =	sshra.s32 s18, $0x1F;
	p5 =	slt.s32 s18, $0x1;
	s15 =	sshll.u32 s15, $0x7  }
0xe5: {  	s23 =	spop (v2sf);
	p6 =	sne.s32 s19, $0x0;
	s15 =	sand.u32 $0x1FFFFF80, s15  }
0xe6: {  	s22 =	sshrl.u32 s21, $0x19;
	p0 =	por !p5, !p6;
	s15 =	sadd.s32 s0, s15  }
0xe7: {  	[tilespmem:s26], [sflag:$0x4] =	stream.strided.gather [hbm4b:s15+s10], $0x1000, s9, s10, $0x38;
	[tilespmem:$0x14200] =	vst v63  }
0xe8: {  	(v2sf) =	vpush v37, $0x7;
	p0 =	por !p0, !p0;
	s16 =	simm.s32 $0x1;
	s15 =	sadd.s32 s22, s18  }
0xe9: {  	s16 =	simm.s32 @!p0 $0x0;
	s15 =	sshrl.u32 s15, $0x7  }
0xea: {  	s30 =	simm.s32 $0x4200;
	s15 =	ssub.s32 s15, s16  }
0xeb: {  	s24 =	sand.u32 $0x7F, s23;
	s25 =	sshra.s32 s23, $0x1F;
	s15 =	sshll.u32 s15, $0x7  }
0xec: {  	p1 =	slt.s32 s23, $0x1;
	p2 =	sne.s32 s24, $0x0;
	s15 =	sand.u32 $0x1FFFFF80, s15  }
0xed: {  	s29 =	sshrl.u32 s25, $0x19;
	p0 =	por !p1, !p2;
	s15 =	sadd.s32 s0, s15  }
0xee: {  	[tilespmem:s30], [sflag:$0x5] =	stream.strided.gather [hbm4b:s15+s10], $0x1000, s9, s10, $0x38;
	[tilespmem:$0x14200] =	vst v63  }
0xef: {  	p0 =	por !p0, !p0;
	s16 =	simm.s32 $0x1;
	s15 =	sadd.s32 s29, s23  }
0xf0: {  	s16 =	simm.s32 @!p0 $0x0;
	s31 =	spop (v2sf);
	(v2sf) =	vpush v37, $0x8;
	s15 =	sshrl.u32 s15, $0x7  }
0xf1: {  	s4 =	simm.s32 $0x5200;
	s15 =	ssub.s32 s15, s16  }
0xf2: {  	s1 =	sand.u32 $0x7F, s31;
	s5 =	sshra.s32 s31, $0x1F;
	s15 =	sshll.u32 s15, $0x7  }
0xf3: {  	p3 =	slt.s32 s31, $0x1;
	p4 =	sne.s32 s1, $0x0;
	s15 =	sand.u32 $0x1FFFFF80, s15  }
0xf4: {  	s18 =	sshrl.u32 s5, $0x19;
	p0 =	por !p3, !p4;
	s15 =	sadd.s32 s0, s15  }
0xf5: {  	[tilespmem:s4], [sflag:$0x6] =	stream.strided.gather [hbm4b:s15+s10], $0x1000, s9, s10, $0x38;
	[tilespmem:$0x14200] =	vst v63  }
0xf6: {  	p0 =	por !p0, !p0;
	s16 =	simm.s32 $0x1;
	s15 =	sadd.s32 s18, s31  }
0xf7: {  	s19 =	spop (v2sf);
	(v2sf) =	vpush v37, $0x9;
	s16 =	simm.s32 @!p0 $0x0;
	s15 =	sshrl.u32 s15, $0x7  }
0xf8: {  	s21 =	sand.u32 $0x7F, s19;
	s15 =	ssub.s32 s15, s16  }
0xf9: {  	s22 =	sshra.s32 s19, $0x1F;
	p5 =	slt.s32 s19, $0x1;
	s15 =	sshll.u32 s15, $0x7  }
0xfa: {  	p6 =	sne.s32 s21, $0x0;
	s23 =	sshrl.u32 s22, $0x19;
	s15 =	sand.u32 $0x1FFFFF80, s15  }
0xfb: {  	p0 =	por !p5, !p6;
	s31 =	simm.s32 $0x6200;
	s15 =	sadd.s32 s0, s15  }
0xfc: {  	[tilespmem:s31], [sflag:$0x7] =	stream.strided.gather [hbm4b:s15+s10], $0x1000, s9, s10, $0x38;
	[tilespmem:$0x14200] =	vst v63  }
0xfd: {  	p0 =	por !p0, !p0;
	s16 =	simm.s32 $0x1;
	s15 =	sadd.s32 s23, s19  }
0xfe: {  	s16 =	simm.s32 @!p0 $0x0;
	s15 =	sshrl.u32 s15, $0x7  }
0xff: {  	s24 =	simm.s32 $0x7200;
	s25 =	spop (v2sf);
	s15 =	ssub.s32 s15, s16  }
0x100: {  	(v2sf) =	vpush v37, $0xA;
	s29 =	sand.u32 $0x7F, s25;
	s1 =	sshra.s32 s25, $0x1F;
	s15 =	sshll.u32 s15, $0x7  }
0x101: {  	p1 =	slt.s32 s25, $0x1;
	p2 =	sne.s32 s29, $0x0;
	s15 =	sand.u32 $0x1FFFFF80, s15  }
0x102: {  	s17 =	sshrl.u32 s1, $0x19;
	p0 =	por !p1, !p2;
	s15 =	sadd.s32 s0, s15  }
0x103: {  	[tilespmem:s24], [sflag:$0x8] =	stream.strided.gather [hbm4b:s15+s10], $0x1000, s9, s10, $0x38;
	[tilespmem:$0x14200] =	vst v63  }
0x104: {  	s16 =	simm.s32 $0x1;
	p0 =	por !p0, !p0;
	s15 =	sadd.s32 s17, s25  }
0x105: {  	s16 =	simm.s32 @!p0 $0x0;
	s15 =	sshrl.u32 s15, $0x7  }
0x106: {  	s18 =	simm.s32 $0x8200;
	s19 =	spop (v2sf);
	s15 =	ssub.s32 s15, s16  }
0x107: {  	(v2sf) =	vpush v37, $0xB;
	s21 =	sand.u32 $0x7F, s19;
	s22 =	sshra.s32 s19, $0x1F;
	s15 =	sshll.u32 s15, $0x7  }
0x108: {  	p3 =	slt.s32 s19, $0x1;
	p4 =	sne.s32 s21, $0x0;
	s15 =	sand.u32 $0x1FFFFF80, s15  }
0x109: {  	s23 =	sshrl.u32 s22, $0x19;
	p0 =	por !p3, !p4;
	s15 =	sadd.s32 s0, s15  }
0x10a: {  	[tilespmem:s18], [sflag:$0x9] =	stream.strided.gather [hbm4b:s15+s10], $0x1000, s9, s10, $0x38;
	[tilespmem:$0x14200] =	vst v63  }
0x10b: {  	p0 =	por !p0, !p0;
	s16 =	simm.s32 $0x1;
	s15 =	sadd.s32 s23, s19  }
0x10c: {  	s16 =	simm.s32 @!p0 $0x0;
	s15 =	sshrl.u32 s15, $0x7  }
0x10d: {  	s15 =	ssub.s32 s15, s16  }
0x10e: {  	s15 =	sshll.u32 s15, $0x7  }
0x10f: {  	s15 =	sand.u32 $0x1FFFFF80, s15;
	s25 =	spop (v2sf)  }
0x110: {  	s24 =	simm.s32 $0x9200;
	s15 =	sadd.s32 s0, s15;
	s29 =	sand.u32 $0x7F, s25  }
0x111: {  	(v2sf) =	vpush v37, $0xC;
	[tilespmem:s24], [sflag:$0xA] =	stream.strided.gather [hbm4b:s15+s10], $0x1000, s9, s10, $0x38;
	[tilespmem:$0x14200] =	vst v63  }
0x112: {  	s1 =	sshra.s32 s25, $0x1F;
	p5 =	slt.s32 s25, $0x1;
	p6 =	sne.s32 s29, $0x0  }
0x113: {  	s17 =	sshrl.u32 s1, $0x19;
	p0 =	por !p5, !p6  }
0x114: {  	s16 =	simm.s32 $0x1;
	s15 =	sadd.s32 s17, s25;
	p0 =	por !p0, !p0  }
0x115: {  	s15 =	sshrl.u32 s15, $0x7;
	s16 =	simm.s32 @!p0 $0x0  }
0x116: {  	s18 =	simm.s32 $0xA200;
	s19 =	spop (v2sf);
	s15 =	ssub.s32 s15, s16  }
0x117: {  	s21 =	sand.u32 $0x7F, s19;
	s22 =	sshra.s32 s19, $0x1F;
	s15 =	sshll.u32 s15, $0x7  }
0x118: {  	(v2sf) =	vpush v37, $0xD;
	p1 =	slt.s32 s19, $0x1;
	p2 =	sne.s32 s21, $0x0;
	s15 =	sand.u32 $0x1FFFFF80, s15  }
0x119: {  	s23 =	sshrl.u32 s22, $0x19;
	p0 =	por !p1, !p2;
	s15 =	sadd.s32 s0, s15  }
0x11a: {  	[tilespmem:s18], [sflag:$0xB] =	stream.strided.gather [hbm4b:s15+s10], $0x1000, s9, s10, $0x38;
	[tilespmem:$0x14200] =	vst v63  }
0x11b: {  	p0 =	por !p0, !p0;
	s16 =	simm.s32 $0x1;
	s15 =	sadd.s32 s23, s19  }
0x11c: {  	s16 =	simm.s32 @!p0 $0x0;
	s15 =	sshrl.u32 s15, $0x7  }
0x11d: {  	s15 =	ssub.s32 s15, s16  }
0x11e: {  	s15 =	sshll.u32 s15, $0x7  }
0x11f: {  	s15 =	sand.u32 $0x1FFFFF80, s15  }
0x120: {  	s24 =	simm.s32 $0xB200;
	s15 =	sadd.s32 s0, s15;
	s25 =	spop (v2sf)  }
0x121: {  	[tilespmem:s24], [sflag:$0xC] =	stream.strided.gather [hbm4b:s15+s10], $0x1000, s9, s10, $0x38;
	[tilespmem:$0x14200] =	vst v63  }
0x122: {  	(v2sf) =	vpush v37, $0xE;
	s29 =	sand.u32 $0x7F, s25  }
0x123: {  	s1 =	sshra.s32 s25, $0x1F;
	p3 =	slt.s32 s25, $0x1;
	p4 =	sne.s32 s29, $0x0  }
0x124: {  	s17 =	sshrl.u32 s1, $0x19;
	p0 =	por !p3, !p4  }
0x125: {  	s16 =	simm.s32 $0x1;
	s15 =	sadd.s32 s17, s25;
	p0 =	por !p0, !p0  }
0x126: {  	s15 =	sshrl.u32 s15, $0x7;
	s16 =	simm.s32 @!p0 $0x0  }
0x127: {  	s18 =	simm.s32 $0xC200;
	s19 =	spop (v2sf);
	s15 =	ssub.s32 s15, s16  }
0x128: {  	s21 =	sand.u32 $0x7F, s19;
	s22 =	sshra.s32 s19, $0x1F;
	s15 =	sshll.u32 s15, $0x7  }
0x129: {  	(v2sf) =	vpush v37, $0xF;
	p5 =	slt.s32 s19, $0x1;
	p6 =	sne.s32 s21, $0x0;
	s15 =	sand.u32 $0x1FFFFF80, s15  }
0x12a: {  	s23 =	sshrl.u32 s22, $0x19;
	p0 =	por !p5, !p6;
	s15 =	sadd.s32 s0, s15  }
0x12b: {  	[tilespmem:s18], [sflag:$0xD] =	stream.strided.gather [hbm4b:s15+s10], $0x1000, s9, s10, $0x38;
	[tilespmem:$0x14200] =	vst v63  }
0x12c: {  	p0 =	por !p0, !p0;
	s16 =	simm.s32 $0x1;
	s15 =	sadd.s32 s23, s19  }
0x12d: {  	s16 =	simm.s32 @!p0 $0x0;
	s15 =	sshrl.u32 s15, $0x7  }
0x12e: {  	s15 =	ssub.s32 s15, s16  }
0x12f: {  	s15 =	sshll.u32 s15, $0x7  }
0x130: {  	s15 =	sand.u32 $0x1FFFFF80, s15  }
0x131: {  	s24 =	simm.s32 $0xD200;
	s15 =	sadd.s32 s0, s15;
	s25 =	spop (v2sf)  }
0x132: {  	[tilespmem:s24], [sflag:$0xE] =	stream.strided.gather [hbm4b:s15+s10], $0x1000, s9, s10, $0x38;
	[tilespmem:$0x14200] =	vst v63  }
0x133: {  	s29 =	sand.u32 $0x7F, s25  }
0x134: {  	s1 =	sshra.s32 s25, $0x1F;
	p1 =	slt.s32 s25, $0x1;
	p2 =	sne.s32 s29, $0x0  }
0x135: {  	s17 =	sshrl.u32 s1, $0x19;
	p0 =	por !p1, !p2  }
0x136: {  	s16 =	simm.s32 $0x1;
	s15 =	sadd.s32 s17, s25;
	p0 =	por !p0, !p0  }
0x137: {  	s15 =	sshrl.u32 s15, $0x7;
	s16 =	simm.s32 @!p0 $0x0  }
0x138: {  	s18 =	simm.s32 $0xE200;
	s19 =	spop (v2sf);
	s15 =	ssub.s32 s15, s16  }
0x139: {  	s21 =	sand.u32 $0x7F, s19;
	s22 =	sshra.s32 s19, $0x1F;
	s15 =	sshll.u32 s15, $0x7  }
0x13a: {  	p3 =	slt.s32 s19, $0x1;
	p4 =	sne.s32 s21, $0x0;
	s15 =	sand.u32 $0x1FFFFF80, s15  }
0x13b: {  	s23 =	sshrl.u32 s22, $0x19;
	p0 =	por !p3, !p4;
	s15 =	sadd.s32 s0, s15  }
0x13c: {  	[tilespmem:s18], [sflag:$0xF] =	stream.strided.gather [hbm4b:s15+s10], $0x1000, s9, s10, $0x38;
	[tilespmem:$0x14200] =	vst v63  }
0x13d: {  	p0 =	por !p0, !p0;
	s16 =	simm.s32 $0x1;
	s15 =	sadd.s32 s23, s19  }
0x13e: {  	s16 =	simm.s32 @!p0 $0x0;
	s15 =	sshrl.u32 s15, $0x7  }
0x13f: {  	s15 =	ssub.s32 s15, s16  }
0x140: {  	s15 =	sshll.u32 s15, $0x7  }
0x141: {  	s15 =	sand.u32 $0x1FFFFF80, s15  }
0x142: {  	s24 =	simm.s32 $0xF200;
	s15 =	sadd.s32 s0, s15  }
0x143: {  	[tilespmem:s24], [sflag:$0x10] =	stream.strided.gather [hbm4b:s15+s10], $0x1000, s9, s10, $0x38;
	[tilespmem:$0x14200] =	vst v63  }
0x144: {  	v36 =	vld [tilespmem:s14+$0x0];
	_ =	sdelay $0x4  }
0x145: {  	(v2sf) =	vpush v36, $0x0;
	_ =	sdelay $0x4  }
0x146: {  	v37 =	vand.u32 $0x7F, v37  }
0x147: {  	v38 =	vbroadcast v37, $0x0;
	s25 =	simm.s32 $0x1;
	(v2sf) =	vpush v36, $0x1  }
0x148: {  	_ =	swait.ge [sflag:s25], $0x1000  }
0x149: {  	v39 =	vor.u32 v0, v38;
	s29 =	simm.s32 $0x0;
	(v2sf) =	vpush v36, $0x2  }
0x14a: {  	v40 =	vmov s29;
	(v2sf) =	vpush v36, $0x3  }
0x14b: {  	v41 =	vshll.u32 v40, $0x3  }
0x14c: {  	v40 =	vand.u32 $0x70, v40;
	v41 =	vand.u32 $0xFFFFFC00, v41;
	[sflag:s25] =	ssyncset.done $0x0  }
0x14d: {  	v40 =	vor.u32 v40, v41;
	[sflag:s25] =	ssyncadd.s32 $0xFFFFF000  }
0x14e: {  	v41 =	vadd.s32 v1, v40;
	v39 =	vld.idx.msk [tilespmem:v39+s2+$0x0], $0xffff  }
0x14f: {  	v38 =	vor.u32 v2, v38  }
0x150: {  	s1 =	spop (v2sf)  }
0x151: {  	s17 =	sand.u32 $0x7F, s1  }
0x152: {  	s18 =	sshra.s32 s1, $0x1F;
	p5 =	slt.s32 s1, $0x1;
	p6 =	sne.s32 s17, $0x0  }
0x153: {  	[tilespmem:v41+s28+$0x0] =	vst.idx.msk $0xffff, v39;
	s19 =	sshrl.u32 s18, $0x19;
	p0 =	por !p5, !p6  }
0x154: {  	v52 =	vadd.s32 v3, v40;
	s16 =	simm.s32 $0x1;
	v38 =	vld.idx.msk [tilespmem:v38+s2+$0x0], $0xffff;
	s15 =	sadd.s32 s19, s1;
	p0 =	por !p0, !p0  }
0x155: {  	s15 =	sshrl.u32 s15, $0x7;
	s16 =	simm.s32 @!p0 $0x0  }
0x156: {  	s15 =	ssub.s32 s15, s16  }
0x157: {  	v53 =	vbroadcast v37, $0x1;
	s18 =	spop (v2sf);
	s15 =	sshll.u32 s15, $0x7  }
0x158: {  	s21 =	simm.s32 $0x2;
	s17 =	spop (v2sf);
	s15 =	sand.u32 $0x1FFFFF80, s15  }
0x159: {  	v54 =	vor.u32 v0, v53;
	[tilespmem:v52+s28+$0x0] =	vst.idx.msk $0xffff, v38;
	(v2sf) =	vpush v36, $0x4;
	s19 =	simm.s32 $0x1;
	s16 =	spop (v2sf);
	s15 =	sadd.s32 s0, s15  }
0x15a: {  	v55 =	vmov s19;
	(v2sf) =	vpush v36, $0x5;
	[tilespmem:s2], [sflag:$0x1] =	stream.strided.gather [hbm4b:s15+s10], $0x1000, s9, s10, $0x38;
	[tilespmem:$0x14200] =	vst v63  }
0x15b: {  	v56 =	vshll.u32 v55, $0x3;
	_ =	swait.ge [sflag:s21], $0x1000  }
0x15c: {  	v39 =	vand.u32 $0x71, v55;
	v41 =	vand.u32 $0xFFFFFC00, v56;
	[sflag:s21] =	ssyncset.done $0x0  }
0x15d: {  	v39 =	vor.u32 v39, v41;
	[sflag:s21] =	ssyncadd.s32 $0xFFFFF000  }
0x15e: {  	v41 =	vadd.s32 v1, v39;
	v38 =	vld.idx.msk [tilespmem:v54+s3+$0x0], $0xffff  }
0x15f: {  	v40 =	vor.u32 v2, v53;
	_ =	sdelay $0x1  }
0x160: {  	s22 =	sand.u32 $0x7F, s18  }
0x161: {  	s23 =	sshra.s32 s18, $0x1F;
	p1 =	slt.s32 s18, $0x1;
	p2 =	sne.s32 s22, $0x0  }
0x162: {  	s24 =	sshrl.u32 s23, $0x19;
	p0 =	por !p1, !p2;
	[tilespmem:v41+s28+$0x0] =	vst.idx.msk $0xffff, v38  }
0x163: {  	p0 =	por !p0, !p0;
	v57 =	vadd.s32 v3, v39;
	s15 =	sadd.s32 s24, s18;
	s18 =	simm.s32 $0x1;
	v58 =	vld.idx.msk [tilespmem:v40+s3+$0x0], $0xffff  }
0x164: {  	s18 =	simm.s32 @!p0 $0x0;
	s15 =	sshrl.u32 s15, $0x7  }
0x165: {  	s15 =	ssub.s32 s15, s18  }
0x166: {  	v59 =	vbroadcast v37, $0x2;
	s18 =	sshll.u32 s15, $0x7  }
0x167: {  	s29 =	simm.s32 $0x3;
	(v2sf) =	vpush v36, $0x6;
	s18 =	sand.u32 $0x1FFFFF80, s18;
	s15 =	spop (v2sf)  }
0x168: {  	v60 =	vor.u32 v0, v59;
	s25 =	simm.s32 $0x2;
	(v2sf) =	vpush v36, $0x7;
	s18 =	sadd.s32 s0, s18;
	s24 =	spop (v2sf);
	[tilespmem:v57+s28+$0x0] =	vst.idx.msk $0xffff, v58  }
0x169: {  	v61 =	vmov s25;
	(v2sf) =	vpush v36, $0x8;
	[tilespmem:s3], [sflag:$0x2] =	stream.strided.gather [hbm4b:s18+s10], $0x1000, s9, s10, $0x38;
	[tilespmem:$0x14200] =	vst v63  }
0x16a: {  	v62 =	vshll.u32 v61, $0x3;
	_ =	swait.ge [sflag:s29], $0x1000  }
0x16b: {  	v39 =	vand.u32 $0x72, v61;
	v41 =	vand.u32 $0xFFFFFC00, v62;
	(v2sf) =	vpush v36, $0x9;
	[sflag:s29] =	ssyncset.done $0x0  }
0x16c: {  	v39 =	vor.u32 v39, v41;
	[sflag:s29] =	ssyncadd.s32 $0xFFFFF000  }
0x16d: {  	v41 =	vadd.s32 v1, v39;
	v38 =	vld.idx.msk [tilespmem:v60+s20+$0x0], $0xffff  }
0x16e: {  	v40 =	vor.u32 v2, v59;
	_ =	sdelay $0x1  }
0x16f: {  	s1 =	sand.u32 $0x7F, s17  }
0x170: {  	p3 =	slt.s32 s17, $0x1;
	p4 =	sne.s32 s1, $0x0;
	s2 =	sshra.s32 s17, $0x1F  }
0x171: {  	p0 =	por !p3, !p4;
	s3 =	sshrl.u32 s2, $0x19;
	[tilespmem:v41+s28+$0x0] =	vst.idx.msk $0xffff, v38  }
0x172: {  	p0 =	por !p0, !p0;
	v39 =	vadd.s32 v3, v39;
	s18 =	simm.s32 $0x1;
	s17 =	sadd.s32 s3, s17;
	v38 =	vld.idx.msk [tilespmem:v40+s20+$0x0], $0xffff  }
0x173: {  	s18 =	simm.s32 @!p0 $0x0;
	s17 =	sshrl.u32 s17, $0x7  }
0x174: {  	s17 =	ssub.s32 s17, s18  }
0x175: {  	s25 =	spop (v2sf);
	s17 =	sshll.u32 s17, $0x7  }
0x176: {  	v63 =	vbroadcast v37, $0x3;
	s23 =	spop (v2sf);
	s17 =	sand.u32 $0x1FFFFF80, s17  }
0x177: {  	s19 =	simm.s32 $0x3;
	(v2sf) =	vpush v36, $0xA;
	s22 =	spop (v2sf);
	s17 =	sadd.s32 s0, s17;
	[tilespmem:v39+s28+$0x0] =	vst.idx.msk $0xffff, v38  }
0x178: {  	v44 =	vor.u32 v0, v63;
	(v2sf) =	vpush v36, $0xB;
	[tilespmem:s20], [sflag:$0x3] =	stream.strided.gather [hbm4b:s17+s10], $0x1000, s9, s10, $0x38;
	[tilespmem:$0x14200] =	vst v63  }
0x179: {  	v45 =	vmov s19;
	(v2sf) =	vpush v36, $0xC;
	s20 =	simm.s32 $0x4;
	s21 =	spop (v2sf)  }
0x17a: {  	v46 =	vshll.u32 v45, $0x3;
	_ =	swait.ge [sflag:s20], $0x1000  }
0x17b: {  	v38 =	vand.u32 $0x73, v45;
	v39 =	vand.u32 $0xFFFFFC00, v46;
	[sflag:s20] =	ssyncset.done $0x0  }
0x17c: {  	v38 =	vor.u32 v38, v39;
	[sflag:s20] =	ssyncadd.s32 $0xFFFFF000  }
0x17d: {  	v39 =	vadd.s32 v1, v38;
	v41 =	vld.idx.msk [tilespmem:v44+s26+$0x0], $0xffff  }
0x17e: {  	v40 =	vor.u32 v2, v63;
	_ =	sdelay $0x1  }
0x17f: {  	s29 =	sand.u32 $0x7F, s16  }
0x180: {  	s1 =	sshra.s32 s16, $0x1F;
	p5 =	slt.s32 s16, $0x1;
	p6 =	sne.s32 s29, $0x0  }
0x181: {  	s2 =	sshrl.u32 s1, $0x19;
	p0 =	por !p5, !p6;
	[tilespmem:v39+s28+$0x0] =	vst.idx.msk $0xffff, v41  }
0x182: {  	s16 =	sadd.s32 s2, s16;
	p0 =	por !p0, !p0;
	s17 =	simm.s32 $0x1;
	v38 =	vadd.s32 v3, v38;
	v39 =	vld.idx.msk [tilespmem:v40+s26+$0x0], $0xffff  }
0x183: {  	s16 =	sshrl.u32 s16, $0x7;
	s17 =	simm.s32 @!p0 $0x0  }
0x184: {  	s16 =	ssub.s32 s16, s17  }
0x185: {  	v47 =	vbroadcast v37, $0x4;
	s16 =	sshll.u32 s16, $0x7;
	s20 =	spop (v2sf)  }
0x186: {  	s3 =	simm.s32 $0x4;
	s16 =	sand.u32 $0x1FFFFF80, s16;
	(v2sf) =	vpush v36, $0xD;
	s19 =	spop (v2sf)  }
0x187: {  	v48 =	vor.u32 v0, v47;
	s29 =	simm.s32 $0x5;
	(v2sf) =	vpush v36, $0xE;
	s16 =	sadd.s32 s0, s16;
	s17 =	spop (v2sf);
	[tilespmem:v38+s28+$0x0] =	vst.idx.msk $0xffff, v39  }
0x188: {  	v49 =	vmov s3;
	(v2sf) =	vpush v36, $0xF;
	[tilespmem:s26], [sflag:$0x4] =	stream.strided.gather [hbm4b:s16+s10], $0x1000, s9, s10, $0x38;
	[tilespmem:$0x14200] =	vst v63  }
0x189: {  	v50 =	vshll.u32 v49, $0x3;
	_ =	swait.ge [sflag:s29], $0x1000  }
0x18a: {  	v38 =	vand.u32 $0x74, v49;
	v39 =	vand.u32 $0xFFFFFC00, v50;
	[sflag:s29] =	ssyncset.done $0x0  }
0x18b: {  	v38 =	vor.u32 v38, v39;
	[sflag:s29] =	ssyncadd.s32 $0xFFFFF000  }
0x18c: {  	v39 =	vadd.s32 v1, v38;
	v41 =	vld.idx.msk [tilespmem:v48+s30+$0x0], $0xffff  }
0x18d: {  	v40 =	vor.u32 v2, v47;
	_ =	sdelay $0x1  }
0x18e: {  	s2 =	sand.u32 $0x7F, s15  }
0x18f: {  	p1 =	slt.s32 s15, $0x1;
	s3 =	sshra.s32 s15, $0x1F;
	p2 =	sne.s32 s2, $0x0  }
0x190: {  	p0 =	por !p1, !p2;
	s26 =	sshrl.u32 s3, $0x19;
	[tilespmem:v39+s28+$0x0] =	vst.idx.msk $0xffff, v41  }
0x191: {  	p0 =	por !p0, !p0;
	s16 =	simm.s32 $0x1;
	s15 =	sadd.s32 s26, s15;
	v38 =	vadd.s32 v3, v38;
	v39 =	vld.idx.msk [tilespmem:v40+s30+$0x0], $0xffff  }
0x192: {  	s16 =	simm.s32 @!p0 $0x0;
	s15 =	sshrl.u32 s15, $0x7  }
0x193: {  	s15 =	ssub.s32 s15, s16  }
0x194: {  	s15 =	sshll.u32 s15, $0x7  }
0x195: {  	v51 =	vbroadcast v37, $0x5;
	s18 =	spop (v2sf);
	s29 =	sand.u32 $0x1FFFFF80, s15  }
0x196: {  	s16 =	spop (v2sf);
	s26 =	sadd.s32 s0, s29;
	s29 =	simm.s32 $0x5;
	[tilespmem:v38+s28+$0x0] =	vst.idx.msk $0xffff, v39  }
0x197: {  	v52 =	vor.u32 v0, v51;
	[tilespmem:s30], [sflag:$0x5] =	stream.strided.gather [hbm4b:s26+s10], $0x1000, s9, s10, $0x38;
	[tilespmem:$0x14200] =	vst v63  }
0x198: {  	s15 =	spop (v2sf);
	v53 =	vmov s29;
	s30 =	simm.s32 $0x6  }
0x199: {  	v54 =	vshll.u32 v53, $0x3;
	_ =	swait.ge [sflag:s30], $0x1000  }
0x19a: {  	v38 =	vand.u32 $0x75, v53;
	v39 =	vand.u32 $0xFFFFFC00, v54;
	[sflag:s30] =	ssyncset.done $0x0  }
0x19b: {  	v38 =	vor.u32 v38, v39;
	[sflag:s30] =	ssyncadd.s32 $0xFFFFF000  }
0x19c: {  	v56 =	vadd.s32 v1, v38;
	v55 =	vld.idx.msk [tilespmem:v52+s4+$0x0], $0xffff  }
0x19d: {  	v40 =	vor.u32 v2, v51;
	_ =	sdelay $0x1  }
0x19e: {  	s2 =	sand.u32 $0x7F, s24  }
0x19f: {  	p4 =	slt.s32 s24, $0x1;
	p3 =	sne.s32 s2, $0x0;
	s3 =	sshra.s32 s24, $0x1F  }
0x1a0: {  	p0 =	por !p4, !p3;
	s26 =	sshrl.u32 s3, $0x19;
	[tilespmem:v56+s28+$0x0] =	vst.idx.msk $0xffff, v55  }
0x1a1: {  	p0 =	por !p0, !p0;
	s24 =	sadd.s32 s26, s24;
	s26 =	simm.s32 $0x1;
	v38 =	vadd.s32 v3, v38;
	v39 =	vld.idx.msk [tilespmem:v40+s4+$0x0], $0xffff  }
0x1a2: {  	s24 =	sshrl.u32 s24, $0x7;
	s26 =	simm.s32 @!p0 $0x0  }
0x1a3: {  	s24 =	ssub.s32 s24, s26  }
0x1a4: {  	v57 =	vbroadcast v37, $0x6;
	s24 =	sshll.u32 s24, $0x7  }
0x1a5: {  	s24 =	sand.u32 $0x1FFFFF80, s24  }
0x1a6: {  	v58 =	vor.u32 v0, v57;
	s29 =	simm.s32 $0x6;
	s30 =	simm.s32 $0x7;
	s24 =	sadd.s32 s0, s24;
	[tilespmem:v38+s28+$0x0] =	vst.idx.msk $0xffff, v39  }
0x1a7: {  	v59 =	vmov s29;
	[tilespmem:s4], [sflag:$0x6] =	stream.strided.gather [hbm4b:s24+s10], $0x1000, s9, s10, $0x38;
	[tilespmem:$0x14200] =	vst v63  }
0x1a8: {  	v60 =	vshll.u32 v59, $0x3;
	_ =	swait.ge [sflag:s30], $0x1000  }
0x1a9: {  	v38 =	vand.u32 $0x76, v59;
	v39 =	vand.u32 $0xFFFFFC00, v60;
	[sflag:s30] =	ssyncset.done $0x0  }
0x1aa: {  	v38 =	vor.u32 v38, v39;
	[sflag:s30] =	ssyncadd.s32 $0xFFFFF000  }
0x1ab: {  	v62 =	vadd.s32 v1, v38;
	v61 =	vld.idx.msk [tilespmem:v58+s31+$0x0], $0xffff  }
0x1ac: {  	v40 =	vor.u32 v2, v57;
	_ =	sdelay $0x1  }
0x1ad: {  	s2 =	sand.u32 $0x7F, s25  }
0x1ae: {  	p6 =	slt.s32 s25, $0x1;
	p5 =	sne.s32 s2, $0x0;
	s3 =	sshra.s32 s25, $0x1F  }
0x1af: {  	p0 =	por !p6, !p5;
	s24 =	sshrl.u32 s3, $0x19;
	[tilespmem:v62+s28+$0x0] =	vst.idx.msk $0xffff, v61  }
0x1b0: {  	p0 =	por !p0, !p0;
	s24 =	sadd.s32 s24, s25;
	s25 =	simm.s32 $0x1;
	v38 =	vadd.s32 v3, v38;
	v39 =	vld.idx.msk [tilespmem:v40+s31+$0x0], $0xffff  }
0x1b1: {  	s24 =	sshrl.u32 s24, $0x7;
	s25 =	simm.s32 @!p0 $0x0  }
0x1b2: {  	s24 =	ssub.s32 s24, s25  }
0x1b3: {  	s24 =	sshll.u32 s24, $0x7  }
0x1b4: {  	v63 =	vbroadcast v37, $0x7;
	s24 =	sand.u32 $0x1FFFFF80, s24  }
0x1b5: {  	s4 =	simm.s32 $0x7;
	s24 =	sadd.s32 s0, s24;
	[tilespmem:v38+s28+$0x0] =	vst.idx.msk $0xffff, v39  }
0x1b6: {  	v44 =	vor.u32 v0, v63;
	[tilespmem:s31], [sflag:$0x7] =	stream.strided.gather [hbm4b:s24+s10], $0x1000, s9, s10, $0x38;
	[tilespmem:$0x14200] =	vst v63  }
0x1b7: {  	v45 =	vmov s4;
	s24 =	simm.s32 $0x8  }
0x1b8: {  	v46 =	vshll.u32 v45, $0x3;
	_ =	swait.ge [sflag:s24], $0x1000  }
0x1b9: {  	v38 =	vand.u32 $0x77, v45;
	v39 =	vand.u32 $0xFFFFFC00, v46;
	[sflag:s24] =	ssyncset.done $0x0  }
0x1ba: {  	s5 =	simm.s32 $0x7200;
	v38 =	vor.u32 v38, v39;
	[sflag:s24] =	ssyncadd.s32 $0xFFFFF000  }
0x1bb: {  	v48 =	vadd.s32 v1, v38;
	v47 =	vld.idx.msk [tilespmem:v44+s5+$0x0], $0xffff  }
0x1bc: {  	v40 =	vor.u32 v2, v63;
	_ =	sdelay $0x1  }
0x1bd: {  	s25 =	sand.u32 $0x7F, s23  }
0x1be: {  	p2 =	slt.s32 s23, $0x1;
	s26 =	sshra.s32 s23, $0x1F;
	p1 =	sne.s32 s25, $0x0  }
0x1bf: {  	p0 =	por !p2, !p1;
	s24 =	sshrl.u32 s26, $0x19;
	[tilespmem:v48+s28+$0x0] =	vst.idx.msk $0xffff, v47  }
0x1c0: {  	p0 =	por !p0, !p0;
	v38 =	vadd.s32 v3, v38;
	s23 =	sadd.s32 s24, s23;
	s24 =	simm.s32 $0x1;
	v39 =	vld.idx.msk [tilespmem:v40+s5+$0x0], $0xffff  }
0x1c1: {  	s23 =	sshrl.u32 s23, $0x7;
	s24 =	simm.s32 @!p0 $0x0  }
0x1c2: {  	s23 =	ssub.s32 s23, s24  }
0x1c3: {  	v49 =	vbroadcast v37, $0x8;
	s23 =	sshll.u32 s23, $0x7  }
0x1c4: {  	s23 =	sand.u32 $0x1FFFFF80, s23  }
0x1c5: {  	v50 =	vor.u32 v0, v49;
	s29 =	simm.s32 $0x8;
	s30 =	simm.s32 $0x9;
	s23 =	sadd.s32 s0, s23;
	[tilespmem:v38+s28+$0x0] =	vst.idx.msk $0xffff, v39  }
0x1c6: {  	v51 =	vmov s29;
	[tilespmem:s5], [sflag:$0x8] =	stream.strided.gather [hbm4b:s23+s10], $0x1000, s9, s10, $0x38;
	[tilespmem:$0x14200] =	vst v63  }
0x1c7: {  	v52 =	vshll.u32 v51, $0x3;
	_ =	swait.ge [sflag:s30], $0x1000  }
0x1c8: {  	v38 =	vand.u32 $0x78, v51;
	v39 =	vand.u32 $0xFFFFFC00, v52;
	[sflag:s30] =	ssyncset.done $0x0  }
0x1c9: {  	s31 =	simm.s32 $0x8200;
	v38 =	vor.u32 v38, v39;
	[sflag:s30] =	ssyncadd.s32 $0xFFFFF000  }
0x1ca: {  	v54 =	vadd.s32 v1, v38;
	v53 =	vld.idx.msk [tilespmem:v50+s31+$0x0], $0xffff  }
0x1cb: {  	v40 =	vor.u32 v2, v49;
	_ =	sdelay $0x1  }
0x1cc: {  	s2 =	sand.u32 $0x7F, s22  }
0x1cd: {  	p3 =	sne.s32 s2, $0x0;
	p4 =	slt.s32 s22, $0x1;
	s3 =	sshra.s32 s22, $0x1F  }
0x1ce: {  	p0 =	por !p4, !p3;
	s23 =	sshrl.u32 s3, $0x19;
	[tilespmem:v54+s28+$0x0] =	vst.idx.msk $0xffff, v53  }
0x1cf: {  	p0 =	por !p0, !p0;
	s22 =	sadd.s32 s23, s22;
	s23 =	simm.s32 $0x1;
	v38 =	vadd.s32 v3, v38;
	v39 =	vld.idx.msk [tilespmem:v40+s31+$0x0], $0xffff  }
0x1d0: {  	s22 =	sshrl.u32 s22, $0x7;
	s23 =	simm.s32 @!p0 $0x0  }
0x1d1: {  	s22 =	ssub.s32 s22, s23  }
0x1d2: {  	v55 =	vbroadcast v37, $0x9;
	s22 =	sshll.u32 s22, $0x7  }
0x1d3: {  	s22 =	sand.u32 $0x1FFFFF80, s22  }
0x1d4: {  	v56 =	vor.u32 v0, v55;
	s4 =	simm.s32 $0x8200;
	s5 =	simm.s32 $0x9;
	s22 =	sadd.s32 s0, s22;
	[tilespmem:v38+s28+$0x0] =	vst.idx.msk $0xffff, v39  }
0x1d5: {  	v57 =	vmov s5;
	[tilespmem:s4], [sflag:$0x9] =	stream.strided.gather [hbm4b:s22+s10], $0x1000, s9, s10, $0x38;
	[tilespmem:$0x14200] =	vst v63  }
0x1d6: {  	v58 =	vshll.u32 v57, $0x3;
	_ =	swait.ge [sflag:s6], $0x1000  }
0x1d7: {  	v38 =	vand.u32 $0x79, v57;
	v39 =	vand.u32 $0xFFFFFC00, v58;
	[sflag:s6] =	ssyncset.done $0x0  }
0x1d8: {  	s24 =	simm.s32 $0x9200;
	v38 =	vor.u32 v38, v39;
	[sflag:s6] =	ssyncadd.s32 $0xFFFFF000  }
0x1d9: {  	v60 =	vadd.s32 v1, v38;
	v59 =	vld.idx.msk [tilespmem:v56+s24+$0x0], $0xffff  }
0x1da: {  	v40 =	vor.u32 v2, v55;
	_ =	sdelay $0x1  }
0x1db: {  	s25 =	sand.u32 $0x7F, s21  }
0x1dc: {  	p6 =	slt.s32 s21, $0x1;
	p5 =	sne.s32 s25, $0x0;
	s26 =	sshra.s32 s21, $0x1F  }
0x1dd: {  	p0 =	por !p6, !p5;
	s22 =	sshrl.u32 s26, $0x19;
	[tilespmem:v60+s28+$0x0] =	vst.idx.msk $0xffff, v59  }
0x1de: {  	p0 =	por !p0, !p0;
	s21 =	sadd.s32 s22, s21;
	s22 =	simm.s32 $0x1;
	v38 =	vadd.s32 v3, v38;
	v39 =	vld.idx.msk [tilespmem:v40+s24+$0x0], $0xffff  }
0x1df: {  	s21 =	sshrl.u32 s21, $0x7;
	s22 =	simm.s32 @!p0 $0x0  }
0x1e0: {  	s21 =	ssub.s32 s21, s22  }
0x1e1: {  	v61 =	vbroadcast v37, $0xA;
	s21 =	sshll.u32 s21, $0x7  }
0x1e2: {  	s21 =	sand.u32 $0x1FFFFF80, s21  }
0x1e3: {  	s29 =	simm.s32 $0x9200;
	v62 =	vor.u32 v0, v61;
	s30 =	simm.s32 $0xA;
	s21 =	sadd.s32 s0, s21;
	[tilespmem:v38+s28+$0x0] =	vst.idx.msk $0xffff, v39  }
0x1e4: {  	v63 =	vmov s30;
	[tilespmem:s29], [sflag:$0xA] =	stream.strided.gather [hbm4b:s21+s10], $0x1000, s9, s10, $0x38;
	[tilespmem:$0x14200] =	vst v63  }
0x1e5: {  	v44 =	vshll.u32 v63, $0x3;
	_ =	swait.ge [sflag:s7], $0x1000  }
0x1e6: {  	v41 =	vand.u32 $0xFFFFFC00, v44;
	v39 =	vand.u32 $0x7A, v63;
	[sflag:s7] =	ssyncset.done $0x0  }
0x1e7: {  	s31 =	simm.s32 $0xA200;
	v39 =	vor.u32 v39, v41;
	[sflag:s7] =	ssyncadd.s32 $0xFFFFF000  }
0x1e8: {  	v41 =	vadd.s32 v1, v39;
	v38 =	vld.idx.msk [tilespmem:v62+s31+$0x0], $0xffff  }
0x1e9: {  	v40 =	vor.u32 v2, v61;
	_ =	sdelay $0x1  }
0x1ea: {  	s2 =	sand.u32 $0x7F, s20  }
0x1eb: {  	p1 =	sne.s32 s2, $0x0;
	p2 =	slt.s32 s20, $0x1;
	s3 =	sshra.s32 s20, $0x1F  }
0x1ec: {  	p0 =	por !p2, !p1;
	s21 =	sshrl.u32 s3, $0x19;
	[tilespmem:v41+s28+$0x0] =	vst.idx.msk $0xffff, v38  }
0x1ed: {  	p0 =	por !p0, !p0;
	s20 =	sadd.s32 s21, s20;
	s21 =	simm.s32 $0x1;
	v39 =	vadd.s32 v3, v39;
	v38 =	vld.idx.msk [tilespmem:v40+s31+$0x0], $0xffff  }
0x1ee: {  	s20 =	sshrl.u32 s20, $0x7;
	s21 =	simm.s32 @!p0 $0x0  }
0x1ef: {  	s20 =	ssub.s32 s20, s21  }
0x1f0: {  	v45 =	vbroadcast v37, $0xB;
	s20 =	sshll.u32 s20, $0x7  }
0x1f1: {  	s20 =	sand.u32 $0x1FFFFF80, s20  }
0x1f2: {  	v46 =	vor.u32 v0, v45;
	s5 =	simm.s32 $0xB;
	s4 =	simm.s32 $0xA200;
	s20 =	sadd.s32 s0, s20;
	[tilespmem:v39+s28+$0x0] =	vst.idx.msk $0xffff, v38  }
0x1f3: {  	v47 =	vmov s5;
	[tilespmem:s4], [sflag:$0xB] =	stream.strided.gather [hbm4b:s20+s10], $0x1000, s9, s10, $0x38;
	[tilespmem:$0x14200] =	vst v63  }
0x1f4: {  	v48 =	vshll.u32 v47, $0x3;
	_ =	swait.ge [sflag:s8], $0x1000  }
0x1f5: {  	v41 =	vand.u32 $0xFFFFFC00, v48;
	v39 =	vand.u32 $0x7B, v47;
	[sflag:s8] =	ssyncset.done $0x0  }
0x1f6: {  	s22 =	simm.s32 $0xB200;
	v39 =	vor.u32 v39, v41;
	[sflag:s8] =	ssyncadd.s32 $0xFFFFF000  }
0x1f7: {  	v41 =	vadd.s32 v1, v39;
	v38 =	vld.idx.msk [tilespmem:v46+s22+$0x0], $0xffff  }
0x1f8: {  	v40 =	vor.u32 v2, v45;
	_ =	sdelay $0x1  }
0x1f9: {  	s23 =	sand.u32 $0x7F, s19  }
0x1fa: {  	p4 =	slt.s32 s19, $0x1;
	p3 =	sne.s32 s23, $0x0;
	s24 =	sshra.s32 s19, $0x1F  }
0x1fb: {  	p0 =	por !p4, !p3;
	s20 =	sshrl.u32 s24, $0x19;
	[tilespmem:v41+s28+$0x0] =	vst.idx.msk $0xffff, v38  }
0x1fc: {  	p0 =	por !p0, !p0;
	s19 =	sadd.s32 s20, s19;
	s20 =	simm.s32 $0x1;
	v39 =	vadd.s32 v3, v39;
	v38 =	vld.idx.msk [tilespmem:v40+s22+$0x0], $0xffff  }
0x1fd: {  	s19 =	sshrl.u32 s19, $0x7;
	s20 =	simm.s32 @!p0 $0x0  }
0x1fe: {  	s19 =	ssub.s32 s19, s20  }
0x1ff: {  	v49 =	vbroadcast v37, $0xC;
	s19 =	sshll.u32 s19, $0x7  }
0x200: {  	s19 =	sand.u32 $0x1FFFFF80, s19  }
0x201: {  	s25 =	simm.s32 $0xB200;
	v50 =	vor.u32 v0, v49;
	s26 =	simm.s32 $0xC;
	s19 =	sadd.s32 s0, s19;
	[tilespmem:v39+s28+$0x0] =	vst.idx.msk $0xffff, v38  }
0x202: {  	v51 =	vmov s26;
	[tilespmem:s25], [sflag:$0xC] =	stream.strided.gather [hbm4b:s19+s10], $0x1000, s9, s10, $0x38;
	[tilespmem:$0x14200] =	vst v63  }
0x203: {  	v52 =	vshll.u32 v51, $0x3;
	_ =	swait.ge [sflag:s11], $0x1000  }
0x204: {  	v41 =	vand.u32 $0xFFFFFC00, v52;
	v39 =	vand.u32 $0x7C, v51;
	[sflag:s11] =	ssyncset.done $0x0  }
0x205: {  	s29 =	simm.s32 $0xC200;
	v39 =	vor.u32 v39, v41;
	[sflag:s11] =	ssyncadd.s32 $0xFFFFF000  }
0x206: {  	v41 =	vadd.s32 v1, v39;
	v38 =	vld.idx.msk [tilespmem:v50+s29+$0x0], $0xffff  }
0x207: {  	v40 =	vor.u32 v2, v49;
	_ =	sdelay $0x1  }
0x208: {  	s30 =	sand.u32 $0x7F, s17  }
0x209: {  	p6 =	slt.s32 s17, $0x1;
	p5 =	sne.s32 s30, $0x0;
	s31 =	sshra.s32 s17, $0x1F  }
0x20a: {  	p0 =	por !p6, !p5;
	s19 =	sshrl.u32 s31, $0x19;
	[tilespmem:v41+s28+$0x0] =	vst.idx.msk $0xffff, v38  }
0x20b: {  	p0 =	por !p0, !p0;
	s17 =	sadd.s32 s19, s17;
	s19 =	simm.s32 $0x1;
	v39 =	vadd.s32 v3, v39;
	v38 =	vld.idx.msk [tilespmem:v40+s29+$0x0], $0xffff  }
0x20c: {  	s17 =	sshrl.u32 s17, $0x7;
	s19 =	simm.s32 @!p0 $0x0  }
0x20d: {  	s17 =	ssub.s32 s17, s19  }
0x20e: {  	v53 =	vbroadcast v37, $0xD;
	s17 =	sshll.u32 s17, $0x7  }
0x20f: {  	s17 =	sand.u32 $0x1FFFFF80, s17  }
0x210: {  	s2 =	simm.s32 $0xC200;
	v54 =	vor.u32 v0, v53;
	s3 =	simm.s32 $0xD;
	s17 =	sadd.s32 s0, s17;
	[tilespmem:v39+s28+$0x0] =	vst.idx.msk $0xffff, v38  }
0x211: {  	v55 =	vmov s3;
	[tilespmem:s2], [sflag:$0xD] =	stream.strided.gather [hbm4b:s17+s10], $0x1000, s9, s10, $0x38;
	[tilespmem:$0x14200] =	vst v63  }
0x212: {  	v56 =	vshll.u32 v55, $0x3;
	_ =	swait.ge [sflag:s12], $0x1000  }
0x213: {  	v41 =	vand.u32 $0xFFFFFC00, v56;
	v39 =	vand.u32 $0x7D, v55;
	[sflag:s12] =	ssyncset.done $0x0  }
0x214: {  	s4 =	simm.s32 $0xD200;
	v39 =	vor.u32 v39, v41;
	[sflag:s12] =	ssyncadd.s32 $0xFFFFF000  }
0x215: {  	v41 =	vadd.s32 v1, v39;
	v38 =	vld.idx.msk [tilespmem:v54+s4+$0x0], $0xffff  }
0x216: {  	v40 =	vor.u32 v2, v53;
	_ =	sdelay $0x1  }
0x217: {  	s5 =	sand.u32 $0x7F, s18  }
0x218: {  	p1 =	sne.s32 s5, $0x0;
	p2 =	slt.s32 s18, $0x1;
	s19 =	sshra.s32 s18, $0x1F  }
0x219: {  	p0 =	por !p2, !p1;
	s17 =	sshrl.u32 s19, $0x19;
	[tilespmem:v41+s28+$0x0] =	vst.idx.msk $0xffff, v38  }
0x21a: {  	p0 =	por !p0, !p0;
	s17 =	sadd.s32 s17, s18;
	s18 =	simm.s32 $0x1;
	v39 =	vadd.s32 v3, v39;
	v38 =	vld.idx.msk [tilespmem:v40+s4+$0x0], $0xffff  }
0x21b: {  	s17 =	sshrl.u32 s17, $0x7;
	s18 =	simm.s32 @!p0 $0x0  }
0x21c: {  	s17 =	ssub.s32 s17, s18  }
0x21d: {  	v57 =	vbroadcast v37, $0xE;
	s17 =	sshll.u32 s17, $0x7  }
0x21e: {  	s17 =	sand.u32 $0x1FFFFF80, s17  }
0x21f: {  	v58 =	vor.u32 v0, v57;
	s21 =	simm.s32 $0xE;
	s20 =	simm.s32 $0xD200;
	s17 =	sadd.s32 s0, s17;
	[tilespmem:v39+s28+$0x0] =	vst.idx.msk $0xffff, v38  }
0x220: {  	v59 =	vmov s21;
	[tilespmem:s20], [sflag:$0xE] =	stream.strided.gather [hbm4b:s17+s10], $0x1000, s9, s10, $0x38;
	[tilespmem:$0x14200] =	vst v63  }
0x221: {  	v60 =	vshll.u32 v59, $0x3;
	_ =	swait.ge [sflag:s13], $0x1000  }
0x222: {  	v41 =	vand.u32 $0xFFFFFC00, v60;
	v39 =	vand.u32 $0x7E, v59;
	[sflag:s13] =	ssyncset.done $0x0  }
0x223: {  	s22 =	simm.s32 $0xE200;
	v39 =	vor.u32 v39, v41;
	[sflag:s13] =	ssyncadd.s32 $0xFFFFF000  }
0x224: {  	v41 =	vadd.s32 v1, v39;
	v38 =	vld.idx.msk [tilespmem:v58+s22+$0x0], $0xffff  }
0x225: {  	v40 =	vor.u32 v2, v57;
	_ =	sdelay $0x1  }
0x226: {  	s23 =	sand.u32 $0x7F, s16  }
0x227: {  	p3 =	sne.s32 s23, $0x0;
	p4 =	slt.s32 s16, $0x1;
	s24 =	sshra.s32 s16, $0x1F  }
0x228: {  	p0 =	por !p4, !p3;
	s17 =	sshrl.u32 s24, $0x19;
	[tilespmem:v41+s28+$0x0] =	vst.idx.msk $0xffff, v38  }
0x229: {  	p0 =	por !p0, !p0;
	s16 =	sadd.s32 s17, s16;
	s17 =	simm.s32 $0x1;
	v39 =	vadd.s32 v3, v39;
	v38 =	vld.idx.msk [tilespmem:v40+s22+$0x0], $0xffff  }
0x22a: {  	s16 =	sshrl.u32 s16, $0x7;
	s17 =	simm.s32 @!p0 $0x0  }
0x22b: {  	s16 =	ssub.s32 s16, s17  }
0x22c: {  	v37 =	vbroadcast v37, $0xF;
	s16 =	sshll.u32 s16, $0x7  }
0x22d: {  	s16 =	sand.u32 $0x1FFFFF80, s16  }
0x22e: {  	v61 =	vor.u32 v0, v37;
	s25 =	simm.s32 $0xE200;
	s16 =	sadd.s32 s0, s16;
	[tilespmem:v39+s28+$0x0] =	vst.idx.msk $0xffff, v38  }
0x22f: {  	v62 =	vmov s13;
	[tilespmem:s25], [sflag:$0xF] =	stream.strided.gather [hbm4b:s16+s10], $0x1000, s9, s10, $0x38;
	[tilespmem:$0x14200] =	vst v63  }
0x230: {  	v63 =	vshll.u32 v62, $0x3;
	_ =	swait.ge [sflag:s14], $0x1000  }
0x231: {  	v40 =	vand.u32 $0xFFFFFC00, v63;
	v39 =	vand.u32 $0x7F, v62;
	[sflag:s14] =	ssyncset.done $0x0  }
0x232: {  	s30 =	simm.s32 $0xF200;
	s26 =	sand.u32 $0x7F, s15;
	v39 =	vor.u32 v39, v40;
	[sflag:s14] =	ssyncadd.s32 $0xFFFFF000  }
0x233: {  	p5 =	slt.s32 s15, $0x1;
	p6 =	sne.s32 s26, $0x0;
	s29 =	sshra.s32 s15, $0x1F;
	v40 =	vadd.s32 v1, v39;
	v38 =	vld.idx.msk [tilespmem:v61+s30+$0x0], $0xffff  }
0x234: {  	v37 =	vor.u32 v2, v37;
	s31 =	sshrl.u32 s29, $0x19;
	p0 =	por !p5, !p6  }
0x235: {  	s15 =	sadd.s32 s31, s15;
	p0 =	por !p0, !p0;
	s16 =	simm.s32 $0x1  }
0x236: {  	s15 =	sshrl.u32 s15, $0x7;
	s16 =	simm.s32 @!p0 $0x0  }
0x237: {  	s15 =	ssub.s32 s15, s16  }
0x238: {  	s16 =	sshll.u32 s15, $0x7;
	[tilespmem:v40+s28+$0x0] =	vst.idx.msk $0xffff, v38  }
0x239: {  	s15 =	simm.s32 $0x1F;
	s18 =	sand.u32 $0x1FFFFF80, s16;
	s16 =	simm.s32 $0x10;
	v38 =	vadd.s32 v3, v39;
	v37 =	vld.idx.msk [tilespmem:v37+s30+$0x0], $0xffff  }
.LBB2_2:
0x23a: {  	_ = 	snop  }
0x23b: {  	p0 =	sne.s32 s15, $0x1EF  }
0x23c: {  	s16 =	sadd.s32 $0x10, s16;
	v39 =	vmov v36;
	s17 =	smov.u32 s15;
	s15 =	sadd.s32 $0x10, s15  }
0x23d: {  	_ = 	snop  }
0x23e: {  	s18 =	sadd.s32 s0, s18;
	s5 =	simm.s32 $0xF200;
	[tilespmem:v38+s28+$0x0] =	vst.idx.msk $0xffff, v37  }
0x23f: {  	[tilespmem:s5], [sflag:$0x10] =	stream.strided.gather [hbm4b:s18+s10], $0x1000, s9, s10, $0x38;
	[tilespmem:$0x14200] =	vst v63  }
0x240: {  	v36 =	vld [tilespmem:s16+$0x0];
	_ =	sdelay $0x4  }
0x241: {  	(v2sf) =	vpush v36, $0x0  }
0x242: {  	(v2sf) =	vpush v36, $0x1;
	_ =	sdelay $0x1  }
0x243: {  	v37 =	vand.u32 $0x7F, v39  }
0x244: {  	v51 =	vbroadcast v37, $0x0;
	v52 =	vbroadcast v37, $0x1  }
0x245: {  	v50 =	vbroadcast v37, $0x2;
	v49 =	vbroadcast v37, $0x3  }
0x246: {  	v48 =	vbroadcast v37, $0x4;
	v47 =	vbroadcast v37, $0x5;
	v38 =	vor.u32 v0, v51  }
0x247: {  	s1 =	simm.s32 $0x1;
	s18 =	sadd.s32 $0xFFFFFFF1, s17;
	v46 =	vbroadcast v37, $0x6;
	v45 =	vbroadcast v37, $0x7  }
0x248: {  	_ =	swait.ge [sflag:s1], $0x1000  }
0x249: {  	v44 =	vbroadcast v37, $0x8;
	v39 =	vmov s18;
	(v2sf) =	vpush v36, $0x2  }
0x24a: {  	v43 =	vbroadcast v37, $0x9;
	v42 =	vbroadcast v37, $0xA;
	v40 =	vshll.u32 v39, $0x3;
	[sflag:s1] =	ssyncset.done $0x0  }
0x24b: {  	v41 =	vbroadcast v37, $0xB;
	v39 =	vand.u32 $0x70, v39;
	v40 =	vand.u32 $0xFFFFFC00, v40;
	[sflag:s1] =	ssyncadd.s32 $0xFFFFF000;
	s1 =	simm.s32 $0x200  }
0x24c: {  	v54 =	vor.u32 v39, v40;
	v40 =	vbroadcast v37, $0xC;
	v53 =	vld.idx.msk [tilespmem:v38+s1+$0x0], $0xffff;
	(v2sf) =	vpush v36, $0x3  }
0x24d: {  	v39 =	vbroadcast v37, $0xD;
	v55 =	vadd.s32 v1, v54;
	v38 =	vbroadcast v37, $0xE  }
0x24e: {  	v51 =	vor.u32 v2, v51;
	v37 =	vbroadcast v37, $0xF;
	_ =	sdelay $0x1  }
0x24f: {  	s18 =	spop (v2sf)  }
0x250: {  	s19 =	sadd.s32 $0xFFFFFFF2, s17;
	s20 =	sshra.s32 s18, $0x1F;
	s21 =	sand.u32 $0x7F, s18  }
0x251: {  	s22 =	spop (v2sf);
	p1 =	slt.s32 s18, $0x1;
	p2 =	sne.s32 s21, $0x0  }
0x252: {  	s21 =	sshra.s32 s22, $0x1F;
	s20 =	sshrl.u32 s20, $0x19;
	s23 =	sand.u32 $0x7F, s22  }
0x253: {  	[tilespmem:v55+s28+$0x0] =	vst.idx.msk $0xffff, v53;
	p1 =	por !p1, !p2;
	p2 =	slt.s32 s22, $0x1;
	p3 =	sne.s32 s23, $0x0  }
0x254: {  	v51 =	vld.idx.msk [tilespmem:v51+s1+$0x0], $0xffff;
	s18 =	sadd.s32 s20, s18;
	s20 =	simm.s32 $0x1;
	p1 =	por !p1, !p1  }
0x255: {  	v53 =	vadd.s32 v3, v54;
	(v2sf) =	vpush v36, $0x4;
	s20 =	simm.s32 @!p1 $0x0;
	p1 =	por !p2, !p3  }
0x256: {  	s21 =	sshrl.u32 s21, $0x19;
	s18 =	sshrl.u32 s18, $0x7;
	p1 =	por !p1, !p1  }
0x257: {  	s18 =	ssub.s32 s18, s20;
	s20 =	sadd.s32 s21, s22;
	s21 =	simm.s32 $0x1  }
0x258: {  	s2 =	simm.s32 $0x3200;
	s21 =	simm.s32 @!p1 $0x0  }
0x259: {  	s18 =	sshll.u32 s18, $0x7;
	s20 =	sshrl.u32 s20, $0x7;
	s22 =	spop (v2sf)  }
0x25a: {  	s18 =	sand.u32 $0x1FFFFF80, s18;
	s20 =	ssub.s32 s20, s21;
	s21 =	sshra.s32 s22, $0x1F  }
0x25b: {  	[tilespmem:v53+s28+$0x0] =	vst.idx.msk $0xffff, v51;
	v51 =	vor.u32 v0, v52;
	(v2sf) =	vpush v36, $0x5;
	s23 =	sadd.s32 s0, s18;
	s18 =	sshll.u32 s20, $0x7;
	s20 =	sand.u32 $0x7F, s22  }
0x25c: {  	p1 =	slt.s32 s22, $0x1;
	p2 =	sne.s32 s20, $0x0;
	s20 =	sshrl.u32 s21, $0x19  }
0x25d: {  	v53 =	vmov s19;
	s21 =	simm.s32 $0x1;
	s19 =	spop (v2sf);
	p1 =	por !p1, !p2  }
0x25e: {  	[tilespmem:s1], [sflag:$0x1] =	stream.strided.gather [hbm4b:s23+s10], $0x1000, s9, s10, $0x38;
	[tilespmem:$0x14200] =	vst v63  }
0x25f: {  	v54 =	vshll.u32 v53, $0x3;
	s20 =	sadd.s32 s20, s22;
	s1 =	simm.s32 $0x2;
	p1 =	por !p1, !p1  }
0x260: {  	v53 =	vand.u32 $0x71, v53;
	v54 =	vand.u32 $0xFFFFFC00, v54;
	s20 =	sshrl.u32 s20, $0x7;
	s22 =	sand.u32 $0x7F, s19;
	_ =	swait.ge [sflag:s1], $0x1000  }
0x261: {  	v53 =	vor.u32 v53, v54;
	s21 =	simm.s32 @!p1 $0x0;
	p1 =	slt.s32 s19, $0x1;
	[sflag:s1] =	ssyncset.done $0x0  }
0x262: {  	v54 =	vadd.s32 v1, v53;
	p2 =	sne.s32 s22, $0x0;
	[sflag:s1] =	ssyncadd.s32 $0xFFFFF000;
	s1 =	simm.s32 $0x1200  }
0x263: {  	v52 =	vor.u32 v2, v52;
	s22 =	simm.s32 $0x1;
	s20 =	ssub.s32 s20, s21;
	s21 =	sshra.s32 s19, $0x1F;
	v51 =	vld.idx.msk [tilespmem:v51+s1+$0x0], $0xffff  }
0x264: {  	p1 =	por !p1, !p2;
	s20 =	sshll.u32 s20, $0x7;
	s21 =	sshrl.u32 s21, $0x19;
	(v2sf) =	vpush v36, $0x6  }
0x265: {  	p1 =	por !p1, !p1;
	s20 =	sand.u32 $0x1FFFFF80, s20;
	s19 =	sadd.s32 s21, s19  }
0x266: {  	s22 =	simm.s32 @!p1 $0x0;
	s19 =	sshrl.u32 s19, $0x7;
	s21 =	spop (v2sf);
	(v2sf) =	vpush v36, $0x7  }
0x267: {  	s18 =	sand.u32 $0x1FFFFF80, s18;
	s19 =	ssub.s32 s19, s22;
	s23 =	sshra.s32 s21, $0x1F  }
0x268: {  	s19 =	sshll.u32 s19, $0x7;
	p1 =	slt.s32 s21, $0x1;
	s22 =	sand.u32 $0x7F, s21  }
0x269: {  	s19 =	sand.u32 $0x1FFFFF80, s19;
	s23 =	sshrl.u32 s23, $0x19;
	p2 =	sne.s32 s22, $0x0;
	[tilespmem:v54+s28+$0x0] =	vst.idx.msk $0xffff, v51;
	v51 =	vadd.s32 v3, v53  }
0x26a: {  	s21 =	sadd.s32 s23, s21;
	p1 =	por !p1, !p2;
	s23 =	simm.s32 $0x1;
	v52 =	vld.idx.msk [tilespmem:v52+s1+$0x0], $0xffff  }
0x26b: {  	s21 =	sshrl.u32 s21, $0x7;
	p1 =	por !p1, !p1;
	s22 =	spop (v2sf)  }
0x26c: {  	s23 =	simm.s32 @!p1 $0x0;
	s24 =	sshra.s32 s22, $0x1F;
	s25 =	sand.u32 $0x7F, s22  }
0x26d: {  	s21 =	ssub.s32 s21, s23;
	s23 =	sadd.s32 s0, s18;
	p1 =	sne.s32 s25, $0x0;
	(v2sf) =	vpush v36, $0x8  }
0x26e: {  	p2 =	slt.s32 s22, $0x1;
	s18 =	sshll.u32 s21, $0x7;
	s21 =	sshrl.u32 s24, $0x19  }
0x26f: {  	v53 =	vor.u32 v0, v50;
	s24 =	sadd.s32 $0xFFFFFFF3, s17;
	s18 =	sand.u32 $0x1FFFFF80, s18;
	p1 =	por !p2, !p1  }
0x270: {  	s21 =	sadd.s32 s21, s22;
	s22 =	simm.s32 $0x1;
	p1 =	por !p1, !p1;
	[tilespmem:v51+s28+$0x0] =	vst.idx.msk $0xffff, v52  }
0x271: {  	[tilespmem:s1], [sflag:$0x2] =	stream.strided.gather [hbm4b:s23+s10], $0x1000, s9, s10, $0x38;
	[tilespmem:$0x14200] =	vst v63  }
0x272: {  	s21 =	sshrl.u32 s21, $0x7;
	v51 =	vmov s24;
	s22 =	simm.s32 @!p1 $0x0;
	s1 =	simm.s32 $0x3  }
0x273: {  	s4 =	simm.s32 $0x4200;
	v52 =	vshll.u32 v51, $0x3;
	s21 =	ssub.s32 s21, s22;
	_ =	swait.ge [sflag:s1], $0x1000  }
0x274: {  	v51 =	vand.u32 $0x72, v51;
	v52 =	vand.u32 $0xFFFFFC00, v52;
	s21 =	sshll.u32 s21, $0x7;
	[sflag:s1] =	ssyncset.done $0x0;
	s22 =	spop (v2sf);
	(v2sf) =	vpush v36, $0x9  }
0x275: {  	s30 =	sand.u32 $0x1FFFFF80, s21;
	[sflag:s1] =	ssyncadd.s32 $0xFFFFF000;
	s23 =	sshra.s32 s22, $0x1F  }
0x276: {  	v51 =	vor.u32 v51, v52;
	s1 =	simm.s32 $0x2200;
	s21 =	sand.u32 $0x7F, s22;
	p1 =	slt.s32 s22, $0x1  }
0x277: {  	v52 =	vld.idx.msk [tilespmem:v53+s1+$0x0], $0xffff;
	v53 =	vadd.s32 v1, v51;
	s24 =	spop (v2sf);
	s23 =	sshrl.u32 s23, $0x19;
	p2 =	sne.s32 s21, $0x0  }
0x278: {  	v50 =	vor.u32 v2, v50;
	s21 =	sadd.s32 s23, s22;
	p1 =	por !p1, !p2;
	s22 =	sshra.s32 s24, $0x1F  }
0x279: {  	s23 =	simm.s32 $0x1;
	s25 =	sand.u32 $0x7F, s24;
	s21 =	sshrl.u32 s21, $0x7  }
0x27a: {  	p2 =	por !p1, !p1;
	p1 =	slt.s32 s24, $0x1;
	s22 =	sshrl.u32 s22, $0x19  }
0x27b: {  	s23 =	simm.s32 @!p2 $0x0;
	s22 =	sadd.s32 s22, s24;
	p2 =	sne.s32 s25, $0x0;
	(v2sf) =	vpush v36, $0xA  }
0x27c: {  	s21 =	ssub.s32 s21, s23;
	s22 =	sshrl.u32 s22, $0x7;
	p1 =	por !p1, !p2  }
0x27d: {  	s23 =	simm.s32 $0x1;
	s21 =	sshll.u32 s21, $0x7;
	p1 =	por !p1, !p1;
	[tilespmem:v53+s28+$0x0] =	vst.idx.msk $0xffff, v52  }
0x27e: {  	v51 =	vadd.s32 v3, v51;
	s29 =	sand.u32 $0x1FFFFF80, s21;
	s23 =	simm.s32 @!p1 $0x0;
	v50 =	vld.idx.msk [tilespmem:v50+s1+$0x0], $0xffff;
	s21 =	spop (v2sf)  }
0x27f: {  	s22 =	ssub.s32 s22, s23;
	s24 =	sshra.s32 s21, $0x1F;
	s25 =	sand.u32 $0x7F, s21  }
0x280: {  	p1 =	slt.s32 s21, $0x1;
	s22 =	sshll.u32 s22, $0x7;
	p2 =	sne.s32 s25, $0x0;
	(v2sf) =	vpush v36, $0xB  }
0x281: {  	s23 =	sshrl.u32 s24, $0x19;
	s26 =	sand.u32 $0x1FFFFF80, s22;
	p1 =	por !p1, !p2  }
0x282: {  	s22 =	simm.s32 $0x1;
	s21 =	sadd.s32 s23, s21;
	p1 =	por !p1, !p1  }
0x283: {  	s20 =	sadd.s32 s0, s20;
	v52 =	vor.u32 v0, v49;
	s21 =	sshrl.u32 s21, $0x7;
	s22 =	simm.s32 @!p1 $0x0  }
0x284: {  	s23 =	sadd.s32 $0xFFFFFFF4, s17;
	[tilespmem:v51+s28+$0x0] =	vst.idx.msk $0xffff, v50;
	s21 =	ssub.s32 s21, s22;
	s22 =	spop (v2sf)  }
0x285: {  	v50 =	vmov s23;
	s21 =	sshll.u32 s21, $0x7;
	s23 =	sshra.s32 s22, $0x1F;
	s24 =	sand.u32 $0x7F, s22;
	(v2sf) =	vpush v36, $0xC  }
0x286: {  	[tilespmem:s1], [sflag:$0x3] =	stream.strided.gather [hbm4b:s20+s10], $0x1000, s9, s10, $0x38;
	[tilespmem:$0x14200] =	vst v63  }
0x287: {  	v51 =	vshll.u32 v50, $0x3;
	p2 =	slt.s32 s22, $0x1;
	s1 =	simm.s32 $0x4;
	s25 =	sand.u32 $0x1FFFFF80, s21  }
0x288: {  	v50 =	vand.u32 $0x73, v50;
	v51 =	vand.u32 $0xFFFFFC00, v51;
	p1 =	sne.s32 s24, $0x0;
	s20 =	sshrl.u32 s23, $0x19;
	_ =	swait.ge [sflag:s1], $0x1000  }
0x289: {  	v50 =	vor.u32 v50, v51;
	s20 =	sadd.s32 s20, s22;
	p1 =	por !p2, !p1;
	[sflag:s1] =	ssyncset.done $0x0  }
0x28a: {  	s22 =	simm.s32 $0x1;
	v51 =	vadd.s32 v1, v50;
	p1 =	por !p1, !p1;
	[sflag:s1] =	ssyncadd.s32 $0xFFFFF000  }
0x28b: {  	v49 =	vor.u32 v2, v49;
	s20 =	sshrl.u32 s20, $0x7;
	s22 =	simm.s32 @!p1 $0x0;
	v52 =	vld.idx.msk [tilespmem:v52+s2+$0x0], $0xffff;
	s21 =	spop (v2sf)  }
0x28c: {  	s20 =	ssub.s32 s20, s22;
	s23 =	sand.u32 $0x7F, s21;
	(v2sf) =	vpush v36, $0xD;
	s22 =	sshra.s32 s21, $0x1F  }
0x28d: {  	p1 =	slt.s32 s21, $0x1;
	s20 =	sshll.u32 s20, $0x7;
	p2 =	sne.s32 s23, $0x0  }
0x28e: {  	s22 =	sshrl.u32 s22, $0x19;
	s24 =	sand.u32 $0x1FFFFF80, s20;
	p1 =	por !p1, !p2  }
0x28f: {  	s20 =	sadd.s32 s22, s21;
	s22 =	simm.s32 $0x1;
	p1 =	por !p1, !p1  }
0x290: {  	s20 =	sshrl.u32 s20, $0x7;
	s21 =	spop (v2sf);
	s22 =	simm.s32 @!p1 $0x0  }
0x291: {  	v50 =	vadd.s32 v3, v50;
	[tilespmem:v51+s28+$0x0] =	vst.idx.msk $0xffff, v52;
	s23 =	sshra.s32 s21, $0x1F;
	s31 =	sand.u32 $0x7F, s21;
	s20 =	ssub.s32 s20, s22  }
0x292: {  	p1 =	slt.s32 s21, $0x1;
	v49 =	vld.idx.msk [tilespmem:v49+s2+$0x0], $0xffff;
	p2 =	sne.s32 s31, $0x0;
	(v2sf) =	vpush v36, $0xE;
	s20 =	sshll.u32 s20, $0x7  }
0x293: {  	s22 =	sshrl.u32 s23, $0x19;
	p1 =	por !p1, !p2;
	s23 =	sand.u32 $0x1FFFFF80, s20  }
0x294: {  	s20 =	sadd.s32 s22, s21;
	s21 =	simm.s32 $0x1;
	p1 =	por !p1, !p1  }
0x295: {  	s20 =	sshrl.u32 s20, $0x7;
	s21 =	simm.s32 @!p1 $0x0;
	s22 =	spop (v2sf)  }
0x296: {  	s19 =	sadd.s32 s0, s19;
	v51 =	vor.u32 v0, v48;
	s20 =	ssub.s32 s20, s21;
	s21 =	sshra.s32 s22, $0x1F;
	(v2sf) =	vpush v36, $0xF  }
0x297: {  	s31 =	sadd.s32 $0xFFFFFFF5, s17;
	s20 =	sshll.u32 s20, $0x7;
	s1 =	sshrl.u32 s21, $0x19  }
0x298: {  	p1 =	slt.s32 s22, $0x1;
	[tilespmem:v50+s28+$0x0] =	vst.idx.msk $0xffff, v49;
	v49 =	vmov s31;
	s21 =	sand.u32 $0x1FFFFF80, s20;
	s20 =	sand.u32 $0x7F, s22  }
0x299: {  	[tilespmem:s2], [sflag:$0x4] =	stream.strided.gather [hbm4b:s19+s10], $0x1000, s9, s10, $0x38;
	[tilespmem:$0x14200] =	vst v63  }
0x29a: {  	s1 =	sadd.s32 s1, s22;
	v50 =	vshll.u32 v49, $0x3;
	s2 =	simm.s32 $0x5;
	p2 =	sne.s32 s20, $0x0  }
0x29b: {  	v49 =	vand.u32 $0x74, v49;
	s20 =	simm.s32 $0x1;
	_ =	swait.ge [sflag:s2], $0x1000;
	v50 =	vand.u32 $0xFFFFFC00, v50;
	p1 =	por !p1, !p2  }
0x29c: {  	[sflag:s2] =	ssyncset.done $0x0;
	v49 =	vor.u32 v49, v50;
	s19 =	spop (v2sf);
	p1 =	por !p1, !p1  }
0x29d: {  	s1 =	sshrl.u32 s1, $0x7;
	[sflag:s2] =	ssyncadd.s32 $0xFFFFF000;
	s20 =	simm.s32 @!p1 $0x0  }
0x29e: {  	v50 =	vadd.s32 v1, v49;
	s22 =	sshra.s32 s19, $0x1F;
	s31 =	sand.u32 $0x7F, s19;
	s1 =	ssub.s32 s1, s20  }
0x29f: {  	v48 =	vor.u32 v2, v48;
	p1 =	slt.s32 s19, $0x1;
	v51 =	vld.idx.msk [tilespmem:v51+s4+$0x0], $0xffff;
	p2 =	sne.s32 s31, $0x0;
	s1 =	sshll.u32 s1, $0x7  }
0x2a0: {  	s20 =	sshrl.u32 s22, $0x19;
	p1 =	por !p1, !p2;
	s22 =	sand.u32 $0x1FFFFF80, s1  }
0x2a1: {  	s1 =	sadd.s32 s20, s19;
	p1 =	por !p1, !p1;
	s19 =	simm.s32 $0x1  }
0x2a2: {  	s1 =	sshrl.u32 s1, $0x7;
	s19 =	simm.s32 @!p1 $0x0  }
0x2a3: {  	s31 =	spop (v2sf);
	s1 =	ssub.s32 s1, s19  }
0x2a4: {  	s19 =	sshra.s32 s31, $0x1F;
	s20 =	sand.u32 $0x7F, s31;
	s1 =	sshll.u32 s1, $0x7  }
0x2a5: {  	p1 =	slt.s32 s31, $0x1;
	[tilespmem:v50+s28+$0x0] =	vst.idx.msk $0xffff, v51;
	p2 =	sne.s32 s20, $0x0;
	s20 =	sand.u32 $0x1FFFFF80, s1  }
0x2a6: {  	v49 =	vadd.s32 v3, v49;
	s1 =	sshrl.u32 s19, $0x19;
	s19 =	simm.s32 $0x1;
	v48 =	vld.idx.msk [tilespmem:v48+s4+$0x0], $0xffff;
	p1 =	por !p1, !p2  }
0x2a7: {  	s1 =	sadd.s32 s1, s31;
	p1 =	por !p1, !p1;
	s31 =	spop (v2sf)  }
0x2a8: {  	s1 =	sshrl.u32 s1, $0x7;
	s19 =	simm.s32 @!p1 $0x0;
	p1 =	slt.s32 s31, $0x1  }
0x2a9: {  	s2 =	sshra.s32 s31, $0x1F;
	s3 =	sand.u32 $0x7F, s31;
	s1 =	ssub.s32 s1, s19  }
0x2aa: {  	p2 =	sne.s32 s3, $0x0;
	s19 =	sshll.u32 s1, $0x7;
	s1 =	sshrl.u32 s2, $0x19  }
0x2ab: {  	v50 =	vor.u32 v0, v47;
	s3 =	sadd.s32 $0xFFFFFFF6, s17;
	s2 =	sadd.s32 s0, s18;
	s1 =	sadd.s32 s1, s31  }
0x2ac: {  	p1 =	por !p1, !p2;
	[tilespmem:v49+s28+$0x0] =	vst.idx.msk $0xffff, v48;
	v48 =	vmov s3;
	s1 =	sshrl.u32 s1, $0x7;
	s3 =	simm.s32 $0x6  }
0x2ad: {  	[tilespmem:s4], [sflag:$0x5] =	stream.strided.gather [hbm4b:s2+s10], $0x1000, s9, s10, $0x38;
	v49 =	vshll.u32 v48, $0x3;
	[tilespmem:$0x14200] =	vst v63  }
0x2ae: {  	p1 =	por !p1, !p1;
	v48 =	vand.u32 $0x75, v48;
	s2 =	simm.s32 $0x1;
	_ =	swait.ge [sflag:s3], $0x1000;
	v49 =	vand.u32 $0xFFFFFC00, v49  }
0x2af: {  	s2 =	simm.s32 @!p1 $0x0;
	[sflag:s3] =	ssyncset.done $0x0;
	v48 =	vor.u32 v48, v49  }
0x2b0: {  	s1 =	ssub.s32 s1, s2;
	[sflag:s3] =	ssyncadd.s32 $0xFFFFF000;
	s3 =	simm.s32 $0x5200  }
0x2b1: {  	s1 =	sshll.u32 s1, $0x7;
	v49 =	vld.idx.msk [tilespmem:v50+s3+$0x0], $0xffff;
	v50 =	vadd.s32 v1, v48  }
0x2b2: {  	v47 =	vor.u32 v2, v47;
	s18 =	sand.u32 $0x1FFFFF80, s1;
	_ =	sdelay $0x4  }
0x2b3: {  	[tilespmem:v50+s28+$0x0] =	vst.idx.msk $0xffff, v49  }
0x2b4: {  	v48 =	vadd.s32 v3, v48;
	v47 =	vld.idx.msk [tilespmem:v47+s3+$0x0], $0xffff;
	_ =	sdelay $0x4  }
0x2b5: {  	s2 =	sadd.s32 $0xFFFFFFF7, s17;
	s1 =	sadd.s32 s0, s30;
	v49 =	vor.u32 v0, v46  }
0x2b6: {  	[tilespmem:v48+s28+$0x0] =	vst.idx.msk $0xffff, v47;
	v47 =	vmov s2  }
0x2b7: {  	[tilespmem:s3], [sflag:$0x6] =	stream.strided.gather [hbm4b:s1+s10], $0x1000, s9, s10, $0x38;
	[tilespmem:$0x14200] =	vst v63  }
0x2b8: {  	v48 =	vshll.u32 v47, $0x3;
	s1 =	simm.s32 $0x7  }
0x2b9: {  	v47 =	vand.u32 $0x76, v47;
	_ =	swait.ge [sflag:s1], $0x1000;
	v48 =	vand.u32 $0xFFFFFC00, v48  }
0x2ba: {  	[sflag:s1] =	ssyncset.done $0x0;
	v47 =	vor.u32 v47, v48  }
0x2bb: {  	s3 =	simm.s32 $0x6200;
	[sflag:s1] =	ssyncadd.s32 $0xFFFFF000  }
0x2bc: {  	v48 =	vld.idx.msk [tilespmem:v49+s3+$0x0], $0xffff;
	v49 =	vadd.s32 v1, v47  }
0x2bd: {  	v46 =	vor.u32 v2, v46;
	_ =	sdelay $0x4  }
0x2be: {  	[tilespmem:v49+s28+$0x0] =	vst.idx.msk $0xffff, v48  }
0x2bf: {  	v47 =	vadd.s32 v3, v47;
	v46 =	vld.idx.msk [tilespmem:v46+s3+$0x0], $0xffff;
	_ =	sdelay $0x4  }
0x2c0: {  	s2 =	sadd.s32 $0xFFFFFFF8, s17;
	s1 =	sadd.s32 s0, s29;
	v48 =	vor.u32 v0, v45  }
0x2c1: {  	[tilespmem:v47+s28+$0x0] =	vst.idx.msk $0xffff, v46;
	v46 =	vmov s2  }
0x2c2: {  	[tilespmem:s3], [sflag:$0x7] =	stream.strided.gather [hbm4b:s1+s10], $0x1000, s9, s10, $0x38;
	[tilespmem:$0x14200] =	vst v63  }
0x2c3: {  	v47 =	vshll.u32 v46, $0x3;
	s1 =	simm.s32 $0x8  }
0x2c4: {  	v46 =	vand.u32 $0x77, v46;
	_ =	swait.ge [sflag:s1], $0x1000;
	v47 =	vand.u32 $0xFFFFFC00, v47  }
0x2c5: {  	[sflag:s1] =	ssyncset.done $0x0;
	v46 =	vor.u32 v46, v47  }
0x2c6: {  	s3 =	simm.s32 $0x7200;
	[sflag:s1] =	ssyncadd.s32 $0xFFFFF000  }
0x2c7: {  	v47 =	vld.idx.msk [tilespmem:v48+s3+$0x0], $0xffff;
	v48 =	vadd.s32 v1, v46  }
0x2c8: {  	v45 =	vor.u32 v2, v45;
	_ =	sdelay $0x4  }
0x2c9: {  	[tilespmem:v48+s28+$0x0] =	vst.idx.msk $0xffff, v47  }
0x2ca: {  	v46 =	vadd.s32 v3, v46;
	v45 =	vld.idx.msk [tilespmem:v45+s3+$0x0], $0xffff;
	_ =	sdelay $0x4  }
0x2cb: {  	s2 =	sadd.s32 $0xFFFFFFF9, s17;
	s1 =	sadd.s32 s0, s26;
	v47 =	vor.u32 v0, v44  }
0x2cc: {  	[tilespmem:v46+s28+$0x0] =	vst.idx.msk $0xffff, v45;
	v45 =	vmov s2  }
0x2cd: {  	[tilespmem:s3], [sflag:$0x8] =	stream.strided.gather [hbm4b:s1+s10], $0x1000, s9, s10, $0x38;
	[tilespmem:$0x14200] =	vst v63  }
0x2ce: {  	v46 =	vshll.u32 v45, $0x3;
	s1 =	simm.s32 $0x9  }
0x2cf: {  	v45 =	vand.u32 $0x78, v45;
	_ =	swait.ge [sflag:s1], $0x1000;
	v46 =	vand.u32 $0xFFFFFC00, v46  }
0x2d0: {  	[sflag:s1] =	ssyncset.done $0x0;
	v45 =	vor.u32 v45, v46  }
0x2d1: {  	s3 =	simm.s32 $0x8200;
	[sflag:s1] =	ssyncadd.s32 $0xFFFFF000  }
0x2d2: {  	v46 =	vld.idx.msk [tilespmem:v47+s3+$0x0], $0xffff;
	v47 =	vadd.s32 v1, v45  }
0x2d3: {  	v44 =	vor.u32 v2, v44;
	_ =	sdelay $0x4  }
0x2d4: {  	[tilespmem:v47+s28+$0x0] =	vst.idx.msk $0xffff, v46  }
0x2d5: {  	v45 =	vadd.s32 v3, v45;
	v44 =	vld.idx.msk [tilespmem:v44+s3+$0x0], $0xffff;
	_ =	sdelay $0x4  }
0x2d6: {  	s1 =	sadd.s32 s0, s25;
	v46 =	vor.u32 v0, v43  }
0x2d7: {  	s2 =	sadd.s32 $0xFFFFFFFA, s17;
	[tilespmem:v45+s28+$0x0] =	vst.idx.msk $0xffff, v44  }
0x2d8: {  	v44 =	vmov s2;
	[tilespmem:s3], [sflag:$0x9] =	stream.strided.gather [hbm4b:s1+s10], $0x1000, s9, s10, $0x38;
	[tilespmem:$0x14200] =	vst v63  }
0x2d9: {  	v45 =	vshll.u32 v44, $0x3;
	_ =	swait.ge [sflag:s6], $0x1000  }
0x2da: {  	v44 =	vand.u32 $0x79, v44;
	v45 =	vand.u32 $0xFFFFFC00, v45;
	[sflag:s6] =	ssyncset.done $0x0  }
0x2db: {  	s3 =	simm.s32 $0x9200;
	v44 =	vor.u32 v44, v45;
	[sflag:s6] =	ssyncadd.s32 $0xFFFFF000  }
0x2dc: {  	v45 =	vld.idx.msk [tilespmem:v46+s3+$0x0], $0xffff;
	v46 =	vadd.s32 v1, v44  }
0x2dd: {  	v43 =	vor.u32 v2, v43;
	_ =	sdelay $0x4  }
0x2de: {  	[tilespmem:v46+s28+$0x0] =	vst.idx.msk $0xffff, v45  }
0x2df: {  	v43 =	vld.idx.msk [tilespmem:v43+s3+$0x0], $0xffff  }
0x2e0: {  	v44 =	vadd.s32 v3, v44;
	_ =	sdelay $0x4  }
0x2e1: {  	s2 =	sadd.s32 $0xFFFFFFFB, s17;
	s1 =	sadd.s32 s0, s24;
	[tilespmem:v44+s28+$0x0] =	vst.idx.msk $0xffff, v43;
	v43 =	vor.u32 v0, v42  }
0x2e2: {  	v44 =	vmov s2;
	[tilespmem:s3], [sflag:$0xA] =	stream.strided.gather [hbm4b:s1+s10], $0x1000, s9, s10, $0x38;
	[tilespmem:$0x14200] =	vst v63  }
0x2e3: {  	v45 =	vshll.u32 v44, $0x3;
	_ =	swait.ge [sflag:s7], $0x1000  }
0x2e4: {  	v44 =	vand.u32 $0x7A, v44;
	v45 =	vand.u32 $0xFFFFFC00, v45;
	[sflag:s7] =	ssyncset.done $0x0  }
0x2e5: {  	s3 =	simm.s32 $0xA200;
	v44 =	vor.u32 v44, v45;
	[sflag:s7] =	ssyncadd.s32 $0xFFFFF000  }
0x2e6: {  	v43 =	vld.idx.msk [tilespmem:v43+s3+$0x0], $0xffff  }
0x2e7: {  	v45 =	vadd.s32 v1, v44  }
0x2e8: {  	v42 =	vor.u32 v2, v42;
	_ =	sdelay $0x3  }
0x2e9: {  	[tilespmem:v45+s28+$0x0] =	vst.idx.msk $0xffff, v43  }
0x2ea: {  	v42 =	vld.idx.msk [tilespmem:v42+s3+$0x0], $0xffff  }
0x2eb: {  	v43 =	vadd.s32 v3, v44;
	_ =	sdelay $0x4  }
0x2ec: {  	s2 =	sadd.s32 $0xFFFFFFFC, s17;
	s1 =	sadd.s32 s0, s23;
	[tilespmem:v43+s28+$0x0] =	vst.idx.msk $0xffff, v42;
	v42 =	vor.u32 v0, v41  }
0x2ed: {  	v43 =	vmov s2;
	[tilespmem:s3], [sflag:$0xB] =	stream.strided.gather [hbm4b:s1+s10], $0x1000, s9, s10, $0x38;
	[tilespmem:$0x14200] =	vst v63  }
0x2ee: {  	v44 =	vshll.u32 v43, $0x3;
	_ =	swait.ge [sflag:s8], $0x1000  }
0x2ef: {  	v43 =	vand.u32 $0x7B, v43;
	v44 =	vand.u32 $0xFFFFFC00, v44;
	[sflag:s8] =	ssyncset.done $0x0  }
0x2f0: {  	s3 =	simm.s32 $0xB200;
	v43 =	vor.u32 v43, v44;
	[sflag:s8] =	ssyncadd.s32 $0xFFFFF000  }
0x2f1: {  	v42 =	vld.idx.msk [tilespmem:v42+s3+$0x0], $0xffff  }
0x2f2: {  	v44 =	vadd.s32 v1, v43  }
0x2f3: {  	v41 =	vor.u32 v2, v41;
	_ =	sdelay $0x3  }
0x2f4: {  	[tilespmem:v44+s28+$0x0] =	vst.idx.msk $0xffff, v42  }
0x2f5: {  	v41 =	vld.idx.msk [tilespmem:v41+s3+$0x0], $0xffff  }
0x2f6: {  	v42 =	vadd.s32 v3, v43;
	_ =	sdelay $0x4  }
0x2f7: {  	s2 =	sadd.s32 $0xFFFFFFFD, s17;
	s1 =	sadd.s32 s0, s21;
	[tilespmem:v42+s28+$0x0] =	vst.idx.msk $0xffff, v41;
	v41 =	vor.u32 v0, v40  }
0x2f8: {  	v42 =	vmov s2;
	[tilespmem:s3], [sflag:$0xC] =	stream.strided.gather [hbm4b:s1+s10], $0x1000, s9, s10, $0x38;
	[tilespmem:$0x14200] =	vst v63  }
0x2f9: {  	v43 =	vshll.u32 v42, $0x3;
	_ =	swait.ge [sflag:s11], $0x1000  }
0x2fa: {  	v42 =	vand.u32 $0x7C, v42;
	v43 =	vand.u32 $0xFFFFFC00, v43;
	[sflag:s11] =	ssyncset.done $0x0  }
0x2fb: {  	s3 =	simm.s32 $0xC200;
	v42 =	vor.u32 v42, v43;
	[sflag:s11] =	ssyncadd.s32 $0xFFFFF000  }
0x2fc: {  	v41 =	vld.idx.msk [tilespmem:v41+s3+$0x0], $0xffff  }
0x2fd: {  	v43 =	vadd.s32 v1, v42  }
0x2fe: {  	v40 =	vor.u32 v2, v40;
	_ =	sdelay $0x3  }
0x2ff: {  	[tilespmem:v43+s28+$0x0] =	vst.idx.msk $0xffff, v41  }
0x300: {  	v40 =	vld.idx.msk [tilespmem:v40+s3+$0x0], $0xffff  }
0x301: {  	v41 =	vadd.s32 v3, v42;
	_ =	sdelay $0x4  }
0x302: {  	s2 =	sadd.s32 $0xFFFFFFFE, s17;
	s1 =	sadd.s32 s0, s22;
	[tilespmem:v41+s28+$0x0] =	vst.idx.msk $0xffff, v40;
	v40 =	vor.u32 v0, v39  }
0x303: {  	v41 =	vmov s2;
	[tilespmem:s3], [sflag:$0xD] =	stream.strided.gather [hbm4b:s1+s10], $0x1000, s9, s10, $0x38;
	[tilespmem:$0x14200] =	vst v63  }
0x304: {  	v42 =	vshll.u32 v41, $0x3;
	_ =	swait.ge [sflag:s12], $0x1000  }
0x305: {  	v41 =	vand.u32 $0x7D, v41;
	v42 =	vand.u32 $0xFFFFFC00, v42;
	[sflag:s12] =	ssyncset.done $0x0  }
0x306: {  	s3 =	simm.s32 $0xD200;
	v41 =	vor.u32 v41, v42;
	[sflag:s12] =	ssyncadd.s32 $0xFFFFF000  }
0x307: {  	v40 =	vld.idx.msk [tilespmem:v40+s3+$0x0], $0xffff  }
0x308: {  	v42 =	vadd.s32 v1, v41  }
0x309: {  	v39 =	vor.u32 v2, v39;
	_ =	sdelay $0x3  }
0x30a: {  	[tilespmem:v42+s28+$0x0] =	vst.idx.msk $0xffff, v40  }
0x30b: {  	v39 =	vld.idx.msk [tilespmem:v39+s3+$0x0], $0xffff  }
0x30c: {  	v40 =	vadd.s32 v3, v41;
	_ =	sdelay $0x4  }
0x30d: {  	s2 =	sadd.s32 $0xFFFFFFFF, s17;
	s1 =	sadd.s32 s0, s20;
	[tilespmem:v40+s28+$0x0] =	vst.idx.msk $0xffff, v39;
	v39 =	vor.u32 v0, v38  }
0x30e: {  	v40 =	vmov s2;
	[tilespmem:s3], [sflag:$0xE] =	stream.strided.gather [hbm4b:s1+s10], $0x1000, s9, s10, $0x38;
	[tilespmem:$0x14200] =	vst v63  }
0x30f: {  	v41 =	vshll.u32 v40, $0x3;
	_ =	swait.ge [sflag:s13], $0x1000  }
0x310: {  	v40 =	vand.u32 $0x7E, v40;
	v41 =	vand.u32 $0xFFFFFC00, v41;
	[sflag:s13] =	ssyncset.done $0x0  }
0x311: {  	s2 =	simm.s32 $0xE200;
	v40 =	vor.u32 v40, v41;
	[sflag:s13] =	ssyncadd.s32 $0xFFFFF000  }
0x312: {  	v39 =	vld.idx.msk [tilespmem:v39+s2+$0x0], $0xffff  }
0x313: {  	v41 =	vadd.s32 v1, v40  }
0x314: {  	v38 =	vor.u32 v2, v38;
	_ =	sdelay $0x3  }
0x315: {  	[tilespmem:v41+s28+$0x0] =	vst.idx.msk $0xffff, v39  }
0x316: {  	v38 =	vld.idx.msk [tilespmem:v38+s2+$0x0], $0xffff  }
0x317: {  	v39 =	vadd.s32 v3, v40;
	_ =	sdelay $0x3  }
0x318: {  	s1 =	sand.u32 $0x1FFFFF80, s19  }
0x319: {  	s1 =	sadd.s32 s0, s1;
	[tilespmem:v39+s28+$0x0] =	vst.idx.msk $0xffff, v38;
	v38 =	vor.u32 v0, v37  }
0x31a: {  	[tilespmem:s2], [sflag:$0xF] =	stream.strided.gather [hbm4b:s1+s10], $0x1000, s9, s10, $0x38;
	[tilespmem:$0x14200] =	vst v63  }
0x31b: {  	v39 =	vmov s17;
	_ =	swait.ge [sflag:s14], $0x1000  }
0x31c: {  	v40 =	vshll.u32 v39, $0x3;
	[sflag:s14] =	ssyncset.done $0x0  }
0x31d: {  	v39 =	vand.u32 $0x7F, v39;
	v40 =	vand.u32 $0xFFFFFC00, v40;
	[sflag:s14] =	ssyncadd.s32 $0xFFFFF000  }
0x31e: {  	v39 =	vor.u32 v39, v40;
	v38 =	vld.idx.msk [tilespmem:v38+s5+$0x0], $0xffff  }
0x31f: {  	v40 =	vadd.s32 v1, v39  }
0x320: {  	v37 =	vor.u32 v2, v37;
	_ =	sdelay $0x1  }
.Ltmp0:
0x321: {  	(pc) =	sbr.rel @p0 .LBB2_2-.Ltmp0, $4  }
0x322: {  	_ = 	snop  }
0x323: {  	[tilespmem:v40+s28+$0x0] =	vst.idx.msk $0xffff, v38  }
0x324: {  	v37 =	vld.idx.msk [tilespmem:v37+s5+$0x0], $0xffff  }
0x325: {  	v38 =	vadd.s32 v3, v39  }
0x326: {  	_ = 	snop  }
0x327: {  	v36 =	vand.u32 $0x7F, v36  }
0x328: {  	v39 =	vbroadcast v36, $0x0;
	_ =	sdelay $0x1  }
0x329: {  	s1 =	sadd.s32 s0, s18;
	s2 =	simm.s32 $0xF200;
	s20 =	simm.s32 $0x1;
	[tilespmem:v38+s28+$0x0] =	vst.idx.msk $0xffff, v37;
	v40 =	vor.u32 v0, v39  }
0x32a: {  	[tilespmem:s2], [sflag:$0x10] =	stream.strided.gather [hbm4b:s1+s10], $0x1000, s9, s10, $0x38;
	[tilespmem:$0x14200] =	vst v63  }
0x32b: {  	_ =	swait.ge [sflag:s20], $0x1000  }
0x32c: {  	[sflag:s20] =	ssyncset.done $0x0  }
0x32d: {  	s21 =	simm.s32 $0x200;
	[sflag:s20] =	ssyncadd.s32 $0xFFFFF000  }
0x32e: {  	v37 =	vld.idx.msk [tilespmem:v40+s21+$0x0], $0xffff  }
0x32f: {  	v41 =	vor.u32 v2, v39;
	_ =	sdelay $0x3  }
0x330: {  	[tilespmem:v4+s28+$0x0] =	vst.idx.msk $0xffff, v37  }
0x331: {  	v37 =	vld.idx.msk [tilespmem:v41+s21+$0x0], $0xffff;
	_ =	sdelay $0x1  }
0x332: {  	v42 =	vbroadcast v36, $0x1;
	_ =	sdelay $0x1  }
0x333: {  	v43 =	vor.u32 v0, v42  }
0x334: {  	s22 =	simm.s32 $0x2;
	[tilespmem:v5+s28+$0x0] =	vst.idx.msk $0xffff, v37  }
0x335: {  	_ =	swait.ge [sflag:s22], $0x1000  }
0x336: {  	[sflag:s22] =	ssyncset.done $0x0  }
0x337: {  	s23 =	simm.s32 $0x1200;
	[sflag:s22] =	ssyncadd.s32 $0xFFFFF000  }
0x338: {  	v44 =	vld.idx.msk [tilespmem:v43+s23+$0x0], $0xffff  }
0x339: {  	v38 =	vor.u32 v2, v42;
	_ =	sdelay $0x3  }
0x33a: {  	[tilespmem:v6+s28+$0x0] =	vst.idx.msk $0xffff, v44  }
0x33b: {  	v37 =	vld.idx.msk [tilespmem:v38+s23+$0x0], $0xffff;
	_ =	sdelay $0x1  }
0x33c: {  	v45 =	vbroadcast v36, $0x2;
	_ =	sdelay $0x1  }
0x33d: {  	v46 =	vor.u32 v0, v45  }
0x33e: {  	s24 =	simm.s32 $0x3;
	[tilespmem:v7+s28+$0x0] =	vst.idx.msk $0xffff, v37  }
0x33f: {  	_ =	swait.ge [sflag:s24], $0x1000  }
0x340: {  	[sflag:s24] =	ssyncset.done $0x0  }
0x341: {  	s25 =	simm.s32 $0x2200;
	[sflag:s24] =	ssyncadd.s32 $0xFFFFF000  }
0x342: {  	v47 =	vld.idx.msk [tilespmem:v46+s25+$0x0], $0xffff  }
0x343: {  	v38 =	vor.u32 v2, v45;
	_ =	sdelay $0x3  }
0x344: {  	[tilespmem:v8+s28+$0x0] =	vst.idx.msk $0xffff, v47  }
0x345: {  	v37 =	vld.idx.msk [tilespmem:v38+s25+$0x0], $0xffff;
	_ =	sdelay $0x1  }
0x346: {  	v48 =	vbroadcast v36, $0x3;
	_ =	sdelay $0x1  }
0x347: {  	v49 =	vor.u32 v0, v48  }
0x348: {  	s26 =	simm.s32 $0x4;
	[tilespmem:v9+s28+$0x0] =	vst.idx.msk $0xffff, v37  }
0x349: {  	_ =	swait.ge [sflag:s26], $0x1000  }
0x34a: {  	[sflag:s26] =	ssyncset.done $0x0  }
0x34b: {  	s29 =	simm.s32 $0x3200;
	[sflag:s26] =	ssyncadd.s32 $0xFFFFF000  }
0x34c: {  	v50 =	vld.idx.msk [tilespmem:v49+s29+$0x0], $0xffff  }
0x34d: {  	v38 =	vor.u32 v2, v48;
	_ =	sdelay $0x3  }
0x34e: {  	[tilespmem:v10+s28+$0x0] =	vst.idx.msk $0xffff, v50  }
0x34f: {  	v37 =	vld.idx.msk [tilespmem:v38+s29+$0x0], $0xffff;
	_ =	sdelay $0x1  }
0x350: {  	v51 =	vbroadcast v36, $0x4;
	_ =	sdelay $0x1  }
0x351: {  	v52 =	vor.u32 v0, v51  }
0x352: {  	s30 =	simm.s32 $0x5;
	[tilespmem:v11+s28+$0x0] =	vst.idx.msk $0xffff, v37  }
0x353: {  	_ =	swait.ge [sflag:s30], $0x1000  }
0x354: {  	[sflag:s30] =	ssyncset.done $0x0  }
0x355: {  	s31 =	simm.s32 $0x4200;
	[sflag:s30] =	ssyncadd.s32 $0xFFFFF000  }
0x356: {  	v53 =	vld.idx.msk [tilespmem:v52+s31+$0x0], $0xffff  }
0x357: {  	v38 =	vor.u32 v2, v51;
	_ =	sdelay $0x3  }
0x358: {  	[tilespmem:v12+s28+$0x0] =	vst.idx.msk $0xffff, v53  }
0x359: {  	v37 =	vld.idx.msk [tilespmem:v38+s31+$0x0], $0xffff;
	_ =	sdelay $0x1  }
0x35a: {  	v54 =	vbroadcast v36, $0x5;
	_ =	sdelay $0x1  }
0x35b: {  	v55 =	vor.u32 v0, v54  }
0x35c: {  	s3 =	simm.s32 $0x6;
	[tilespmem:v13+s28+$0x0] =	vst.idx.msk $0xffff, v37  }
0x35d: {  	_ =	swait.ge [sflag:s3], $0x1000  }
0x35e: {  	[sflag:s3] =	ssyncset.done $0x0  }
0x35f: {  	s4 =	simm.s32 $0x5200;
	[sflag:s3] =	ssyncadd.s32 $0xFFFFF000  }
0x360: {  	v56 =	vld.idx.msk [tilespmem:v55+s4+$0x0], $0xffff  }
0x361: {  	v38 =	vor.u32 v2, v54;
	_ =	sdelay $0x3  }
0x362: {  	[tilespmem:v14+s28+$0x0] =	vst.idx.msk $0xffff, v56  }
0x363: {  	v37 =	vld.idx.msk [tilespmem:v38+s4+$0x0], $0xffff;
	_ =	sdelay $0x1  }
0x364: {  	v57 =	vbroadcast v36, $0x6;
	_ =	sdelay $0x1  }
0x365: {  	v58 =	vor.u32 v0, v57  }
0x366: {  	s5 =	simm.s32 $0x7;
	[tilespmem:v15+s28+$0x0] =	vst.idx.msk $0xffff, v37  }
0x367: {  	_ =	swait.ge [sflag:s5], $0x1000  }
0x368: {  	[sflag:s5] =	ssyncset.done $0x0  }
0x369: {  	s15 =	simm.s32 $0x6200;
	[sflag:s5] =	ssyncadd.s32 $0xFFFFF000  }
0x36a: {  	v59 =	vld.idx.msk [tilespmem:v58+s15+$0x0], $0xffff  }
0x36b: {  	v38 =	vor.u32 v2, v57;
	_ =	sdelay $0x3  }
0x36c: {  	[tilespmem:v16+s28+$0x0] =	vst.idx.msk $0xffff, v59  }
0x36d: {  	v37 =	vld.idx.msk [tilespmem:v38+s15+$0x0], $0xffff;
	_ =	sdelay $0x1  }
0x36e: {  	v60 =	vbroadcast v36, $0x7;
	_ =	sdelay $0x1  }
0x36f: {  	v61 =	vor.u32 v0, v60  }
0x370: {  	s16 =	simm.s32 $0x8;
	[tilespmem:v17+s28+$0x0] =	vst.idx.msk $0xffff, v37  }
0x371: {  	_ =	swait.ge [sflag:s16], $0x1000  }
0x372: {  	[sflag:s16] =	ssyncset.done $0x0  }
0x373: {  	s17 =	simm.s32 $0x7200;
	[sflag:s16] =	ssyncadd.s32 $0xFFFFF000  }
0x374: {  	v62 =	vld.idx.msk [tilespmem:v61+s17+$0x0], $0xffff  }
0x375: {  	v38 =	vor.u32 v2, v60;
	_ =	sdelay $0x3  }
0x376: {  	[tilespmem:v18+s28+$0x0] =	vst.idx.msk $0xffff, v62  }
0x377: {  	v37 =	vld.idx.msk [tilespmem:v38+s17+$0x0], $0xffff;
	_ =	sdelay $0x1  }
0x378: {  	v63 =	vbroadcast v36, $0x8;
	_ =	sdelay $0x1  }
0x379: {  	v42 =	vor.u32 v0, v63  }
0x37a: {  	s18 =	simm.s32 $0x9;
	[tilespmem:v19+s28+$0x0] =	vst.idx.msk $0xffff, v37  }
0x37b: {  	_ =	swait.ge [sflag:s18], $0x1000  }
0x37c: {  	[sflag:s18] =	ssyncset.done $0x0  }
0x37d: {  	s19 =	simm.s32 $0x8200;
	[sflag:s18] =	ssyncadd.s32 $0xFFFFF000  }
0x37e: {  	v43 =	vld.idx.msk [tilespmem:v42+s19+$0x0], $0xffff  }
0x37f: {  	v38 =	vor.u32 v2, v63;
	_ =	sdelay $0x3  }
0x380: {  	[tilespmem:v20+s28+$0x0] =	vst.idx.msk $0xffff, v43  }
0x381: {  	v37 =	vld.idx.msk [tilespmem:v38+s19+$0x0], $0xffff;
	_ =	sdelay $0x1  }
0x382: {  	v44 =	vbroadcast v36, $0x9;
	_ =	sdelay $0x1  }
0x383: {  	v45 =	vor.u32 v0, v44  }
0x384: {  	[tilespmem:v21+s28+$0x0] =	vst.idx.msk $0xffff, v37  }
0x385: {  	_ =	swait.ge [sflag:s6], $0x1000  }
0x386: {  	[sflag:s6] =	ssyncset.done $0x0  }
0x387: {  	s20 =	simm.s32 $0x9200;
	[sflag:s6] =	ssyncadd.s32 $0xFFFFF000  }
0x388: {  	v46 =	vld.idx.msk [tilespmem:v45+s20+$0x0], $0xffff  }
0x389: {  	v38 =	vor.u32 v2, v44;
	_ =	sdelay $0x3  }
0x38a: {  	[tilespmem:v22+s28+$0x0] =	vst.idx.msk $0xffff, v46  }
0x38b: {  	v37 =	vld.idx.msk [tilespmem:v38+s20+$0x0], $0xffff;
	_ =	sdelay $0x1  }
0x38c: {  	v47 =	vbroadcast v36, $0xA;
	_ =	sdelay $0x1  }
0x38d: {  	v48 =	vor.u32 v0, v47  }
0x38e: {  	[tilespmem:v23+s28+$0x0] =	vst.idx.msk $0xffff, v37  }
0x38f: {  	_ =	swait.ge [sflag:s7], $0x1000  }
0x390: {  	[sflag:s7] =	ssyncset.done $0x0  }
0x391: {  	s21 =	simm.s32 $0xA200;
	[sflag:s7] =	ssyncadd.s32 $0xFFFFF000  }
0x392: {  	v49 =	vld.idx.msk [tilespmem:v48+s21+$0x0], $0xffff  }
0x393: {  	v38 =	vor.u32 v2, v47;
	_ =	sdelay $0x3  }
0x394: {  	[tilespmem:v24+s28+$0x0] =	vst.idx.msk $0xffff, v49  }
0x395: {  	v37 =	vld.idx.msk [tilespmem:v38+s21+$0x0], $0xffff;
	_ =	sdelay $0x1  }
0x396: {  	v50 =	vbroadcast v36, $0xB;
	_ =	sdelay $0x1  }
0x397: {  	v51 =	vor.u32 v0, v50  }
0x398: {  	[tilespmem:v25+s28+$0x0] =	vst.idx.msk $0xffff, v37  }
0x399: {  	_ =	swait.ge [sflag:s8], $0x1000  }
0x39a: {  	[sflag:s8] =	ssyncset.done $0x0  }
0x39b: {  	s22 =	simm.s32 $0xB200;
	[sflag:s8] =	ssyncadd.s32 $0xFFFFF000  }
0x39c: {  	v52 =	vld.idx.msk [tilespmem:v51+s22+$0x0], $0xffff  }
0x39d: {  	v38 =	vor.u32 v2, v50;
	_ =	sdelay $0x3  }
0x39e: {  	[tilespmem:v26+s28+$0x0] =	vst.idx.msk $0xffff, v52  }
0x39f: {  	v37 =	vld.idx.msk [tilespmem:v38+s22+$0x0], $0xffff;
	_ =	sdelay $0x1  }
0x3a0: {  	v53 =	vbroadcast v36, $0xC;
	_ =	sdelay $0x1  }
0x3a1: {  	v54 =	vor.u32 v0, v53  }
0x3a2: {  	[tilespmem:v27+s28+$0x0] =	vst.idx.msk $0xffff, v37  }
0x3a3: {  	_ =	swait.ge [sflag:s11], $0x1000  }
0x3a4: {  	[sflag:s11] =	ssyncset.done $0x0  }
0x3a5: {  	s23 =	simm.s32 $0xC200;
	[sflag:s11] =	ssyncadd.s32 $0xFFFFF000  }
0x3a6: {  	v55 =	vld.idx.msk [tilespmem:v54+s23+$0x0], $0xffff  }
0x3a7: {  	v38 =	vor.u32 v2, v53;
	_ =	sdelay $0x3  }
0x3a8: {  	[tilespmem:v28+s28+$0x0] =	vst.idx.msk $0xffff, v55  }
0x3a9: {  	v37 =	vld.idx.msk [tilespmem:v38+s23+$0x0], $0xffff;
	_ =	sdelay $0x1  }
0x3aa: {  	v56 =	vbroadcast v36, $0xD;
	_ =	sdelay $0x1  }
0x3ab: {  	v57 =	vor.u32 v0, v56  }
0x3ac: {  	[tilespmem:v29+s28+$0x0] =	vst.idx.msk $0xffff, v37  }
0x3ad: {  	_ =	swait.ge [sflag:s12], $0x1000  }
0x3ae: {  	[sflag:s12] =	ssyncset.done $0x0  }
0x3af: {  	s24 =	simm.s32 $0xD200;
	[sflag:s12] =	ssyncadd.s32 $0xFFFFF000  }
0x3b0: {  	v58 =	vld.idx.msk [tilespmem:v57+s24+$0x0], $0xffff  }
0x3b1: {  	v38 =	vor.u32 v2, v56;
	_ =	sdelay $0x3  }
0x3b2: {  	[tilespmem:v30+s28+$0x0] =	vst.idx.msk $0xffff, v58  }
0x3b3: {  	v37 =	vld.idx.msk [tilespmem:v38+s24+$0x0], $0xffff;
	_ =	sdelay $0x1  }
0x3b4: {  	v59 =	vbroadcast v36, $0xE;
	_ =	sdelay $0x1  }
0x3b5: {  	v60 =	vor.u32 v0, v59  }
0x3b6: {  	[tilespmem:v31+s28+$0x0] =	vst.idx.msk $0xffff, v37  }
0x3b7: {  	_ =	swait.ge [sflag:s13], $0x1000  }
0x3b8: {  	[sflag:s13] =	ssyncset.done $0x0  }
0x3b9: {  	s25 =	simm.s32 $0xE200;
	[sflag:s13] =	ssyncadd.s32 $0xFFFFF000  }
0x3ba: {  	v61 =	vld.idx.msk [tilespmem:v60+s25+$0x0], $0xffff  }
0x3bb: {  	v38 =	vor.u32 v2, v59;
	_ =	sdelay $0x3  }
0x3bc: {  	[tilespmem:v32+s28+$0x0] =	vst.idx.msk $0xffff, v61  }
0x3bd: {  	v37 =	vld.idx.msk [tilespmem:v38+s25+$0x0], $0xffff;
	_ =	sdelay $0x1  }
0x3be: {  	v36 =	vbroadcast v36, $0xF;
	_ =	sdelay $0x1  }
0x3bf: {  	v62 =	vor.u32 v0, v36  }
0x3c0: {  	[tilespmem:v33+s28+$0x0] =	vst.idx.msk $0xffff, v37  }
0x3c1: {  	_ =	swait.ge [sflag:s14], $0x1000  }
0x3c2: {  	[sflag:s14] =	ssyncset.done $0x0  }
0x3c3: {  	[sflag:s14] =	ssyncadd.s32 $0xFFFFF000  }
0x3c4: {  	v63 =	vld.idx.msk [tilespmem:v62+s2+$0x0], $0xffff  }
0x3c5: {  	v36 =	vor.u32 v2, v36;
	_ =	sdelay $0x3  }
0x3c6: {  	[tilespmem:v34+s28+$0x0] =	vst.idx.msk $0xffff, v63  }
0x3c7: {  	v36 =	vld.idx.msk [tilespmem:v36+s2+$0x0], $0xffff;
	_ =	sdelay $0x4  }
0x3c8: {  	s29 =	simm.s32 $0x1000;
	s3 =	simm.s32 $0x20000;
	s26 =	rddreg [dreg:$0x5];
	[tilespmem:v35+s28+$0x0] =	vst.idx.msk $0xffff, v36  }
0x3c9: {  	[hbm4b:s26+s29] =	stream.strided.scatter [tilespmem:s28], [sflag:$0x11], $0x4000, s3, s29, $0x38;
	[tilespmem:$0x14200] =	vst v63  }
0x3ca: {  	s3 =	simm.s32 $0x11  }
0x3cb: {  	_ =	swait.ge [sflag:s3], $0x4000  }
0x3cc: {  	s30 =	rddreg [dreg:$0x7]  }
0x3cd: {  	s31 =	rddreg [dreg:$0x6];
	s2 =	sadd.s32 $0x1, s30  }
0x3ce: {  	p0 =	sne.s32 s2, s31  }
.Ltmp1:
0x3cf: {  	_ = 	snop;
	(pc) =	sbr.rel @p0 .LBB2_1-.Ltmp1, $3  }
0x3d0: {  	_ =	sdelay $0x1  }
0x3d1: {  	[sflag:s3] =	ssyncset.done $0x0  }
0x3d2: {  	[sflag:s3] =	ssyncadd.s32 $0xFFFFC000  }
0x3d3: {  	_ =	sfence.sel $0x180000  }
0x3d4: {  	[bflag:$0x0] =	sbarrier.arrive $0xFFFF  }
0x3d5: {  	_ =	strace $0x90000047  }
0x3d6: {  	s0 =	stileid.u32;
	[bflag:$0x2] =	sbarrier.arrive $0xFFFF  }
0x3d7: {  	p0 =	sne.s32 s0, $0x0;
	s0 =	rddreg [dreg:$0x3]  }
0x3d8: {  	s0 =	sadd.s32 @!p0 $0x100000, s0  }
0x3d9: {  	[sflag:s0] =	ssyncadd.tile.s32 @!p0 $0x1;
	_ =	shalt  }
.Lfunc_end2:
_tile_overlayer_lowered:
.L_overlay_start_2:
0x3da: {  	(tag) =	ssettag $0x2  }
0x3db: {  	s0 =	rddreg [dreg:$0x0];
	s2 =	stileid.u32  }
0x3dc: {  	s1 =	rddreg [dreg:$0x1];
	p0 =	sne.s32 s2, $0x0  }
0x3dd: {  	s3 =	rddreg [dreg:$0x2];
	[bflag:$0x3] =	sbarrier.arrive $0xFFFF;
	s2 =	simm.s32 @!p0 $0x1C11  }
0x3de: {  	[timem:s3], [sflag:s2] =	dma.local @!p0 [hbm:s0], s1  }
0x3df: {  	s0 =	simm.s32 @!p0 $0x11  }
0x3e0: {  	_ =	swait.ge @!p0 [sflag:s0], s1  }
0x3e1: {  	s1 =	ssub.s32 @!p0 $0x0, s1;
	[sflag:s0] =	ssyncset.done @!p0 $0x0  }
0x3e2: {  	[sflag:s0] =	ssyncadd.s32 @!p0 s1  }
0x3e3: {  	[bflag:$0x3] =	sbarrier.arrive $0xFFFF  }
0x3e4: {  	_ =	shalt  }

</sc_bundles>
